<compile_context>
chip_gen: v7x
topology: tpu7x:2x2x1
jax: 0.10.2.dev20260603
libtpu: 0.0.44.dev20260713+nightly
codegen_flags: <defaults>
</compile_context>

<pallas_src>
import functools

import jax
import jax.numpy as jnp
from jax import lax
from jax.experimental import pallas as pl
from jax.experimental.pallas import tpu as pltpu
from jax.experimental.pallas import tpu_sc as plsc

_LANES = 16
_B_SC = 6144
_BS_TC = 512


def _sqrt16(x):
    i = lax.bitcast_convert_type(x, jnp.int32)
    i = 0x5F3759DF - lax.shift_right_logical(i, 1)
    y = lax.bitcast_convert_type(i, jnp.float32)
    y = y * (1.5 - (x * 0.5) * y * y)
    return x * y


def _edge(p, q):
    d0 = p[0] - q[0]
    d1 = p[1] - q[1]
    d2 = p[2] - q[2]
    return _sqrt16(d0 * d0 + d1 * d1 + d2 * d2 + 1e-12)


def _sc_kernel(B_sc, V, Fn):
    RW = 3 * V

    info = plsc.get_sparse_core_info()
    NW = info.num_cores * info.num_subcores
    NC = info.num_cores
    rows_w = B_sc // NW
    C = 16
    n_chunks = rows_w // C
    GROUPS = Fn // _LANES

    mesh = plsc.VectorSubcoreMesh(core_axis_name="c", subcore_axis_name="s")

    @functools.partial(
        pl.kernel,
        mesh=mesh,
        out_type=jax.ShapeDtypeStruct((NW, _LANES), jnp.float32),
        compiler_params=pltpu.CompilerParams(needs_layout_passes=False),
        scratch_types=[
            pltpu.VMEM((Fn * 3,), jnp.int32),
            [[[pltpu.VMEM((C, V), jnp.float32) for _ in range(3)]
              for _ in range(2)]
             for _ in range(2)],
            [pltpu.SemaphoreType.DMA for _ in range(2)],
            pltpu.VMEM((_LANES,), jnp.float32),
        ],
    )
    def edge_loss(co_hbm, cg_hbm, face_hbm, out_hbm, face_v, bufs, sems,
                  accv):
        wid = lax.axis_index("s") * NC + lax.axis_index("c")
        pltpu.sync_copy(face_hbm, face_v)
        iota = lax.iota(jnp.int32, _LANES)

        vids = []
        for g in range(GROUPS):
            rows = g * _LANES + iota
            vids.append([plsc.load_gather(face_v, [rows * 3 + seg])
                         for seg in range(3)])

        def issue(ci, slot):
            r0 = wid * rows_w + ci * C
            for a, hbm in enumerate((co_hbm, cg_hbm)):
                for p in range(3):
                    pltpu.async_copy(hbm.at[p, pl.ds(r0, C), :],
                                     bufs[slot][a][p], sems[slot])

        def drain(slot):
            for a in range(2):
                for p in range(3):
                    pltpu.make_async_copy(co_hbm.at[0, pl.ds(0, C), :],
                                          bufs[slot][a][p],
                                          sems[slot]).wait()

        def compute(slot, acc):
            def row_body(r, acc):
                rsp = jnp.full((_LANES,), r, jnp.int32)
                for g in range(GROUPS):
                    pts = [[[plsc.load_gather(bufs[slot][a][p],
                                              [rsp, vids[g][s]])
                             for p in range(3)]
                            for s in range(3)]
                           for a in range(2)]
                    for s0, s1 in ((0, 1), (0, 2), (1, 2)):
                        d_o = _edge(pts[0][s0], pts[0][s1])
                        d_g = _edge(pts[1][s0], pts[1][s1])
                        acc = acc + jnp.abs(d_o - d_g)
                return acc

            return lax.fori_loop(0, C, row_body, acc)

        issue(0, 0)

        def pair_body(i2, acc):
            c0 = 2 * i2
            issue(c0 + 1, 1)
            drain(0)
            acc = compute(0, acc)

            @pl.when(c0 + 2 < n_chunks)
            def _():
                issue(c0 + 2, 0)

            drain(1)
            return compute(1, acc)

        acc = lax.fori_loop(0, n_chunks // 2, pair_body,
                            jnp.zeros((_LANES,), jnp.float32))
        accv[...] = acc
        pltpu.sync_copy(accv, out_hbm.at[wid])

    return edge_loss


def _tc_kernel(B, B_sc, V, Fn, bs):
    ntc = (B - B_sc) // bs

    def body(face_ref, co_ref, cg_ref, out_ref, m_ref):
        i = pl.program_id(0)

        E = 3 * Fn

        @pl.when(i == 0)
        def _():
            row = lax.broadcasted_iota(jnp.int32, (V, Fn), 0)
            cols = []
            for a, b in ((0, 1), (0, 2), (1, 2)):
                fa = jnp.broadcast_to(face_ref[a:a + 1, :], (V, Fn))
                fb = jnp.broadcast_to(face_ref[b:b + 1, :], (V, Fn))
                cols.append((row == fa).astype(jnp.bfloat16)
                            - (row == fb).astype(jnp.bfloat16))
            m_ref[...] = jnp.concatenate(cols, axis=1)
            out_ref[...] = jnp.zeros_like(out_ref)

        def dists(ref):
            s = None
            for p in range(3):
                xb = ref[p].astype(jnp.bfloat16)
                e = lax.dot_general(xb, m_ref[...], (((1,), (0,)), ((), ())),
                                    preferred_element_type=jnp.float32)
                s = e * e if s is None else s + e * e
            return jnp.sqrt(s + 1e-12)

        diff = jnp.abs(dists(co_ref) - dists(cg_ref))
        out_ref[...] += diff.reshape(bs // 8, 8, E).sum(axis=0)

    return pl.pallas_call(
        body,
        grid=(ntc,),
        in_specs=[
            pl.BlockSpec((3, Fn), lambda i: (0, 0)),
            pl.BlockSpec((3, bs, V), lambda i: (0, B_sc // bs + i, 0)),
            pl.BlockSpec((3, bs, V), lambda i: (0, B_sc // bs + i, 0)),
        ],
        out_specs=pl.BlockSpec((8, 3 * Fn), lambda i: (0, 0)),
        out_shape=jax.ShapeDtypeStruct((8, 3 * Fn), jnp.float32),
        scratch_shapes=[pltpu.VMEM((V, 3 * Fn), jnp.bfloat16)],
    )


def kernel(coord_out, coord_gt, face):
    B, V, _ = coord_out.shape
    Fn = face.shape[0]

    xo = coord_out.transpose(2, 0, 1)
    xg = coord_gt.transpose(2, 0, 1)

    sc_part = _sc_kernel(_B_SC, V, Fn)(xo, xg, face.reshape(-1))
    tc_part = _tc_kernel(B, _B_SC, V, Fn, _BS_TC)(face.T, xo, xg)
    return (jnp.sum(sc_part) + jnp.sum(tc_part)) / (B * 3 * Fn)

# --- scband reference (transcript-rebuilt; emitter-appended) ---
"""Pipeline reference for scband-edge-length-loss-34617436406122 (READ-ONLY COPY).

The authoritative reference and input builder live on the scoring server;
editing this copy changes nothing except your own understanding.
"""

import jax, jax.numpy as jnp
import numpy as np

F = 128
B = 16384
V = 384


def _make_face():
    i = jnp.arange(F, dtype=jnp.int64 if jax.config.jax_enable_x64 else jnp.int32)
    return jnp.stack([i, i + F, i + 2 * F], axis=1)


def setup_inputs(seed: int = 0) -> dict:
    key = jax.random.key(seed)
    k1, k2 = jax.random.split(key)
    coord_out = jax.random.normal(k1, (B, V, 3), dtype=jnp.float32)
    coord_gt = jax.random.normal(k2, (B, V, 3), dtype=jnp.float32)
    face = _make_face()
    return {"coord_out": coord_out, "coord_gt": coord_gt, "face": face}


def _edge_dists(coord, face):
    v0 = jnp.take(coord, face[:, 0], axis=1)
    v1 = jnp.take(coord, face[:, 1], axis=1)
    v2 = jnp.take(coord, face[:, 2], axis=1)
    d1 = jnp.sqrt(jnp.sum((v0 - v1) ** 2, axis=2, keepdims=True) + 1e-12)
    d2 = jnp.sqrt(jnp.sum((v0 - v2) ** 2, axis=2, keepdims=True) + 1e-12)
    d3 = jnp.sqrt(jnp.sum((v1 - v2) ** 2, axis=2, keepdims=True) + 1e-12)
    return d1, d2, d3


def reference(coord_out, coord_gt, face):
    d1_out, d2_out, d3_out = _edge_dists(coord_out, face)
    d1_gt, d2_gt, d3_gt = _edge_dists(coord_gt, face)
    diff1 = jnp.abs(d1_out - d1_gt)
    diff2 = jnp.abs(d2_out - d2_gt)
    diff3 = jnp.abs(d3_out - d3_gt)
    loss = jnp.concatenate((diff1, diff2, diff3), axis=1)
    return jnp.mean(loss)

if __name__ == "__main__":
    import jax
    _d = setup_inputs()
    print(jax.jit(kernel)(*tuple(_d.values())))

</pallas_src>

<mosaic_0001>
#map = affine_map<(d0, d1) -> (0, 0, 0)>
#map1 = affine_map<(d0, d1) -> (0)>
#map2 = affine_map<(d0, d1) -> (0, 0)>
module attributes {stable_mosaic.version = 14 : i64} {
  func.func @edge_loss(%arg0: i32, %arg1: i32, %arg2: memref<3x16384x384xf32, #tpu.memory_space<hbm>>, %arg3: memref<3x16384x384xf32, #tpu.memory_space<hbm>>, %arg4: memref<384xi32, #tpu.memory_space<hbm>>, %arg5: memref<32x16xf32, #tpu.memory_space<hbm>>, %arg6: memref<384xi32, #tpu.memory_space<vmem>>, %arg7: memref<16x384xf32, #tpu.memory_space<vmem>>, %arg8: memref<16x384xf32, #tpu.memory_space<vmem>>, %arg9: memref<16x384xf32, #tpu.memory_space<vmem>>, %arg10: memref<16x384xf32, #tpu.memory_space<vmem>>, %arg11: memref<16x384xf32, #tpu.memory_space<vmem>>, %arg12: memref<16x384xf32, #tpu.memory_space<vmem>>, %arg13: memref<16x384xf32, #tpu.memory_space<vmem>>, %arg14: memref<16x384xf32, #tpu.memory_space<vmem>>, %arg15: memref<16x384xf32, #tpu.memory_space<vmem>>, %arg16: memref<16x384xf32, #tpu.memory_space<vmem>>, %arg17: memref<16x384xf32, #tpu.memory_space<vmem>>, %arg18: memref<16x384xf32, #tpu.memory_space<vmem>>, %arg19: memref<!tpu.dma_semaphore, #tpu.memory_space<semaphore_mem>>, %arg20: memref<!tpu.dma_semaphore, #tpu.memory_space<semaphore_mem>>, %arg21: memref<16xf32, #tpu.memory_space<vmem>>) attributes {dimension_semantics = [#tpu.dimension_semantics<core_parallel>, #tpu.dimension_semantics<subcore_parallel>], iteration_bounds = array<i64: 2, 16>, scalar_prefetch = 0 : i64, scratch_operands = 16 : i64, tpu.core_type = #tpu.core_type<sc_vector_subcore>, window_params = [{transform_indices = #map}, {transform_indices = #map}, {transform_indices = #map1}, {transform_indices = #map2}]} {
    %mul3A = arith.constant 2 : i32
    %mul3A_0 = arith.muli %arg1, %mul3A : i32
    %add3A = arith.addi %mul3A_0, %arg0 : i32
    "tpu.region"() ({
      %run_scoped3A = tpu.sem_alloc : memref<!tpu.dma_semaphore, #tpu.memory_space<semaphore_mem>>
      tpu.enqueue_dma source(%arg4 : memref<384xi32, #tpu.memory_space<hbm>>) target(%arg6 : memref<384xi32, #tpu.memory_space<vmem>>) target_semaphore(%run_scoped3A : memref<!tpu.dma_semaphore, #tpu.memory_space<semaphore_mem>>)
      tpu.wait_dma2 semaphore(%run_scoped3A : memref<!tpu.dma_semaphore, #tpu.memory_space<semaphore_mem>>) src(%arg4 : memref<384xi32, #tpu.memory_space<hbm>>) dst(%arg6 : memref<384xi32, #tpu.memory_space<vmem>>)
      tpu.yield
    }) : () -> ()
    %iota3A = tpu.iota {dimensions = array<i32: 0>} : vector<16xi32>
    %add3A_1 = arith.constant 0 : i32
    %add3A_2 = vector.broadcast %add3A_1 : i32 to vector<16xi32>
    %add3A_3 = arith.addi %add3A_2, %iota3A : vector<16xi32>
    %mul3A_4 = arith.constant 3 : i32
    %mul3A_5 = vector.broadcast %mul3A_4 : i32 to vector<16xi32>
    %mul3A_6 = arith.muli %add3A_3, %mul3A_5 : vector<16xi32>
    %add3A_7 = arith.constant 0 : i32
    %add3A_8 = vector.broadcast %add3A_7 : i32 to vector<16xi32>
    %add3A_9 = arith.addi %mul3A_6, %add3A_8 : vector<16xi32>
    %gather3A = tpu.vector_load_idx %arg6[%add3A_9] : memref<384xi32, #tpu.memory_space<vmem>>[vector<16xi32>], vector<16xi32>,
    %mul3A_10 = arith.constant 3 : i32
    %mul3A_11 = vector.broadcast %mul3A_10 : i32 to vector<16xi32>
    %mul3A_12 = arith.muli %add3A_3, %mul3A_11 : vector<16xi32>
    %add3A_13 = arith.constant 1 : i32
    %add3A_14 = vector.broadcast %add3A_13 : i32 to vector<16xi32>
    %add3A_15 = arith.addi %mul3A_12, %add3A_14 : vector<16xi32>
    %gather3A_16 = tpu.vector_load_idx %arg6[%add3A_15] : memref<384xi32, #tpu.memory_space<vmem>>[vector<16xi32>], vector<16xi32>,
    %mul3A_17 = arith.constant 3 : i32
    %mul3A_18 = vector.broadcast %mul3A_17 : i32 to vector<16xi32>
    %mul3A_19 = arith.muli %add3A_3, %mul3A_18 : vector<16xi32>
    %add3A_20 = arith.constant 2 : i32
    %add3A_21 = vector.broadcast %add3A_20 : i32 to vector<16xi32>
    %add3A_22 = arith.addi %mul3A_19, %add3A_21 : vector<16xi32>
    %gather3A_23 = tpu.vector_load_idx %arg6[%add3A_22] : memref<384xi32, #tpu.memory_space<vmem>>[vector<16xi32>], vector<16xi32>,
    %add3A_24 = arith.constant 16 : i32
    %add3A_25 = vector.broadcast %add3A_24 : i32 to vector<16xi32>
    %add3A_26 = arith.addi %add3A_25, %iota3A : vector<16xi32>
    %mul3A_27 = arith.constant 3 : i32
    %mul3A_28 = vector.broadcast %mul3A_27 : i32 to vector<16xi32>
    %mul3A_29 = arith.muli %add3A_26, %mul3A_28 : vector<16xi32>
    %add3A_30 = arith.constant 0 : i32
    %add3A_31 = vector.broadcast %add3A_30 : i32 to vector<16xi32>
    %add3A_32 = arith.addi %mul3A_29, %add3A_31 : vector<16xi32>
    %gather3A_33 = tpu.vector_load_idx %arg6[%add3A_32] : memref<384xi32, #tpu.memory_space<vmem>>[vector<16xi32>], vector<16xi32>,
    %mul3A_34 = arith.constant 3 : i32
    %mul3A_35 = vector.broadcast %mul3A_34 : i32 to vector<16xi32>
    %mul3A_36 = arith.muli %add3A_26, %mul3A_35 : vector<16xi32>
    %add3A_37 = arith.constant 1 : i32
    %add3A_38 = vector.broadcast %add3A_37 : i32 to vector<16xi32>
    %add3A_39 = arith.addi %mul3A_36, %add3A_38 : vector<16xi32>
    %gather3A_40 = tpu.vector_load_idx %arg6[%add3A_39] : memref<384xi32, #tpu.memory_space<vmem>>[vector<16xi32>], vector<16xi32>,
    %mul3A_41 = arith.constant 3 : i32
    %mul3A_42 = vector.broadcast %mul3A_41 : i32 to vector<16xi32>
    %mul3A_43 = arith.muli %add3A_26, %mul3A_42 : vector<16xi32>
    %add3A_44 = arith.constant 2 : i32
    %add3A_45 = vector.broadcast %add3A_44 : i32 to vector<16xi32>
    %add3A_46 = arith.addi %mul3A_43, %add3A_45 : vector<16xi32>
    %gather3A_47 = tpu.vector_load_idx %arg6[%add3A_46] : memref<384xi32, #tpu.memory_space<vmem>>[vector<16xi32>], vector<16xi32>,
    %add3A_48 = arith.constant 32 : i32
    %add3A_49 = vector.broadcast %add3A_48 : i32 to vector<16xi32>
    %add3A_50 = arith.addi %add3A_49, %iota3A : vector<16xi32>
    %mul3A_51 = arith.constant 3 : i32
    %mul3A_52 = vector.broadcast %mul3A_51 : i32 to vector<16xi32>
    %mul3A_53 = arith.muli %add3A_50, %mul3A_52 : vector<16xi32>
    %add3A_54 = arith.constant 0 : i32
    %add3A_55 = vector.broadcast %add3A_54 : i32 to vector<16xi32>
    %add3A_56 = arith.addi %mul3A_53, %add3A_55 : vector<16xi32>
    %gather3A_57 = tpu.vector_load_idx %arg6[%add3A_56] : memref<384xi32, #tpu.memory_space<vmem>>[vector<16xi32>], vector<16xi32>,
    %mul3A_58 = arith.constant 3 : i32
    %mul3A_59 = vector.broadcast %mul3A_58 : i32 to vector<16xi32>
    %mul3A_60 = arith.muli %add3A_50, %mul3A_59 : vector<16xi32>
    %add3A_61 = arith.constant 1 : i32
    %add3A_62 = vector.broadcast %add3A_61 : i32 to vector<16xi32>
    %add3A_63 = arith.addi %mul3A_60, %add3A_62 : vector<16xi32>
    %gather3A_64 = tpu.vector_load_idx %arg6[%add3A_63] : memref<384xi32, #tpu.memory_space<vmem>>[vector<16xi32>], vector<16xi32>,
    %mul3A_65 = arith.constant 3 : i32
    %mul3A_66 = vector.broadcast %mul3A_65 : i32 to vector<16xi32>
    %mul3A_67 = arith.muli %add3A_50, %mul3A_66 : vector<16xi32>
    %add3A_68 = arith.constant 2 : i32
    %add3A_69 = vector.broadcast %add3A_68 : i32 to vector<16xi32>
    %add3A_70 = arith.addi %mul3A_67, %add3A_69 : vector<16xi32>
    %gather3A_71 = tpu.vector_load_idx %arg6[%add3A_70] : memref<384xi32, #tpu.memory_space<vmem>>[vector<16xi32>], vector<16xi32>,
    %add3A_72 = arith.constant 48 : i32
    %add3A_73 = vector.broadcast %add3A_72 : i32 to vector<16xi32>
    %add3A_74 = arith.addi %add3A_73, %iota3A : vector<16xi32>
    %mul3A_75 = arith.constant 3 : i32
    %mul3A_76 = vector.broadcast %mul3A_75 : i32 to vector<16xi32>
    %mul3A_77 = arith.muli %add3A_74, %mul3A_76 : vector<16xi32>
    %add3A_78 = arith.constant 0 : i32
    %add3A_79 = vector.broadcast %add3A_78 : i32 to vector<16xi32>
    %add3A_80 = arith.addi %mul3A_77, %add3A_79 : vector<16xi32>
    %gather3A_81 = tpu.vector_load_idx %arg6[%add3A_80] : memref<384xi32, #tpu.memory_space<vmem>>[vector<16xi32>], vector<16xi32>,
    %mul3A_82 = arith.constant 3 : i32
    %mul3A_83 = vector.broadcast %mul3A_82 : i32 to vector<16xi32>
    %mul3A_84 = arith.muli %add3A_74, %mul3A_83 : vector<16xi32>
    %add3A_85 = arith.constant 1 : i32
    %add3A_86 = vector.broadcast %add3A_85 : i32 to vector<16xi32>
    %add3A_87 = arith.addi %mul3A_84, %add3A_86 : vector<16xi32>
    %gather3A_88 = tpu.vector_load_idx %arg6[%add3A_87] : memref<384xi32, #tpu.memory_space<vmem>>[vector<16xi32>], vector<16xi32>,
    %mul3A_89 = arith.constant 3 : i32
    %mul3A_90 = vector.broadcast %mul3A_89 : i32 to vector<16xi32>
    %mul3A_91 = arith.muli %add3A_74, %mul3A_90 : vector<16xi32>
    %add3A_92 = arith.constant 2 : i32
    %add3A_93 = vector.broadcast %add3A_92 : i32 to vector<16xi32>
    %add3A_94 = arith.addi %mul3A_91, %add3A_93 : vector<16xi32>
    %gather3A_95 = tpu.vector_load_idx %arg6[%add3A_94] : memref<384xi32, #tpu.memory_space<vmem>>[vector<16xi32>], vector<16xi32>,
    %add3A_96 = arith.constant 64 : i32
    %add3A_97 = vector.broadcast %add3A_96 : i32 to vector<16xi32>
    %add3A_98 = arith.addi %add3A_97, %iota3A : vector<16xi32>
    %mul3A_99 = arith.constant 3 : i32
    %mul3A_100 = vector.broadcast %mul3A_99 : i32 to vector<16xi32>
    %mul3A_101 = arith.muli %add3A_98, %mul3A_100 : vector<16xi32>
    %add3A_102 = arith.constant 0 : i32
    %add3A_103 = vector.broadcast %add3A_102 : i32 to vector<16xi32>
    %add3A_104 = arith.addi %mul3A_101, %add3A_103 : vector<16xi32>
    %gather3A_105 = tpu.vector_load_idx %arg6[%add3A_104] : memref<384xi32, #tpu.memory_space<vmem>>[vector<16xi32>], vector<16xi32>,
    %mul3A_106 = arith.constant 3 : i32
    %mul3A_107 = vector.broadcast %mul3A_106 : i32 to vector<16xi32>
    %mul3A_108 = arith.muli %add3A_98, %mul3A_107 : vector<16xi32>
    %add3A_109 = arith.constant 1 : i32
    %add3A_110 = vector.broadcast %add3A_109 : i32 to vector<16xi32>
    %add3A_111 = arith.addi %mul3A_108, %add3A_110 : vector<16xi32>
    %gather3A_112 = tpu.vector_load_idx %arg6[%add3A_111] : memref<384xi32, #tpu.memory_space<vmem>>[vector<16xi32>], vector<16xi32>,
    %mul3A_113 = arith.constant 3 : i32
    %mul3A_114 = vector.broadcast %mul3A_113 : i32 to vector<16xi32>
    %mul3A_115 = arith.muli %add3A_98, %mul3A_114 : vector<16xi32>
    %add3A_116 = arith.constant 2 : i32
    %add3A_117 = vector.broadcast %add3A_116 : i32 to vector<16xi32>
    %add3A_118 = arith.addi %mul3A_115, %add3A_117 : vector<16xi32>
    %gather3A_119 = tpu.vector_load_idx %arg6[%add3A_118] : memref<384xi32, #tpu.memory_space<vmem>>[vector<16xi32>], vector<16xi32>,
    %add3A_120 = arith.constant 80 : i32
    %add3A_121 = vector.broadcast %add3A_120 : i32 to vector<16xi32>
    %add3A_122 = arith.addi %add3A_121, %iota3A : vector<16xi32>
    %mul3A_123 = arith.constant 3 : i32
    %mul3A_124 = vector.broadcast %mul3A_123 : i32 to vector<16xi32>
    %mul3A_125 = arith.muli %add3A_122, %mul3A_124 : vector<16xi32>
    %add3A_126 = arith.constant 0 : i32
    %add3A_127 = vector.broadcast %add3A_126 : i32 to vector<16xi32>
    %add3A_128 = arith.addi %mul3A_125, %add3A_127 : vector<16xi32>
    %gather3A_129 = tpu.vector_load_idx %arg6[%add3A_128] : memref<384xi32, #tpu.memory_space<vmem>>[vector<16xi32>], vector<16xi32>,
    %mul3A_130 = arith.constant 3 : i32
    %mul3A_131 = vector.broadcast %mul3A_130 : i32 to vector<16xi32>
    %mul3A_132 = arith.muli %add3A_122, %mul3A_131 : vector<16xi32>
    %add3A_133 = arith.constant 1 : i32
    %add3A_134 = vector.broadcast %add3A_133 : i32 to vector<16xi32>
    %add3A_135 = arith.addi %mul3A_132, %add3A_134 : vector<16xi32>
    %gather3A_136 = tpu.vector_load_idx %arg6[%add3A_135] : memref<384xi32, #tpu.memory_space<vmem>>[vector<16xi32>], vector<16xi32>,
    %mul3A_137 = arith.constant 3 : i32
    %mul3A_138 = vector.broadcast %mul3A_137 : i32 to vector<16xi32>
    %mul3A_139 = arith.muli %add3A_122, %mul3A_138 : vector<16xi32>
    %add3A_140 = arith.constant 2 : i32
    %add3A_141 = vector.broadcast %add3A_140 : i32 to vector<16xi32>
    %add3A_142 = arith.addi %mul3A_139, %add3A_141 : vector<16xi32>
    %gather3A_143 = tpu.vector_load_idx %arg6[%add3A_142] : memref<384xi32, #tpu.memory_space<vmem>>[vector<16xi32>], vector<16xi32>,
    %add3A_144 = arith.constant 96 : i32
    %add3A_145 = vector.broadcast %add3A_144 : i32 to vector<16xi32>
    %add3A_146 = arith.addi %add3A_145, %iota3A : vector<16xi32>
    %mul3A_147 = arith.constant 3 : i32
    %mul3A_148 = vector.broadcast %mul3A_147 : i32 to vector<16xi32>
    %mul3A_149 = arith.muli %add3A_146, %mul3A_148 : vector<16xi32>
    %add3A_150 = arith.constant 0 : i32
    %add3A_151 = vector.broadcast %add3A_150 : i32 to vector<16xi32>
    %add3A_152 = arith.addi %mul3A_149, %add3A_151 : vector<16xi32>
    %gather3A_153 = tpu.vector_load_idx %arg6[%add3A_152] : memref<384xi32, #tpu.memory_space<vmem>>[vector<16xi32>], vector<16xi32>,
    %mul3A_154 = arith.constant 3 : i32
    %mul3A_155 = vector.broadcast %mul3A_154 : i32 to vector<16xi32>
    %mul3A_156 = arith.muli %add3A_146, %mul3A_155 : vector<16xi32>
    %add3A_157 = arith.constant 1 : i32
    %add3A_158 = vector.broadcast %add3A_157 : i32 to vector<16xi32>
    %add3A_159 = arith.addi %mul3A_156, %add3A_158 : vector<16xi32>
    %gather3A_160 = tpu.vector_load_idx %arg6[%add3A_159] : memref<384xi32, #tpu.memory_space<vmem>>[vector<16xi32>], vector<16xi32>,
    %mul3A_161 = arith.constant 3 : i32
    %mul3A_162 = vector.broadcast %mul3A_161 : i32 to vector<16xi32>
    %mul3A_163 = arith.muli %add3A_146, %mul3A_162 : vector<16xi32>
    %add3A_164 = arith.constant 2 : i32
    %add3A_165 = vector.broadcast %add3A_164 : i32 to vector<16xi32>
    %add3A_166 = arith.addi %mul3A_163, %add3A_165 : vector<16xi32>
    %gather3A_167 = tpu.vector_load_idx %arg6[%add3A_166] : memref<384xi32, #tpu.memory_space<vmem>>[vector<16xi32>], vector<16xi32>,
    %add3A_168 = arith.constant 112 : i32
    %add3A_169 = vector.broadcast %add3A_168 : i32 to vector<16xi32>
    %add3A_170 = arith.addi %add3A_169, %iota3A : vector<16xi32>
    %mul3A_171 = arith.constant 3 : i32
    %mul3A_172 = vector.broadcast %mul3A_171 : i32 to vector<16xi32>
    %mul3A_173 = arith.muli %add3A_170, %mul3A_172 : vector<16xi32>
    %add3A_174 = arith.constant 0 : i32
    %add3A_175 = vector.broadcast %add3A_174 : i32 to vector<16xi32>
    %add3A_176 = arith.addi %mul3A_173, %add3A_175 : vector<16xi32>
    %gather3A_177 = tpu.vector_load_idx %arg6[%add3A_176] : memref<384xi32, #tpu.memory_space<vmem>>[vector<16xi32>], vector<16xi32>,
    %mul3A_178 = arith.constant 3 : i32
    %mul3A_179 = vector.broadcast %mul3A_178 : i32 to vector<16xi32>
    %mul3A_180 = arith.muli %add3A_170, %mul3A_179 : vector<16xi32>
    %add3A_181 = arith.constant 1 : i32
    %add3A_182 = vector.broadcast %add3A_181 : i32 to vector<16xi32>
    %add3A_183 = arith.addi %mul3A_180, %add3A_182 : vector<16xi32>
    %gather3A_184 = tpu.vector_load_idx %arg6[%add3A_183] : memref<384xi32, #tpu.memory_space<vmem>>[vector<16xi32>], vector<16xi32>,
    %mul3A_185 = arith.constant 3 : i32
    %mul3A_186 = vector.broadcast %mul3A_185 : i32 to vector<16xi32>
    %mul3A_187 = arith.muli %add3A_170, %mul3A_186 : vector<16xi32>
    %add3A_188 = arith.constant 2 : i32
    %add3A_189 = vector.broadcast %add3A_188 : i32 to vector<16xi32>
    %add3A_190 = arith.addi %mul3A_187, %add3A_189 : vector<16xi32>
    %gather3A_191 = tpu.vector_load_idx %arg6[%add3A_190] : memref<384xi32, #tpu.memory_space<vmem>>[vector<16xi32>], vector<16xi32>,
    %mul3A_192 = arith.constant 192 : i32
    %mul3A_193 = arith.muli %add3A, %mul3A_192 : i32
    %add3A_194 = arith.constant 0 : i32
    %add3A_195 = arith.addi %mul3A_193, %add3A_194 : i32
    %dma_start3A = arith.constant 0 : i32
    %dma_start3A_196 = arith.constant 0 : i32
    %dma_start3A_197 = tpu.memref_slice %arg2[%dma_start3A, %add3A_195, %dma_start3A_196] : memref<3x16384x384xf32, #tpu.memory_space<hbm>> -> memref<1x16x384xf32, #tpu.memory_space<hbm>>
    %dma_start3A_198 = tpu.memref_squeeze %dma_start3A_197 : memref<1x16x384xf32, #tpu.memory_space<hbm>> -> memref<16x384xf32, #tpu.memory_space<hbm>>
    %dma_start3A_199 = arith.constant 0 : i32
    %dma_start3A_200 = tpu.memref_slice %arg2[%dma_start3A, %add3A_195, %dma_start3A_199] : memref<3x16384x384xf32, #tpu.memory_space<hbm>> -> memref<1x16x384xf32, #tpu.memory_space<hbm>>
    %dma_start3A_201 = tpu.memref_squeeze %dma_start3A_200 : memref<1x16x384xf32, #tpu.memory_space<hbm>> -> memref<16x384xf32, #tpu.memory_space<hbm>>
    tpu.enqueue_dma source(%dma_start3A_201 : memref<16x384xf32, #tpu.memory_space<hbm>>) target(%arg7 : memref<16x384xf32, #tpu.memory_space<vmem>>) target_semaphore(%arg19 : memref<!tpu.dma_semaphore, #tpu.memory_space<semaphore_mem>>)
    %dma_start3A_202 = arith.constant 1 : i32
    %dma_start3A_203 = arith.constant 0 : i32
    %dma_start3A_204 = tpu.memref_slice %arg2[%dma_start3A_202, %add3A_195, %dma_start3A_203] : memref<3x16384x384xf32, #tpu.memory_space<hbm>> -> memref<1x16x384xf32, #tpu.memory_space<hbm>>
    %dma_start3A_205 = tpu.memref_squeeze %dma_start3A_204 : memref<1x16x384xf32, #tpu.memory_space<hbm>> -> memref<16x384xf32, #tpu.memory_space<hbm>>
    %dma_start3A_206 = arith.constant 0 : i32
    %dma_start3A_207 = tpu.memref_slice %arg2[%dma_start3A_202, %add3A_195, %dma_start3A_206] : memref<3x16384x384xf32, #tpu.memory_space<hbm>> -> memref<1x16x384xf32, #tpu.memory_space<hbm>>
    %dma_start3A_208 = tpu.memref_squeeze %dma_start3A_207 : memref<1x16x384xf32, #tpu.memory_space<hbm>> -> memref<16x384xf32, #tpu.memory_space<hbm>>
    tpu.enqueue_dma source(%dma_start3A_208 : memref<16x384xf32, #tpu.memory_space<hbm>>) target(%arg8 : memref<16x384xf32, #tpu.memory_space<vmem>>) target_semaphore(%arg19 : memref<!tpu.dma_semaphore, #tpu.memory_space<semaphore_mem>>)
    %dma_start3A_209 = arith.constant 2 : i32
    %dma_start3A_210 = arith.constant 0 : i32
    %dma_start3A_211 = tpu.memref_slice %arg2[%dma_start3A_209, %add3A_195, %dma_start3A_210] : memref<3x16384x384xf32, #tpu.memory_space<hbm>> -> memref<1x16x384xf32, #tpu.memory_space<hbm>>
    %dma_start3A_212 = tpu.memref_squeeze %dma_start3A_211 : memref<1x16x384xf32, #tpu.memory_space<hbm>> -> memref<16x384xf32, #tpu.memory_space<hbm>>
    %dma_start3A_213 = arith.constant 0 : i32
    %dma_start3A_214 = tpu.memref_slice %arg2[%dma_start3A_209, %add3A_195, %dma_start3A_213] : memref<3x16384x384xf32, #tpu.memory_space<hbm>> -> memref<1x16x384xf32, #tpu.memory_space<hbm>>
    %dma_start3A_215 = tpu.memref_squeeze %dma_start3A_214 : memref<1x16x384xf32, #tpu.memory_space<hbm>> -> memref<16x384xf32, #tpu.memory_space<hbm>>
    tpu.enqueue_dma source(%dma_start3A_215 : memref<16x384xf32, #tpu.memory_space<hbm>>) target(%arg9 : memref<16x384xf32, #tpu.memory_space<vmem>>) target_semaphore(%arg19 : memref<!tpu.dma_semaphore, #tpu.memory_space<semaphore_mem>>)
    %dma_start3A_216 = arith.constant 0 : i32
    %dma_start3A_217 = arith.constant 0 : i32
    %dma_start3A_218 = tpu.memref_slice %arg3[%dma_start3A_216, %add3A_195, %dma_start3A_217] : memref<3x16384x384xf32, #tpu.memory_space<hbm>> -> memref<1x16x384xf32, #tpu.memory_space<hbm>>
    %dma_start3A_219 = tpu.memref_squeeze %dma_start3A_218 : memref<1x16x384xf32, #tpu.memory_space<hbm>> -> memref<16x384xf32, #tpu.memory_space<hbm>>
    %dma_start3A_220 = arith.constant 0 : i32
    %dma_start3A_221 = tpu.memref_slice %arg3[%dma_start3A_216, %add3A_195, %dma_start3A_220] : memref<3x16384x384xf32, #tpu.memory_space<hbm>> -> memref<1x16x384xf32, #tpu.memory_space<hbm>>
    %dma_start3A_222 = tpu.memref_squeeze %dma_start3A_221 : memref<1x16x384xf32, #tpu.memory_space<hbm>> -> memref<16x384xf32, #tpu.memory_space<hbm>>
    tpu.enqueue_dma source(%dma_start3A_222 : memref<16x384xf32, #tpu.memory_space<hbm>>) target(%arg10 : memref<16x384xf32, #tpu.memory_space<vmem>>) target_semaphore(%arg19 : memref<!tpu.dma_semaphore, #tpu.memory_space<semaphore_mem>>)
    %dma_start3A_223 = arith.constant 1 : i32
    %dma_start3A_224 = arith.constant 0 : i32
    %dma_start3A_225 = tpu.memref_slice %arg3[%dma_start3A_223, %add3A_195, %dma_start3A_224] : memref<3x16384x384xf32, #tpu.memory_space<hbm>> -> memref<1x16x384xf32, #tpu.memory_space<hbm>>
    %dma_start3A_226 = tpu.memref_squeeze %dma_start3A_225 : memref<1x16x384xf32, #tpu.memory_space<hbm>> -> memref<16x384xf32, #tpu.memory_space<hbm>>
    %dma_start3A_227 = arith.constant 0 : i32
    %dma_start3A_228 = tpu.memref_slice %arg3[%dma_start3A_223, %add3A_195, %dma_start3A_227] : memref<3x16384x384xf32, #tpu.memory_space<hbm>> -> memref<1x16x384xf32, #tpu.memory_space<hbm>>
    %dma_start3A_229 = tpu.memref_squeeze %dma_start3A_228 : memref<1x16x384xf32, #tpu.memory_space<hbm>> -> memref<16x384xf32, #tpu.memory_space<hbm>>
    tpu.enqueue_dma source(%dma_start3A_229 : memref<16x384xf32, #tpu.memory_space<hbm>>) target(%arg11 : memref<16x384xf32, #tpu.memory_space<vmem>>) target_semaphore(%arg19 : memref<!tpu.dma_semaphore, #tpu.memory_space<semaphore_mem>>)
    %dma_start3A_230 = arith.constant 2 : i32
    %dma_start3A_231 = arith.constant 0 : i32
    %dma_start3A_232 = tpu.memref_slice %arg3[%dma_start3A_230, %add3A_195, %dma_start3A_231] : memref<3x16384x384xf32, #tpu.memory_space<hbm>> -> memref<1x16x384xf32, #tpu.memory_space<hbm>>
    %dma_start3A_233 = tpu.memref_squeeze %dma_start3A_232 : memref<1x16x384xf32, #tpu.memory_space<hbm>> -> memref<16x384xf32, #tpu.memory_space<hbm>>
    %dma_start3A_234 = arith.constant 0 : i32
    %dma_start3A_235 = tpu.memref_slice %arg3[%dma_start3A_230, %add3A_195, %dma_start3A_234] : memref<3x16384x384xf32, #tpu.memory_space<hbm>> -> memref<1x16x384xf32, #tpu.memory_space<hbm>>
    %dma_start3A_236 = tpu.memref_squeeze %dma_start3A_235 : memref<1x16x384xf32, #tpu.memory_space<hbm>> -> memref<16x384xf32, #tpu.memory_space<hbm>>
    tpu.enqueue_dma source(%dma_start3A_236 : memref<16x384xf32, #tpu.memory_space<hbm>>) target(%arg12 : memref<16x384xf32, #tpu.memory_space<vmem>>) target_semaphore(%arg19 : memref<!tpu.dma_semaphore, #tpu.memory_space<semaphore_mem>>)
    %broadcast_in_dim3A = arith.constant 0.000000e+00 : f32
    %broadcast_in_dim3A_237 = vector.broadcast %broadcast_in_dim3A : f32 to vector<16xf32>
    %scan3A = arith.constant 0 : i32
    %scan3A_238 = arith.constant 6 : i32
    %scan3A_239 = arith.addi %scan3A, %scan3A_238 : i32
    %scan3A_240 = arith.constant 1 : i32
    %scan3A_241 = scf.for %scan3A_244 = %scan3A to %scan3A_239 step %scan3A_240 iter_args(%scan3A_245 = %broadcast_in_dim3A_237) -> (vector<16xf32>)  : i32 {
      %mul3A_246 = arith.constant 2 : i32
      %mul3A_247 = arith.muli %mul3A_246, %scan3A_244 : i32
      %add3A_248 = arith.constant 1 : i32
      %add3A_249 = arith.addi %mul3A_247, %add3A_248 : i32
      %mul3A_250 = arith.constant 192 : i32
      %mul3A_251 = arith.muli %add3A, %mul3A_250 : i32
      %mul3A_252 = arith.constant 16 : i32
      %mul3A_253 = arith.muli %add3A_249, %mul3A_252 : i32
      %add3A_254 = arith.addi %mul3A_251, %mul3A_253 : i32
      %dma_start3A_255 = arith.constant 0 : i32
      %dma_start3A_256 = arith.constant 0 : i32
      %dma_start3A_257 = tpu.memref_slice %arg2[%dma_start3A_255, %add3A_254, %dma_start3A_256] : memref<3x16384x384xf32, #tpu.memory_space<hbm>> -> memref<1x16x384xf32, #tpu.memory_space<hbm>>
      %dma_start3A_258 = tpu.memref_squeeze %dma_start3A_257 : memref<1x16x384xf32, #tpu.memory_space<hbm>> -> memref<16x384xf32, #tpu.memory_space<hbm>>
      %dma_start3A_259 = arith.constant 0 : i32
      %dma_start3A_260 = tpu.memref_slice %arg2[%dma_start3A_255, %add3A_254, %dma_start3A_259] : memref<3x16384x384xf32, #tpu.memory_space<hbm>> -> memref<1x16x384xf32, #tpu.memory_space<hbm>>
      %dma_start3A_261 = tpu.memref_squeeze %dma_start3A_260 : memref<1x16x384xf32, #tpu.memory_space<hbm>> -> memref<16x384xf32, #tpu.memory_space<hbm>>
      tpu.enqueue_dma source(%dma_start3A_261 : memref<16x384xf32, #tpu.memory_space<hbm>>) target(%arg13 : memref<16x384xf32, #tpu.memory_space<vmem>>) target_semaphore(%arg20 : memref<!tpu.dma_semaphore, #tpu.memory_space<semaphore_mem>>)
      %dma_start3A_262 = arith.constant 1 : i32
      %dma_start3A_263 = arith.constant 0 : i32
      %dma_start3A_264 = tpu.memref_slice %arg2[%dma_start3A_262, %add3A_254, %dma_start3A_263] : memref<3x16384x384xf32, #tpu.memory_space<hbm>> -> memref<1x16x384xf32, #tpu.memory_space<hbm>>
      %dma_start3A_265 = tpu.memref_squeeze %dma_start3A_264 : memref<1x16x384xf32, #tpu.memory_space<hbm>> -> memref<16x384xf32, #tpu.memory_space<hbm>>
      %dma_start3A_266 = arith.constant 0 : i32
      %dma_start3A_267 = tpu.memref_slice %arg2[%dma_start3A_262, %add3A_254, %dma_start3A_266] : memref<3x16384x384xf32, #tpu.memory_space<hbm>> -> memref<1x16x384xf32, #tpu.memory_space<hbm>>
      %dma_start3A_268 = tpu.memref_squeeze %dma_start3A_267 : memref<1x16x384xf32, #tpu.memory_space<hbm>> -> memref<16x384xf32, #tpu.memory_space<hbm>>
      tpu.enqueue_dma source(%dma_start3A_268 : memref<16x384xf32, #tpu.memory_space<hbm>>) target(%arg14 : memref<16x384xf32, #tpu.memory_space<vmem>>) target_semaphore(%arg20 : memref<!tpu.dma_semaphore, #tpu.memory_space<semaphore_mem>>)
      %dma_start3A_269 = arith.constant 2 : i32
      %dma_start3A_270 = arith.constant 0 : i32
      %dma_start3A_271 = tpu.memref_slice %arg2[%dma_start3A_269, %add3A_254, %dma_start3A_270] : memref<3x16384x384xf32, #tpu.memory_space<hbm>> -> memref<1x16x384xf32, #tpu.memory_space<hbm>>
      %dma_start3A_272 = tpu.memref_squeeze %dma_start3A_271 : memref<1x16x384xf32, #tpu.memory_space<hbm>> -> memref<16x384xf32, #tpu.memory_space<hbm>>
      %dma_start3A_273 = arith.constant 0 : i32
      %dma_start3A_274 = tpu.memref_slice %arg2[%dma_start3A_269, %add3A_254, %dma_start3A_273] : memref<3x16384x384xf32, #tpu.memory_space<hbm>> -> memref<1x16x384xf32, #tpu.memory_space<hbm>>
      %dma_start3A_275 = tpu.memref_squeeze %dma_start3A_274 : memref<1x16x384xf32, #tpu.memory_space<hbm>> -> memref<16x384xf32, #tpu.memory_space<hbm>>
      tpu.enqueue_dma source(%dma_start3A_275 : memref<16x384xf32, #tpu.memory_space<hbm>>) target(%arg15 : memref<16x384xf32, #tpu.memory_space<vmem>>) target_semaphore(%arg20 : memref<!tpu.dma_semaphore, #tpu.memory_space<semaphore_mem>>)
      %dma_start3A_276 = arith.constant 0 : i32
      %dma_start3A_277 = arith.constant 0 : i32
      %dma_start3A_278 = tpu.memref_slice %arg3[%dma_start3A_276, %add3A_254, %dma_start3A_277] : memref<3x16384x384xf32, #tpu.memory_space<hbm>> -> memref<1x16x384xf32, #tpu.memory_space<hbm>>
      %dma_start3A_279 = tpu.memref_squeeze %dma_start3A_278 : memref<1x16x384xf32, #tpu.memory_space<hbm>> -> memref<16x384xf32, #tpu.memory_space<hbm>>
      %dma_start3A_280 = arith.constant 0 : i32
      %dma_start3A_281 = tpu.memref_slice %arg3[%dma_start3A_276, %add3A_254, %dma_start3A_280] : memref<3x16384x384xf32, #tpu.memory_space<hbm>> -> memref<1x16x384xf32, #tpu.memory_space<hbm>>
      %dma_start3A_282 = tpu.memref_squeeze %dma_start3A_281 : memref<1x16x384xf32, #tpu.memory_space<hbm>> -> memref<16x384xf32, #tpu.memory_space<hbm>>
      tpu.enqueue_dma source(%dma_start3A_282 : memref<16x384xf32, #tpu.memory_space<hbm>>) target(%arg16 : memref<16x384xf32, #tpu.memory_space<vmem>>) target_semaphore(%arg20 : memref<!tpu.dma_semaphore, #tpu.memory_space<semaphore_mem>>)
      %dma_start3A_283 = arith.constant 1 : i32
      %dma_start3A_284 = arith.constant 0 : i32
      %dma_start3A_285 = tpu.memref_slice %arg3[%dma_start3A_283, %add3A_254, %dma_start3A_284] : memref<3x16384x384xf32, #tpu.memory_space<hbm>> -> memref<1x16x384xf32, #tpu.memory_space<hbm>>
      %dma_start3A_286 = tpu.memref_squeeze %dma_start3A_285 : memref<1x16x384xf32, #tpu.memory_space<hbm>> -> memref<16x384xf32, #tpu.memory_space<hbm>>
      %dma_start3A_287 = arith.constant 0 : i32
      %dma_start3A_288 = tpu.memref_slice %arg3[%dma_start3A_283, %add3A_254, %dma_start3A_287] : memref<3x16384x384xf32, #tpu.memory_space<hbm>> -> memref<1x16x384xf32, #tpu.memory_space<hbm>>
      %dma_start3A_289 = tpu.memref_squeeze %dma_start3A_288 : memref<1x16x384xf32, #tpu.memory_space<hbm>> -> memref<16x384xf32, #tpu.memory_space<hbm>>
      tpu.enqueue_dma source(%dma_start3A_289 : memref<16x384xf32, #tpu.memory_space<hbm>>) target(%arg17 : memref<16x384xf32, #tpu.memory_space<vmem>>) target_semaphore(%arg20 : memref<!tpu.dma_semaphore, #tpu.memory_space<semaphore_mem>>)
      %dma_start3A_290 = arith.constant 2 : i32
      %dma_start3A_291 = arith.constant 0 : i32
      %dma_start3A_292 = tpu.memref_slice %arg3[%dma_start3A_290, %add3A_254, %dma_start3A_291] : memref<3x16384x384xf32, #tpu.memory_space<hbm>> -> memref<1x16x384xf32, #tpu.memory_space<hbm>>
      %dma_start3A_293 = tpu.memref_squeeze %dma_start3A_292 : memref<1x16x384xf32, #tpu.memory_space<hbm>> -> memref<16x384xf32, #tpu.memory_space<hbm>>
      %dma_start3A_294 = arith.constant 0 : i32
      %dma_start3A_295 = tpu.memref_slice %arg3[%dma_start3A_290, %add3A_254, %dma_start3A_294] : memref<3x16384x384xf32, #tpu.memory_space<hbm>> -> memref<1x16x384xf32, #tpu.memory_space<hbm>>
      %dma_start3A_296 = tpu.memref_squeeze %dma_start3A_295 : memref<1x16x384xf32, #tpu.memory_space<hbm>> -> memref<16x384xf32, #tpu.memory_space<hbm>>
      tpu.enqueue_dma source(%dma_start3A_296 : memref<16x384xf32, #tpu.memory_space<hbm>>) target(%arg18 : memref<16x384xf32, #tpu.memory_space<vmem>>) target_semaphore(%arg20 : memref<!tpu.dma_semaphore, #tpu.memory_space<semaphore_mem>>)
      %dma_wait3A = arith.constant 0 : i32
      %dma_wait3A_297 = arith.constant 0 : i32
      %dma_wait3A_298 = arith.constant 0 : i32
      %dma_wait3A_299 = tpu.memref_slice %arg2[%dma_wait3A, %dma_wait3A_297, %dma_wait3A_298] : memref<3x16384x384xf32, #tpu.memory_space<hbm>> -> memref<1x16x384xf32, #tpu.memory_space<hbm>>
      %dma_wait3A_300 = tpu.memref_squeeze %dma_wait3A_299 : memref<1x16x384xf32, #tpu.memory_space<hbm>> -> memref<16x384xf32, #tpu.memory_space<hbm>>
      %dma_wait3A_301 = arith.constant 0 : i32
      %dma_wait3A_302 = arith.constant 0 : i32
      %dma_wait3A_303 = tpu.memref_slice %arg2[%dma_wait3A, %dma_wait3A_301, %dma_wait3A_302] : memref<3x16384x384xf32, #tpu.memory_space<hbm>> -> memref<1x16x384xf32, #tpu.memory_space<hbm>>
      %dma_wait3A_304 = tpu.memref_squeeze %dma_wait3A_303 : memref<1x16x384xf32, #tpu.memory_space<hbm>> -> memref<16x384xf32, #tpu.memory_space<hbm>>
      tpu.wait_dma2 semaphore(%arg19 : memref<!tpu.dma_semaphore, #tpu.memory_space<semaphore_mem>>) src(%dma_wait3A_304 : memref<16x384xf32, #tpu.memory_space<hbm>>) dst(%arg7 : memref<16x384xf32, #tpu.memory_space<vmem>>)
      %dma_wait3A_305 = arith.constant 0 : i32
      %dma_wait3A_306 = arith.constant 0 : i32
      %dma_wait3A_307 = arith.constant 0 : i32
      %dma_wait3A_308 = tpu.memref_slice %arg2[%dma_wait3A_305, %dma_wait3A_306, %dma_wait3A_307] : memref<3x16384x384xf32, #tpu.memory_space<hbm>> -> memref<1x16x384xf32, #tpu.memory_space<hbm>>
      %dma_wait3A_309 = tpu.memref_squeeze %dma_wait3A_308 : memref<1x16x384xf32, #tpu.memory_space<hbm>> -> memref<16x384xf32, #tpu.memory_space<hbm>>
      %dma_wait3A_310 = arith.constant 0 : i32
      %dma_wait3A_311 = arith.constant 0 : i32
      %dma_wait3A_312 = tpu.memref_slice %arg2[%dma_wait3A_305, %dma_wait3A_310, %dma_wait3A_311] : memref<3x16384x384xf32, #tpu.memory_space<hbm>> -> memref<1x16x384xf32, #tpu.memory_space<hbm>>
      %dma_wait3A_313 = tpu.memref_squeeze %dma_wait3A_312 : memref<1x16x384xf32, #tpu.memory_space<hbm>> -> memref<16x384xf32, #tpu.memory_space<hbm>>
      tpu.wait_dma2 semaphore(%arg19 : memref<!tpu.dma_semaphore, #tpu.memory_space<semaphore_mem>>) src(%dma_wait3A_313 : memref<16x384xf32, #tpu.memory_space<hbm>>) dst(%arg8 : memref<16x384xf32, #tpu.memory_space<vmem>>)
      %dma_wait3A_314 = arith.constant 0 : i32
      %dma_wait3A_315 = arith.constant 0 : i32
      %dma_wait3A_316 = arith.constant 0 : i32
      %dma_wait3A_317 = tpu.memref_slice %arg2[%dma_wait3A_314, %dma_wait3A_315, %dma_wait3A_316] : memref<3x16384x384xf32, #tpu.memory_space<hbm>> -> memref<1x16x384xf32, #tpu.memory_space<hbm>>
      %dma_wait3A_318 = tpu.memref_squeeze %dma_wait3A_317 : memref<1x16x384xf32, #tpu.memory_space<hbm>> -> memref<16x384xf32, #tpu.memory_space<hbm>>
      %dma_wait3A_319 = arith.constant 0 : i32
      %dma_wait3A_320 = arith.constant 0 : i32
      %dma_wait3A_321 = tpu.memref_slice %arg2[%dma_wait3A_314, %dma_wait3A_319, %dma_wait3A_320] : memref<3x16384x384xf32, #tpu.memory_space<hbm>> -> memref<1x16x384xf32, #tpu.memory_space<hbm>>
      %dma_wait3A_322 = tpu.memref_squeeze %dma_wait3A_321 : memref<1x16x384xf32, #tpu.memory_space<hbm>> -> memref<16x384xf32, #tpu.memory_space<hbm>>
      tpu.wait_dma2 semaphore(%arg19 : memref<!tpu.dma_semaphore, #tpu.memory_space<semaphore_mem>>) src(%dma_wait3A_322 : memref<16x384xf32, #tpu.memory_space<hbm>>) dst(%arg9 : memref<16x384xf32, #tpu.memory_space<vmem>>)
      %dma_wait3A_323 = arith.constant 0 : i32
      %dma_wait3A_324 = arith.constant 0 : i32
      %dma_wait3A_325 = arith.constant 0 : i32
      %dma_wait3A_326 = tpu.memref_slice %arg2[%dma_wait3A_323, %dma_wait3A_324, %dma_wait3A_325] : memref<3x16384x384xf32, #tpu.memory_space<hbm>> -> memref<1x16x384xf32, #tpu.memory_space<hbm>>
      %dma_wait3A_327 = tpu.memref_squeeze %dma_wait3A_326 : memref<1x16x384xf32, #tpu.memory_space<hbm>> -> memref<16x384xf32, #tpu.memory_space<hbm>>
      %dma_wait3A_328 = arith.constant 0 : i32
      %dma_wait3A_329 = arith.constant 0 : i32
      %dma_wait3A_330 = tpu.memref_slice %arg2[%dma_wait3A_323, %dma_wait3A_328, %dma_wait3A_329] : memref<3x16384x384xf32, #tpu.memory_space<hbm>> -> memref<1x16x384xf32, #tpu.memory_space<hbm>>
      %dma_wait3A_331 = tpu.memref_squeeze %dma_wait3A_330 : memref<1x16x384xf32, #tpu.memory_space<hbm>> -> memref<16x384xf32, #tpu.memory_space<hbm>>
      tpu.wait_dma2 semaphore(%arg19 : memref<!tpu.dma_semaphore, #tpu.memory_space<semaphore_mem>>) src(%dma_wait3A_331 : memref<16x384xf32, #tpu.memory_space<hbm>>) dst(%arg10 : memref<16x384xf32, #tpu.memory_space<vmem>>)
      %dma_wait3A_332 = arith.constant 0 : i32
      %dma_wait3A_333 = arith.constant 0 : i32
      %dma_wait3A_334 = arith.constant 0 : i32
      %dma_wait3A_335 = tpu.memref_slice %arg2[%dma_wait3A_332, %dma_wait3A_333, %dma_wait3A_334] : memref<3x16384x384xf32, #tpu.memory_space<hbm>> -> memref<1x16x384xf32, #tpu.memory_space<hbm>>
      %dma_wait3A_336 = tpu.memref_squeeze %dma_wait3A_335 : memref<1x16x384xf32, #tpu.memory_space<hbm>> -> memref<16x384xf32, #tpu.memory_space<hbm>>
      %dma_wait3A_337 = arith.constant 0 : i32
      %dma_wait3A_338 = arith.constant 0 : i32
      %dma_wait3A_339 = tpu.memref_slice %arg2[%dma_wait3A_332, %dma_wait3A_337, %dma_wait3A_338] : memref<3x16384x384xf32, #tpu.memory_space<hbm>> -> memref<1x16x384xf32, #tpu.memory_space<hbm>>
      %dma_wait3A_340 = tpu.memref_squeeze %dma_wait3A_339 : memref<1x16x384xf32, #tpu.memory_space<hbm>> -> memref<16x384xf32, #tpu.memory_space<hbm>>
      tpu.wait_dma2 semaphore(%arg19 : memref<!tpu.dma_semaphore, #tpu.memory_space<semaphore_mem>>) src(%dma_wait3A_340 : memref<16x384xf32, #tpu.memory_space<hbm>>) dst(%arg11 : memref<16x384xf32, #tpu.memory_space<vmem>>)
      %dma_wait3A_341 = arith.constant 0 : i32
      %dma_wait3A_342 = arith.constant 0 : i32
      %dma_wait3A_343 = arith.constant 0 : i32
      %dma_wait3A_344 = tpu.memref_slice %arg2[%dma_wait3A_341, %dma_wait3A_342, %dma_wait3A_343] : memref<3x16384x384xf32, #tpu.memory_space<hbm>> -> memref<1x16x384xf32, #tpu.memory_space<hbm>>
      %dma_wait3A_345 = tpu.memref_squeeze %dma_wait3A_344 : memref<1x16x384xf32, #tpu.memory_space<hbm>> -> memref<16x384xf32, #tpu.memory_space<hbm>>
      %dma_wait3A_346 = arith.constant 0 : i32
      %dma_wait3A_347 = arith.constant 0 : i32
      %dma_wait3A_348 = tpu.memref_slice %arg2[%dma_wait3A_341, %dma_wait3A_346, %dma_wait3A_347] : memref<3x16384x384xf32, #tpu.memory_space<hbm>> -> memref<1x16x384xf32, #tpu.memory_space<hbm>>
      %dma_wait3A_349 = tpu.memref_squeeze %dma_wait3A_348 : memref<1x16x384xf32, #tpu.memory_space<hbm>> -> memref<16x384xf32, #tpu.memory_space<hbm>>
      tpu.wait_dma2 semaphore(%arg19 : memref<!tpu.dma_semaphore, #tpu.memory_space<semaphore_mem>>) src(%dma_wait3A_349 : memref<16x384xf32, #tpu.memory_space<hbm>>) dst(%arg12 : memref<16x384xf32, #tpu.memory_space<vmem>>)
      %scan3A_350 = arith.constant 0 : i32
      %scan3A_351 = arith.constant 16 : i32
      %scan3A_352 = arith.addi %scan3A_350, %scan3A_351 : i32
      %scan3A_353 = arith.constant 1 : i32
      %scan3A_354 = scf.for %scan3A_420 = %scan3A_350 to %scan3A_352 step %scan3A_353 iter_args(%scan3A_421 = %scan3A_245) -> (vector<16xf32>)  : i32 {
        %broadcast_in_dim3A_422 = vector.broadcast %scan3A_420 : i32 to vector<16xi32>
        %gather3A_423 = tpu.vector_load_idx %arg7[%broadcast_in_dim3A_422, %gather3A] : memref<16x384xf32, #tpu.memory_space<vmem>>[vector<16xi32>, vector<16xi32>], vector<16xf32>,
        %gather3A_424 = tpu.vector_load_idx %arg8[%broadcast_in_dim3A_422, %gather3A] : memref<16x384xf32, #tpu.memory_space<vmem>>[vector<16xi32>, vector<16xi32>], vector<16xf32>,
        %gather3A_425 = tpu.vector_load_idx %arg9[%broadcast_in_dim3A_422, %gather3A] : memref<16x384xf32, #tpu.memory_space<vmem>>[vector<16xi32>, vector<16xi32>], vector<16xf32>,
        %gather3A_426 = tpu.vector_load_idx %arg7[%broadcast_in_dim3A_422, %gather3A_16] : memref<16x384xf32, #tpu.memory_space<vmem>>[vector<16xi32>, vector<16xi32>], vector<16xf32>,
        %gather3A_427 = tpu.vector_load_idx %arg8[%broadcast_in_dim3A_422, %gather3A_16] : memref<16x384xf32, #tpu.memory_space<vmem>>[vector<16xi32>, vector<16xi32>], vector<16xf32>,
        %gather3A_428 = tpu.vector_load_idx %arg9[%broadcast_in_dim3A_422, %gather3A_16] : memref<16x384xf32, #tpu.memory_space<vmem>>[vector<16xi32>, vector<16xi32>], vector<16xf32>,
        %gather3A_429 = tpu.vector_load_idx %arg7[%broadcast_in_dim3A_422, %gather3A_23] : memref<16x384xf32, #tpu.memory_space<vmem>>[vector<16xi32>, vector<16xi32>], vector<16xf32>,
        %gather3A_430 = tpu.vector_load_idx %arg8[%broadcast_in_dim3A_422, %gather3A_23] : memref<16x384xf32, #tpu.memory_space<vmem>>[vector<16xi32>, vector<16xi32>], vector<16xf32>,
        %gather3A_431 = tpu.vector_load_idx %arg9[%broadcast_in_dim3A_422, %gather3A_23] : memref<16x384xf32, #tpu.memory_space<vmem>>[vector<16xi32>, vector<16xi32>], vector<16xf32>,
        %gather3A_432 = tpu.vector_load_idx %arg10[%broadcast_in_dim3A_422, %gather3A] : memref<16x384xf32, #tpu.memory_space<vmem>>[vector<16xi32>, vector<16xi32>], vector<16xf32>,
        %gather3A_433 = tpu.vector_load_idx %arg11[%broadcast_in_dim3A_422, %gather3A] : memref<16x384xf32, #tpu.memory_space<vmem>>[vector<16xi32>, vector<16xi32>], vector<16xf32>,
        %gather3A_434 = tpu.vector_load_idx %arg12[%broadcast_in_dim3A_422, %gather3A] : memref<16x384xf32, #tpu.memory_space<vmem>>[vector<16xi32>, vector<16xi32>], vector<16xf32>,
        %gather3A_435 = tpu.vector_load_idx %arg10[%broadcast_in_dim3A_422, %gather3A_16] : memref<16x384xf32, #tpu.memory_space<vmem>>[vector<16xi32>, vector<16xi32>], vector<16xf32>,
        %gather3A_436 = tpu.vector_load_idx %arg11[%broadcast_in_dim3A_422, %gather3A_16] : memref<16x384xf32, #tpu.memory_space<vmem>>[vector<16xi32>, vector<16xi32>], vector<16xf32>,
        %gather3A_437 = tpu.vector_load_idx %arg12[%broadcast_in_dim3A_422, %gather3A_16] : memref<16x384xf32, #tpu.memory_space<vmem>>[vector<16xi32>, vector<16xi32>], vector<16xf32>,
        %gather3A_438 = tpu.vector_load_idx %arg10[%broadcast_in_dim3A_422, %gather3A_23] : memref<16x384xf32, #tpu.memory_space<vmem>>[vector<16xi32>, vector<16xi32>], vector<16xf32>,
        %gather3A_439 = tpu.vector_load_idx %arg11[%broadcast_in_dim3A_422, %gather3A_23] : memref<16x384xf32, #tpu.memory_space<vmem>>[vector<16xi32>, vector<16xi32>], vector<16xf32>,
        %gather3A_440 = tpu.vector_load_idx %arg12[%broadcast_in_dim3A_422, %gather3A_23] : memref<16x384xf32, #tpu.memory_space<vmem>>[vector<16xi32>, vector<16xi32>], vector<16xf32>,
        %sub3A = arith.subf %gather3A_423, %gather3A_426 : vector<16xf32>
        %sub3A_441 = arith.subf %gather3A_424, %gather3A_427 : vector<16xf32>
        %sub3A_442 = arith.subf %gather3A_425, %gather3A_428 : vector<16xf32>
        %mul3A_443 = arith.mulf %sub3A, %sub3A : vector<16xf32>
        %mul3A_444 = arith.mulf %sub3A_441, %sub3A_441 : vector<16xf32>
        %add3A_445 = arith.addf %mul3A_443, %mul3A_444 : vector<16xf32>
        %mul3A_446 = arith.mulf %sub3A_442, %sub3A_442 : vector<16xf32>
        %add3A_447 = arith.addf %add3A_445, %mul3A_446 : vector<16xf32>
        %add3A_448 = arith.constant 9.99999996E-13 : f32
        %add3A_449 = vector.broadcast %add3A_448 : f32 to vector<16xf32>
        %add3A_450 = arith.addf %add3A_447, %add3A_449 : vector<16xf32>
        %bitcast_convert_type3A = tpu.bitcast %add3A_450 : vector<16xf32> -> vector<16xi32>
        %shift_right_logical3A = arith.constant 1 : i32
        %shift_right_logical3A_451 = vector.broadcast %shift_right_logical3A : i32 to vector<16xi32>
        %shift_right_logical3A_452 = arith.shrui %bitcast_convert_type3A, %shift_right_logical3A_451 : vector<16xi32>
        %sub3A_453 = arith.constant 1597463007 : i32
        %sub3A_454 = vector.broadcast %sub3A_453 : i32 to vector<16xi32>
        %sub3A_455 = arith.subi %sub3A_454, %shift_right_logical3A_452 : vector<16xi32>
        %bitcast_convert_type3A_456 = tpu.bitcast %sub3A_455 : vector<16xi32> -> vector<16xf32>
        %mul3A_457 = arith.constant 5.000000e-01 : f32
        %mul3A_458 = vector.broadcast %mul3A_457 : f32 to vector<16xf32>
        %mul3A_459 = arith.mulf %add3A_450, %mul3A_458 : vector<16xf32>
        %mul3A_460 = arith.mulf %mul3A_459, %bitcast_convert_type3A_456 : vector<16xf32>
        %mul3A_461 = arith.mulf %mul3A_460, %bitcast_convert_type3A_456 : vector<16xf32>
        %sub3A_462 = arith.constant 1.500000e+00 : f32
        %sub3A_463 = vector.broadcast %sub3A_462 : f32 to vector<16xf32>
        %sub3A_464 = arith.subf %sub3A_463, %mul3A_461 : vector<16xf32>
        %mul3A_465 = arith.mulf %bitcast_convert_type3A_456, %sub3A_464 : vector<16xf32>
        %mul3A_466 = arith.mulf %add3A_450, %mul3A_465 : vector<16xf32>
        %sub3A_467 = arith.subf %gather3A_432, %gather3A_435 : vector<16xf32>
        %sub3A_468 = arith.subf %gather3A_433, %gather3A_436 : vector<16xf32>
        %sub3A_469 = arith.subf %gather3A_434, %gather3A_437 : vector<16xf32>
        %mul3A_470 = arith.mulf %sub3A_467, %sub3A_467 : vector<16xf32>
        %mul3A_471 = arith.mulf %sub3A_468, %sub3A_468 : vector<16xf32>
        %add3A_472 = arith.addf %mul3A_470, %mul3A_471 : vector<16xf32>
        %mul3A_473 = arith.mulf %sub3A_469, %sub3A_469 : vector<16xf32>
        %add3A_474 = arith.addf %add3A_472, %mul3A_473 : vector<16xf32>
        %add3A_475 = arith.constant 9.99999996E-13 : f32
        %add3A_476 = vector.broadcast %add3A_475 : f32 to vector<16xf32>
        %add3A_477 = arith.addf %add3A_474, %add3A_476 : vector<16xf32>
        %bitcast_convert_type3A_478 = tpu.bitcast %add3A_477 : vector<16xf32> -> vector<16xi32>
        %shift_right_logical3A_479 = arith.constant 1 : i32
        %shift_right_logical3A_480 = vector.broadcast %shift_right_logical3A_479 : i32 to vector<16xi32>
        %shift_right_logical3A_481 = arith.shrui %bitcast_convert_type3A_478, %shift_right_logical3A_480 : vector<16xi32>
        %sub3A_482 = arith.constant 1597463007 : i32
        %sub3A_483 = vector.broadcast %sub3A_482 : i32 to vector<16xi32>
        %sub3A_484 = arith.subi %sub3A_483, %shift_right_logical3A_481 : vector<16xi32>
        %bitcast_convert_type3A_485 = tpu.bitcast %sub3A_484 : vector<16xi32> -> vector<16xf32>
        %mul3A_486 = arith.constant 5.000000e-01 : f32
        %mul3A_487 = vector.broadcast %mul3A_486 : f32 to vector<16xf32>
        %mul3A_488 = arith.mulf %add3A_477, %mul3A_487 : vector<16xf32>
        %mul3A_489 = arith.mulf %mul3A_488, %bitcast_convert_type3A_485 : vector<16xf32>
        %mul3A_490 = arith.mulf %mul3A_489, %bitcast_convert_type3A_485 : vector<16xf32>
        %sub3A_491 = arith.constant 1.500000e+00 : f32
        %sub3A_492 = vector.broadcast %sub3A_491 : f32 to vector<16xf32>
        %sub3A_493 = arith.subf %sub3A_492, %mul3A_490 : vector<16xf32>
        %mul3A_494 = arith.mulf %bitcast_convert_type3A_485, %sub3A_493 : vector<16xf32>
        %mul3A_495 = arith.mulf %add3A_477, %mul3A_494 : vector<16xf32>
        %sub3A_496 = arith.subf %mul3A_466, %mul3A_495 : vector<16xf32>
        %abs3A = math.absf %sub3A_496 : vector<16xf32>
        %add3A_497 = arith.addf %scan3A_421, %abs3A : vector<16xf32>
        %sub3A_498 = arith.subf %gather3A_423, %gather3A_429 : vector<16xf32>
        %sub3A_499 = arith.subf %gather3A_424, %gather3A_430 : vector<16xf32>
        %sub3A_500 = arith.subf %gather3A_425, %gather3A_431 : vector<16xf32>
        %mul3A_501 = arith.mulf %sub3A_498, %sub3A_498 : vector<16xf32>
        %mul3A_502 = arith.mulf %sub3A_499, %sub3A_499 : vector<16xf32>
        %add3A_503 = arith.addf %mul3A_501, %mul3A_502 : vector<16xf32>
        %mul3A_504 = arith.mulf %sub3A_500, %sub3A_500 : vector<16xf32>
        %add3A_505 = arith.addf %add3A_503, %mul3A_504 : vector<16xf32>
        %add3A_506 = arith.constant 9.99999996E-13 : f32
        %add3A_507 = vector.broadcast %add3A_506 : f32 to vector<16xf32>
        %add3A_508 = arith.addf %add3A_505, %add3A_507 : vector<16xf32>
        %bitcast_convert_type3A_509 = tpu.bitcast %add3A_508 : vector<16xf32> -> vector<16xi32>
        %shift_right_logical3A_510 = arith.constant 1 : i32
        %shift_right_logical3A_511 = vector.broadcast %shift_right_logical3A_510 : i32 to vector<16xi32>
        %shift_right_logical3A_512 = arith.shrui %bitcast_convert_type3A_509, %shift_right_logical3A_511 : vector<16xi32>
        %sub3A_513 = arith.constant 1597463007 : i32
        %sub3A_514 = vector.broadcast %sub3A_513 : i32 to vector<16xi32>
        %sub3A_515 = arith.subi %sub3A_514, %shift_right_logical3A_512 : vector<16xi32>
        %bitcast_convert_type3A_516 = tpu.bitcast %sub3A_515 : vector<16xi32> -> vector<16xf32>
        %mul3A_517 = arith.constant 5.000000e-01 : f32
        %mul3A_518 = vector.broadcast %mul3A_517 : f32 to vector<16xf32>
        %mul3A_519 = arith.mulf %add3A_508, %mul3A_518 : vector<16xf32>
        %mul3A_520 = arith.mulf %mul3A_519, %bitcast_convert_type3A_516 : vector<16xf32>
        %mul3A_521 = arith.mulf %mul3A_520, %bitcast_convert_type3A_516 : vector<16xf32>
        %sub3A_522 = arith.constant 1.500000e+00 : f32
        %sub3A_523 = vector.broadcast %sub3A_522 : f32 to vector<16xf32>
        %sub3A_524 = arith.subf %sub3A_523, %mul3A_521 : vector<16xf32>
        %mul3A_525 = arith.mulf %bitcast_convert_type3A_516, %sub3A_524 : vector<16xf32>
        %mul3A_526 = arith.mulf %add3A_508, %mul3A_525 : vector<16xf32>
        %sub3A_527 = arith.subf %gather3A_432, %gather3A_438 : vector<16xf32>
        %sub3A_528 = arith.subf %gather3A_433, %gather3A_439 : vector<16xf32>
        %sub3A_529 = arith.subf %gather3A_434, %gather3A_440 : vector<16xf32>
        %mul3A_530 = arith.mulf %sub3A_527, %sub3A_527 : vector<16xf32>
        %mul3A_531 = arith.mulf %sub3A_528, %sub3A_528 : vector<16xf32>
        %add3A_532 = arith.addf %mul3A_530, %mul3A_531 : vector<16xf32>
        %mul3A_533 = arith.mulf %sub3A_529, %sub3A_529 : vector<16xf32>
        %add3A_534 = arith.addf %add3A_532, %mul3A_533 : vector<16xf32>
        %add3A_535 = arith.constant 9.99999996E-13 : f32
        %add3A_536 = vector.broadcast %add3A_535 : f32 to vector<16xf32>
        %add3A_537 = arith.addf %add3A_534, %add3A_536 : vector<16xf32>
        %bitcast_convert_type3A_538 = tpu.bitcast %add3A_537 : vector<16xf32> -> vector<16xi32>
        %shift_right_logical3A_539 = arith.constant 1 : i32
        %shift_right_logical3A_540 = vector.broadcast %shift_right_logical3A_539 : i32 to vector<16xi32>
        %shift_right_logical3A_541 = arith.shrui %bitcast_convert_type3A_538, %shift_right_logical3A_540 : vector<16xi32>
        %sub3A_542 = arith.constant 1597463007 : i32
        %sub3A_543 = vector.broadcast %sub3A_542 : i32 to vector<16xi32>
        %sub3A_544 = arith.subi %sub3A_543, %shift_right_logical3A_541 : vector<16xi32>
        %bitcast_convert_type3A_545 = tpu.bitcast %sub3A_544 : vector<16xi32> -> vector<16xf32>
        %mul3A_546 = arith.constant 5.000000e-01 : f32
        %mul3A_547 = vector.broadcast %mul3A_546 : f32 to vector<16xf32>
        %mul3A_548 = arith.mulf %add3A_537, %mul3A_547 : vector<16xf32>
        %mul3A_549 = arith.mulf %mul3A_548, %bitcast_convert_type3A_545 : vector<16xf32>
        %mul3A_550 = arith.mulf %mul3A_549, %bitcast_convert_type3A_545 : vector<16xf32>
        %sub3A_551 = arith.constant 1.500000e+00 : f32
        %sub3A_552 = vector.broadcast %sub3A_551 : f32 to vector<16xf32>
        %sub3A_553 = arith.subf %sub3A_552, %mul3A_550 : vector<16xf32>
        %mul3A_554 = arith.mulf %bitcast_convert_type3A_545, %sub3A_553 : vector<16xf32>
        %mul3A_555 = arith.mulf %add3A_537, %mul3A_554 : vector<16xf32>
        %sub3A_556 = arith.subf %mul3A_526, %mul3A_555 : vector<16xf32>
        %abs3A_557 = math.absf %sub3A_556 : vector<16xf32>
        %add3A_558 = arith.addf %add3A_497, %abs3A_557 : vector<16xf32>
        %sub3A_559 = arith.subf %gather3A_426, %gather3A_429 : vector<16xf32>
        %sub3A_560 = arith.subf %gather3A_427, %gather3A_430 : vector<16xf32>
        %sub3A_561 = arith.subf %gather3A_428, %gather3A_431 : vector<16xf32>
        %mul3A_562 = arith.mulf %sub3A_559, %sub3A_559 : vector<16xf32>
        %mul3A_563 = arith.mulf %sub3A_560, %sub3A_560 : vector<16xf32>
        %add3A_564 = arith.addf %mul3A_562, %mul3A_563 : vector<16xf32>
        %mul3A_565 = arith.mulf %sub3A_561, %sub3A_561 : vector<16xf32>
        %add3A_566 = arith.addf %add3A_564, %mul3A_565 : vector<16xf32>
        %add3A_567 = arith.constant 9.99999996E-13 : f32
        %add3A_568 = vector.broadcast %add3A_567 : f32 to vector<16xf32>
        %add3A_569 = arith.addf %add3A_566, %add3A_568 : vector<16xf32>
        %bitcast_convert_type3A_570 = tpu.bitcast %add3A_569 : vector<16xf32> -> vector<16xi32>
        %shift_right_logical3A_571 = arith.constant 1 : i32
        %shift_right_logical3A_572 = vector.broadcast %shift_right_logical3A_571 : i32 to vector<16xi32>
        %shift_right_logical3A_573 = arith.shrui %bitcast_convert_type3A_570, %shift_right_logical3A_572 : vector<16xi32>
        %sub3A_574 = arith.constant 1597463007 : i32
        %sub3A_575 = vector.broadcast %sub3A_574 : i32 to vector<16xi32>
        %sub3A_576 = arith.subi %sub3A_575, %shift_right_logical3A_573 : vector<16xi32>
        %bitcast_convert_type3A_577 = tpu.bitcast %sub3A_576 : vector<16xi32> -> vector<16xf32>
        %mul3A_578 = arith.constant 5.000000e-01 : f32
        %mul3A_579 = vector.broadcast %mul3A_578 : f32 to vector<16xf32>
        %mul3A_580 = arith.mulf %add3A_569, %mul3A_579 : vector<16xf32>
        %mul3A_581 = arith.mulf %mul3A_580, %bitcast_convert_type3A_577 : vector<16xf32>
        %mul3A_582 = arith.mulf %mul3A_581, %bitcast_convert_type3A_577 : vector<16xf32>
        %sub3A_583 = arith.constant 1.500000e+00 : f32
        %sub3A_584 = vector.broadcast %sub3A_583 : f32 to vector<16xf32>
        %sub3A_585 = arith.subf %sub3A_584, %mul3A_582 : vector<16xf32>
        %mul3A_586 = arith.mulf %bitcast_convert_type3A_577, %sub3A_585 : vector<16xf32>
        %mul3A_587 = arith.mulf %add3A_569, %mul3A_586 : vector<16xf32>
        %sub3A_588 = arith.subf %gather3A_435, %gather3A_438 : vector<16xf32>
        %sub3A_589 = arith.subf %gather3A_436, %gather3A_439 : vector<16xf32>
        %sub3A_590 = arith.subf %gather3A_437, %gather3A_440 : vector<16xf32>
        %mul3A_591 = arith.mulf %sub3A_588, %sub3A_588 : vector<16xf32>
        %mul3A_592 = arith.mulf %sub3A_589, %sub3A_589 : vector<16xf32>
        %add3A_593 = arith.addf %mul3A_591, %mul3A_592 : vector<16xf32>
        %mul3A_594 = arith.mulf %sub3A_590, %sub3A_590 : vector<16xf32>
        %add3A_595 = arith.addf %add3A_593, %mul3A_594 : vector<16xf32>
        %add3A_596 = arith.constant 9.99999996E-13 : f32
        %add3A_597 = vector.broadcast %add3A_596 : f32 to vector<16xf32>
        %add3A_598 = arith.addf %add3A_595, %add3A_597 : vector<16xf32>
        %bitcast_convert_type3A_599 = tpu.bitcast %add3A_598 : vector<16xf32> -> vector<16xi32>
        %shift_right_logical3A_600 = arith.constant 1 : i32
        %shift_right_logical3A_601 = vector.broadcast %shift_right_logical3A_600 : i32 to vector<16xi32>
        %shift_right_logical3A_602 = arith.shrui %bitcast_convert_type3A_599, %shift_right_logical3A_601 : vector<16xi32>
        %sub3A_603 = arith.constant 1597463007 : i32
        %sub3A_604 = vector.broadcast %sub3A_603 : i32 to vector<16xi32>
        %sub3A_605 = arith.subi %sub3A_604, %shift_right_logical3A_602 : vector<16xi32>
        %bitcast_convert_type3A_606 = tpu.bitcast %sub3A_605 : vector<16xi32> -> vector<16xf32>
        %mul3A_607 = arith.constant 5.000000e-01 : f32
        %mul3A_608 = vector.broadcast %mul3A_607 : f32 to vector<16xf32>
        %mul3A_609 = arith.mulf %add3A_598, %mul3A_608 : vector<16xf32>
        %mul3A_610 = arith.mulf %mul3A_609, %bitcast_convert_type3A_606 : vector<16xf32>
        %mul3A_611 = arith.mulf %mul3A_610, %bitcast_convert_type3A_606 : vector<16xf32>
        %sub3A_612 = arith.constant 1.500000e+00 : f32
        %sub3A_613 = vector.broadcast %sub3A_612 : f32 to vector<16xf32>
        %sub3A_614 = arith.subf %sub3A_613, %mul3A_611 : vector<16xf32>
        %mul3A_615 = arith.mulf %bitcast_convert_type3A_606, %sub3A_614 : vector<16xf32>
        %mul3A_616 = arith.mulf %add3A_598, %mul3A_615 : vector<16xf32>
        %sub3A_617 = arith.subf %mul3A_587, %mul3A_616 : vector<16xf32>
        %abs3A_618 = math.absf %sub3A_617 : vector<16xf32>
        %add3A_619 = arith.addf %add3A_558, %abs3A_618 : vector<16xf32>
        %gather3A_620 = tpu.vector_load_idx %arg7[%broadcast_in_dim3A_422, %gather3A_33] : memref<16x384xf32, #tpu.memory_space<vmem>>[vector<16xi32>, vector<16xi32>], vector<16xf32>,
        %gather3A_621 = tpu.vector_load_idx %arg8[%broadcast_in_dim3A_422, %gather3A_33] : memref<16x384xf32, #tpu.memory_space<vmem>>[vector<16xi32>, vector<16xi32>], vector<16xf32>,
        %gather3A_622 = tpu.vector_load_idx %arg9[%broadcast_in_dim3A_422, %gather3A_33] : memref<16x384xf32, #tpu.memory_space<vmem>>[vector<16xi32>, vector<16xi32>], vector<16xf32>,
        %gather3A_623 = tpu.vector_load_idx %arg7[%broadcast_in_dim3A_422, %gather3A_40] : memref<16x384xf32, #tpu.memory_space<vmem>>[vector<16xi32>, vector<16xi32>], vector<16xf32>,
        %gather3A_624 = tpu.vector_load_idx %arg8[%broadcast_in_dim3A_422, %gather3A_40] : memref<16x384xf32, #tpu.memory_space<vmem>>[vector<16xi32>, vector<16xi32>], vector<16xf32>,
        %gather3A_625 = tpu.vector_load_idx %arg9[%broadcast_in_dim3A_422, %gather3A_40] : memref<16x384xf32, #tpu.memory_space<vmem>>[vector<16xi32>, vector<16xi32>], vector<16xf32>,
        %gather3A_626 = tpu.vector_load_idx %arg7[%broadcast_in_dim3A_422, %gather3A_47] : memref<16x384xf32, #tpu.memory_space<vmem>>[vector<16xi32>, vector<16xi32>], vector<16xf32>,
        %gather3A_627 = tpu.vector_load_idx %arg8[%broadcast_in_dim3A_422, %gather3A_47] : memref<16x384xf32, #tpu.memory_space<vmem>>[vector<16xi32>, vector<16xi32>], vector<16xf32>,
        %gather3A_628 = tpu.vector_load_idx %arg9[%broadcast_in_dim3A_422, %gather3A_47] : memref<16x384xf32, #tpu.memory_space<vmem>>[vector<16xi32>, vector<16xi32>], vector<16xf32>,
        %gather3A_629 = tpu.vector_load_idx %arg10[%broadcast_in_dim3A_422, %gather3A_33] : memref<16x384xf32, #tpu.memory_space<vmem>>[vector<16xi32>, vector<16xi32>], vector<16xf32>,
        %gather3A_630 = tpu.vector_load_idx %arg11[%broadcast_in_dim3A_422, %gather3A_33] : memref<16x384xf32, #tpu.memory_space<vmem>>[vector<16xi32>, vector<16xi32>], vector<16xf32>,
        %gather3A_631 = tpu.vector_load_idx %arg12[%broadcast_in_dim3A_422, %gather3A_33] : memref<16x384xf32, #tpu.memory_space<vmem>>[vector<16xi32>, vector<16xi32>], vector<16xf32>,
        %gather3A_632 = tpu.vector_load_idx %arg10[%broadcast_in_dim3A_422, %gather3A_40] : memref<16x384xf32, #tpu.memory_space<vmem>>[vector<16xi32>, vector<16xi32>], vector<16xf32>,
        %gather3A_633 = tpu.vector_load_idx %arg11[%broadcast_in_dim3A_422, %gather3A_40] : memref<16x384xf32, #tpu.memory_space<vmem>>[vector<16xi32>, vector<16xi32>], vector<16xf32>,
        %gather3A_634 = tpu.vector_load_idx %arg12[%broadcast_in_dim3A_422, %gather3A_40] : memref<16x384xf32, #tpu.memory_space<vmem>>[vector<16xi32>, vector<16xi32>], vector<16xf32>,
        %gather3A_635 = tpu.vector_load_idx %arg10[%broadcast_in_dim3A_422, %gather3A_47] : memref<16x384xf32, #tpu.memory_space<vmem>>[vector<16xi32>, vector<16xi32>], vector<16xf32>,
        %gather3A_636 = tpu.vector_load_idx %arg11[%broadcast_in_dim3A_422, %gather3A_47] : memref<16x384xf32, #tpu.memory_space<vmem>>[vector<16xi32>, vector<16xi32>], vector<16xf32>,
        %gather3A_637 = tpu.vector_load_idx %arg12[%broadcast_in_dim3A_422, %gather3A_47] : memref<16x384xf32, #tpu.memory_space<vmem>>[vector<16xi32>, vector<16xi32>], vector<16xf32>,
        %sub3A_638 = arith.subf %gather3A_620, %gather3A_623 : vector<16xf32>
        %sub3A_639 = arith.subf %gather3A_621, %gather3A_624 : vector<16xf32>
        %sub3A_640 = arith.subf %gather3A_622, %gather3A_625 : vector<16xf32>
        %mul3A_641 = arith.mulf %sub3A_638, %sub3A_638 : vector<16xf32>
        %mul3A_642 = arith.mulf %sub3A_639, %sub3A_639 : vector<16xf32>
        %add3A_643 = arith.addf %mul3A_641, %mul3A_642 : vector<16xf32>
        %mul3A_644 = arith.mulf %sub3A_640, %sub3A_640 : vector<16xf32>
        %add3A_645 = arith.addf %add3A_643, %mul3A_644 : vector<16xf32>
        %add3A_646 = arith.constant 9.99999996E-13 : f32
        %add3A_647 = vector.broadcast %add3A_646 : f32 to vector<16xf32>
        %add3A_648 = arith.addf %add3A_645, %add3A_647 : vector<16xf32>
        %bitcast_convert_type3A_649 = tpu.bitcast %add3A_648 : vector<16xf32> -> vector<16xi32>
        %shift_right_logical3A_650 = arith.constant 1 : i32
        %shift_right_logical3A_651 = vector.broadcast %shift_right_logical3A_650 : i32 to vector<16xi32>
        %shift_right_logical3A_652 = arith.shrui %bitcast_convert_type3A_649, %shift_right_logical3A_651 : vector<16xi32>
        %sub3A_653 = arith.constant 1597463007 : i32
        %sub3A_654 = vector.broadcast %sub3A_653 : i32 to vector<16xi32>
        %sub3A_655 = arith.subi %sub3A_654, %shift_right_logical3A_652 : vector<16xi32>
        %bitcast_convert_type3A_656 = tpu.bitcast %sub3A_655 : vector<16xi32> -> vector<16xf32>
        %mul3A_657 = arith.constant 5.000000e-01 : f32
        %mul3A_658 = vector.broadcast %mul3A_657 : f32 to vector<16xf32>
        %mul3A_659 = arith.mulf %add3A_648, %mul3A_658 : vector<16xf32>
        %mul3A_660 = arith.mulf %mul3A_659, %bitcast_convert_type3A_656 : vector<16xf32>
        %mul3A_661 = arith.mulf %mul3A_660, %bitcast_convert_type3A_656 : vector<16xf32>
        %sub3A_662 = arith.constant 1.500000e+00 : f32
        %sub3A_663 = vector.broadcast %sub3A_662 : f32 to vector<16xf32>
        %sub3A_664 = arith.subf %sub3A_663, %mul3A_661 : vector<16xf32>
        %mul3A_665 = arith.mulf %bitcast_convert_type3A_656, %sub3A_664 : vector<16xf32>
        %mul3A_666 = arith.mulf %add3A_648, %mul3A_665 : vector<16xf32>
        %sub3A_667 = arith.subf %gather3A_629, %gather3A_632 : vector<16xf32>
        %sub3A_668 = arith.subf %gather3A_630, %gather3A_633 : vector<16xf32>
        %sub3A_669 = arith.subf %gather3A_631, %gather3A_634 : vector<16xf32>
        %mul3A_670 = arith.mulf %sub3A_667, %sub3A_667 : vector<16xf32>
        %mul3A_671 = arith.mulf %sub3A_668, %sub3A_668 : vector<16xf32>
        %add3A_672 = arith.addf %mul3A_670, %mul3A_671 : vector<16xf32>
        %mul3A_673 = arith.mulf %sub3A_669, %sub3A_669 : vector<16xf32>
        %add3A_674 = arith.addf %add3A_672, %mul3A_673 : vector<16xf32>
        %add3A_675 = arith.constant 9.99999996E-13 : f32
        %add3A_676 = vector.broadcast %add3A_675 : f32 to vector<16xf32>
        %add3A_677 = arith.addf %add3A_674, %add3A_676 : vector<16xf32>
        %bitcast_convert_type3A_678 = tpu.bitcast %add3A_677 : vector<16xf32> -> vector<16xi32>
        %shift_right_logical3A_679 = arith.constant 1 : i32
        %shift_right_logical3A_680 = vector.broadcast %shift_right_logical3A_679 : i32 to vector<16xi32>
        %shift_right_logical3A_681 = arith.shrui %bitcast_convert_type3A_678, %shift_right_logical3A_680 : vector<16xi32>
        %sub3A_682 = arith.constant 1597463007 : i32
        %sub3A_683 = vector.broadcast %sub3A_682 : i32 to vector<16xi32>
        %sub3A_684 = arith.subi %sub3A_683, %shift_right_logical3A_681 : vector<16xi32>
        %bitcast_convert_type3A_685 = tpu.bitcast %sub3A_684 : vector<16xi32> -> vector<16xf32>
        %mul3A_686 = arith.constant 5.000000e-01 : f32
        %mul3A_687 = vector.broadcast %mul3A_686 : f32 to vector<16xf32>
        %mul3A_688 = arith.mulf %add3A_677, %mul3A_687 : vector<16xf32>
        %mul3A_689 = arith.mulf %mul3A_688, %bitcast_convert_type3A_685 : vector<16xf32>
        %mul3A_690 = arith.mulf %mul3A_689, %bitcast_convert_type3A_685 : vector<16xf32>
        %sub3A_691 = arith.constant 1.500000e+00 : f32
        %sub3A_692 = vector.broadcast %sub3A_691 : f32 to vector<16xf32>
        %sub3A_693 = arith.subf %sub3A_692, %mul3A_690 : vector<16xf32>
        %mul3A_694 = arith.mulf %bitcast_convert_type3A_685, %sub3A_693 : vector<16xf32>
        %mul3A_695 = arith.mulf %add3A_677, %mul3A_694 : vector<16xf32>
        %sub3A_696 = arith.subf %mul3A_666, %mul3A_695 : vector<16xf32>
        %abs3A_697 = math.absf %sub3A_696 : vector<16xf32>
        %add3A_698 = arith.addf %add3A_619, %abs3A_697 : vector<16xf32>
        %sub3A_699 = arith.subf %gather3A_620, %gather3A_626 : vector<16xf32>
        %sub3A_700 = arith.subf %gather3A_621, %gather3A_627 : vector<16xf32>
        %sub3A_701 = arith.subf %gather3A_622, %gather3A_628 : vector<16xf32>
        %mul3A_702 = arith.mulf %sub3A_699, %sub3A_699 : vector<16xf32>
        %mul3A_703 = arith.mulf %sub3A_700, %sub3A_700 : vector<16xf32>
        %add3A_704 = arith.addf %mul3A_702, %mul3A_703 : vector<16xf32>
        %mul3A_705 = arith.mulf %sub3A_701, %sub3A_701 : vector<16xf32>
        %add3A_706 = arith.addf %add3A_704, %mul3A_705 : vector<16xf32>
        %add3A_707 = arith.constant 9.99999996E-13 : f32
        %add3A_708 = vector.broadcast %add3A_707 : f32 to vector<16xf32>
        %add3A_709 = arith.addf %add3A_706, %add3A_708 : vector<16xf32>
        %bitcast_convert_type3A_710 = tpu.bitcast %add3A_709 : vector<16xf32> -> vector<16xi32>
        %shift_right_logical3A_711 = arith.constant 1 : i32
        %shift_right_logical3A_712 = vector.broadcast %shift_right_logical3A_711 : i32 to vector<16xi32>
        %shift_right_logical3A_713 = arith.shrui %bitcast_convert_type3A_710, %shift_right_logical3A_712 : vector<16xi32>
        %sub3A_714 = arith.constant 1597463007 : i32
        %sub3A_715 = vector.broadcast %sub3A_714 : i32 to vector<16xi32>
        %sub3A_716 = arith.subi %sub3A_715, %shift_right_logical3A_713 : vector<16xi32>
        %bitcast_convert_type3A_717 = tpu.bitcast %sub3A_716 : vector<16xi32> -> vector<16xf32>
        %mul3A_718 = arith.constant 5.000000e-01 : f32
        %mul3A_719 = vector.broadcast %mul3A_718 : f32 to vector<16xf32>
        %mul3A_720 = arith.mulf %add3A_709, %mul3A_719 : vector<16xf32>
        %mul3A_721 = arith.mulf %mul3A_720, %bitcast_convert_type3A_717 : vector<16xf32>
        %mul3A_722 = arith.mulf %mul3A_721, %bitcast_convert_type3A_717 : vector<16xf32>
        %sub3A_723 = arith.constant 1.500000e+00 : f32
        %sub3A_724 = vector.broadcast %sub3A_723 : f32 to vector<16xf32>
        %sub3A_725 = arith.subf %sub3A_724, %mul3A_722 : vector<16xf32>
        %mul3A_726 = arith.mulf %bitcast_convert_type3A_717, %sub3A_725 : vector<16xf32>
        %mul3A_727 = arith.mulf %add3A_709, %mul3A_726 : vector<16xf32>
        %sub3A_728 = arith.subf %gather3A_629, %gather3A_635 : vector<16xf32>
        %sub3A_729 = arith.subf %gather3A_630, %gather3A_636 : vector<16xf32>
        %sub3A_730 = arith.subf %gather3A_631, %gather3A_637 : vector<16xf32>
        %mul3A_731 = arith.mulf %sub3A_728, %sub3A_728 : vector<16xf32>
        %mul3A_732 = arith.mulf %sub3A_729, %sub3A_729 : vector<16xf32>
        %add3A_733 = arith.addf %mul3A_731, %mul3A_732 : vector<16xf32>
        %mul3A_734 = arith.mulf %sub3A_730, %sub3A_730 : vector<16xf32>
        %add3A_735 = arith.addf %add3A_733, %mul3A_734 : vector<16xf32>
        %add3A_736 = arith.constant 9.99999996E-13 : f32
        %add3A_737 = vector.broadcast %add3A_736 : f32 to vector<16xf32>
        %add3A_738 = arith.addf %add3A_735, %add3A_737 : vector<16xf32>
        %bitcast_convert_type3A_739 = tpu.bitcast %add3A_738 : vector<16xf32> -> vector<16xi32>
        %shift_right_logical3A_740 = arith.constant 1 : i32
        %shift_right_logical3A_741 = vector.broadcast %shift_right_logical3A_740 : i32 to vector<16xi32>
        %shift_right_logical3A_742 = arith.shrui %bitcast_convert_type3A_739, %shift_right_logical3A_741 : vector<16xi32>
        %sub3A_743 = arith.constant 1597463007 : i32
        %sub3A_744 = vector.broadcast %sub3A_743 : i32 to vector<16xi32>
        %sub3A_745 = arith.subi %sub3A_744, %shift_right_logical3A_742 : vector<16xi32>
        %bitcast_convert_type3A_746 = tpu.bitcast %sub3A_745 : vector<16xi32> -> vector<16xf32>
        %mul3A_747 = arith.constant 5.000000e-01 : f32
        %mul3A_748 = vector.broadcast %mul3A_747 : f32 to vector<16xf32>
        %mul3A_749 = arith.mulf %add3A_738, %mul3A_748 : vector<16xf32>
        %mul3A_750 = arith.mulf %mul3A_749, %bitcast_convert_type3A_746 : vector<16xf32>
        %mul3A_751 = arith.mulf %mul3A_750, %bitcast_convert_type3A_746 : vector<16xf32>
        %sub3A_752 = arith.constant 1.500000e+00 : f32
        %sub3A_753 = vector.broadcast %sub3A_752 : f32 to vector<16xf32>
        %sub3A_754 = arith.subf %sub3A_753, %mul3A_751 : vector<16xf32>
        %mul3A_755 = arith.mulf %bitcast_convert_type3A_746, %sub3A_754 : vector<16xf32>
        %mul3A_756 = arith.mulf %add3A_738, %mul3A_755 : vector<16xf32>
        %sub3A_757 = arith.subf %mul3A_727, %mul3A_756 : vector<16xf32>
        %abs3A_758 = math.absf %sub3A_757 : vector<16xf32>
        %add3A_759 = arith.addf %add3A_698, %abs3A_758 : vector<16xf32>
        %sub3A_760 = arith.subf %gather3A_623, %gather3A_626 : vector<16xf32>
        %sub3A_761 = arith.subf %gather3A_624, %gather3A_627 : vector<16xf32>
        %sub3A_762 = arith.subf %gather3A_625, %gather3A_628 : vector<16xf32>
        %mul3A_763 = arith.mulf %sub3A_760, %sub3A_760 : vector<16xf32>
        %mul3A_764 = arith.mulf %sub3A_761, %sub3A_761 : vector<16xf32>
        %add3A_765 = arith.addf %mul3A_763, %mul3A_764 : vector<16xf32>
        %mul3A_766 = arith.mulf %sub3A_762, %sub3A_762 : vector<16xf32>
        %add3A_767 = arith.addf %add3A_765, %mul3A_766 : vector<16xf32>
        %add3A_768 = arith.constant 9.99999996E-13 : f32
        %add3A_769 = vector.broadcast %add3A_768 : f32 to vector<16xf32>
        %add3A_770 = arith.addf %add3A_767, %add3A_769 : vector<16xf32>
        %bitcast_convert_type3A_771 = tpu.bitcast %add3A_770 : vector<16xf32> -> vector<16xi32>
        %shift_right_logical3A_772 = arith.constant 1 : i32
        %shift_right_logical3A_773 = vector.broadcast %shift_right_logical3A_772 : i32 to vector<16xi32>
        %shift_right_logical3A_774 = arith.shrui %bitcast_convert_type3A_771, %shift_right_logical3A_773 : vector<16xi32>
        %sub3A_775 = arith.constant 1597463007 : i32
        %sub3A_776 = vector.broadcast %sub3A_775 : i32 to vector<16xi32>
        %sub3A_777 = arith.subi %sub3A_776, %shift_right_logical3A_774 : vector<16xi32>
        %bitcast_convert_type3A_778 = tpu.bitcast %sub3A_777 : vector<16xi32> -> vector<16xf32>
        %mul3A_779 = arith.constant 5.000000e-01 : f32
        %mul3A_780 = vector.broadcast %mul3A_779 : f32 to vector<16xf32>
        %mul3A_781 = arith.mulf %add3A_770, %mul3A_780 : vector<16xf32>
        %mul3A_782 = arith.mulf %mul3A_781, %bitcast_convert_type3A_778 : vector<16xf32>
        %mul3A_783 = arith.mulf %mul3A_782, %bitcast_convert_type3A_778 : vector<16xf32>
        %sub3A_784 = arith.constant 1.500000e+00 : f32
        %sub3A_785 = vector.broadcast %sub3A_784 : f32 to vector<16xf32>
        %sub3A_786 = arith.subf %sub3A_785, %mul3A_783 : vector<16xf32>
        %mul3A_787 = arith.mulf %bitcast_convert_type3A_778, %sub3A_786 : vector<16xf32>
        %mul3A_788 = arith.mulf %add3A_770, %mul3A_787 : vector<16xf32>
        %sub3A_789 = arith.subf %gather3A_632, %gather3A_635 : vector<16xf32>
        %sub3A_790 = arith.subf %gather3A_633, %gather3A_636 : vector<16xf32>
        %sub3A_791 = arith.subf %gather3A_634, %gather3A_637 : vector<16xf32>
        %mul3A_792 = arith.mulf %sub3A_789, %sub3A_789 : vector<16xf32>
        %mul3A_793 = arith.mulf %sub3A_790, %sub3A_790 : vector<16xf32>
        %add3A_794 = arith.addf %mul3A_792, %mul3A_793 : vector<16xf32>
        %mul3A_795 = arith.mulf %sub3A_791, %sub3A_791 : vector<16xf32>
        %add3A_796 = arith.addf %add3A_794, %mul3A_795 : vector<16xf32>
        %add3A_797 = arith.constant 9.99999996E-13 : f32
        %add3A_798 = vector.broadcast %add3A_797 : f32 to vector<16xf32>
        %add3A_799 = arith.addf %add3A_796, %add3A_798 : vector<16xf32>
        %bitcast_convert_type3A_800 = tpu.bitcast %add3A_799 : vector<16xf32> -> vector<16xi32>
        %shift_right_logical3A_801 = arith.constant 1 : i32
        %shift_right_logical3A_802 = vector.broadcast %shift_right_logical3A_801 : i32 to vector<16xi32>
        %shift_right_logical3A_803 = arith.shrui %bitcast_convert_type3A_800, %shift_right_logical3A_802 : vector<16xi32>
        %sub3A_804 = arith.constant 1597463007 : i32
        %sub3A_805 = vector.broadcast %sub3A_804 : i32 to vector<16xi32>
        %sub3A_806 = arith.subi %sub3A_805, %shift_right_logical3A_803 : vector<16xi32>
        %bitcast_convert_type3A_807 = tpu.bitcast %sub3A_806 : vector<16xi32> -> vector<16xf32>
        %mul3A_808 = arith.constant 5.000000e-01 : f32
        %mul3A_809 = vector.broadcast %mul3A_808 : f32 to vector<16xf32>
        %mul3A_810 = arith.mulf %add3A_799, %mul3A_809 : vector<16xf32>
        %mul3A_811 = arith.mulf %mul3A_810, %bitcast_convert_type3A_807 : vector<16xf32>
        %mul3A_812 = arith.mulf %mul3A_811, %bitcast_convert_type3A_807 : vector<16xf32>
        %sub3A_813 = arith.constant 1.500000e+00 : f32
        %sub3A_814 = vector.broadcast %sub3A_813 : f32 to vector<16xf32>
        %sub3A_815 = arith.subf %sub3A_814, %mul3A_812 : vector<16xf32>
        %mul3A_816 = arith.mulf %bitcast_convert_type3A_807, %sub3A_815 : vector<16xf32>
        %mul3A_817 = arith.mulf %add3A_799, %mul3A_816 : vector<16xf32>
        %sub3A_818 = arith.subf %mul3A_788, %mul3A_817 : vector<16xf32>
        %abs3A_819 = math.absf %sub3A_818 : vector<16xf32>
        %add3A_820 = arith.addf %add3A_759, %abs3A_819 : vector<16xf32>
        %gather3A_821 = tpu.vector_load_idx %arg7[%broadcast_in_dim3A_422, %gather3A_57] : memref<16x384xf32, #tpu.memory_space<vmem>>[vector<16xi32>, vector<16xi32>], vector<16xf32>,
        %gather3A_822 = tpu.vector_load_idx %arg8[%broadcast_in_dim3A_422, %gather3A_57] : memref<16x384xf32, #tpu.memory_space<vmem>>[vector<16xi32>, vector<16xi32>], vector<16xf32>,
        %gather3A_823 = tpu.vector_load_idx %arg9[%broadcast_in_dim3A_422, %gather3A_57] : memref<16x384xf32, #tpu.memory_space<vmem>>[vector<16xi32>, vector<16xi32>], vector<16xf32>,
        %gather3A_824 = tpu.vector_load_idx %arg7[%broadcast_in_dim3A_422, %gather3A_64] : memref<16x384xf32, #tpu.memory_space<vmem>>[vector<16xi32>, vector<16xi32>], vector<16xf32>,
        %gather3A_825 = tpu.vector_load_idx %arg8[%broadcast_in_dim3A_422, %gather3A_64] : memref<16x384xf32, #tpu.memory_space<vmem>>[vector<16xi32>, vector<16xi32>], vector<16xf32>,
        %gather3A_826 = tpu.vector_load_idx %arg9[%broadcast_in_dim3A_422, %gather3A_64] : memref<16x384xf32, #tpu.memory_space<vmem>>[vector<16xi32>, vector<16xi32>], vector<16xf32>,
        %gather3A_827 = tpu.vector_load_idx %arg7[%broadcast_in_dim3A_422, %gather3A_71] : memref<16x384xf32, #tpu.memory_space<vmem>>[vector<16xi32>, vector<16xi32>], vector<16xf32>,
        %gather3A_828 = tpu.vector_load_idx %arg8[%broadcast_in_dim3A_422, %gather3A_71] : memref<16x384xf32, #tpu.memory_space<vmem>>[vector<16xi32>, vector<16xi32>], vector<16xf32>,
        %gather3A_829 = tpu.vector_load_idx %arg9[%broadcast_in_dim3A_422, %gather3A_71] : memref<16x384xf32, #tpu.memory_space<vmem>>[vector<16xi32>, vector<16xi32>], vector<16xf32>,
        %gather3A_830 = tpu.vector_load_idx %arg10[%broadcast_in_dim3A_422, %gather3A_57] : memref<16x384xf32, #tpu.memory_space<vmem>>[vector<16xi32>, vector<16xi32>], vector<16xf32>,
        %gather3A_831 = tpu.vector_load_idx %arg11[%broadcast_in_dim3A_422, %gather3A_57] : memref<16x384xf32, #tpu.memory_space<vmem>>[vector<16xi32>, vector<16xi32>], vector<16xf32>,
        %gather3A_832 = tpu.vector_load_idx %arg12[%broadcast_in_dim3A_422, %gather3A_57] : memref<16x384xf32, #tpu.memory_space<vmem>>[vector<16xi32>, vector<16xi32>], vector<16xf32>,
        %gather3A_833 = tpu.vector_load_idx %arg10[%broadcast_in_dim3A_422, %gather3A_64] : memref<16x384xf32, #tpu.memory_space<vmem>>[vector<16xi32>, vector<16xi32>], vector<16xf32>,
        %gather3A_834 = tpu.vector_load_idx %arg11[%broadcast_in_dim3A_422, %gather3A_64] : memref<16x384xf32, #tpu.memory_space<vmem>>[vector<16xi32>, vector<16xi32>], vector<16xf32>,
        %gather3A_835 = tpu.vector_load_idx %arg12[%broadcast_in_dim3A_422, %gather3A_64] : memref<16x384xf32, #tpu.memory_space<vmem>>[vector<16xi32>, vector<16xi32>], vector<16xf32>,
        %gather3A_836 = tpu.vector_load_idx %arg10[%broadcast_in_dim3A_422, %gather3A_71] : memref<16x384xf32, #tpu.memory_space<vmem>>[vector<16xi32>, vector<16xi32>], vector<16xf32>,
        %gather3A_837 = tpu.vector_load_idx %arg11[%broadcast_in_dim3A_422, %gather3A_71] : memref<16x384xf32, #tpu.memory_space<vmem>>[vector<16xi32>, vector<16xi32>], vector<16xf32>,
        %gather3A_838 = tpu.vector_load_idx %arg12[%broadcast_in_dim3A_422, %gather3A_71] : memref<16x384xf32, #tpu.memory_space<vmem>>[vector<16xi32>, vector<16xi32>], vector<16xf32>,
        %sub3A_839 = arith.subf %gather3A_821, %gather3A_824 : vector<16xf32>
        %sub3A_840 = arith.subf %gather3A_822, %gather3A_825 : vector<16xf32>
        %sub3A_841 = arith.subf %gather3A_823, %gather3A_826 : vector<16xf32>
        %mul3A_842 = arith.mulf %sub3A_839, %sub3A_839 : vector<16xf32>
        %mul3A_843 = arith.mulf %sub3A_840, %sub3A_840 : vector<16xf32>
        %add3A_844 = arith.addf %mul3A_842, %mul3A_843 : vector<16xf32>
        %mul3A_845 = arith.mulf %sub3A_841, %sub3A_841 : vector<16xf32>
        %add3A_846 = arith.addf %add3A_844, %mul3A_845 : vector<16xf32>
        %add3A_847 = arith.constant 9.99999996E-13 : f32
        %add3A_848 = vector.broadcast %add3A_847 : f32 to vector<16xf32>
        %add3A_849 = arith.addf %add3A_846, %add3A_848 : vector<16xf32>
        %bitcast_convert_type3A_850 = tpu.bitcast %add3A_849 : vector<16xf32> -> vector<16xi32>
        %shift_right_logical3A_851 = arith.constant 1 : i32
        %shift_right_logical3A_852 = vector.broadcast %shift_right_logical3A_851 : i32 to vector<16xi32>
        %shift_right_logical3A_853 = arith.shrui %bitcast_convert_type3A_850, %shift_right_logical3A_852 : vector<16xi32>
        %sub3A_854 = arith.constant 1597463007 : i32
        %sub3A_855 = vector.broadcast %sub3A_854 : i32 to vector<16xi32>
        %sub3A_856 = arith.subi %sub3A_855, %shift_right_logical3A_853 : vector<16xi32>
        %bitcast_convert_type3A_857 = tpu.bitcast %sub3A_856 : vector<16xi32> -> vector<16xf32>
        %mul3A_858 = arith.constant 5.000000e-01 : f32
        %mul3A_859 = vector.broadcast %mul3A_858 : f32 to vector<16xf32>
        %mul3A_860 = arith.mulf %add3A_849, %mul3A_859 : vector<16xf32>
        %mul3A_861 = arith.mulf %mul3A_860, %bitcast_convert_type3A_857 : vector<16xf32>
        %mul3A_862 = arith.mulf %mul3A_861, %bitcast_convert_type3A_857 : vector<16xf32>
        %sub3A_863 = arith.constant 1.500000e+00 : f32
        %sub3A_864 = vector.broadcast %sub3A_863 : f32 to vector<16xf32>
        %sub3A_865 = arith.subf %sub3A_864, %mul3A_862 : vector<16xf32>
        %mul3A_866 = arith.mulf %bitcast_convert_type3A_857, %sub3A_865 : vector<16xf32>
        %mul3A_867 = arith.mulf %add3A_849, %mul3A_866 : vector<16xf32>
        %sub3A_868 = arith.subf %gather3A_830, %gather3A_833 : vector<16xf32>
        %sub3A_869 = arith.subf %gather3A_831, %gather3A_834 : vector<16xf32>
        %sub3A_870 = arith.subf %gather3A_832, %gather3A_835 : vector<16xf32>
        %mul3A_871 = arith.mulf %sub3A_868, %sub3A_868 : vector<16xf32>
        %mul3A_872 = arith.mulf %sub3A_869, %sub3A_869 : vector<16xf32>
        %add3A_873 = arith.addf %mul3A_871, %mul3A_872 : vector<16xf32>
        %mul3A_874 = arith.mulf %sub3A_870, %sub3A_870 : vector<16xf32>
        %add3A_875 = arith.addf %add3A_873, %mul3A_874 : vector<16xf32>
        %add3A_876 = arith.constant 9.99999996E-13 : f32
        %add3A_877 = vector.broadcast %add3A_876 : f32 to vector<16xf32>
        %add3A_878 = arith.addf %add3A_875, %add3A_877 : vector<16xf32>
        %bitcast_convert_type3A_879 = tpu.bitcast %add3A_878 : vector<16xf32> -> vector<16xi32>
        %shift_right_logical3A_880 = arith.constant 1 : i32
        %shift_right_logical3A_881 = vector.broadcast %shift_right_logical3A_880 : i32 to vector<16xi32>
        %shift_right_logical3A_882 = arith.shrui %bitcast_convert_type3A_879, %shift_right_logical3A_881 : vector<16xi32>
        %sub3A_883 = arith.constant 1597463007 : i32
        %sub3A_884 = vector.broadcast %sub3A_883 : i32 to vector<16xi32>
        %sub3A_885 = arith.subi %sub3A_884, %shift_right_logical3A_882 : vector<16xi32>
        %bitcast_convert_type3A_886 = tpu.bitcast %sub3A_885 : vector<16xi32> -> vector<16xf32>
        %mul3A_887 = arith.constant 5.000000e-01 : f32
        %mul3A_888 = vector.broadcast %mul3A_887 : f32 to vector<16xf32>
        %mul3A_889 = arith.mulf %add3A_878, %mul3A_888 : vector<16xf32>
        %mul3A_890 = arith.mulf %mul3A_889, %bitcast_convert_type3A_886 : vector<16xf32>
        %mul3A_891 = arith.mulf %mul3A_890, %bitcast_convert_type3A_886 : vector<16xf32>
        %sub3A_892 = arith.constant 1.500000e+00 : f32
        %sub3A_893 = vector.broadcast %sub3A_892 : f32 to vector<16xf32>
        %sub3A_894 = arith.subf %sub3A_893, %mul3A_891 : vector<16xf32>
        %mul3A_895 = arith.mulf %bitcast_convert_type3A_886, %sub3A_894 : vector<16xf32>
        %mul3A_896 = arith.mulf %add3A_878, %mul3A_895 : vector<16xf32>
        %sub3A_897 = arith.subf %mul3A_867, %mul3A_896 : vector<16xf32>
        %abs3A_898 = math.absf %sub3A_897 : vector<16xf32>
        %add3A_899 = arith.addf %add3A_820, %abs3A_898 : vector<16xf32>
        %sub3A_900 = arith.subf %gather3A_821, %gather3A_827 : vector<16xf32>
        %sub3A_901 = arith.subf %gather3A_822, %gather3A_828 : vector<16xf32>
        %sub3A_902 = arith.subf %gather3A_823, %gather3A_829 : vector<16xf32>
        %mul3A_903 = arith.mulf %sub3A_900, %sub3A_900 : vector<16xf32>
        %mul3A_904 = arith.mulf %sub3A_901, %sub3A_901 : vector<16xf32>
        %add3A_905 = arith.addf %mul3A_903, %mul3A_904 : vector<16xf32>
        %mul3A_906 = arith.mulf %sub3A_902, %sub3A_902 : vector<16xf32>
        %add3A_907 = arith.addf %add3A_905, %mul3A_906 : vector<16xf32>
        %add3A_908 = arith.constant 9.99999996E-13 : f32
        %add3A_909 = vector.broadcast %add3A_908 : f32 to vector<16xf32>
        %add3A_910 = arith.addf %add3A_907, %add3A_909 : vector<16xf32>
        %bitcast_convert_type3A_911 = tpu.bitcast %add3A_910 : vector<16xf32> -> vector<16xi32>
        %shift_right_logical3A_912 = arith.constant 1 : i32
        %shift_right_logical3A_913 = vector.broadcast %shift_right_logical3A_912 : i32 to vector<16xi32>
        %shift_right_logical3A_914 = arith.shrui %bitcast_convert_type3A_911, %shift_right_logical3A_913 : vector<16xi32>
        %sub3A_915 = arith.constant 1597463007 : i32
        %sub3A_916 = vector.broadcast %sub3A_915 : i32 to vector<16xi32>
        %sub3A_917 = arith.subi %sub3A_916, %shift_right_logical3A_914 : vector<16xi32>
        %bitcast_convert_type3A_918 = tpu.bitcast %sub3A_917 : vector<16xi32> -> vector<16xf32>
        %mul3A_919 = arith.constant 5.000000e-01 : f32
        %mul3A_920 = vector.broadcast %mul3A_919 : f32 to vector<16xf32>
        %mul3A_921 = arith.mulf %add3A_910, %mul3A_920 : vector<16xf32>
        %mul3A_922 = arith.mulf %mul3A_921, %bitcast_convert_type3A_918 : vector<16xf32>
        %mul3A_923 = arith.mulf %mul3A_922, %bitcast_convert_type3A_918 : vector<16xf32>
        %sub3A_924 = arith.constant 1.500000e+00 : f32
        %sub3A_925 = vector.broadcast %sub3A_924 : f32 to vector<16xf32>
        %sub3A_926 = arith.subf %sub3A_925, %mul3A_923 : vector<16xf32>
        %mul3A_927 = arith.mulf %bitcast_convert_type3A_918, %sub3A_926 : vector<16xf32>
        %mul3A_928 = arith.mulf %add3A_910, %mul3A_927 : vector<16xf32>
        %sub3A_929 = arith.subf %gather3A_830, %gather3A_836 : vector<16xf32>
        %sub3A_930 = arith.subf %gather3A_831, %gather3A_837 : vector<16xf32>
        %sub3A_931 = arith.subf %gather3A_832, %gather3A_838 : vector<16xf32>
        %mul3A_932 = arith.mulf %sub3A_929, %sub3A_929 : vector<16xf32>
        %mul3A_933 = arith.mulf %sub3A_930, %sub3A_930 : vector<16xf32>
        %add3A_934 = arith.addf %mul3A_932, %mul3A_933 : vector<16xf32>
        %mul3A_935 = arith.mulf %sub3A_931, %sub3A_931 : vector<16xf32>
        %add3A_936 = arith.addf %add3A_934, %mul3A_935 : vector<16xf32>
        %add3A_937 = arith.constant 9.99999996E-13 : f32
        %add3A_938 = vector.broadcast %add3A_937 : f32 to vector<16xf32>
        %add3A_939 = arith.addf %add3A_936, %add3A_938 : vector<16xf32>
        %bitcast_convert_type3A_940 = tpu.bitcast %add3A_939 : vector<16xf32> -> vector<16xi32>
        %shift_right_logical3A_941 = arith.constant 1 : i32
        %shift_right_logical3A_942 = vector.broadcast %shift_right_logical3A_941 : i32 to vector<16xi32>
        %shift_right_logical3A_943 = arith.shrui %bitcast_convert_type3A_940, %shift_right_logical3A_942 : vector<16xi32>
        %sub3A_944 = arith.constant 1597463007 : i32
        %sub3A_945 = vector.broadcast %sub3A_944 : i32 to vector<16xi32>
        %sub3A_946 = arith.subi %sub3A_945, %shift_right_logical3A_943 : vector<16xi32>
        %bitcast_convert_type3A_947 = tpu.bitcast %sub3A_946 : vector<16xi32> -> vector<16xf32>
        %mul3A_948 = arith.constant 5.000000e-01 : f32
        %mul3A_949 = vector.broadcast %mul3A_948 : f32 to vector<16xf32>
        %mul3A_950 = arith.mulf %add3A_939, %mul3A_949 : vector<16xf32>
        %mul3A_951 = arith.mulf %mul3A_950, %bitcast_convert_type3A_947 : vector<16xf32>
        %mul3A_952 = arith.mulf %mul3A_951, %bitcast_convert_type3A_947 : vector<16xf32>
        %sub3A_953 = arith.constant 1.500000e+00 : f32
        %sub3A_954 = vector.broadcast %sub3A_953 : f32 to vector<16xf32>
        %sub3A_955 = arith.subf %sub3A_954, %mul3A_952 : vector<16xf32>
        %mul3A_956 = arith.mulf %bitcast_convert_type3A_947, %sub3A_955 : vector<16xf32>
        %mul3A_957 = arith.mulf %add3A_939, %mul3A_956 : vector<16xf32>
        %sub3A_958 = arith.subf %mul3A_928, %mul3A_957 : vector<16xf32>
        %abs3A_959 = math.absf %sub3A_958 : vector<16xf32>
        %add3A_960 = arith.addf %add3A_899, %abs3A_959 : vector<16xf32>
        %sub3A_961 = arith.subf %gather3A_824, %gather3A_827 : vector<16xf32>
        %sub3A_962 = arith.subf %gather3A_825, %gather3A_828 : vector<16xf32>
        %sub3A_963 = arith.subf %gather3A_826, %gather3A_829 : vector<16xf32>
        %mul3A_964 = arith.mulf %sub3A_961, %sub3A_961 : vector<16xf32>
        %mul3A_965 = arith.mulf %sub3A_962, %sub3A_962 : vector<16xf32>
        %add3A_966 = arith.addf %mul3A_964, %mul3A_965 : vector<16xf32>
        %mul3A_967 = arith.mulf %sub3A_963, %sub3A_963 : vector<16xf32>
        %add3A_968 = arith.addf %add3A_966, %mul3A_967 : vector<16xf32>
        %add3A_969 = arith.constant 9.99999996E-13 : f32
        %add3A_970 = vector.broadcast %add3A_969 : f32 to vector<16xf32>
        %add3A_971 = arith.addf %add3A_968, %add3A_970 : vector<16xf32>
        %bitcast_convert_type3A_972 = tpu.bitcast %add3A_971 : vector<16xf32> -> vector<16xi32>
        %shift_right_logical3A_973 = arith.constant 1 : i32
        %shift_right_logical3A_974 = vector.broadcast %shift_right_logical3A_973 : i32 to vector<16xi32>
        %shift_right_logical3A_975 = arith.shrui %bitcast_convert_type3A_972, %shift_right_logical3A_974 : vector<16xi32>
        %sub3A_976 = arith.constant 1597463007 : i32
        %sub3A_977 = vector.broadcast %sub3A_976 : i32 to vector<16xi32>
        %sub3A_978 = arith.subi %sub3A_977, %shift_right_logical3A_975 : vector<16xi32>
        %bitcast_convert_type3A_979 = tpu.bitcast %sub3A_978 : vector<16xi32> -> vector<16xf32>
        %mul3A_980 = arith.constant 5.000000e-01 : f32
        %mul3A_981 = vector.broadcast %mul3A_980 : f32 to vector<16xf32>
        %mul3A_982 = arith.mulf %add3A_971, %mul3A_981 : vector<16xf32>
        %mul3A_983 = arith.mulf %mul3A_982, %bitcast_convert_type3A_979 : vector<16xf32>
        %mul3A_984 = arith.mulf %mul3A_983, %bitcast_convert_type3A_979 : vector<16xf32>
        %sub3A_985 = arith.constant 1.500000e+00 : f32
        %sub3A_986 = vector.broadcast %sub3A_985 : f32 to vector<16xf32>
        %sub3A_987 = arith.subf %sub3A_986, %mul3A_984 : vector<16xf32>
        %mul3A_988 = arith.mulf %bitcast_convert_type3A_979, %sub3A_987 : vector<16xf32>
        %mul3A_989 = arith.mulf %add3A_971, %mul3A_988 : vector<16xf32>
        %sub3A_990 = arith.subf %gather3A_833, %gather3A_836 : vector<16xf32>
        %sub3A_991 = arith.subf %gather3A_834, %gather3A_837 : vector<16xf32>
        %sub3A_992 = arith.subf %gather3A_835, %gather3A_838 : vector<16xf32>
        %mul3A_993 = arith.mulf %sub3A_990, %sub3A_990 : vector<16xf32>
        %mul3A_994 = arith.mulf %sub3A_991, %sub3A_991 : vector<16xf32>
        %add3A_995 = arith.addf %mul3A_993, %mul3A_994 : vector<16xf32>
        %mul3A_996 = arith.mulf %sub3A_992, %sub3A_992 : vector<16xf32>
        %add3A_997 = arith.addf %add3A_995, %mul3A_996 : vector<16xf32>
        %add3A_998 = arith.constant 9.99999996E-13 : f32
        %add3A_999 = vector.broadcast %add3A_998 : f32 to vector<16xf32>
        %add3A_1000 = arith.addf %add3A_997, %add3A_999 : vector<16xf32>
        %bitcast_convert_type3A_1001 = tpu.bitcast %add3A_1000 : vector<16xf32> -> vector<16xi32>
        %shift_right_logical3A_1002 = arith.constant 1 : i32
        %shift_right_logical3A_1003 = vector.broadcast %shift_right_logical3A_1002 : i32 to vector<16xi32>
        %shift_right_logical3A_1004 = arith.shrui %bitcast_convert_type3A_1001, %shift_right_logical3A_1003 : vector<16xi32>
        %sub3A_1005 = arith.constant 1597463007 : i32
        %sub3A_1006 = vector.broadcast %sub3A_1005 : i32 to vector<16xi32>
        %sub3A_1007 = arith.subi %sub3A_1006, %shift_right_logical3A_1004 : vector<16xi32>
        %bitcast_convert_type3A_1008 = tpu.bitcast %sub3A_1007 : vector<16xi32> -> vector<16xf32>
        %mul3A_1009 = arith.constant 5.000000e-01 : f32
        %mul3A_1010 = vector.broadcast %mul3A_1009 : f32 to vector<16xf32>
        %mul3A_1011 = arith.mulf %add3A_1000, %mul3A_1010 : vector<16xf32>
        %mul3A_1012 = arith.mulf %mul3A_1011, %bitcast_convert_type3A_1008 : vector<16xf32>
        %mul3A_1013 = arith.mulf %mul3A_1012, %bitcast_convert_type3A_1008 : vector<16xf32>
        %sub3A_1014 = arith.constant 1.500000e+00 : f32
        %sub3A_1015 = vector.broadcast %sub3A_1014 : f32 to vector<16xf32>
        %sub3A_1016 = arith.subf %sub3A_1015, %mul3A_1013 : vector<16xf32>
        %mul3A_1017 = arith.mulf %bitcast_convert_type3A_1008, %sub3A_1016 : vector<16xf32>
        %mul3A_1018 = arith.mulf %add3A_1000, %mul3A_1017 : vector<16xf32>
        %sub3A_1019 = arith.subf %mul3A_989, %mul3A_1018 : vector<16xf32>
        %abs3A_1020 = math.absf %sub3A_1019 : vector<16xf32>
        %add3A_1021 = arith.addf %add3A_960, %abs3A_1020 : vector<16xf32>
        %gather3A_1022 = tpu.vector_load_idx %arg7[%broadcast_in_dim3A_422, %gather3A_81] : memref<16x384xf32, #tpu.memory_space<vmem>>[vector<16xi32>, vector<16xi32>], vector<16xf32>,
        %gather3A_1023 = tpu.vector_load_idx %arg8[%broadcast_in_dim3A_422, %gather3A_81] : memref<16x384xf32, #tpu.memory_space<vmem>>[vector<16xi32>, vector<16xi32>], vector<16xf32>,
        %gather3A_1024 = tpu.vector_load_idx %arg9[%broadcast_in_dim3A_422, %gather3A_81] : memref<16x384xf32, #tpu.memory_space<vmem>>[vector<16xi32>, vector<16xi32>], vector<16xf32>,
        %gather3A_1025 = tpu.vector_load_idx %arg7[%broadcast_in_dim3A_422, %gather3A_88] : memref<16x384xf32, #tpu.memory_space<vmem>>[vector<16xi32>, vector<16xi32>], vector<16xf32>,
        %gather3A_1026 = tpu.vector_load_idx %arg8[%broadcast_in_dim3A_422, %gather3A_88] : memref<16x384xf32, #tpu.memory_space<vmem>>[vector<16xi32>, vector<16xi32>], vector<16xf32>,
        %gather3A_1027 = tpu.vector_load_idx %arg9[%broadcast_in_dim3A_422, %gather3A_88] : memref<16x384xf32, #tpu.memory_space<vmem>>[vector<16xi32>, vector<16xi32>], vector<16xf32>,
        %gather3A_1028 = tpu.vector_load_idx %arg7[%broadcast_in_dim3A_422, %gather3A_95] : memref<16x384xf32, #tpu.memory_space<vmem>>[vector<16xi32>, vector<16xi32>], vector<16xf32>,
        %gather3A_1029 = tpu.vector_load_idx %arg8[%broadcast_in_dim3A_422, %gather3A_95] : memref<16x384xf32, #tpu.memory_space<vmem>>[vector<16xi32>, vector<16xi32>], vector<16xf32>,
        %gather3A_1030 = tpu.vector_load_idx %arg9[%broadcast_in_dim3A_422, %gather3A_95] : memref<16x384xf32, #tpu.memory_space<vmem>>[vector<16xi32>, vector<16xi32>], vector<16xf32>,
        %gather3A_1031 = tpu.vector_load_idx %arg10[%broadcast_in_dim3A_422, %gather3A_81] : memref<16x384xf32, #tpu.memory_space<vmem>>[vector<16xi32>, vector<16xi32>], vector<16xf32>,
        %gather3A_1032 = tpu.vector_load_idx %arg11[%broadcast_in_dim3A_422, %gather3A_81] : memref<16x384xf32, #tpu.memory_space<vmem>>[vector<16xi32>, vector<16xi32>], vector<16xf32>,
        %gather3A_1033 = tpu.vector_load_idx %arg12[%broadcast_in_dim3A_422, %gather3A_81] : memref<16x384xf32, #tpu.memory_space<vmem>>[vector<16xi32>, vector<16xi32>], vector<16xf32>,
        %gather3A_1034 = tpu.vector_load_idx %arg10[%broadcast_in_dim3A_422, %gather3A_88] : memref<16x384xf32, #tpu.memory_space<vmem>>[vector<16xi32>, vector<16xi32>], vector<16xf32>,
        %gather3A_1035 = tpu.vector_load_idx %arg11[%broadcast_in_dim3A_422, %gather3A_88] : memref<16x384xf32, #tpu.memory_space<vmem>>[vector<16xi32>, vector<16xi32>], vector<16xf32>,
        %gather3A_1036 = tpu.vector_load_idx %arg12[%broadcast_in_dim3A_422, %gather3A_88] : memref<16x384xf32, #tpu.memory_space<vmem>>[vector<16xi32>, vector<16xi32>], vector<16xf32>,
        %gather3A_1037 = tpu.vector_load_idx %arg10[%broadcast_in_dim3A_422, %gather3A_95] : memref<16x384xf32, #tpu.memory_space<vmem>>[vector<16xi32>, vector<16xi32>], vector<16xf32>,
        %gather3A_1038 = tpu.vector_load_idx %arg11[%broadcast_in_dim3A_422, %gather3A_95] : memref<16x384xf32, #tpu.memory_space<vmem>>[vector<16xi32>, vector<16xi32>], vector<16xf32>,
        %gather3A_1039 = tpu.vector_load_idx %arg12[%broadcast_in_dim3A_422, %gather3A_95] : memref<16x384xf32, #tpu.memory_space<vmem>>[vector<16xi32>, vector<16xi32>], vector<16xf32>,
        %sub3A_1040 = arith.subf %gather3A_1022, %gather3A_1025 : vector<16xf32>
        %sub3A_1041 = arith.subf %gather3A_1023, %gather3A_1026 : vector<16xf32>
        %sub3A_1042 = arith.subf %gather3A_1024, %gather3A_1027 : vector<16xf32>
        %mul3A_1043 = arith.mulf %sub3A_1040, %sub3A_1040 : vector<16xf32>
        %mul3A_1044 = arith.mulf %sub3A_1041, %sub3A_1041 : vector<16xf32>
        %add3A_1045 = arith.addf %mul3A_1043, %mul3A_1044 : vector<16xf32>
        %mul3A_1046 = arith.mulf %sub3A_1042, %sub3A_1042 : vector<16xf32>
        %add3A_1047 = arith.addf %add3A_1045, %mul3A_1046 : vector<16xf32>
        %add3A_1048 = arith.constant 9.99999996E-13 : f32
        %add3A_1049 = vector.broadcast %add3A_1048 : f32 to vector<16xf32>
        %add3A_1050 = arith.addf %add3A_1047, %add3A_1049 : vector<16xf32>
        %bitcast_convert_type3A_1051 = tpu.bitcast %add3A_1050 : vector<16xf32> -> vector<16xi32>
        %shift_right_logical3A_1052 = arith.constant 1 : i32
        %shift_right_logical3A_1053 = vector.broadcast %shift_right_logical3A_1052 : i32 to vector<16xi32>
        %shift_right_logical3A_1054 = arith.shrui %bitcast_convert_type3A_1051, %shift_right_logical3A_1053 : vector<16xi32>
        %sub3A_1055 = arith.constant 1597463007 : i32
        %sub3A_1056 = vector.broadcast %sub3A_1055 : i32 to vector<16xi32>
        %sub3A_1057 = arith.subi %sub3A_1056, %shift_right_logical3A_1054 : vector<16xi32>
        %bitcast_convert_type3A_1058 = tpu.bitcast %sub3A_1057 : vector<16xi32> -> vector<16xf32>
        %mul3A_1059 = arith.constant 5.000000e-01 : f32
        %mul3A_1060 = vector.broadcast %mul3A_1059 : f32 to vector<16xf32>
        %mul3A_1061 = arith.mulf %add3A_1050, %mul3A_1060 : vector<16xf32>
        %mul3A_1062 = arith.mulf %mul3A_1061, %bitcast_convert_type3A_1058 : vector<16xf32>
        %mul3A_1063 = arith.mulf %mul3A_1062, %bitcast_convert_type3A_1058 : vector<16xf32>
        %sub3A_1064 = arith.constant 1.500000e+00 : f32
        %sub3A_1065 = vector.broadcast %sub3A_1064 : f32 to vector<16xf32>
        %sub3A_1066 = arith.subf %sub3A_1065, %mul3A_1063 : vector<16xf32>
        %mul3A_1067 = arith.mulf %bitcast_convert_type3A_1058, %sub3A_1066 : vector<16xf32>
        %mul3A_1068 = arith.mulf %add3A_1050, %mul3A_1067 : vector<16xf32>
        %sub3A_1069 = arith.subf %gather3A_1031, %gather3A_1034 : vector<16xf32>
        %sub3A_1070 = arith.subf %gather3A_1032, %gather3A_1035 : vector<16xf32>
        %sub3A_1071 = arith.subf %gather3A_1033, %gather3A_1036 : vector<16xf32>
        %mul3A_1072 = arith.mulf %sub3A_1069, %sub3A_1069 : vector<16xf32>
        %mul3A_1073 = arith.mulf %sub3A_1070, %sub3A_1070 : vector<16xf32>
        %add3A_1074 = arith.addf %mul3A_1072, %mul3A_1073 : vector<16xf32>
        %mul3A_1075 = arith.mulf %sub3A_1071, %sub3A_1071 : vector<16xf32>
        %add3A_1076 = arith.addf %add3A_1074, %mul3A_1075 : vector<16xf32>
        %add3A_1077 = arith.constant 9.99999996E-13 : f32
        %add3A_1078 = vector.broadcast %add3A_1077 : f32 to vector<16xf32>
        %add3A_1079 = arith.addf %add3A_1076, %add3A_1078 : vector<16xf32>
        %bitcast_convert_type3A_1080 = tpu.bitcast %add3A_1079 : vector<16xf32> -> vector<16xi32>
        %shift_right_logical3A_1081 = arith.constant 1 : i32
        %shift_right_logical3A_1082 = vector.broadcast %shift_right_logical3A_1081 : i32 to vector<16xi32>
        %shift_right_logical3A_1083 = arith.shrui %bitcast_convert_type3A_1080, %shift_right_logical3A_1082 : vector<16xi32>
        %sub3A_1084 = arith.constant 1597463007 : i32
        %sub3A_1085 = vector.broadcast %sub3A_1084 : i32 to vector<16xi32>
        %sub3A_1086 = arith.subi %sub3A_1085, %shift_right_logical3A_1083 : vector<16xi32>
        %bitcast_convert_type3A_1087 = tpu.bitcast %sub3A_1086 : vector<16xi32> -> vector<16xf32>
        %mul3A_1088 = arith.constant 5.000000e-01 : f32
        %mul3A_1089 = vector.broadcast %mul3A_1088 : f32 to vector<16xf32>
        %mul3A_1090 = arith.mulf %add3A_1079, %mul3A_1089 : vector<16xf32>
        %mul3A_1091 = arith.mulf %mul3A_1090, %bitcast_convert_type3A_1087 : vector<16xf32>
        %mul3A_1092 = arith.mulf %mul3A_1091, %bitcast_convert_type3A_1087 : vector<16xf32>
        %sub3A_1093 = arith.constant 1.500000e+00 : f32
        %sub3A_1094 = vector.broadcast %sub3A_1093 : f32 to vector<16xf32>
        %sub3A_1095 = arith.subf %sub3A_1094, %mul3A_1092 : vector<16xf32>
        %mul3A_1096 = arith.mulf %bitcast_convert_type3A_1087, %sub3A_1095 : vector<16xf32>
        %mul3A_1097 = arith.mulf %add3A_1079, %mul3A_1096 : vector<16xf32>
        %sub3A_1098 = arith.subf %mul3A_1068, %mul3A_1097 : vector<16xf32>
        %abs3A_1099 = math.absf %sub3A_1098 : vector<16xf32>
        %add3A_1100 = arith.addf %add3A_1021, %abs3A_1099 : vector<16xf32>
        %sub3A_1101 = arith.subf %gather3A_1022, %gather3A_1028 : vector<16xf32>
        %sub3A_1102 = arith.subf %gather3A_1023, %gather3A_1029 : vector<16xf32>
        %sub3A_1103 = arith.subf %gather3A_1024, %gather3A_1030 : vector<16xf32>
        %mul3A_1104 = arith.mulf %sub3A_1101, %sub3A_1101 : vector<16xf32>
        %mul3A_1105 = arith.mulf %sub3A_1102, %sub3A_1102 : vector<16xf32>
        %add3A_1106 = arith.addf %mul3A_1104, %mul3A_1105 : vector<16xf32>
        %mul3A_1107 = arith.mulf %sub3A_1103, %sub3A_1103 : vector<16xf32>
        %add3A_1108 = arith.addf %add3A_1106, %mul3A_1107 : vector<16xf32>
        %add3A_1109 = arith.constant 9.99999996E-13 : f32
        %add3A_1110 = vector.broadcast %add3A_1109 : f32 to vector<16xf32>
        %add3A_1111 = arith.addf %add3A_1108, %add3A_1110 : vector<16xf32>
        %bitcast_convert_type3A_1112 = tpu.bitcast %add3A_1111 : vector<16xf32> -> vector<16xi32>
        %shift_right_logical3A_1113 = arith.constant 1 : i32
        %shift_right_logical3A_1114 = vector.broadcast %shift_right_logical3A_1113 : i32 to vector<16xi32>
        %shift_right_logical3A_1115 = arith.shrui %bitcast_convert_type3A_1112, %shift_right_logical3A_1114 : vector<16xi32>
        %sub3A_1116 = arith.constant 1597463007 : i32
        %sub3A_1117 = vector.broadcast %sub3A_1116 : i32 to vector<16xi32>
        %sub3A_1118 = arith.subi %sub3A_1117, %shift_right_logical3A_1115 : vector<16xi32>
        %bitcast_convert_type3A_1119 = tpu.bitcast %sub3A_1118 : vector<16xi32> -> vector<16xf32>
        %mul3A_1120 = arith.constant 5.000000e-01 : f32
        %mul3A_1121 = vector.broadcast %mul3A_1120 : f32 to vector<16xf32>
        %mul3A_1122 = arith.mulf %add3A_1111, %mul3A_1121 : vector<16xf32>
        %mul3A_1123 = arith.mulf %mul3A_1122, %bitcast_convert_type3A_1119 : vector<16xf32>
        %mul3A_1124 = arith.mulf %mul3A_1123, %bitcast_convert_type3A_1119 : vector<16xf32>
        %sub3A_1125 = arith.constant 1.500000e+00 : f32
        %sub3A_1126 = vector.broadcast %sub3A_1125 : f32 to vector<16xf32>
        %sub3A_1127 = arith.subf %sub3A_1126, %mul3A_1124 : vector<16xf32>
        %mul3A_1128 = arith.mulf %bitcast_convert_type3A_1119, %sub3A_1127 : vector<16xf32>
        %mul3A_1129 = arith.mulf %add3A_1111, %mul3A_1128 : vector<16xf32>
        %sub3A_1130 = arith.subf %gather3A_1031, %gather3A_1037 : vector<16xf32>
        %sub3A_1131 = arith.subf %gather3A_1032, %gather3A_1038 : vector<16xf32>
        %sub3A_1132 = arith.subf %gather3A_1033, %gather3A_1039 : vector<16xf32>
        %mul3A_1133 = arith.mulf %sub3A_1130, %sub3A_1130 : vector<16xf32>
        %mul3A_1134 = arith.mulf %sub3A_1131, %sub3A_1131 : vector<16xf32>
        %add3A_1135 = arith.addf %mul3A_1133, %mul3A_1134 : vector<16xf32>
        %mul3A_1136 = arith.mulf %sub3A_1132, %sub3A_1132 : vector<16xf32>
        %add3A_1137 = arith.addf %add3A_1135, %mul3A_1136 : vector<16xf32>
        %add3A_1138 = arith.constant 9.99999996E-13 : f32
        %add3A_1139 = vector.broadcast %add3A_1138 : f32 to vector<16xf32>
        %add3A_1140 = arith.addf %add3A_1137, %add3A_1139 : vector<16xf32>
        %bitcast_convert_type3A_1141 = tpu.bitcast %add3A_1140 : vector<16xf32> -> vector<16xi32>
        %shift_right_logical3A_1142 = arith.constant 1 : i32
        %shift_right_logical3A_1143 = vector.broadcast %shift_right_logical3A_1142 : i32 to vector<16xi32>
        %shift_right_logical3A_1144 = arith.shrui %bitcast_convert_type3A_1141, %shift_right_logical3A_1143 : vector<16xi32>
        %sub3A_1145 = arith.constant 1597463007 : i32
        %sub3A_1146 = vector.broadcast %sub3A_1145 : i32 to vector<16xi32>
        %sub3A_1147 = arith.subi %sub3A_1146, %shift_right_logical3A_1144 : vector<16xi32>
        %bitcast_convert_type3A_1148 = tpu.bitcast %sub3A_1147 : vector<16xi32> -> vector<16xf32>
        %mul3A_1149 = arith.constant 5.000000e-01 : f32
        %mul3A_1150 = vector.broadcast %mul3A_1149 : f32 to vector<16xf32>
        %mul3A_1151 = arith.mulf %add3A_1140, %mul3A_1150 : vector<16xf32>
        %mul3A_1152 = arith.mulf %mul3A_1151, %bitcast_convert_type3A_1148 : vector<16xf32>
        %mul3A_1153 = arith.mulf %mul3A_1152, %bitcast_convert_type3A_1148 : vector<16xf32>
        %sub3A_1154 = arith.constant 1.500000e+00 : f32
        %sub3A_1155 = vector.broadcast %sub3A_1154 : f32 to vector<16xf32>
        %sub3A_1156 = arith.subf %sub3A_1155, %mul3A_1153 : vector<16xf32>
        %mul3A_1157 = arith.mulf %bitcast_convert_type3A_1148, %sub3A_1156 : vector<16xf32>
        %mul3A_1158 = arith.mulf %add3A_1140, %mul3A_1157 : vector<16xf32>
        %sub3A_1159 = arith.subf %mul3A_1129, %mul3A_1158 : vector<16xf32>
        %abs3A_1160 = math.absf %sub3A_1159 : vector<16xf32>
        %add3A_1161 = arith.addf %add3A_1100, %abs3A_1160 : vector<16xf32>
        %sub3A_1162 = arith.subf %gather3A_1025, %gather3A_1028 : vector<16xf32>
        %sub3A_1163 = arith.subf %gather3A_1026, %gather3A_1029 : vector<16xf32>
        %sub3A_1164 = arith.subf %gather3A_1027, %gather3A_1030 : vector<16xf32>
        %mul3A_1165 = arith.mulf %sub3A_1162, %sub3A_1162 : vector<16xf32>
        %mul3A_1166 = arith.mulf %sub3A_1163, %sub3A_1163 : vector<16xf32>
        %add3A_1167 = arith.addf %mul3A_1165, %mul3A_1166 : vector<16xf32>
        %mul3A_1168 = arith.mulf %sub3A_1164, %sub3A_1164 : vector<16xf32>
        %add3A_1169 = arith.addf %add3A_1167, %mul3A_1168 : vector<16xf32>
        %add3A_1170 = arith.constant 9.99999996E-13 : f32
        %add3A_1171 = vector.broadcast %add3A_1170 : f32 to vector<16xf32>
        %add3A_1172 = arith.addf %add3A_1169, %add3A_1171 : vector<16xf32>
        %bitcast_convert_type3A_1173 = tpu.bitcast %add3A_1172 : vector<16xf32> -> vector<16xi32>
        %shift_right_logical3A_1174 = arith.constant 1 : i32
        %shift_right_logical3A_1175 = vector.broadcast %shift_right_logical3A_1174 : i32 to vector<16xi32>
        %shift_right_logical3A_1176 = arith.shrui %bitcast_convert_type3A_1173, %shift_right_logical3A_1175 : vector<16xi32>
        %sub3A_1177 = arith.constant 1597463007 : i32
        %sub3A_1178 = vector.broadcast %sub3A_1177 : i32 to vector<16xi32>
        %sub3A_1179 = arith.subi %sub3A_1178, %shift_right_logical3A_1176 : vector<16xi32>
        %bitcast_convert_type3A_1180 = tpu.bitcast %sub3A_1179 : vector<16xi32> -> vector<16xf32>
        %mul3A_1181 = arith.constant 5.000000e-01 : f32
        %mul3A_1182 = vector.broadcast %mul3A_1181 : f32 to vector<16xf32>
        %mul3A_1183 = arith.mulf %add3A_1172, %mul3A_1182 : vector<16xf32>
        %mul3A_1184 = arith.mulf %mul3A_1183, %bitcast_convert_type3A_1180 : vector<16xf32>
        %mul3A_1185 = arith.mulf %mul3A_1184, %bitcast_convert_type3A_1180 : vector<16xf32>
        %sub3A_1186 = arith.constant 1.500000e+00 : f32
        %sub3A_1187 = vector.broadcast %sub3A_1186 : f32 to vector<16xf32>
        %sub3A_1188 = arith.subf %sub3A_1187, %mul3A_1185 : vector<16xf32>
        %mul3A_1189 = arith.mulf %bitcast_convert_type3A_1180, %sub3A_1188 : vector<16xf32>
        %mul3A_1190 = arith.mulf %add3A_1172, %mul3A_1189 : vector<16xf32>
        %sub3A_1191 = arith.subf %gather3A_1034, %gather3A_1037 : vector<16xf32>
        %sub3A_1192 = arith.subf %gather3A_1035, %gather3A_1038 : vector<16xf32>
        %sub3A_1193 = arith.subf %gather3A_1036, %gather3A_1039 : vector<16xf32>
        %mul3A_1194 = arith.mulf %sub3A_1191, %sub3A_1191 : vector<16xf32>
        %mul3A_1195 = arith.mulf %sub3A_1192, %sub3A_1192 : vector<16xf32>
        %add3A_1196 = arith.addf %mul3A_1194, %mul3A_1195 : vector<16xf32>
        %mul3A_1197 = arith.mulf %sub3A_1193, %sub3A_1193 : vector<16xf32>
        %add3A_1198 = arith.addf %add3A_1196, %mul3A_1197 : vector<16xf32>
        %add3A_1199 = arith.constant 9.99999996E-13 : f32
        %add3A_1200 = vector.broadcast %add3A_1199 : f32 to vector<16xf32>
        %add3A_1201 = arith.addf %add3A_1198, %add3A_1200 : vector<16xf32>
        %bitcast_convert_type3A_1202 = tpu.bitcast %add3A_1201 : vector<16xf32> -> vector<16xi32>
        %shift_right_logical3A_1203 = arith.constant 1 : i32
        %shift_right_logical3A_1204 = vector.broadcast %shift_right_logical3A_1203 : i32 to vector<16xi32>
        %shift_right_logical3A_1205 = arith.shrui %bitcast_convert_type3A_1202, %shift_right_logical3A_1204 : vector<16xi32>
        %sub3A_1206 = arith.constant 1597463007 : i32
        %sub3A_1207 = vector.broadcast %sub3A_1206 : i32 to vector<16xi32>
        %sub3A_1208 = arith.subi %sub3A_1207, %shift_right_logical3A_1205 : vector<16xi32>
        %bitcast_convert_type3A_1209 = tpu.bitcast %sub3A_1208 : vector<16xi32> -> vector<16xf32>
        %mul3A_1210 = arith.constant 5.000000e-01 : f32
        %mul3A_1211 = vector.broadcast %mul3A_1210 : f32 to vector<16xf32>
        %mul3A_1212 = arith.mulf %add3A_1201, %mul3A_1211 : vector<16xf32>
        %mul3A_1213 = arith.mulf %mul3A_1212, %bitcast_convert_type3A_1209 : vector<16xf32>
        %mul3A_1214 = arith.mulf %mul3A_1213, %bitcast_convert_type3A_1209 : vector<16xf32>
        %sub3A_1215 = arith.constant 1.500000e+00 : f32
        %sub3A_1216 = vector.broadcast %sub3A_1215 : f32 to vector<16xf32>
        %sub3A_1217 = arith.subf %sub3A_1216, %mul3A_1214 : vector<16xf32>
        %mul3A_1218 = arith.mulf %bitcast_convert_type3A_1209, %sub3A_1217 : vector<16xf32>
        %mul3A_1219 = arith.mulf %add3A_1201, %mul3A_1218 : vector<16xf32>
        %sub3A_1220 = arith.subf %mul3A_1190, %mul3A_1219 : vector<16xf32>
        %abs3A_1221 = math.absf %sub3A_1220 : vector<16xf32>
        %add3A_1222 = arith.addf %add3A_1161, %abs3A_1221 : vector<16xf32>
        %gather3A_1223 = tpu.vector_load_idx %arg7[%broadcast_in_dim3A_422, %gather3A_105] : memref<16x384xf32, #tpu.memory_space<vmem>>[vector<16xi32>, vector<16xi32>], vector<16xf32>,
        %gather3A_1224 = tpu.vector_load_idx %arg8[%broadcast_in_dim3A_422, %gather3A_105] : memref<16x384xf32, #tpu.memory_space<vmem>>[vector<16xi32>, vector<16xi32>], vector<16xf32>,
        %gather3A_1225 = tpu.vector_load_idx %arg9[%broadcast_in_dim3A_422, %gather3A_105] : memref<16x384xf32, #tpu.memory_space<vmem>>[vector<16xi32>, vector<16xi32>], vector<16xf32>,
        %gather3A_1226 = tpu.vector_load_idx %arg7[%broadcast_in_dim3A_422, %gather3A_112] : memref<16x384xf32, #tpu.memory_space<vmem>>[vector<16xi32>, vector<16xi32>], vector<16xf32>,
        %gather3A_1227 = tpu.vector_load_idx %arg8[%broadcast_in_dim3A_422, %gather3A_112] : memref<16x384xf32, #tpu.memory_space<vmem>>[vector<16xi32>, vector<16xi32>], vector<16xf32>,
        %gather3A_1228 = tpu.vector_load_idx %arg9[%broadcast_in_dim3A_422, %gather3A_112] : memref<16x384xf32, #tpu.memory_space<vmem>>[vector<16xi32>, vector<16xi32>], vector<16xf32>,
        %gather3A_1229 = tpu.vector_load_idx %arg7[%broadcast_in_dim3A_422, %gather3A_119] : memref<16x384xf32, #tpu.memory_space<vmem>>[vector<16xi32>, vector<16xi32>], vector<16xf32>,
        %gather3A_1230 = tpu.vector_load_idx %arg8[%broadcast_in_dim3A_422, %gather3A_119] : memref<16x384xf32, #tpu.memory_space<vmem>>[vector<16xi32>, vector<16xi32>], vector<16xf32>,
        %gather3A_1231 = tpu.vector_load_idx %arg9[%broadcast_in_dim3A_422, %gather3A_119] : memref<16x384xf32, #tpu.memory_space<vmem>>[vector<16xi32>, vector<16xi32>], vector<16xf32>,
        %gather3A_1232 = tpu.vector_load_idx %arg10[%broadcast_in_dim3A_422, %gather3A_105] : memref<16x384xf32, #tpu.memory_space<vmem>>[vector<16xi32>, vector<16xi32>], vector<16xf32>,
        %gather3A_1233 = tpu.vector_load_idx %arg11[%broadcast_in_dim3A_422, %gather3A_105] : memref<16x384xf32, #tpu.memory_space<vmem>>[vector<16xi32>, vector<16xi32>], vector<16xf32>,
        %gather3A_1234 = tpu.vector_load_idx %arg12[%broadcast_in_dim3A_422, %gather3A_105] : memref<16x384xf32, #tpu.memory_space<vmem>>[vector<16xi32>, vector<16xi32>], vector<16xf32>,
        %gather3A_1235 = tpu.vector_load_idx %arg10[%broadcast_in_dim3A_422, %gather3A_112] : memref<16x384xf32, #tpu.memory_space<vmem>>[vector<16xi32>, vector<16xi32>], vector<16xf32>,
        %gather3A_1236 = tpu.vector_load_idx %arg11[%broadcast_in_dim3A_422, %gather3A_112] : memref<16x384xf32, #tpu.memory_space<vmem>>[vector<16xi32>, vector<16xi32>], vector<16xf32>,
        %gather3A_1237 = tpu.vector_load_idx %arg12[%broadcast_in_dim3A_422, %gather3A_112] : memref<16x384xf32, #tpu.memory_space<vmem>>[vector<16xi32>, vector<16xi32>], vector<16xf32>,
        %gather3A_1238 = tpu.vector_load_idx %arg10[%broadcast_in_dim3A_422, %gather3A_119] : memref<16x384xf32, #tpu.memory_space<vmem>>[vector<16xi32>, vector<16xi32>], vector<16xf32>,
        %gather3A_1239 = tpu.vector_load_idx %arg11[%broadcast_in_dim3A_422, %gather3A_119] : memref<16x384xf32, #tpu.memory_space<vmem>>[vector<16xi32>, vector<16xi32>], vector<16xf32>,
        %gather3A_1240 = tpu.vector_load_idx %arg12[%broadcast_in_dim3A_422, %gather3A_119] : memref<16x384xf32, #tpu.memory_space<vmem>>[vector<16xi32>, vector<16xi32>], vector<16xf32>,
        %sub3A_1241 = arith.subf %gather3A_1223, %gather3A_1226 : vector<16xf32>
        %sub3A_1242 = arith.subf %gather3A_1224, %gather3A_1227 : vector<16xf32>
        %sub3A_1243 = arith.subf %gather3A_1225, %gather3A_1228 : vector<16xf32>
        %mul3A_1244 = arith.mulf %sub3A_1241, %sub3A_1241 : vector<16xf32>
        %mul3A_1245 = arith.mulf %sub3A_1242, %sub3A_1242 : vector<16xf32>
        %add3A_1246 = arith.addf %mul3A_1244, %mul3A_1245 : vector<16xf32>
        %mul3A_1247 = arith.mulf %sub3A_1243, %sub3A_1243 : vector<16xf32>
        %add3A_1248 = arith.addf %add3A_1246, %mul3A_1247 : vector<16xf32>
        %add3A_1249 = arith.constant 9.99999996E-13 : f32
        %add3A_1250 = vector.broadcast %add3A_1249 : f32 to vector<16xf32>
        %add3A_1251 = arith.addf %add3A_1248, %add3A_1250 : vector<16xf32>
        %bitcast_convert_type3A_1252 = tpu.bitcast %add3A_1251 : vector<16xf32> -> vector<16xi32>
        %shift_right_logical3A_1253 = arith.constant 1 : i32
        %shift_right_logical3A_1254 = vector.broadcast %shift_right_logical3A_1253 : i32 to vector<16xi32>
        %shift_right_logical3A_1255 = arith.shrui %bitcast_convert_type3A_1252, %shift_right_logical3A_1254 : vector<16xi32>
        %sub3A_1256 = arith.constant 1597463007 : i32
        %sub3A_1257 = vector.broadcast %sub3A_1256 : i32 to vector<16xi32>
        %sub3A_1258 = arith.subi %sub3A_1257, %shift_right_logical3A_1255 : vector<16xi32>
        %bitcast_convert_type3A_1259 = tpu.bitcast %sub3A_1258 : vector<16xi32> -> vector<16xf32>
        %mul3A_1260 = arith.constant 5.000000e-01 : f32
        %mul3A_1261 = vector.broadcast %mul3A_1260 : f32 to vector<16xf32>
        %mul3A_1262 = arith.mulf %add3A_1251, %mul3A_1261 : vector<16xf32>
        %mul3A_1263 = arith.mulf %mul3A_1262, %bitcast_convert_type3A_1259 : vector<16xf32>
        %mul3A_1264 = arith.mulf %mul3A_1263, %bitcast_convert_type3A_1259 : vector<16xf32>
        %sub3A_1265 = arith.constant 1.500000e+00 : f32
        %sub3A_1266 = vector.broadcast %sub3A_1265 : f32 to vector<16xf32>
        %sub3A_1267 = arith.subf %sub3A_1266, %mul3A_1264 : vector<16xf32>
        %mul3A_1268 = arith.mulf %bitcast_convert_type3A_1259, %sub3A_1267 : vector<16xf32>
        %mul3A_1269 = arith.mulf %add3A_1251, %mul3A_1268 : vector<16xf32>
        %sub3A_1270 = arith.subf %gather3A_1232, %gather3A_1235 : vector<16xf32>
        %sub3A_1271 = arith.subf %gather3A_1233, %gather3A_1236 : vector<16xf32>
        %sub3A_1272 = arith.subf %gather3A_1234, %gather3A_1237 : vector<16xf32>
        %mul3A_1273 = arith.mulf %sub3A_1270, %sub3A_1270 : vector<16xf32>
        %mul3A_1274 = arith.mulf %sub3A_1271, %sub3A_1271 : vector<16xf32>
        %add3A_1275 = arith.addf %mul3A_1273, %mul3A_1274 : vector<16xf32>
        %mul3A_1276 = arith.mulf %sub3A_1272, %sub3A_1272 : vector<16xf32>
        %add3A_1277 = arith.addf %add3A_1275, %mul3A_1276 : vector<16xf32>
        %add3A_1278 = arith.constant 9.99999996E-13 : f32
        %add3A_1279 = vector.broadcast %add3A_1278 : f32 to vector<16xf32>
        %add3A_1280 = arith.addf %add3A_1277, %add3A_1279 : vector<16xf32>
        %bitcast_convert_type3A_1281 = tpu.bitcast %add3A_1280 : vector<16xf32> -> vector<16xi32>
        %shift_right_logical3A_1282 = arith.constant 1 : i32
        %shift_right_logical3A_1283 = vector.broadcast %shift_right_logical3A_1282 : i32 to vector<16xi32>
        %shift_right_logical3A_1284 = arith.shrui %bitcast_convert_type3A_1281, %shift_right_logical3A_1283 : vector<16xi32>
        %sub3A_1285 = arith.constant 1597463007 : i32
        %sub3A_1286 = vector.broadcast %sub3A_1285 : i32 to vector<16xi32>
        %sub3A_1287 = arith.subi %sub3A_1286, %shift_right_logical3A_1284 : vector<16xi32>
        %bitcast_convert_type3A_1288 = tpu.bitcast %sub3A_1287 : vector<16xi32> -> vector<16xf32>
        %mul3A_1289 = arith.constant 5.000000e-01 : f32
        %mul3A_1290 = vector.broadcast %mul3A_1289 : f32 to vector<16xf32>
        %mul3A_1291 = arith.mulf %add3A_1280, %mul3A_1290 : vector<16xf32>
        %mul3A_1292 = arith.mulf %mul3A_1291, %bitcast_convert_type3A_1288 : vector<16xf32>
        %mul3A_1293 = arith.mulf %mul3A_1292, %bitcast_convert_type3A_1288 : vector<16xf32>
        %sub3A_1294 = arith.constant 1.500000e+00 : f32
        %sub3A_1295 = vector.broadcast %sub3A_1294 : f32 to vector<16xf32>
        %sub3A_1296 = arith.subf %sub3A_1295, %mul3A_1293 : vector<16xf32>
        %mul3A_1297 = arith.mulf %bitcast_convert_type3A_1288, %sub3A_1296 : vector<16xf32>
        %mul3A_1298 = arith.mulf %add3A_1280, %mul3A_1297 : vector<16xf32>
        %sub3A_1299 = arith.subf %mul3A_1269, %mul3A_1298 : vector<16xf32>
        %abs3A_1300 = math.absf %sub3A_1299 : vector<16xf32>
        %add3A_1301 = arith.addf %add3A_1222, %abs3A_1300 : vector<16xf32>
        %sub3A_1302 = arith.subf %gather3A_1223, %gather3A_1229 : vector<16xf32>
        %sub3A_1303 = arith.subf %gather3A_1224, %gather3A_1230 : vector<16xf32>
        %sub3A_1304 = arith.subf %gather3A_1225, %gather3A_1231 : vector<16xf32>
        %mul3A_1305 = arith.mulf %sub3A_1302, %sub3A_1302 : vector<16xf32>
        %mul3A_1306 = arith.mulf %sub3A_1303, %sub3A_1303 : vector<16xf32>
        %add3A_1307 = arith.addf %mul3A_1305, %mul3A_1306 : vector<16xf32>
        %mul3A_1308 = arith.mulf %sub3A_1304, %sub3A_1304 : vector<16xf32>
        %add3A_1309 = arith.addf %add3A_1307, %mul3A_1308 : vector<16xf32>
        %add3A_1310 = arith.constant 9.99999996E-13 : f32
        %add3A_1311 = vector.broadcast %add3A_1310 : f32 to vector<16xf32>
        %add3A_1312 = arith.addf %add3A_1309, %add3A_1311 : vector<16xf32>
        %bitcast_convert_type3A_1313 = tpu.bitcast %add3A_1312 : vector<16xf32> -> vector<16xi32>
        %shift_right_logical3A_1314 = arith.constant 1 : i32
        %shift_right_logical3A_1315 = vector.broadcast %shift_right_logical3A_1314 : i32 to vector<16xi32>
        %shift_right_logical3A_1316 = arith.shrui %bitcast_convert_type3A_1313, %shift_right_logical3A_1315 : vector<16xi32>
        %sub3A_1317 = arith.constant 1597463007 : i32
        %sub3A_1318 = vector.broadcast %sub3A_1317 : i32 to vector<16xi32>
        %sub3A_1319 = arith.subi %sub3A_1318, %shift_right_logical3A_1316 : vector<16xi32>
        %bitcast_convert_type3A_1320 = tpu.bitcast %sub3A_1319 : vector<16xi32> -> vector<16xf32>
        %mul3A_1321 = arith.constant 5.000000e-01 : f32
        %mul3A_1322 = vector.broadcast %mul3A_1321 : f32 to vector<16xf32>
        %mul3A_1323 = arith.mulf %add3A_1312, %mul3A_1322 : vector<16xf32>
        %mul3A_1324 = arith.mulf %mul3A_1323, %bitcast_convert_type3A_1320 : vector<16xf32>
        %mul3A_1325 = arith.mulf %mul3A_1324, %bitcast_convert_type3A_1320 : vector<16xf32>
        %sub3A_1326 = arith.constant 1.500000e+00 : f32
        %sub3A_1327 = vector.broadcast %sub3A_1326 : f32 to vector<16xf32>
        %sub3A_1328 = arith.subf %sub3A_1327, %mul3A_1325 : vector<16xf32>
        %mul3A_1329 = arith.mulf %bitcast_convert_type3A_1320, %sub3A_1328 : vector<16xf32>
        %mul3A_1330 = arith.mulf %add3A_1312, %mul3A_1329 : vector<16xf32>
        %sub3A_1331 = arith.subf %gather3A_1232, %gather3A_1238 : vector<16xf32>
        %sub3A_1332 = arith.subf %gather3A_1233, %gather3A_1239 : vector<16xf32>
        %sub3A_1333 = arith.subf %gather3A_1234, %gather3A_1240 : vector<16xf32>
        %mul3A_1334 = arith.mulf %sub3A_1331, %sub3A_1331 : vector<16xf32>
        %mul3A_1335 = arith.mulf %sub3A_1332, %sub3A_1332 : vector<16xf32>
        %add3A_1336 = arith.addf %mul3A_1334, %mul3A_1335 : vector<16xf32>
        %mul3A_1337 = arith.mulf %sub3A_1333, %sub3A_1333 : vector<16xf32>
        %add3A_1338 = arith.addf %add3A_1336, %mul3A_1337 : vector<16xf32>
        %add3A_1339 = arith.constant 9.99999996E-13 : f32
        %add3A_1340 = vector.broadcast %add3A_1339 : f32 to vector<16xf32>
        %add3A_1341 = arith.addf %add3A_1338, %add3A_1340 : vector<16xf32>
        %bitcast_convert_type3A_1342 = tpu.bitcast %add3A_1341 : vector<16xf32> -> vector<16xi32>
        %shift_right_logical3A_1343 = arith.constant 1 : i32
        %shift_right_logical3A_1344 = vector.broadcast %shift_right_logical3A_1343 : i32 to vector<16xi32>
        %shift_right_logical3A_1345 = arith.shrui %bitcast_convert_type3A_1342, %shift_right_logical3A_1344 : vector<16xi32>
        %sub3A_1346 = arith.constant 1597463007 : i32
        %sub3A_1347 = vector.broadcast %sub3A_1346 : i32 to vector<16xi32>
        %sub3A_1348 = arith.subi %sub3A_1347, %shift_right_logical3A_1345 : vector<16xi32>
        %bitcast_convert_type3A_1349 = tpu.bitcast %sub3A_1348 : vector<16xi32> -> vector<16xf32>
        %mul3A_1350 = arith.constant 5.000000e-01 : f32
        %mul3A_1351 = vector.broadcast %mul3A_1350 : f32 to vector<16xf32>
        %mul3A_1352 = arith.mulf %add3A_1341, %mul3A_1351 : vector<16xf32>
        %mul3A_1353 = arith.mulf %mul3A_1352, %bitcast_convert_type3A_1349 : vector<16xf32>
        %mul3A_1354 = arith.mulf %mul3A_1353, %bitcast_convert_type3A_1349 : vector<16xf32>
        %sub3A_1355 = arith.constant 1.500000e+00 : f32
        %sub3A_1356 = vector.broadcast %sub3A_1355 : f32 to vector<16xf32>
        %sub3A_1357 = arith.subf %sub3A_1356, %mul3A_1354 : vector<16xf32>
        %mul3A_1358 = arith.mulf %bitcast_convert_type3A_1349, %sub3A_1357 : vector<16xf32>
        %mul3A_1359 = arith.mulf %add3A_1341, %mul3A_1358 : vector<16xf32>
        %sub3A_1360 = arith.subf %mul3A_1330, %mul3A_1359 : vector<16xf32>
        %abs3A_1361 = math.absf %sub3A_1360 : vector<16xf32>
        %add3A_1362 = arith.addf %add3A_1301, %abs3A_1361 : vector<16xf32>
        %sub3A_1363 = arith.subf %gather3A_1226, %gather3A_1229 : vector<16xf32>
        %sub3A_1364 = arith.subf %gather3A_1227, %gather3A_1230 : vector<16xf32>
        %sub3A_1365 = arith.subf %gather3A_1228, %gather3A_1231 : vector<16xf32>
        %mul3A_1366 = arith.mulf %sub3A_1363, %sub3A_1363 : vector<16xf32>
        %mul3A_1367 = arith.mulf %sub3A_1364, %sub3A_1364 : vector<16xf32>
        %add3A_1368 = arith.addf %mul3A_1366, %mul3A_1367 : vector<16xf32>
        %mul3A_1369 = arith.mulf %sub3A_1365, %sub3A_1365 : vector<16xf32>
        %add3A_1370 = arith.addf %add3A_1368, %mul3A_1369 : vector<16xf32>
        %add3A_1371 = arith.constant 9.99999996E-13 : f32
        %add3A_1372 = vector.broadcast %add3A_1371 : f32 to vector<16xf32>
        %add3A_1373 = arith.addf %add3A_1370, %add3A_1372 : vector<16xf32>
        %bitcast_convert_type3A_1374 = tpu.bitcast %add3A_1373 : vector<16xf32> -> vector<16xi32>
        %shift_right_logical3A_1375 = arith.constant 1 : i32
        %shift_right_logical3A_1376 = vector.broadcast %shift_right_logical3A_1375 : i32 to vector<16xi32>
        %shift_right_logical3A_1377 = arith.shrui %bitcast_convert_type3A_1374, %shift_right_logical3A_1376 : vector<16xi32>
        %sub3A_1378 = arith.constant 1597463007 : i32
        %sub3A_1379 = vector.broadcast %sub3A_1378 : i32 to vector<16xi32>
        %sub3A_1380 = arith.subi %sub3A_1379, %shift_right_logical3A_1377 : vector<16xi32>
        %bitcast_convert_type3A_1381 = tpu.bitcast %sub3A_1380 : vector<16xi32> -> vector<16xf32>
        %mul3A_1382 = arith.constant 5.000000e-01 : f32
        %mul3A_1383 = vector.broadcast %mul3A_1382 : f32 to vector<16xf32>
        %mul3A_1384 = arith.mulf %add3A_1373, %mul3A_1383 : vector<16xf32>
        %mul3A_1385 = arith.mulf %mul3A_1384, %bitcast_convert_type3A_1381 : vector<16xf32>
        %mul3A_1386 = arith.mulf %mul3A_1385, %bitcast_convert_type3A_1381 : vector<16xf32>
        %sub3A_1387 = arith.constant 1.500000e+00 : f32
        %sub3A_1388 = vector.broadcast %sub3A_1387 : f32 to vector<16xf32>
        %sub3A_1389 = arith.subf %sub3A_1388, %mul3A_1386 : vector<16xf32>
        %mul3A_1390 = arith.mulf %bitcast_convert_type3A_1381, %sub3A_1389 : vector<16xf32>
        %mul3A_1391 = arith.mulf %add3A_1373, %mul3A_1390 : vector<16xf32>
        %sub3A_1392 = arith.subf %gather3A_1235, %gather3A_1238 : vector<16xf32>
        %sub3A_1393 = arith.subf %gather3A_1236, %gather3A_1239 : vector<16xf32>
        %sub3A_1394 = arith.subf %gather3A_1237, %gather3A_1240 : vector<16xf32>
        %mul3A_1395 = arith.mulf %sub3A_1392, %sub3A_1392 : vector<16xf32>
        %mul3A_1396 = arith.mulf %sub3A_1393, %sub3A_1393 : vector<16xf32>
        %add3A_1397 = arith.addf %mul3A_1395, %mul3A_1396 : vector<16xf32>
        %mul3A_1398 = arith.mulf %sub3A_1394, %sub3A_1394 : vector<16xf32>
        %add3A_1399 = arith.addf %add3A_1397, %mul3A_1398 : vector<16xf32>
        %add3A_1400 = arith.constant 9.99999996E-13 : f32
        %add3A_1401 = vector.broadcast %add3A_1400 : f32 to vector<16xf32>
        %add3A_1402 = arith.addf %add3A_1399, %add3A_1401 : vector<16xf32>
        %bitcast_convert_type3A_1403 = tpu.bitcast %add3A_1402 : vector<16xf32> -> vector<16xi32>
        %shift_right_logical3A_1404 = arith.constant 1 : i32
        %shift_right_logical3A_1405 = vector.broadcast %shift_right_logical3A_1404 : i32 to vector<16xi32>
        %shift_right_logical3A_1406 = arith.shrui %bitcast_convert_type3A_1403, %shift_right_logical3A_1405 : vector<16xi32>
        %sub3A_1407 = arith.constant 1597463007 : i32
        %sub3A_1408 = vector.broadcast %sub3A_1407 : i32 to vector<16xi32>
        %sub3A_1409 = arith.subi %sub3A_1408, %shift_right_logical3A_1406 : vector<16xi32>
        %bitcast_convert_type3A_1410 = tpu.bitcast %sub3A_1409 : vector<16xi32> -> vector<16xf32>
        %mul3A_1411 = arith.constant 5.000000e-01 : f32
        %mul3A_1412 = vector.broadcast %mul3A_1411 : f32 to vector<16xf32>
        %mul3A_1413 = arith.mulf %add3A_1402, %mul3A_1412 : vector<16xf32>
        %mul3A_1414 = arith.mulf %mul3A_1413, %bitcast_convert_type3A_1410 : vector<16xf32>
        %mul3A_1415 = arith.mulf %mul3A_1414, %bitcast_convert_type3A_1410 : vector<16xf32>
        %sub3A_1416 = arith.constant 1.500000e+00 : f32
        %sub3A_1417 = vector.broadcast %sub3A_1416 : f32 to vector<16xf32>
        %sub3A_1418 = arith.subf %sub3A_1417, %mul3A_1415 : vector<16xf32>
        %mul3A_1419 = arith.mulf %bitcast_convert_type3A_1410, %sub3A_1418 : vector<16xf32>
        %mul3A_1420 = arith.mulf %add3A_1402, %mul3A_1419 : vector<16xf32>
        %sub3A_1421 = arith.subf %mul3A_1391, %mul3A_1420 : vector<16xf32>
        %abs3A_1422 = math.absf %sub3A_1421 : vector<16xf32>
        %add3A_1423 = arith.addf %add3A_1362, %abs3A_1422 : vector<16xf32>
        %gather3A_1424 = tpu.vector_load_idx %arg7[%broadcast_in_dim3A_422, %gather3A_129] : memref<16x384xf32, #tpu.memory_space<vmem>>[vector<16xi32>, vector<16xi32>], vector<16xf32>,
        %gather3A_1425 = tpu.vector_load_idx %arg8[%broadcast_in_dim3A_422, %gather3A_129] : memref<16x384xf32, #tpu.memory_space<vmem>>[vector<16xi32>, vector<16xi32>], vector<16xf32>,
        %gather3A_1426 = tpu.vector_load_idx %arg9[%broadcast_in_dim3A_422, %gather3A_129] : memref<16x384xf32, #tpu.memory_space<vmem>>[vector<16xi32>, vector<16xi32>], vector<16xf32>,
        %gather3A_1427 = tpu.vector_load_idx %arg7[%broadcast_in_dim3A_422, %gather3A_136] : memref<16x384xf32, #tpu.memory_space<vmem>>[vector<16xi32>, vector<16xi32>], vector<16xf32>,
        %gather3A_1428 = tpu.vector_load_idx %arg8[%broadcast_in_dim3A_422, %gather3A_136] : memref<16x384xf32, #tpu.memory_space<vmem>>[vector<16xi32>, vector<16xi32>], vector<16xf32>,
        %gather3A_1429 = tpu.vector_load_idx %arg9[%broadcast_in_dim3A_422, %gather3A_136] : memref<16x384xf32, #tpu.memory_space<vmem>>[vector<16xi32>, vector<16xi32>], vector<16xf32>,
        %gather3A_1430 = tpu.vector_load_idx %arg7[%broadcast_in_dim3A_422, %gather3A_143] : memref<16x384xf32, #tpu.memory_space<vmem>>[vector<16xi32>, vector<16xi32>], vector<16xf32>,
        %gather3A_1431 = tpu.vector_load_idx %arg8[%broadcast_in_dim3A_422, %gather3A_143] : memref<16x384xf32, #tpu.memory_space<vmem>>[vector<16xi32>, vector<16xi32>], vector<16xf32>,
        %gather3A_1432 = tpu.vector_load_idx %arg9[%broadcast_in_dim3A_422, %gather3A_143] : memref<16x384xf32, #tpu.memory_space<vmem>>[vector<16xi32>, vector<16xi32>], vector<16xf32>,
        %gather3A_1433 = tpu.vector_load_idx %arg10[%broadcast_in_dim3A_422, %gather3A_129] : memref<16x384xf32, #tpu.memory_space<vmem>>[vector<16xi32>, vector<16xi32>], vector<16xf32>,
        %gather3A_1434 = tpu.vector_load_idx %arg11[%broadcast_in_dim3A_422, %gather3A_129] : memref<16x384xf32, #tpu.memory_space<vmem>>[vector<16xi32>, vector<16xi32>], vector<16xf32>,
        %gather3A_1435 = tpu.vector_load_idx %arg12[%broadcast_in_dim3A_422, %gather3A_129] : memref<16x384xf32, #tpu.memory_space<vmem>>[vector<16xi32>, vector<16xi32>], vector<16xf32>,
        %gather3A_1436 = tpu.vector_load_idx %arg10[%broadcast_in_dim3A_422, %gather3A_136] : memref<16x384xf32, #tpu.memory_space<vmem>>[vector<16xi32>, vector<16xi32>], vector<16xf32>,
        %gather3A_1437 = tpu.vector_load_idx %arg11[%broadcast_in_dim3A_422, %gather3A_136] : memref<16x384xf32, #tpu.memory_space<vmem>>[vector<16xi32>, vector<16xi32>], vector<16xf32>,
        %gather3A_1438 = tpu.vector_load_idx %arg12[%broadcast_in_dim3A_422, %gather3A_136] : memref<16x384xf32, #tpu.memory_space<vmem>>[vector<16xi32>, vector<16xi32>], vector<16xf32>,
        %gather3A_1439 = tpu.vector_load_idx %arg10[%broadcast_in_dim3A_422, %gather3A_143] : memref<16x384xf32, #tpu.memory_space<vmem>>[vector<16xi32>, vector<16xi32>], vector<16xf32>,
        %gather3A_1440 = tpu.vector_load_idx %arg11[%broadcast_in_dim3A_422, %gather3A_143] : memref<16x384xf32, #tpu.memory_space<vmem>>[vector<16xi32>, vector<16xi32>], vector<16xf32>,
        %gather3A_1441 = tpu.vector_load_idx %arg12[%broadcast_in_dim3A_422, %gather3A_143] : memref<16x384xf32, #tpu.memory_space<vmem>>[vector<16xi32>, vector<16xi32>], vector<16xf32>,
        %sub3A_1442 = arith.subf %gather3A_1424, %gather3A_1427 : vector<16xf32>
        %sub3A_1443 = arith.subf %gather3A_1425, %gather3A_1428 : vector<16xf32>
        %sub3A_1444 = arith.subf %gather3A_1426, %gather3A_1429 : vector<16xf32>
        %mul3A_1445 = arith.mulf %sub3A_1442, %sub3A_1442 : vector<16xf32>
        %mul3A_1446 = arith.mulf %sub3A_1443, %sub3A_1443 : vector<16xf32>
        %add3A_1447 = arith.addf %mul3A_1445, %mul3A_1446 : vector<16xf32>
        %mul3A_1448 = arith.mulf %sub3A_1444, %sub3A_1444 : vector<16xf32>
        %add3A_1449 = arith.addf %add3A_1447, %mul3A_1448 : vector<16xf32>
        %add3A_1450 = arith.constant 9.99999996E-13 : f32
        %add3A_1451 = vector.broadcast %add3A_1450 : f32 to vector<16xf32>
        %add3A_1452 = arith.addf %add3A_1449, %add3A_1451 : vector<16xf32>
        %bitcast_convert_type3A_1453 = tpu.bitcast %add3A_1452 : vector<16xf32> -> vector<16xi32>
        %shift_right_logical3A_1454 = arith.constant 1 : i32
        %shift_right_logical3A_1455 = vector.broadcast %shift_right_logical3A_1454 : i32 to vector<16xi32>
        %shift_right_logical3A_1456 = arith.shrui %bitcast_convert_type3A_1453, %shift_right_logical3A_1455 : vector<16xi32>
        %sub3A_1457 = arith.constant 1597463007 : i32
        %sub3A_1458 = vector.broadcast %sub3A_1457 : i32 to vector<16xi32>
        %sub3A_1459 = arith.subi %sub3A_1458, %shift_right_logical3A_1456 : vector<16xi32>
        %bitcast_convert_type3A_1460 = tpu.bitcast %sub3A_1459 : vector<16xi32> -> vector<16xf32>
        %mul3A_1461 = arith.constant 5.000000e-01 : f32
        %mul3A_1462 = vector.broadcast %mul3A_1461 : f32 to vector<16xf32>
        %mul3A_1463 = arith.mulf %add3A_1452, %mul3A_1462 : vector<16xf32>
        %mul3A_1464 = arith.mulf %mul3A_1463, %bitcast_convert_type3A_1460 : vector<16xf32>
        %mul3A_1465 = arith.mulf %mul3A_1464, %bitcast_convert_type3A_1460 : vector<16xf32>
        %sub3A_1466 = arith.constant 1.500000e+00 : f32
        %sub3A_1467 = vector.broadcast %sub3A_1466 : f32 to vector<16xf32>
        %sub3A_1468 = arith.subf %sub3A_1467, %mul3A_1465 : vector<16xf32>
        %mul3A_1469 = arith.mulf %bitcast_convert_type3A_1460, %sub3A_1468 : vector<16xf32>
        %mul3A_1470 = arith.mulf %add3A_1452, %mul3A_1469 : vector<16xf32>
        %sub3A_1471 = arith.subf %gather3A_1433, %gather3A_1436 : vector<16xf32>
        %sub3A_1472 = arith.subf %gather3A_1434, %gather3A_1437 : vector<16xf32>
        %sub3A_1473 = arith.subf %gather3A_1435, %gather3A_1438 : vector<16xf32>
        %mul3A_1474 = arith.mulf %sub3A_1471, %sub3A_1471 : vector<16xf32>
        %mul3A_1475 = arith.mulf %sub3A_1472, %sub3A_1472 : vector<16xf32>
        %add3A_1476 = arith.addf %mul3A_1474, %mul3A_1475 : vector<16xf32>
        %mul3A_1477 = arith.mulf %sub3A_1473, %sub3A_1473 : vector<16xf32>
        %add3A_1478 = arith.addf %add3A_1476, %mul3A_1477 : vector<16xf32>
        %add3A_1479 = arith.constant 9.99999996E-13 : f32
        %add3A_1480 = vector.broadcast %add3A_1479 : f32 to vector<16xf32>
        %add3A_1481 = arith.addf %add3A_1478, %add3A_1480 : vector<16xf32>
        %bitcast_convert_type3A_1482 = tpu.bitcast %add3A_1481 : vector<16xf32> -> vector<16xi32>
        %shift_right_logical3A_1483 = arith.constant 1 : i32
        %shift_right_logical3A_1484 = vector.broadcast %shift_right_logical3A_1483 : i32 to vector<16xi32>
        %shift_right_logical3A_1485 = arith.shrui %bitcast_convert_type3A_1482, %shift_right_logical3A_1484 : vector<16xi32>
        %sub3A_1486 = arith.constant 1597463007 : i32
        %sub3A_1487 = vector.broadcast %sub3A_1486 : i32 to vector<16xi32>
        %sub3A_1488 = arith.subi %sub3A_1487, %shift_right_logical3A_1485 : vector<16xi32>
        %bitcast_convert_type3A_1489 = tpu.bitcast %sub3A_1488 : vector<16xi32> -> vector<16xf32>
        %mul3A_1490 = arith.constant 5.000000e-01 : f32
        %mul3A_1491 = vector.broadcast %mul3A_1490 : f32 to vector<16xf32>
        %mul3A_1492 = arith.mulf %add3A_1481, %mul3A_1491 : vector<16xf32>
        %mul3A_1493 = arith.mulf %mul3A_1492, %bitcast_convert_type3A_1489 : vector<16xf32>
        %mul3A_1494 = arith.mulf %mul3A_1493, %bitcast_convert_type3A_1489 : vector<16xf32>
        %sub3A_1495 = arith.constant 1.500000e+00 : f32
        %sub3A_1496 = vector.broadcast %sub3A_1495 : f32 to vector<16xf32>
        %sub3A_1497 = arith.subf %sub3A_1496, %mul3A_1494 : vector<16xf32>
        %mul3A_1498 = arith.mulf %bitcast_convert_type3A_1489, %sub3A_1497 : vector<16xf32>
        %mul3A_1499 = arith.mulf %add3A_1481, %mul3A_1498 : vector<16xf32>
        %sub3A_1500 = arith.subf %mul3A_1470, %mul3A_1499 : vector<16xf32>
        %abs3A_1501 = math.absf %sub3A_1500 : vector<16xf32>
        %add3A_1502 = arith.addf %add3A_1423, %abs3A_1501 : vector<16xf32>
        %sub3A_1503 = arith.subf %gather3A_1424, %gather3A_1430 : vector<16xf32>
        %sub3A_1504 = arith.subf %gather3A_1425, %gather3A_1431 : vector<16xf32>
        %sub3A_1505 = arith.subf %gather3A_1426, %gather3A_1432 : vector<16xf32>
        %mul3A_1506 = arith.mulf %sub3A_1503, %sub3A_1503 : vector<16xf32>
        %mul3A_1507 = arith.mulf %sub3A_1504, %sub3A_1504 : vector<16xf32>
        %add3A_1508 = arith.addf %mul3A_1506, %mul3A_1507 : vector<16xf32>
        %mul3A_1509 = arith.mulf %sub3A_1505, %sub3A_1505 : vector<16xf32>
        %add3A_1510 = arith.addf %add3A_1508, %mul3A_1509 : vector<16xf32>
        %add3A_1511 = arith.constant 9.99999996E-13 : f32
        %add3A_1512 = vector.broadcast %add3A_1511 : f32 to vector<16xf32>
        %add3A_1513 = arith.addf %add3A_1510, %add3A_1512 : vector<16xf32>
        %bitcast_convert_type3A_1514 = tpu.bitcast %add3A_1513 : vector<16xf32> -> vector<16xi32>
        %shift_right_logical3A_1515 = arith.constant 1 : i32
        %shift_right_logical3A_1516 = vector.broadcast %shift_right_logical3A_1515 : i32 to vector<16xi32>
        %shift_right_logical3A_1517 = arith.shrui %bitcast_convert_type3A_1514, %shift_right_logical3A_1516 : vector<16xi32>
        %sub3A_1518 = arith.constant 1597463007 : i32
        %sub3A_1519 = vector.broadcast %sub3A_1518 : i32 to vector<16xi32>
        %sub3A_1520 = arith.subi %sub3A_1519, %shift_right_logical3A_1517 : vector<16xi32>
        %bitcast_convert_type3A_1521 = tpu.bitcast %sub3A_1520 : vector<16xi32> -> vector<16xf32>
        %mul3A_1522 = arith.constant 5.000000e-01 : f32
        %mul3A_1523 = vector.broadcast %mul3A_1522 : f32 to vector<16xf32>
        %mul3A_1524 = arith.mulf %add3A_1513, %mul3A_1523 : vector<16xf32>
        %mul3A_1525 = arith.mulf %mul3A_1524, %bitcast_convert_type3A_1521 : vector<16xf32>
        %mul3A_1526 = arith.mulf %mul3A_1525, %bitcast_convert_type3A_1521 : vector<16xf32>
        %sub3A_1527 = arith.constant 1.500000e+00 : f32
        %sub3A_1528 = vector.broadcast %sub3A_1527 : f32 to vector<16xf32>
        %sub3A_1529 = arith.subf %sub3A_1528, %mul3A_1526 : vector<16xf32>
        %mul3A_1530 = arith.mulf %bitcast_convert_type3A_1521, %sub3A_1529 : vector<16xf32>
        %mul3A_1531 = arith.mulf %add3A_1513, %mul3A_1530 : vector<16xf32>
        %sub3A_1532 = arith.subf %gather3A_1433, %gather3A_1439 : vector<16xf32>
        %sub3A_1533 = arith.subf %gather3A_1434, %gather3A_1440 : vector<16xf32>
        %sub3A_1534 = arith.subf %gather3A_1435, %gather3A_1441 : vector<16xf32>
        %mul3A_1535 = arith.mulf %sub3A_1532, %sub3A_1532 : vector<16xf32>
        %mul3A_1536 = arith.mulf %sub3A_1533, %sub3A_1533 : vector<16xf32>
        %add3A_1537 = arith.addf %mul3A_1535, %mul3A_1536 : vector<16xf32>
        %mul3A_1538 = arith.mulf %sub3A_1534, %sub3A_1534 : vector<16xf32>
        %add3A_1539 = arith.addf %add3A_1537, %mul3A_1538 : vector<16xf32>
        %add3A_1540 = arith.constant 9.99999996E-13 : f32
        %add3A_1541 = vector.broadcast %add3A_1540 : f32 to vector<16xf32>
        %add3A_1542 = arith.addf %add3A_1539, %add3A_1541 : vector<16xf32>
        %bitcast_convert_type3A_1543 = tpu.bitcast %add3A_1542 : vector<16xf32> -> vector<16xi32>
        %shift_right_logical3A_1544 = arith.constant 1 : i32
        %shift_right_logical3A_1545 = vector.broadcast %shift_right_logical3A_1544 : i32 to vector<16xi32>
        %shift_right_logical3A_1546 = arith.shrui %bitcast_convert_type3A_1543, %shift_right_logical3A_1545 : vector<16xi32>
        %sub3A_1547 = arith.constant 1597463007 : i32
        %sub3A_1548 = vector.broadcast %sub3A_1547 : i32 to vector<16xi32>
        %sub3A_1549 = arith.subi %sub3A_1548, %shift_right_logical3A_1546 : vector<16xi32>
        %bitcast_convert_type3A_1550 = tpu.bitcast %sub3A_1549 : vector<16xi32> -> vector<16xf32>
        %mul3A_1551 = arith.constant 5.000000e-01 : f32
        %mul3A_1552 = vector.broadcast %mul3A_1551 : f32 to vector<16xf32>
        %mul3A_1553 = arith.mulf %add3A_1542, %mul3A_1552 : vector<16xf32>
        %mul3A_1554 = arith.mulf %mul3A_1553, %bitcast_convert_type3A_1550 : vector<16xf32>
        %mul3A_1555 = arith.mulf %mul3A_1554, %bitcast_convert_type3A_1550 : vector<16xf32>
        %sub3A_1556 = arith.constant 1.500000e+00 : f32
        %sub3A_1557 = vector.broadcast %sub3A_1556 : f32 to vector<16xf32>
        %sub3A_1558 = arith.subf %sub3A_1557, %mul3A_1555 : vector<16xf32>
        %mul3A_1559 = arith.mulf %bitcast_convert_type3A_1550, %sub3A_1558 : vector<16xf32>
        %mul3A_1560 = arith.mulf %add3A_1542, %mul3A_1559 : vector<16xf32>
        %sub3A_1561 = arith.subf %mul3A_1531, %mul3A_1560 : vector<16xf32>
        %abs3A_1562 = math.absf %sub3A_1561 : vector<16xf32>
        %add3A_1563 = arith.addf %add3A_1502, %abs3A_1562 : vector<16xf32>
        %sub3A_1564 = arith.subf %gather3A_1427, %gather3A_1430 : vector<16xf32>
        %sub3A_1565 = arith.subf %gather3A_1428, %gather3A_1431 : vector<16xf32>
        %sub3A_1566 = arith.subf %gather3A_1429, %gather3A_1432 : vector<16xf32>
        %mul3A_1567 = arith.mulf %sub3A_1564, %sub3A_1564 : vector<16xf32>
        %mul3A_1568 = arith.mulf %sub3A_1565, %sub3A_1565 : vector<16xf32>
        %add3A_1569 = arith.addf %mul3A_1567, %mul3A_1568 : vector<16xf32>
        %mul3A_1570 = arith.mulf %sub3A_1566, %sub3A_1566 : vector<16xf32>
        %add3A_1571 = arith.addf %add3A_1569, %mul3A_1570 : vector<16xf32>
        %add3A_1572 = arith.constant 9.99999996E-13 : f32
        %add3A_1573 = vector.broadcast %add3A_1572 : f32 to vector<16xf32>
        %add3A_1574 = arith.addf %add3A_1571, %add3A_1573 : vector<16xf32>
        %bitcast_convert_type3A_1575 = tpu.bitcast %add3A_1574 : vector<16xf32> -> vector<16xi32>
        %shift_right_logical3A_1576 = arith.constant 1 : i32
        %shift_right_logical3A_1577 = vector.broadcast %shift_right_logical3A_1576 : i32 to vector<16xi32>
        %shift_right_logical3A_1578 = arith.shrui %bitcast_convert_type3A_1575, %shift_right_logical3A_1577 : vector<16xi32>
        %sub3A_1579 = arith.constant 1597463007 : i32
        %sub3A_1580 = vector.broadcast %sub3A_1579 : i32 to vector<16xi32>
        %sub3A_1581 = arith.subi %sub3A_1580, %shift_right_logical3A_1578 : vector<16xi32>
        %bitcast_convert_type3A_1582 = tpu.bitcast %sub3A_1581 : vector<16xi32> -> vector<16xf32>
        %mul3A_1583 = arith.constant 5.000000e-01 : f32
        %mul3A_1584 = vector.broadcast %mul3A_1583 : f32 to vector<16xf32>
        %mul3A_1585 = arith.mulf %add3A_1574, %mul3A_1584 : vector<16xf32>
        %mul3A_1586 = arith.mulf %mul3A_1585, %bitcast_convert_type3A_1582 : vector<16xf32>
        %mul3A_1587 = arith.mulf %mul3A_1586, %bitcast_convert_type3A_1582 : vector<16xf32>
        %sub3A_1588 = arith.constant 1.500000e+00 : f32
        %sub3A_1589 = vector.broadcast %sub3A_1588 : f32 to vector<16xf32>
        %sub3A_1590 = arith.subf %sub3A_1589, %mul3A_1587 : vector<16xf32>
        %mul3A_1591 = arith.mulf %bitcast_convert_type3A_1582, %sub3A_1590 : vector<16xf32>
        %mul3A_1592 = arith.mulf %add3A_1574, %mul3A_1591 : vector<16xf32>
        %sub3A_1593 = arith.subf %gather3A_1436, %gather3A_1439 : vector<16xf32>
        %sub3A_1594 = arith.subf %gather3A_1437, %gather3A_1440 : vector<16xf32>
        %sub3A_1595 = arith.subf %gather3A_1438, %gather3A_1441 : vector<16xf32>
        %mul3A_1596 = arith.mulf %sub3A_1593, %sub3A_1593 : vector<16xf32>
        %mul3A_1597 = arith.mulf %sub3A_1594, %sub3A_1594 : vector<16xf32>
        %add3A_1598 = arith.addf %mul3A_1596, %mul3A_1597 : vector<16xf32>
        %mul3A_1599 = arith.mulf %sub3A_1595, %sub3A_1595 : vector<16xf32>
        %add3A_1600 = arith.addf %add3A_1598, %mul3A_1599 : vector<16xf32>
        %add3A_1601 = arith.constant 9.99999996E-13 : f32
        %add3A_1602 = vector.broadcast %add3A_1601 : f32 to vector<16xf32>
        %add3A_1603 = arith.addf %add3A_1600, %add3A_1602 : vector<16xf32>
        %bitcast_convert_type3A_1604 = tpu.bitcast %add3A_1603 : vector<16xf32> -> vector<16xi32>
        %shift_right_logical3A_1605 = arith.constant 1 : i32
        %shift_right_logical3A_1606 = vector.broadcast %shift_right_logical3A_1605 : i32 to vector<16xi32>
        %shift_right_logical3A_1607 = arith.shrui %bitcast_convert_type3A_1604, %shift_right_logical3A_1606 : vector<16xi32>
        %sub3A_1608 = arith.constant 1597463007 : i32
        %sub3A_1609 = vector.broadcast %sub3A_1608 : i32 to vector<16xi32>
        %sub3A_1610 = arith.subi %sub3A_1609, %shift_right_logical3A_1607 : vector<16xi32>
        %bitcast_convert_type3A_1611 = tpu.bitcast %sub3A_1610 : vector<16xi32> -> vector<16xf32>
        %mul3A_1612 = arith.constant 5.000000e-01 : f32
        %mul3A_1613 = vector.broadcast %mul3A_1612 : f32 to vector<16xf32>
        %mul3A_1614 = arith.mulf %add3A_1603, %mul3A_1613 : vector<16xf32>
        %mul3A_1615 = arith.mulf %mul3A_1614, %bitcast_convert_type3A_1611 : vector<16xf32>
        %mul3A_1616 = arith.mulf %mul3A_1615, %bitcast_convert_type3A_1611 : vector<16xf32>
        %sub3A_1617 = arith.constant 1.500000e+00 : f32
        %sub3A_1618 = vector.broadcast %sub3A_1617 : f32 to vector<16xf32>
        %sub3A_1619 = arith.subf %sub3A_1618, %mul3A_1616 : vector<16xf32>
        %mul3A_1620 = arith.mulf %bitcast_convert_type3A_1611, %sub3A_1619 : vector<16xf32>
        %mul3A_1621 = arith.mulf %add3A_1603, %mul3A_1620 : vector<16xf32>
        %sub3A_1622 = arith.subf %mul3A_1592, %mul3A_1621 : vector<16xf32>
        %abs3A_1623 = math.absf %sub3A_1622 : vector<16xf32>
        %add3A_1624 = arith.addf %add3A_1563, %abs3A_1623 : vector<16xf32>
        %gather3A_1625 = tpu.vector_load_idx %arg7[%broadcast_in_dim3A_422, %gather3A_153] : memref<16x384xf32, #tpu.memory_space<vmem>>[vector<16xi32>, vector<16xi32>], vector<16xf32>,
        %gather3A_1626 = tpu.vector_load_idx %arg8[%broadcast_in_dim3A_422, %gather3A_153] : memref<16x384xf32, #tpu.memory_space<vmem>>[vector<16xi32>, vector<16xi32>], vector<16xf32>,
        %gather3A_1627 = tpu.vector_load_idx %arg9[%broadcast_in_dim3A_422, %gather3A_153] : memref<16x384xf32, #tpu.memory_space<vmem>>[vector<16xi32>, vector<16xi32>], vector<16xf32>,
        %gather3A_1628 = tpu.vector_load_idx %arg7[%broadcast_in_dim3A_422, %gather3A_160] : memref<16x384xf32, #tpu.memory_space<vmem>>[vector<16xi32>, vector<16xi32>], vector<16xf32>,
        %gather3A_1629 = tpu.vector_load_idx %arg8[%broadcast_in_dim3A_422, %gather3A_160] : memref<16x384xf32, #tpu.memory_space<vmem>>[vector<16xi32>, vector<16xi32>], vector<16xf32>,
        %gather3A_1630 = tpu.vector_load_idx %arg9[%broadcast_in_dim3A_422, %gather3A_160] : memref<16x384xf32, #tpu.memory_space<vmem>>[vector<16xi32>, vector<16xi32>], vector<16xf32>,
        %gather3A_1631 = tpu.vector_load_idx %arg7[%broadcast_in_dim3A_422, %gather3A_167] : memref<16x384xf32, #tpu.memory_space<vmem>>[vector<16xi32>, vector<16xi32>], vector<16xf32>,
        %gather3A_1632 = tpu.vector_load_idx %arg8[%broadcast_in_dim3A_422, %gather3A_167] : memref<16x384xf32, #tpu.memory_space<vmem>>[vector<16xi32>, vector<16xi32>], vector<16xf32>,
        %gather3A_1633 = tpu.vector_load_idx %arg9[%broadcast_in_dim3A_422, %gather3A_167] : memref<16x384xf32, #tpu.memory_space<vmem>>[vector<16xi32>, vector<16xi32>], vector<16xf32>,
        %gather3A_1634 = tpu.vector_load_idx %arg10[%broadcast_in_dim3A_422, %gather3A_153] : memref<16x384xf32, #tpu.memory_space<vmem>>[vector<16xi32>, vector<16xi32>], vector<16xf32>,
        %gather3A_1635 = tpu.vector_load_idx %arg11[%broadcast_in_dim3A_422, %gather3A_153] : memref<16x384xf32, #tpu.memory_space<vmem>>[vector<16xi32>, vector<16xi32>], vector<16xf32>,
        %gather3A_1636 = tpu.vector_load_idx %arg12[%broadcast_in_dim3A_422, %gather3A_153] : memref<16x384xf32, #tpu.memory_space<vmem>>[vector<16xi32>, vector<16xi32>], vector<16xf32>,
        %gather3A_1637 = tpu.vector_load_idx %arg10[%broadcast_in_dim3A_422, %gather3A_160] : memref<16x384xf32, #tpu.memory_space<vmem>>[vector<16xi32>, vector<16xi32>], vector<16xf32>,
        %gather3A_1638 = tpu.vector_load_idx %arg11[%broadcast_in_dim3A_422, %gather3A_160] : memref<16x384xf32, #tpu.memory_space<vmem>>[vector<16xi32>, vector<16xi32>], vector<16xf32>,
        %gather3A_1639 = tpu.vector_load_idx %arg12[%broadcast_in_dim3A_422, %gather3A_160] : memref<16x384xf32, #tpu.memory_space<vmem>>[vector<16xi32>, vector<16xi32>], vector<16xf32>,
        %gather3A_1640 = tpu.vector_load_idx %arg10[%broadcast_in_dim3A_422, %gather3A_167] : memref<16x384xf32, #tpu.memory_space<vmem>>[vector<16xi32>, vector<16xi32>], vector<16xf32>,
        %gather3A_1641 = tpu.vector_load_idx %arg11[%broadcast_in_dim3A_422, %gather3A_167] : memref<16x384xf32, #tpu.memory_space<vmem>>[vector<16xi32>, vector<16xi32>], vector<16xf32>,
        %gather3A_1642 = tpu.vector_load_idx %arg12[%broadcast_in_dim3A_422, %gather3A_167] : memref<16x384xf32, #tpu.memory_space<vmem>>[vector<16xi32>, vector<16xi32>], vector<16xf32>,
        %sub3A_1643 = arith.subf %gather3A_1625, %gather3A_1628 : vector<16xf32>
        %sub3A_1644 = arith.subf %gather3A_1626, %gather3A_1629 : vector<16xf32>
        %sub3A_1645 = arith.subf %gather3A_1627, %gather3A_1630 : vector<16xf32>
        %mul3A_1646 = arith.mulf %sub3A_1643, %sub3A_1643 : vector<16xf32>
        %mul3A_1647 = arith.mulf %sub3A_1644, %sub3A_1644 : vector<16xf32>
        %add3A_1648 = arith.addf %mul3A_1646, %mul3A_1647 : vector<16xf32>
        %mul3A_1649 = arith.mulf %sub3A_1645, %sub3A_1645 : vector<16xf32>
        %add3A_1650 = arith.addf %add3A_1648, %mul3A_1649 : vector<16xf32>
        %add3A_1651 = arith.constant 9.99999996E-13 : f32
        %add3A_1652 = vector.broadcast %add3A_1651 : f32 to vector<16xf32>
        %add3A_1653 = arith.addf %add3A_1650, %add3A_1652 : vector<16xf32>
        %bitcast_convert_type3A_1654 = tpu.bitcast %add3A_1653 : vector<16xf32> -> vector<16xi32>
        %shift_right_logical3A_1655 = arith.constant 1 : i32
        %shift_right_logical3A_1656 = vector.broadcast %shift_right_logical3A_1655 : i32 to vector<16xi32>
        %shift_right_logical3A_1657 = arith.shrui %bitcast_convert_type3A_1654, %shift_right_logical3A_1656 : vector<16xi32>
        %sub3A_1658 = arith.constant 1597463007 : i32
        %sub3A_1659 = vector.broadcast %sub3A_1658 : i32 to vector<16xi32>
        %sub3A_1660 = arith.subi %sub3A_1659, %shift_right_logical3A_1657 : vector<16xi32>
        %bitcast_convert_type3A_1661 = tpu.bitcast %sub3A_1660 : vector<16xi32> -> vector<16xf32>
        %mul3A_1662 = arith.constant 5.000000e-01 : f32
        %mul3A_1663 = vector.broadcast %mul3A_1662 : f32 to vector<16xf32>
        %mul3A_1664 = arith.mulf %add3A_1653, %mul3A_1663 : vector<16xf32>
        %mul3A_1665 = arith.mulf %mul3A_1664, %bitcast_convert_type3A_1661 : vector<16xf32>
        %mul3A_1666 = arith.mulf %mul3A_1665, %bitcast_convert_type3A_1661 : vector<16xf32>
        %sub3A_1667 = arith.constant 1.500000e+00 : f32
        %sub3A_1668 = vector.broadcast %sub3A_1667 : f32 to vector<16xf32>
        %sub3A_1669 = arith.subf %sub3A_1668, %mul3A_1666 : vector<16xf32>
        %mul3A_1670 = arith.mulf %bitcast_convert_type3A_1661, %sub3A_1669 : vector<16xf32>
        %mul3A_1671 = arith.mulf %add3A_1653, %mul3A_1670 : vector<16xf32>
        %sub3A_1672 = arith.subf %gather3A_1634, %gather3A_1637 : vector<16xf32>
        %sub3A_1673 = arith.subf %gather3A_1635, %gather3A_1638 : vector<16xf32>
        %sub3A_1674 = arith.subf %gather3A_1636, %gather3A_1639 : vector<16xf32>
        %mul3A_1675 = arith.mulf %sub3A_1672, %sub3A_1672 : vector<16xf32>
        %mul3A_1676 = arith.mulf %sub3A_1673, %sub3A_1673 : vector<16xf32>
        %add3A_1677 = arith.addf %mul3A_1675, %mul3A_1676 : vector<16xf32>
        %mul3A_1678 = arith.mulf %sub3A_1674, %sub3A_1674 : vector<16xf32>
        %add3A_1679 = arith.addf %add3A_1677, %mul3A_1678 : vector<16xf32>
        %add3A_1680 = arith.constant 9.99999996E-13 : f32
        %add3A_1681 = vector.broadcast %add3A_1680 : f32 to vector<16xf32>
        %add3A_1682 = arith.addf %add3A_1679, %add3A_1681 : vector<16xf32>
        %bitcast_convert_type3A_1683 = tpu.bitcast %add3A_1682 : vector<16xf32> -> vector<16xi32>
        %shift_right_logical3A_1684 = arith.constant 1 : i32
        %shift_right_logical3A_1685 = vector.broadcast %shift_right_logical3A_1684 : i32 to vector<16xi32>
        %shift_right_logical3A_1686 = arith.shrui %bitcast_convert_type3A_1683, %shift_right_logical3A_1685 : vector<16xi32>
        %sub3A_1687 = arith.constant 1597463007 : i32
        %sub3A_1688 = vector.broadcast %sub3A_1687 : i32 to vector<16xi32>
        %sub3A_1689 = arith.subi %sub3A_1688, %shift_right_logical3A_1686 : vector<16xi32>
        %bitcast_convert_type3A_1690 = tpu.bitcast %sub3A_1689 : vector<16xi32> -> vector<16xf32>
        %mul3A_1691 = arith.constant 5.000000e-01 : f32
        %mul3A_1692 = vector.broadcast %mul3A_1691 : f32 to vector<16xf32>
        %mul3A_1693 = arith.mulf %add3A_1682, %mul3A_1692 : vector<16xf32>
        %mul3A_1694 = arith.mulf %mul3A_1693, %bitcast_convert_type3A_1690 : vector<16xf32>
        %mul3A_1695 = arith.mulf %mul3A_1694, %bitcast_convert_type3A_1690 : vector<16xf32>
        %sub3A_1696 = arith.constant 1.500000e+00 : f32
        %sub3A_1697 = vector.broadcast %sub3A_1696 : f32 to vector<16xf32>
        %sub3A_1698 = arith.subf %sub3A_1697, %mul3A_1695 : vector<16xf32>
        %mul3A_1699 = arith.mulf %bitcast_convert_type3A_1690, %sub3A_1698 : vector<16xf32>
        %mul3A_1700 = arith.mulf %add3A_1682, %mul3A_1699 : vector<16xf32>
        %sub3A_1701 = arith.subf %mul3A_1671, %mul3A_1700 : vector<16xf32>
        %abs3A_1702 = math.absf %sub3A_1701 : vector<16xf32>
        %add3A_1703 = arith.addf %add3A_1624, %abs3A_1702 : vector<16xf32>
        %sub3A_1704 = arith.subf %gather3A_1625, %gather3A_1631 : vector<16xf32>
        %sub3A_1705 = arith.subf %gather3A_1626, %gather3A_1632 : vector<16xf32>
        %sub3A_1706 = arith.subf %gather3A_1627, %gather3A_1633 : vector<16xf32>
        %mul3A_1707 = arith.mulf %sub3A_1704, %sub3A_1704 : vector<16xf32>
        %mul3A_1708 = arith.mulf %sub3A_1705, %sub3A_1705 : vector<16xf32>
        %add3A_1709 = arith.addf %mul3A_1707, %mul3A_1708 : vector<16xf32>
        %mul3A_1710 = arith.mulf %sub3A_1706, %sub3A_1706 : vector<16xf32>
        %add3A_1711 = arith.addf %add3A_1709, %mul3A_1710 : vector<16xf32>
        %add3A_1712 = arith.constant 9.99999996E-13 : f32
        %add3A_1713 = vector.broadcast %add3A_1712 : f32 to vector<16xf32>
        %add3A_1714 = arith.addf %add3A_1711, %add3A_1713 : vector<16xf32>
        %bitcast_convert_type3A_1715 = tpu.bitcast %add3A_1714 : vector<16xf32> -> vector<16xi32>
        %shift_right_logical3A_1716 = arith.constant 1 : i32
        %shift_right_logical3A_1717 = vector.broadcast %shift_right_logical3A_1716 : i32 to vector<16xi32>
        %shift_right_logical3A_1718 = arith.shrui %bitcast_convert_type3A_1715, %shift_right_logical3A_1717 : vector<16xi32>
        %sub3A_1719 = arith.constant 1597463007 : i32
        %sub3A_1720 = vector.broadcast %sub3A_1719 : i32 to vector<16xi32>
        %sub3A_1721 = arith.subi %sub3A_1720, %shift_right_logical3A_1718 : vector<16xi32>
        %bitcast_convert_type3A_1722 = tpu.bitcast %sub3A_1721 : vector<16xi32> -> vector<16xf32>
        %mul3A_1723 = arith.constant 5.000000e-01 : f32
        %mul3A_1724 = vector.broadcast %mul3A_1723 : f32 to vector<16xf32>
        %mul3A_1725 = arith.mulf %add3A_1714, %mul3A_1724 : vector<16xf32>
        %mul3A_1726 = arith.mulf %mul3A_1725, %bitcast_convert_type3A_1722 : vector<16xf32>
        %mul3A_1727 = arith.mulf %mul3A_1726, %bitcast_convert_type3A_1722 : vector<16xf32>
        %sub3A_1728 = arith.constant 1.500000e+00 : f32
        %sub3A_1729 = vector.broadcast %sub3A_1728 : f32 to vector<16xf32>
        %sub3A_1730 = arith.subf %sub3A_1729, %mul3A_1727 : vector<16xf32>
        %mul3A_1731 = arith.mulf %bitcast_convert_type3A_1722, %sub3A_1730 : vector<16xf32>
        %mul3A_1732 = arith.mulf %add3A_1714, %mul3A_1731 : vector<16xf32>
        %sub3A_1733 = arith.subf %gather3A_1634, %gather3A_1640 : vector<16xf32>
        %sub3A_1734 = arith.subf %gather3A_1635, %gather3A_1641 : vector<16xf32>
        %sub3A_1735 = arith.subf %gather3A_1636, %gather3A_1642 : vector<16xf32>
        %mul3A_1736 = arith.mulf %sub3A_1733, %sub3A_1733 : vector<16xf32>
        %mul3A_1737 = arith.mulf %sub3A_1734, %sub3A_1734 : vector<16xf32>
        %add3A_1738 = arith.addf %mul3A_1736, %mul3A_1737 : vector<16xf32>
        %mul3A_1739 = arith.mulf %sub3A_1735, %sub3A_1735 : vector<16xf32>
        %add3A_1740 = arith.addf %add3A_1738, %mul3A_1739 : vector<16xf32>
        %add3A_1741 = arith.constant 9.99999996E-13 : f32
        %add3A_1742 = vector.broadcast %add3A_1741 : f32 to vector<16xf32>
        %add3A_1743 = arith.addf %add3A_1740, %add3A_1742 : vector<16xf32>
        %bitcast_convert_type3A_1744 = tpu.bitcast %add3A_1743 : vector<16xf32> -> vector<16xi32>
        %shift_right_logical3A_1745 = arith.constant 1 : i32
        %shift_right_logical3A_1746 = vector.broadcast %shift_right_logical3A_1745 : i32 to vector<16xi32>
        %shift_right_logical3A_1747 = arith.shrui %bitcast_convert_type3A_1744, %shift_right_logical3A_1746 : vector<16xi32>
        %sub3A_1748 = arith.constant 1597463007 : i32
        %sub3A_1749 = vector.broadcast %sub3A_1748 : i32 to vector<16xi32>
        %sub3A_1750 = arith.subi %sub3A_1749, %shift_right_logical3A_1747 : vector<16xi32>
        %bitcast_convert_type3A_1751 = tpu.bitcast %sub3A_1750 : vector<16xi32> -> vector<16xf32>
        %mul3A_1752 = arith.constant 5.000000e-01 : f32
        %mul3A_1753 = vector.broadcast %mul3A_1752 : f32 to vector<16xf32>
        %mul3A_1754 = arith.mulf %add3A_1743, %mul3A_1753 : vector<16xf32>
        %mul3A_1755 = arith.mulf %mul3A_1754, %bitcast_convert_type3A_1751 : vector<16xf32>
        %mul3A_1756 = arith.mulf %mul3A_1755, %bitcast_convert_type3A_1751 : vector<16xf32>
        %sub3A_1757 = arith.constant 1.500000e+00 : f32
        %sub3A_1758 = vector.broadcast %sub3A_1757 : f32 to vector<16xf32>
        %sub3A_1759 = arith.subf %sub3A_1758, %mul3A_1756 : vector<16xf32>
        %mul3A_1760 = arith.mulf %bitcast_convert_type3A_1751, %sub3A_1759 : vector<16xf32>
        %mul3A_1761 = arith.mulf %add3A_1743, %mul3A_1760 : vector<16xf32>
        %sub3A_1762 = arith.subf %mul3A_1732, %mul3A_1761 : vector<16xf32>
        %abs3A_1763 = math.absf %sub3A_1762 : vector<16xf32>
        %add3A_1764 = arith.addf %add3A_1703, %abs3A_1763 : vector<16xf32>
        %sub3A_1765 = arith.subf %gather3A_1628, %gather3A_1631 : vector<16xf32>
        %sub3A_1766 = arith.subf %gather3A_1629, %gather3A_1632 : vector<16xf32>
        %sub3A_1767 = arith.subf %gather3A_1630, %gather3A_1633 : vector<16xf32>
        %mul3A_1768 = arith.mulf %sub3A_1765, %sub3A_1765 : vector<16xf32>
        %mul3A_1769 = arith.mulf %sub3A_1766, %sub3A_1766 : vector<16xf32>
        %add3A_1770 = arith.addf %mul3A_1768, %mul3A_1769 : vector<16xf32>
        %mul3A_1771 = arith.mulf %sub3A_1767, %sub3A_1767 : vector<16xf32>
        %add3A_1772 = arith.addf %add3A_1770, %mul3A_1771 : vector<16xf32>
        %add3A_1773 = arith.constant 9.99999996E-13 : f32
        %add3A_1774 = vector.broadcast %add3A_1773 : f32 to vector<16xf32>
        %add3A_1775 = arith.addf %add3A_1772, %add3A_1774 : vector<16xf32>
        %bitcast_convert_type3A_1776 = tpu.bitcast %add3A_1775 : vector<16xf32> -> vector<16xi32>
        %shift_right_logical3A_1777 = arith.constant 1 : i32
        %shift_right_logical3A_1778 = vector.broadcast %shift_right_logical3A_1777 : i32 to vector<16xi32>
        %shift_right_logical3A_1779 = arith.shrui %bitcast_convert_type3A_1776, %shift_right_logical3A_1778 : vector<16xi32>
        %sub3A_1780 = arith.constant 1597463007 : i32
        %sub3A_1781 = vector.broadcast %sub3A_1780 : i32 to vector<16xi32>
        %sub3A_1782 = arith.subi %sub3A_1781, %shift_right_logical3A_1779 : vector<16xi32>
        %bitcast_convert_type3A_1783 = tpu.bitcast %sub3A_1782 : vector<16xi32> -> vector<16xf32>
        %mul3A_1784 = arith.constant 5.000000e-01 : f32
        %mul3A_1785 = vector.broadcast %mul3A_1784 : f32 to vector<16xf32>
        %mul3A_1786 = arith.mulf %add3A_1775, %mul3A_1785 : vector<16xf32>
        %mul3A_1787 = arith.mulf %mul3A_1786, %bitcast_convert_type3A_1783 : vector<16xf32>
        %mul3A_1788 = arith.mulf %mul3A_1787, %bitcast_convert_type3A_1783 : vector<16xf32>
        %sub3A_1789 = arith.constant 1.500000e+00 : f32
        %sub3A_1790 = vector.broadcast %sub3A_1789 : f32 to vector<16xf32>
        %sub3A_1791 = arith.subf %sub3A_1790, %mul3A_1788 : vector<16xf32>
        %mul3A_1792 = arith.mulf %bitcast_convert_type3A_1783, %sub3A_1791 : vector<16xf32>
        %mul3A_1793 = arith.mulf %add3A_1775, %mul3A_1792 : vector<16xf32>
        %sub3A_1794 = arith.subf %gather3A_1637, %gather3A_1640 : vector<16xf32>
        %sub3A_1795 = arith.subf %gather3A_1638, %gather3A_1641 : vector<16xf32>
        %sub3A_1796 = arith.subf %gather3A_1639, %gather3A_1642 : vector<16xf32>
        %mul3A_1797 = arith.mulf %sub3A_1794, %sub3A_1794 : vector<16xf32>
        %mul3A_1798 = arith.mulf %sub3A_1795, %sub3A_1795 : vector<16xf32>
        %add3A_1799 = arith.addf %mul3A_1797, %mul3A_1798 : vector<16xf32>
        %mul3A_1800 = arith.mulf %sub3A_1796, %sub3A_1796 : vector<16xf32>
        %add3A_1801 = arith.addf %add3A_1799, %mul3A_1800 : vector<16xf32>
        %add3A_1802 = arith.constant 9.99999996E-13 : f32
        %add3A_1803 = vector.broadcast %add3A_1802 : f32 to vector<16xf32>
        %add3A_1804 = arith.addf %add3A_1801, %add3A_1803 : vector<16xf32>
        %bitcast_convert_type3A_1805 = tpu.bitcast %add3A_1804 : vector<16xf32> -> vector<16xi32>
        %shift_right_logical3A_1806 = arith.constant 1 : i32
        %shift_right_logical3A_1807 = vector.broadcast %shift_right_logical3A_1806 : i32 to vector<16xi32>
        %shift_right_logical3A_1808 = arith.shrui %bitcast_convert_type3A_1805, %shift_right_logical3A_1807 : vector<16xi32>
        %sub3A_1809 = arith.constant 1597463007 : i32
        %sub3A_1810 = vector.broadcast %sub3A_1809 : i32 to vector<16xi32>
        %sub3A_1811 = arith.subi %sub3A_1810, %shift_right_logical3A_1808 : vector<16xi32>
        %bitcast_convert_type3A_1812 = tpu.bitcast %sub3A_1811 : vector<16xi32> -> vector<16xf32>
        %mul3A_1813 = arith.constant 5.000000e-01 : f32
        %mul3A_1814 = vector.broadcast %mul3A_1813 : f32 to vector<16xf32>
        %mul3A_1815 = arith.mulf %add3A_1804, %mul3A_1814 : vector<16xf32>
        %mul3A_1816 = arith.mulf %mul3A_1815, %bitcast_convert_type3A_1812 : vector<16xf32>
        %mul3A_1817 = arith.mulf %mul3A_1816, %bitcast_convert_type3A_1812 : vector<16xf32>
        %sub3A_1818 = arith.constant 1.500000e+00 : f32
        %sub3A_1819 = vector.broadcast %sub3A_1818 : f32 to vector<16xf32>
        %sub3A_1820 = arith.subf %sub3A_1819, %mul3A_1817 : vector<16xf32>
        %mul3A_1821 = arith.mulf %bitcast_convert_type3A_1812, %sub3A_1820 : vector<16xf32>
        %mul3A_1822 = arith.mulf %add3A_1804, %mul3A_1821 : vector<16xf32>
        %sub3A_1823 = arith.subf %mul3A_1793, %mul3A_1822 : vector<16xf32>
        %abs3A_1824 = math.absf %sub3A_1823 : vector<16xf32>
        %add3A_1825 = arith.addf %add3A_1764, %abs3A_1824 : vector<16xf32>
        %gather3A_1826 = tpu.vector_load_idx %arg7[%broadcast_in_dim3A_422, %gather3A_177] : memref<16x384xf32, #tpu.memory_space<vmem>>[vector<16xi32>, vector<16xi32>], vector<16xf32>,
        %gather3A_1827 = tpu.vector_load_idx %arg8[%broadcast_in_dim3A_422, %gather3A_177] : memref<16x384xf32, #tpu.memory_space<vmem>>[vector<16xi32>, vector<16xi32>], vector<16xf32>,
        %gather3A_1828 = tpu.vector_load_idx %arg9[%broadcast_in_dim3A_422, %gather3A_177] : memref<16x384xf32, #tpu.memory_space<vmem>>[vector<16xi32>, vector<16xi32>], vector<16xf32>,
        %gather3A_1829 = tpu.vector_load_idx %arg7[%broadcast_in_dim3A_422, %gather3A_184] : memref<16x384xf32, #tpu.memory_space<vmem>>[vector<16xi32>, vector<16xi32>], vector<16xf32>,
        %gather3A_1830 = tpu.vector_load_idx %arg8[%broadcast_in_dim3A_422, %gather3A_184] : memref<16x384xf32, #tpu.memory_space<vmem>>[vector<16xi32>, vector<16xi32>], vector<16xf32>,
        %gather3A_1831 = tpu.vector_load_idx %arg9[%broadcast_in_dim3A_422, %gather3A_184] : memref<16x384xf32, #tpu.memory_space<vmem>>[vector<16xi32>, vector<16xi32>], vector<16xf32>,
        %gather3A_1832 = tpu.vector_load_idx %arg7[%broadcast_in_dim3A_422, %gather3A_191] : memref<16x384xf32, #tpu.memory_space<vmem>>[vector<16xi32>, vector<16xi32>], vector<16xf32>,
        %gather3A_1833 = tpu.vector_load_idx %arg8[%broadcast_in_dim3A_422, %gather3A_191] : memref<16x384xf32, #tpu.memory_space<vmem>>[vector<16xi32>, vector<16xi32>], vector<16xf32>,
        %gather3A_1834 = tpu.vector_load_idx %arg9[%broadcast_in_dim3A_422, %gather3A_191] : memref<16x384xf32, #tpu.memory_space<vmem>>[vector<16xi32>, vector<16xi32>], vector<16xf32>,
        %gather3A_1835 = tpu.vector_load_idx %arg10[%broadcast_in_dim3A_422, %gather3A_177] : memref<16x384xf32, #tpu.memory_space<vmem>>[vector<16xi32>, vector<16xi32>], vector<16xf32>,
        %gather3A_1836 = tpu.vector_load_idx %arg11[%broadcast_in_dim3A_422, %gather3A_177] : memref<16x384xf32, #tpu.memory_space<vmem>>[vector<16xi32>, vector<16xi32>], vector<16xf32>,
        %gather3A_1837 = tpu.vector_load_idx %arg12[%broadcast_in_dim3A_422, %gather3A_177] : memref<16x384xf32, #tpu.memory_space<vmem>>[vector<16xi32>, vector<16xi32>], vector<16xf32>,
        %gather3A_1838 = tpu.vector_load_idx %arg10[%broadcast_in_dim3A_422, %gather3A_184] : memref<16x384xf32, #tpu.memory_space<vmem>>[vector<16xi32>, vector<16xi32>], vector<16xf32>,
        %gather3A_1839 = tpu.vector_load_idx %arg11[%broadcast_in_dim3A_422, %gather3A_184] : memref<16x384xf32, #tpu.memory_space<vmem>>[vector<16xi32>, vector<16xi32>], vector<16xf32>,
        %gather3A_1840 = tpu.vector_load_idx %arg12[%broadcast_in_dim3A_422, %gather3A_184] : memref<16x384xf32, #tpu.memory_space<vmem>>[vector<16xi32>, vector<16xi32>], vector<16xf32>,
        %gather3A_1841 = tpu.vector_load_idx %arg10[%broadcast_in_dim3A_422, %gather3A_191] : memref<16x384xf32, #tpu.memory_space<vmem>>[vector<16xi32>, vector<16xi32>], vector<16xf32>,
        %gather3A_1842 = tpu.vector_load_idx %arg11[%broadcast_in_dim3A_422, %gather3A_191] : memref<16x384xf32, #tpu.memory_space<vmem>>[vector<16xi32>, vector<16xi32>], vector<16xf32>,
        %gather3A_1843 = tpu.vector_load_idx %arg12[%broadcast_in_dim3A_422, %gather3A_191] : memref<16x384xf32, #tpu.memory_space<vmem>>[vector<16xi32>, vector<16xi32>], vector<16xf32>,
        %sub3A_1844 = arith.subf %gather3A_1826, %gather3A_1829 : vector<16xf32>
        %sub3A_1845 = arith.subf %gather3A_1827, %gather3A_1830 : vector<16xf32>
        %sub3A_1846 = arith.subf %gather3A_1828, %gather3A_1831 : vector<16xf32>
        %mul3A_1847 = arith.mulf %sub3A_1844, %sub3A_1844 : vector<16xf32>
        %mul3A_1848 = arith.mulf %sub3A_1845, %sub3A_1845 : vector<16xf32>
        %add3A_1849 = arith.addf %mul3A_1847, %mul3A_1848 : vector<16xf32>
        %mul3A_1850 = arith.mulf %sub3A_1846, %sub3A_1846 : vector<16xf32>
        %add3A_1851 = arith.addf %add3A_1849, %mul3A_1850 : vector<16xf32>
        %add3A_1852 = arith.constant 9.99999996E-13 : f32
        %add3A_1853 = vector.broadcast %add3A_1852 : f32 to vector<16xf32>
        %add3A_1854 = arith.addf %add3A_1851, %add3A_1853 : vector<16xf32>
        %bitcast_convert_type3A_1855 = tpu.bitcast %add3A_1854 : vector<16xf32> -> vector<16xi32>
        %shift_right_logical3A_1856 = arith.constant 1 : i32
        %shift_right_logical3A_1857 = vector.broadcast %shift_right_logical3A_1856 : i32 to vector<16xi32>
        %shift_right_logical3A_1858 = arith.shrui %bitcast_convert_type3A_1855, %shift_right_logical3A_1857 : vector<16xi32>
        %sub3A_1859 = arith.constant 1597463007 : i32
        %sub3A_1860 = vector.broadcast %sub3A_1859 : i32 to vector<16xi32>
        %sub3A_1861 = arith.subi %sub3A_1860, %shift_right_logical3A_1858 : vector<16xi32>
        %bitcast_convert_type3A_1862 = tpu.bitcast %sub3A_1861 : vector<16xi32> -> vector<16xf32>
        %mul3A_1863 = arith.constant 5.000000e-01 : f32
        %mul3A_1864 = vector.broadcast %mul3A_1863 : f32 to vector<16xf32>
        %mul3A_1865 = arith.mulf %add3A_1854, %mul3A_1864 : vector<16xf32>
        %mul3A_1866 = arith.mulf %mul3A_1865, %bitcast_convert_type3A_1862 : vector<16xf32>
        %mul3A_1867 = arith.mulf %mul3A_1866, %bitcast_convert_type3A_1862 : vector<16xf32>
        %sub3A_1868 = arith.constant 1.500000e+00 : f32
        %sub3A_1869 = vector.broadcast %sub3A_1868 : f32 to vector<16xf32>
        %sub3A_1870 = arith.subf %sub3A_1869, %mul3A_1867 : vector<16xf32>
        %mul3A_1871 = arith.mulf %bitcast_convert_type3A_1862, %sub3A_1870 : vector<16xf32>
        %mul3A_1872 = arith.mulf %add3A_1854, %mul3A_1871 : vector<16xf32>
        %sub3A_1873 = arith.subf %gather3A_1835, %gather3A_1838 : vector<16xf32>
        %sub3A_1874 = arith.subf %gather3A_1836, %gather3A_1839 : vector<16xf32>
        %sub3A_1875 = arith.subf %gather3A_1837, %gather3A_1840 : vector<16xf32>
        %mul3A_1876 = arith.mulf %sub3A_1873, %sub3A_1873 : vector<16xf32>
        %mul3A_1877 = arith.mulf %sub3A_1874, %sub3A_1874 : vector<16xf32>
        %add3A_1878 = arith.addf %mul3A_1876, %mul3A_1877 : vector<16xf32>
        %mul3A_1879 = arith.mulf %sub3A_1875, %sub3A_1875 : vector<16xf32>
        %add3A_1880 = arith.addf %add3A_1878, %mul3A_1879 : vector<16xf32>
        %add3A_1881 = arith.constant 9.99999996E-13 : f32
        %add3A_1882 = vector.broadcast %add3A_1881 : f32 to vector<16xf32>
        %add3A_1883 = arith.addf %add3A_1880, %add3A_1882 : vector<16xf32>
        %bitcast_convert_type3A_1884 = tpu.bitcast %add3A_1883 : vector<16xf32> -> vector<16xi32>
        %shift_right_logical3A_1885 = arith.constant 1 : i32
        %shift_right_logical3A_1886 = vector.broadcast %shift_right_logical3A_1885 : i32 to vector<16xi32>
        %shift_right_logical3A_1887 = arith.shrui %bitcast_convert_type3A_1884, %shift_right_logical3A_1886 : vector<16xi32>
        %sub3A_1888 = arith.constant 1597463007 : i32
        %sub3A_1889 = vector.broadcast %sub3A_1888 : i32 to vector<16xi32>
        %sub3A_1890 = arith.subi %sub3A_1889, %shift_right_logical3A_1887 : vector<16xi32>
        %bitcast_convert_type3A_1891 = tpu.bitcast %sub3A_1890 : vector<16xi32> -> vector<16xf32>
        %mul3A_1892 = arith.constant 5.000000e-01 : f32
        %mul3A_1893 = vector.broadcast %mul3A_1892 : f32 to vector<16xf32>
        %mul3A_1894 = arith.mulf %add3A_1883, %mul3A_1893 : vector<16xf32>
        %mul3A_1895 = arith.mulf %mul3A_1894, %bitcast_convert_type3A_1891 : vector<16xf32>
        %mul3A_1896 = arith.mulf %mul3A_1895, %bitcast_convert_type3A_1891 : vector<16xf32>
        %sub3A_1897 = arith.constant 1.500000e+00 : f32
        %sub3A_1898 = vector.broadcast %sub3A_1897 : f32 to vector<16xf32>
        %sub3A_1899 = arith.subf %sub3A_1898, %mul3A_1896 : vector<16xf32>
        %mul3A_1900 = arith.mulf %bitcast_convert_type3A_1891, %sub3A_1899 : vector<16xf32>
        %mul3A_1901 = arith.mulf %add3A_1883, %mul3A_1900 : vector<16xf32>
        %sub3A_1902 = arith.subf %mul3A_1872, %mul3A_1901 : vector<16xf32>
        %abs3A_1903 = math.absf %sub3A_1902 : vector<16xf32>
        %add3A_1904 = arith.addf %add3A_1825, %abs3A_1903 : vector<16xf32>
        %sub3A_1905 = arith.subf %gather3A_1826, %gather3A_1832 : vector<16xf32>
        %sub3A_1906 = arith.subf %gather3A_1827, %gather3A_1833 : vector<16xf32>
        %sub3A_1907 = arith.subf %gather3A_1828, %gather3A_1834 : vector<16xf32>
        %mul3A_1908 = arith.mulf %sub3A_1905, %sub3A_1905 : vector<16xf32>
        %mul3A_1909 = arith.mulf %sub3A_1906, %sub3A_1906 : vector<16xf32>
        %add3A_1910 = arith.addf %mul3A_1908, %mul3A_1909 : vector<16xf32>
        %mul3A_1911 = arith.mulf %sub3A_1907, %sub3A_1907 : vector<16xf32>
        %add3A_1912 = arith.addf %add3A_1910, %mul3A_1911 : vector<16xf32>
        %add3A_1913 = arith.constant 9.99999996E-13 : f32
        %add3A_1914 = vector.broadcast %add3A_1913 : f32 to vector<16xf32>
        %add3A_1915 = arith.addf %add3A_1912, %add3A_1914 : vector<16xf32>
        %bitcast_convert_type3A_1916 = tpu.bitcast %add3A_1915 : vector<16xf32> -> vector<16xi32>
        %shift_right_logical3A_1917 = arith.constant 1 : i32
        %shift_right_logical3A_1918 = vector.broadcast %shift_right_logical3A_1917 : i32 to vector<16xi32>
        %shift_right_logical3A_1919 = arith.shrui %bitcast_convert_type3A_1916, %shift_right_logical3A_1918 : vector<16xi32>
        %sub3A_1920 = arith.constant 1597463007 : i32
        %sub3A_1921 = vector.broadcast %sub3A_1920 : i32 to vector<16xi32>
        %sub3A_1922 = arith.subi %sub3A_1921, %shift_right_logical3A_1919 : vector<16xi32>
        %bitcast_convert_type3A_1923 = tpu.bitcast %sub3A_1922 : vector<16xi32> -> vector<16xf32>
        %mul3A_1924 = arith.constant 5.000000e-01 : f32
        %mul3A_1925 = vector.broadcast %mul3A_1924 : f32 to vector<16xf32>
        %mul3A_1926 = arith.mulf %add3A_1915, %mul3A_1925 : vector<16xf32>
        %mul3A_1927 = arith.mulf %mul3A_1926, %bitcast_convert_type3A_1923 : vector<16xf32>
        %mul3A_1928 = arith.mulf %mul3A_1927, %bitcast_convert_type3A_1923 : vector<16xf32>
        %sub3A_1929 = arith.constant 1.500000e+00 : f32
        %sub3A_1930 = vector.broadcast %sub3A_1929 : f32 to vector<16xf32>
        %sub3A_1931 = arith.subf %sub3A_1930, %mul3A_1928 : vector<16xf32>
        %mul3A_1932 = arith.mulf %bitcast_convert_type3A_1923, %sub3A_1931 : vector<16xf32>
        %mul3A_1933 = arith.mulf %add3A_1915, %mul3A_1932 : vector<16xf32>
        %sub3A_1934 = arith.subf %gather3A_1835, %gather3A_1841 : vector<16xf32>
        %sub3A_1935 = arith.subf %gather3A_1836, %gather3A_1842 : vector<16xf32>
        %sub3A_1936 = arith.subf %gather3A_1837, %gather3A_1843 : vector<16xf32>
        %mul3A_1937 = arith.mulf %sub3A_1934, %sub3A_1934 : vector<16xf32>
        %mul3A_1938 = arith.mulf %sub3A_1935, %sub3A_1935 : vector<16xf32>
        %add3A_1939 = arith.addf %mul3A_1937, %mul3A_1938 : vector<16xf32>
        %mul3A_1940 = arith.mulf %sub3A_1936, %sub3A_1936 : vector<16xf32>
        %add3A_1941 = arith.addf %add3A_1939, %mul3A_1940 : vector<16xf32>
        %add3A_1942 = arith.constant 9.99999996E-13 : f32
        %add3A_1943 = vector.broadcast %add3A_1942 : f32 to vector<16xf32>
        %add3A_1944 = arith.addf %add3A_1941, %add3A_1943 : vector<16xf32>
        %bitcast_convert_type3A_1945 = tpu.bitcast %add3A_1944 : vector<16xf32> -> vector<16xi32>
        %shift_right_logical3A_1946 = arith.constant 1 : i32
        %shift_right_logical3A_1947 = vector.broadcast %shift_right_logical3A_1946 : i32 to vector<16xi32>
        %shift_right_logical3A_1948 = arith.shrui %bitcast_convert_type3A_1945, %shift_right_logical3A_1947 : vector<16xi32>
        %sub3A_1949 = arith.constant 1597463007 : i32
        %sub3A_1950 = vector.broadcast %sub3A_1949 : i32 to vector<16xi32>
        %sub3A_1951 = arith.subi %sub3A_1950, %shift_right_logical3A_1948 : vector<16xi32>
        %bitcast_convert_type3A_1952 = tpu.bitcast %sub3A_1951 : vector<16xi32> -> vector<16xf32>
        %mul3A_1953 = arith.constant 5.000000e-01 : f32
        %mul3A_1954 = vector.broadcast %mul3A_1953 : f32 to vector<16xf32>
        %mul3A_1955 = arith.mulf %add3A_1944, %mul3A_1954 : vector<16xf32>
        %mul3A_1956 = arith.mulf %mul3A_1955, %bitcast_convert_type3A_1952 : vector<16xf32>
        %mul3A_1957 = arith.mulf %mul3A_1956, %bitcast_convert_type3A_1952 : vector<16xf32>
        %sub3A_1958 = arith.constant 1.500000e+00 : f32
        %sub3A_1959 = vector.broadcast %sub3A_1958 : f32 to vector<16xf32>
        %sub3A_1960 = arith.subf %sub3A_1959, %mul3A_1957 : vector<16xf32>
        %mul3A_1961 = arith.mulf %bitcast_convert_type3A_1952, %sub3A_1960 : vector<16xf32>
        %mul3A_1962 = arith.mulf %add3A_1944, %mul3A_1961 : vector<16xf32>
        %sub3A_1963 = arith.subf %mul3A_1933, %mul3A_1962 : vector<16xf32>
        %abs3A_1964 = math.absf %sub3A_1963 : vector<16xf32>
        %add3A_1965 = arith.addf %add3A_1904, %abs3A_1964 : vector<16xf32>
        %sub3A_1966 = arith.subf %gather3A_1829, %gather3A_1832 : vector<16xf32>
        %sub3A_1967 = arith.subf %gather3A_1830, %gather3A_1833 : vector<16xf32>
        %sub3A_1968 = arith.subf %gather3A_1831, %gather3A_1834 : vector<16xf32>
        %mul3A_1969 = arith.mulf %sub3A_1966, %sub3A_1966 : vector<16xf32>
        %mul3A_1970 = arith.mulf %sub3A_1967, %sub3A_1967 : vector<16xf32>
        %add3A_1971 = arith.addf %mul3A_1969, %mul3A_1970 : vector<16xf32>
        %mul3A_1972 = arith.mulf %sub3A_1968, %sub3A_1968 : vector<16xf32>
        %add3A_1973 = arith.addf %add3A_1971, %mul3A_1972 : vector<16xf32>
        %add3A_1974 = arith.constant 9.99999996E-13 : f32
        %add3A_1975 = vector.broadcast %add3A_1974 : f32 to vector<16xf32>
        %add3A_1976 = arith.addf %add3A_1973, %add3A_1975 : vector<16xf32>
        %bitcast_convert_type3A_1977 = tpu.bitcast %add3A_1976 : vector<16xf32> -> vector<16xi32>
        %shift_right_logical3A_1978 = arith.constant 1 : i32
        %shift_right_logical3A_1979 = vector.broadcast %shift_right_logical3A_1978 : i32 to vector<16xi32>
        %shift_right_logical3A_1980 = arith.shrui %bitcast_convert_type3A_1977, %shift_right_logical3A_1979 : vector<16xi32>
        %sub3A_1981 = arith.constant 1597463007 : i32
        %sub3A_1982 = vector.broadcast %sub3A_1981 : i32 to vector<16xi32>
        %sub3A_1983 = arith.subi %sub3A_1982, %shift_right_logical3A_1980 : vector<16xi32>
        %bitcast_convert_type3A_1984 = tpu.bitcast %sub3A_1983 : vector<16xi32> -> vector<16xf32>
        %mul3A_1985 = arith.constant 5.000000e-01 : f32
        %mul3A_1986 = vector.broadcast %mul3A_1985 : f32 to vector<16xf32>
        %mul3A_1987 = arith.mulf %add3A_1976, %mul3A_1986 : vector<16xf32>
        %mul3A_1988 = arith.mulf %mul3A_1987, %bitcast_convert_type3A_1984 : vector<16xf32>
        %mul3A_1989 = arith.mulf %mul3A_1988, %bitcast_convert_type3A_1984 : vector<16xf32>
        %sub3A_1990 = arith.constant 1.500000e+00 : f32
        %sub3A_1991 = vector.broadcast %sub3A_1990 : f32 to vector<16xf32>
        %sub3A_1992 = arith.subf %sub3A_1991, %mul3A_1989 : vector<16xf32>
        %mul3A_1993 = arith.mulf %bitcast_convert_type3A_1984, %sub3A_1992 : vector<16xf32>
        %mul3A_1994 = arith.mulf %add3A_1976, %mul3A_1993 : vector<16xf32>
        %sub3A_1995 = arith.subf %gather3A_1838, %gather3A_1841 : vector<16xf32>
        %sub3A_1996 = arith.subf %gather3A_1839, %gather3A_1842 : vector<16xf32>
        %sub3A_1997 = arith.subf %gather3A_1840, %gather3A_1843 : vector<16xf32>
        %mul3A_1998 = arith.mulf %sub3A_1995, %sub3A_1995 : vector<16xf32>
        %mul3A_1999 = arith.mulf %sub3A_1996, %sub3A_1996 : vector<16xf32>
        %add3A_2000 = arith.addf %mul3A_1998, %mul3A_1999 : vector<16xf32>
        %mul3A_2001 = arith.mulf %sub3A_1997, %sub3A_1997 : vector<16xf32>
        %add3A_2002 = arith.addf %add3A_2000, %mul3A_2001 : vector<16xf32>
        %add3A_2003 = arith.constant 9.99999996E-13 : f32
        %add3A_2004 = vector.broadcast %add3A_2003 : f32 to vector<16xf32>
        %add3A_2005 = arith.addf %add3A_2002, %add3A_2004 : vector<16xf32>
        %bitcast_convert_type3A_2006 = tpu.bitcast %add3A_2005 : vector<16xf32> -> vector<16xi32>
        %shift_right_logical3A_2007 = arith.constant 1 : i32
        %shift_right_logical3A_2008 = vector.broadcast %shift_right_logical3A_2007 : i32 to vector<16xi32>
        %shift_right_logical3A_2009 = arith.shrui %bitcast_convert_type3A_2006, %shift_right_logical3A_2008 : vector<16xi32>
        %sub3A_2010 = arith.constant 1597463007 : i32
        %sub3A_2011 = vector.broadcast %sub3A_2010 : i32 to vector<16xi32>
        %sub3A_2012 = arith.subi %sub3A_2011, %shift_right_logical3A_2009 : vector<16xi32>
        %bitcast_convert_type3A_2013 = tpu.bitcast %sub3A_2012 : vector<16xi32> -> vector<16xf32>
        %mul3A_2014 = arith.constant 5.000000e-01 : f32
        %mul3A_2015 = vector.broadcast %mul3A_2014 : f32 to vector<16xf32>
        %mul3A_2016 = arith.mulf %add3A_2005, %mul3A_2015 : vector<16xf32>
        %mul3A_2017 = arith.mulf %mul3A_2016, %bitcast_convert_type3A_2013 : vector<16xf32>
        %mul3A_2018 = arith.mulf %mul3A_2017, %bitcast_convert_type3A_2013 : vector<16xf32>
        %sub3A_2019 = arith.constant 1.500000e+00 : f32
        %sub3A_2020 = vector.broadcast %sub3A_2019 : f32 to vector<16xf32>
        %sub3A_2021 = arith.subf %sub3A_2020, %mul3A_2018 : vector<16xf32>
        %mul3A_2022 = arith.mulf %bitcast_convert_type3A_2013, %sub3A_2021 : vector<16xf32>
        %mul3A_2023 = arith.mulf %add3A_2005, %mul3A_2022 : vector<16xf32>
        %sub3A_2024 = arith.subf %mul3A_1994, %mul3A_2023 : vector<16xf32>
        %abs3A_2025 = math.absf %sub3A_2024 : vector<16xf32>
        %add3A_2026 = arith.addf %add3A_1965, %abs3A_2025 : vector<16xf32>
        scf.yield %add3A_2026 : vector<16xf32>
      }
      %scan3A_355 = arith.constant 16 : i32
      %add3A_356 = arith.constant 2 : i32
      %add3A_357 = arith.addi %mul3A_247, %add3A_356 : i32
      %lt3A = arith.constant 12 : i32
      %lt3A_358 = arith.cmpi slt, %add3A_357, %lt3A : i32
      %convert_element_type3A = arith.extui %lt3A_358 : i1 to i32
      %cond3A = arith.constant 0 : i32
      %cond3A_359 = arith.cmpi ne, %convert_element_type3A, %cond3A : i32
      scf.if %cond3A_359 {
        %add3A_420 = arith.constant 2 : i32
        %add3A_421 = arith.addi %mul3A_247, %add3A_420 : i32
        %mul3A_422 = arith.constant 192 : i32
        %mul3A_423 = arith.muli %add3A, %mul3A_422 : i32
        %mul3A_424 = arith.constant 16 : i32
        %mul3A_425 = arith.muli %add3A_421, %mul3A_424 : i32
        %add3A_426 = arith.addi %mul3A_423, %mul3A_425 : i32
        %dma_start3A_427 = arith.constant 0 : i32
        %dma_start3A_428 = arith.constant 0 : i32
        %dma_start3A_429 = tpu.memref_slice %arg2[%dma_start3A_427, %add3A_426, %dma_start3A_428] : memref<3x16384x384xf32, #tpu.memory_space<hbm>> -> memref<1x16x384xf32, #tpu.memory_space<hbm>>
        %dma_start3A_430 = tpu.memref_squeeze %dma_start3A_429 : memref<1x16x384xf32, #tpu.memory_space<hbm>> -> memref<16x384xf32, #tpu.memory_space<hbm>>
        %dma_start3A_431 = arith.constant 0 : i32
        %dma_start3A_432 = tpu.memref_slice %arg2[%dma_start3A_427, %add3A_426, %dma_start3A_431] : memref<3x16384x384xf32, #tpu.memory_space<hbm>> -> memref<1x16x384xf32, #tpu.memory_space<hbm>>
        %dma_start3A_433 = tpu.memref_squeeze %dma_start3A_432 : memref<1x16x384xf32, #tpu.memory_space<hbm>> -> memref<16x384xf32, #tpu.memory_space<hbm>>
        tpu.enqueue_dma source(%dma_start3A_433 : memref<16x384xf32, #tpu.memory_space<hbm>>) target(%arg7 : memref<16x384xf32, #tpu.memory_space<vmem>>) target_semaphore(%arg19 : memref<!tpu.dma_semaphore, #tpu.memory_space<semaphore_mem>>)
        %dma_start3A_434 = arith.constant 1 : i32
        %dma_start3A_435 = arith.constant 0 : i32
        %dma_start3A_436 = tpu.memref_slice %arg2[%dma_start3A_434, %add3A_426, %dma_start3A_435] : memref<3x16384x384xf32, #tpu.memory_space<hbm>> -> memref<1x16x384xf32, #tpu.memory_space<hbm>>
        %dma_start3A_437 = tpu.memref_squeeze %dma_start3A_436 : memref<1x16x384xf32, #tpu.memory_space<hbm>> -> memref<16x384xf32, #tpu.memory_space<hbm>>
        %dma_start3A_438 = arith.constant 0 : i32
        %dma_start3A_439 = tpu.memref_slice %arg2[%dma_start3A_434, %add3A_426, %dma_start3A_438] : memref<3x16384x384xf32, #tpu.memory_space<hbm>> -> memref<1x16x384xf32, #tpu.memory_space<hbm>>
        %dma_start3A_440 = tpu.memref_squeeze %dma_start3A_439 : memref<1x16x384xf32, #tpu.memory_space<hbm>> -> memref<16x384xf32, #tpu.memory_space<hbm>>
        tpu.enqueue_dma source(%dma_start3A_440 : memref<16x384xf32, #tpu.memory_space<hbm>>) target(%arg8 : memref<16x384xf32, #tpu.memory_space<vmem>>) target_semaphore(%arg19 : memref<!tpu.dma_semaphore, #tpu.memory_space<semaphore_mem>>)
        %dma_start3A_441 = arith.constant 2 : i32
        %dma_start3A_442 = arith.constant 0 : i32
        %dma_start3A_443 = tpu.memref_slice %arg2[%dma_start3A_441, %add3A_426, %dma_start3A_442] : memref<3x16384x384xf32, #tpu.memory_space<hbm>> -> memref<1x16x384xf32, #tpu.memory_space<hbm>>
        %dma_start3A_444 = tpu.memref_squeeze %dma_start3A_443 : memref<1x16x384xf32, #tpu.memory_space<hbm>> -> memref<16x384xf32, #tpu.memory_space<hbm>>
        %dma_start3A_445 = arith.constant 0 : i32
        %dma_start3A_446 = tpu.memref_slice %arg2[%dma_start3A_441, %add3A_426, %dma_start3A_445] : memref<3x16384x384xf32, #tpu.memory_space<hbm>> -> memref<1x16x384xf32, #tpu.memory_space<hbm>>
        %dma_start3A_447 = tpu.memref_squeeze %dma_start3A_446 : memref<1x16x384xf32, #tpu.memory_space<hbm>> -> memref<16x384xf32, #tpu.memory_space<hbm>>
        tpu.enqueue_dma source(%dma_start3A_447 : memref<16x384xf32, #tpu.memory_space<hbm>>) target(%arg9 : memref<16x384xf32, #tpu.memory_space<vmem>>) target_semaphore(%arg19 : memref<!tpu.dma_semaphore, #tpu.memory_space<semaphore_mem>>)
        %dma_start3A_448 = arith.constant 0 : i32
        %dma_start3A_449 = arith.constant 0 : i32
        %dma_start3A_450 = tpu.memref_slice %arg3[%dma_start3A_448, %add3A_426, %dma_start3A_449] : memref<3x16384x384xf32, #tpu.memory_space<hbm>> -> memref<1x16x384xf32, #tpu.memory_space<hbm>>
        %dma_start3A_451 = tpu.memref_squeeze %dma_start3A_450 : memref<1x16x384xf32, #tpu.memory_space<hbm>> -> memref<16x384xf32, #tpu.memory_space<hbm>>
        %dma_start3A_452 = arith.constant 0 : i32
        %dma_start3A_453 = tpu.memref_slice %arg3[%dma_start3A_448, %add3A_426, %dma_start3A_452] : memref<3x16384x384xf32, #tpu.memory_space<hbm>> -> memref<1x16x384xf32, #tpu.memory_space<hbm>>
        %dma_start3A_454 = tpu.memref_squeeze %dma_start3A_453 : memref<1x16x384xf32, #tpu.memory_space<hbm>> -> memref<16x384xf32, #tpu.memory_space<hbm>>
        tpu.enqueue_dma source(%dma_start3A_454 : memref<16x384xf32, #tpu.memory_space<hbm>>) target(%arg10 : memref<16x384xf32, #tpu.memory_space<vmem>>) target_semaphore(%arg19 : memref<!tpu.dma_semaphore, #tpu.memory_space<semaphore_mem>>)
        %dma_start3A_455 = arith.constant 1 : i32
        %dma_start3A_456 = arith.constant 0 : i32
        %dma_start3A_457 = tpu.memref_slice %arg3[%dma_start3A_455, %add3A_426, %dma_start3A_456] : memref<3x16384x384xf32, #tpu.memory_space<hbm>> -> memref<1x16x384xf32, #tpu.memory_space<hbm>>
        %dma_start3A_458 = tpu.memref_squeeze %dma_start3A_457 : memref<1x16x384xf32, #tpu.memory_space<hbm>> -> memref<16x384xf32, #tpu.memory_space<hbm>>
        %dma_start3A_459 = arith.constant 0 : i32
        %dma_start3A_460 = tpu.memref_slice %arg3[%dma_start3A_455, %add3A_426, %dma_start3A_459] : memref<3x16384x384xf32, #tpu.memory_space<hbm>> -> memref<1x16x384xf32, #tpu.memory_space<hbm>>
        %dma_start3A_461 = tpu.memref_squeeze %dma_start3A_460 : memref<1x16x384xf32, #tpu.memory_space<hbm>> -> memref<16x384xf32, #tpu.memory_space<hbm>>
        tpu.enqueue_dma source(%dma_start3A_461 : memref<16x384xf32, #tpu.memory_space<hbm>>) target(%arg11 : memref<16x384xf32, #tpu.memory_space<vmem>>) target_semaphore(%arg19 : memref<!tpu.dma_semaphore, #tpu.memory_space<semaphore_mem>>)
        %dma_start3A_462 = arith.constant 2 : i32
        %dma_start3A_463 = arith.constant 0 : i32
        %dma_start3A_464 = tpu.memref_slice %arg3[%dma_start3A_462, %add3A_426, %dma_start3A_463] : memref<3x16384x384xf32, #tpu.memory_space<hbm>> -> memref<1x16x384xf32, #tpu.memory_space<hbm>>
        %dma_start3A_465 = tpu.memref_squeeze %dma_start3A_464 : memref<1x16x384xf32, #tpu.memory_space<hbm>> -> memref<16x384xf32, #tpu.memory_space<hbm>>
        %dma_start3A_466 = arith.constant 0 : i32
        %dma_start3A_467 = tpu.memref_slice %arg3[%dma_start3A_462, %add3A_426, %dma_start3A_466] : memref<3x16384x384xf32, #tpu.memory_space<hbm>> -> memref<1x16x384xf32, #tpu.memory_space<hbm>>
        %dma_start3A_468 = tpu.memref_squeeze %dma_start3A_467 : memref<1x16x384xf32, #tpu.memory_space<hbm>> -> memref<16x384xf32, #tpu.memory_space<hbm>>
        tpu.enqueue_dma source(%dma_start3A_468 : memref<16x384xf32, #tpu.memory_space<hbm>>) target(%arg12 : memref<16x384xf32, #tpu.memory_space<vmem>>) target_semaphore(%arg19 : memref<!tpu.dma_semaphore, #tpu.memory_space<semaphore_mem>>)
      } else {
      }
      %dma_wait3A_360 = arith.constant 0 : i32
      %dma_wait3A_361 = arith.constant 0 : i32
      %dma_wait3A_362 = arith.constant 0 : i32
      %dma_wait3A_363 = tpu.memref_slice %arg2[%dma_wait3A_360, %dma_wait3A_361, %dma_wait3A_362] : memref<3x16384x384xf32, #tpu.memory_space<hbm>> -> memref<1x16x384xf32, #tpu.memory_space<hbm>>
      %dma_wait3A_364 = tpu.memref_squeeze %dma_wait3A_363 : memref<1x16x384xf32, #tpu.memory_space<hbm>> -> memref<16x384xf32, #tpu.memory_space<hbm>>
      %dma_wait3A_365 = arith.constant 0 : i32
      %dma_wait3A_366 = arith.constant 0 : i32
      %dma_wait3A_367 = tpu.memref_slice %arg2[%dma_wait3A_360, %dma_wait3A_365, %dma_wait3A_366] : memref<3x16384x384xf32, #tpu.memory_space<hbm>> -> memref<1x16x384xf32, #tpu.memory_space<hbm>>
      %dma_wait3A_368 = tpu.memref_squeeze %dma_wait3A_367 : memref<1x16x384xf32, #tpu.memory_space<hbm>> -> memref<16x384xf32, #tpu.memory_space<hbm>>
      tpu.wait_dma2 semaphore(%arg20 : memref<!tpu.dma_semaphore, #tpu.memory_space<semaphore_mem>>) src(%dma_wait3A_368 : memref<16x384xf32, #tpu.memory_space<hbm>>) dst(%arg13 : memref<16x384xf32, #tpu.memory_space<vmem>>)
      %dma_wait3A_369 = arith.constant 0 : i32
      %dma_wait3A_370 = arith.constant 0 : i32
      %dma_wait3A_371 = arith.constant 0 : i32
      %dma_wait3A_372 = tpu.memref_slice %arg2[%dma_wait3A_369, %dma_wait3A_370, %dma_wait3A_371] : memref<3x16384x384xf32, #tpu.memory_space<hbm>> -> memref<1x16x384xf32, #tpu.memory_space<hbm>>
      %dma_wait3A_373 = tpu.memref_squeeze %dma_wait3A_372 : memref<1x16x384xf32, #tpu.memory_space<hbm>> -> memref<16x384xf32, #tpu.memory_space<hbm>>
      %dma_wait3A_374 = arith.constant 0 : i32
      %dma_wait3A_375 = arith.constant 0 : i32
      %dma_wait3A_376 = tpu.memref_slice %arg2[%dma_wait3A_369, %dma_wait3A_374, %dma_wait3A_375] : memref<3x16384x384xf32, #tpu.memory_space<hbm>> -> memref<1x16x384xf32, #tpu.memory_space<hbm>>
      %dma_wait3A_377 = tpu.memref_squeeze %dma_wait3A_376 : memref<1x16x384xf32, #tpu.memory_space<hbm>> -> memref<16x384xf32, #tpu.memory_space<hbm>>
      tpu.wait_dma2 semaphore(%arg20 : memref<!tpu.dma_semaphore, #tpu.memory_space<semaphore_mem>>) src(%dma_wait3A_377 : memref<16x384xf32, #tpu.memory_space<hbm>>) dst(%arg14 : memref<16x384xf32, #tpu.memory_space<vmem>>)
      %dma_wait3A_378 = arith.constant 0 : i32
      %dma_wait3A_379 = arith.constant 0 : i32
      %dma_wait3A_380 = arith.constant 0 : i32
      %dma_wait3A_381 = tpu.memref_slice %arg2[%dma_wait3A_378, %dma_wait3A_379, %dma_wait3A_380] : memref<3x16384x384xf32, #tpu.memory_space<hbm>> -> memref<1x16x384xf32, #tpu.memory_space<hbm>>
      %dma_wait3A_382 = tpu.memref_squeeze %dma_wait3A_381 : memref<1x16x384xf32, #tpu.memory_space<hbm>> -> memref<16x384xf32, #tpu.memory_space<hbm>>
      %dma_wait3A_383 = arith.constant 0 : i32
      %dma_wait3A_384 = arith.constant 0 : i32
      %dma_wait3A_385 = tpu.memref_slice %arg2[%dma_wait3A_378, %dma_wait3A_383, %dma_wait3A_384] : memref<3x16384x384xf32, #tpu.memory_space<hbm>> -> memref<1x16x384xf32, #tpu.memory_space<hbm>>
      %dma_wait3A_386 = tpu.memref_squeeze %dma_wait3A_385 : memref<1x16x384xf32, #tpu.memory_space<hbm>> -> memref<16x384xf32, #tpu.memory_space<hbm>>
      tpu.wait_dma2 semaphore(%arg20 : memref<!tpu.dma_semaphore, #tpu.memory_space<semaphore_mem>>) src(%dma_wait3A_386 : memref<16x384xf32, #tpu.memory_space<hbm>>) dst(%arg15 : memref<16x384xf32, #tpu.memory_space<vmem>>)
      %dma_wait3A_387 = arith.constant 0 : i32
      %dma_wait3A_388 = arith.constant 0 : i32
      %dma_wait3A_389 = arith.constant 0 : i32
      %dma_wait3A_390 = tpu.memref_slice %arg2[%dma_wait3A_387, %dma_wait3A_388, %dma_wait3A_389] : memref<3x16384x384xf32, #tpu.memory_space<hbm>> -> memref<1x16x384xf32, #tpu.memory_space<hbm>>
      %dma_wait3A_391 = tpu.memref_squeeze %dma_wait3A_390 : memref<1x16x384xf32, #tpu.memory_space<hbm>> -> memref<16x384xf32, #tpu.memory_space<hbm>>
      %dma_wait3A_392 = arith.constant 0 : i32
      %dma_wait3A_393 = arith.constant 0 : i32
      %dma_wait3A_394 = tpu.memref_slice %arg2[%dma_wait3A_387, %dma_wait3A_392, %dma_wait3A_393] : memref<3x16384x384xf32, #tpu.memory_space<hbm>> -> memref<1x16x384xf32, #tpu.memory_space<hbm>>
      %dma_wait3A_395 = tpu.memref_squeeze %dma_wait3A_394 : memref<1x16x384xf32, #tpu.memory_space<hbm>> -> memref<16x384xf32, #tpu.memory_space<hbm>>
      tpu.wait_dma2 semaphore(%arg20 : memref<!tpu.dma_semaphore, #tpu.memory_space<semaphore_mem>>) src(%dma_wait3A_395 : memref<16x384xf32, #tpu.memory_space<hbm>>) dst(%arg16 : memref<16x384xf32, #tpu.memory_space<vmem>>)
      %dma_wait3A_396 = arith.constant 0 : i32
      %dma_wait3A_397 = arith.constant 0 : i32
      %dma_wait3A_398 = arith.constant 0 : i32
      %dma_wait3A_399 = tpu.memref_slice %arg2[%dma_wait3A_396, %dma_wait3A_397, %dma_wait3A_398] : memref<3x16384x384xf32, #tpu.memory_space<hbm>> -> memref<1x16x384xf32, #tpu.memory_space<hbm>>
      %dma_wait3A_400 = tpu.memref_squeeze %dma_wait3A_399 : memref<1x16x384xf32, #tpu.memory_space<hbm>> -> memref<16x384xf32, #tpu.memory_space<hbm>>
      %dma_wait3A_401 = arith.constant 0 : i32
      %dma_wait3A_402 = arith.constant 0 : i32
      %dma_wait3A_403 = tpu.memref_slice %arg2[%dma_wait3A_396, %dma_wait3A_401, %dma_wait3A_402] : memref<3x16384x384xf32, #tpu.memory_space<hbm>> -> memref<1x16x384xf32, #tpu.memory_space<hbm>>
      %dma_wait3A_404 = tpu.memref_squeeze %dma_wait3A_403 : memref<1x16x384xf32, #tpu.memory_space<hbm>> -> memref<16x384xf32, #tpu.memory_space<hbm>>
      tpu.wait_dma2 semaphore(%arg20 : memref<!tpu.dma_semaphore, #tpu.memory_space<semaphore_mem>>) src(%dma_wait3A_404 : memref<16x384xf32, #tpu.memory_space<hbm>>) dst(%arg17 : memref<16x384xf32, #tpu.memory_space<vmem>>)
      %dma_wait3A_405 = arith.constant 0 : i32
      %dma_wait3A_406 = arith.constant 0 : i32
      %dma_wait3A_407 = arith.constant 0 : i32
      %dma_wait3A_408 = tpu.memref_slice %arg2[%dma_wait3A_405, %dma_wait3A_406, %dma_wait3A_407] : memref<3x16384x384xf32, #tpu.memory_space<hbm>> -> memref<1x16x384xf32, #tpu.memory_space<hbm>>
      %dma_wait3A_409 = tpu.memref_squeeze %dma_wait3A_408 : memref<1x16x384xf32, #tpu.memory_space<hbm>> -> memref<16x384xf32, #tpu.memory_space<hbm>>
      %dma_wait3A_410 = arith.constant 0 : i32
      %dma_wait3A_411 = arith.constant 0 : i32
      %dma_wait3A_412 = tpu.memref_slice %arg2[%dma_wait3A_405, %dma_wait3A_410, %dma_wait3A_411] : memref<3x16384x384xf32, #tpu.memory_space<hbm>> -> memref<1x16x384xf32, #tpu.memory_space<hbm>>
      %dma_wait3A_413 = tpu.memref_squeeze %dma_wait3A_412 : memref<1x16x384xf32, #tpu.memory_space<hbm>> -> memref<16x384xf32, #tpu.memory_space<hbm>>
      tpu.wait_dma2 semaphore(%arg20 : memref<!tpu.dma_semaphore, #tpu.memory_space<semaphore_mem>>) src(%dma_wait3A_413 : memref<16x384xf32, #tpu.memory_space<hbm>>) dst(%arg18 : memref<16x384xf32, #tpu.memory_space<vmem>>)
      %scan3A_414 = arith.constant 0 : i32
      %scan3A_415 = arith.constant 16 : i32
      %scan3A_416 = arith.addi %scan3A_414, %scan3A_415 : i32
      %scan3A_417 = arith.constant 1 : i32
      %scan3A_418 = scf.for %scan3A_420 = %scan3A_414 to %scan3A_416 step %scan3A_417 iter_args(%scan3A_421 = %scan3A_354) -> (vector<16xf32>)  : i32 {
        %broadcast_in_dim3A_422 = vector.broadcast %scan3A_420 : i32 to vector<16xi32>
        %gather3A_423 = tpu.vector_load_idx %arg13[%broadcast_in_dim3A_422, %gather3A] : memref<16x384xf32, #tpu.memory_space<vmem>>[vector<16xi32>, vector<16xi32>], vector<16xf32>,
        %gather3A_424 = tpu.vector_load_idx %arg14[%broadcast_in_dim3A_422, %gather3A] : memref<16x384xf32, #tpu.memory_space<vmem>>[vector<16xi32>, vector<16xi32>], vector<16xf32>,
        %gather3A_425 = tpu.vector_load_idx %arg15[%broadcast_in_dim3A_422, %gather3A] : memref<16x384xf32, #tpu.memory_space<vmem>>[vector<16xi32>, vector<16xi32>], vector<16xf32>,
        %gather3A_426 = tpu.vector_load_idx %arg13[%broadcast_in_dim3A_422, %gather3A_16] : memref<16x384xf32, #tpu.memory_space<vmem>>[vector<16xi32>, vector<16xi32>], vector<16xf32>,
        %gather3A_427 = tpu.vector_load_idx %arg14[%broadcast_in_dim3A_422, %gather3A_16] : memref<16x384xf32, #tpu.memory_space<vmem>>[vector<16xi32>, vector<16xi32>], vector<16xf32>,
        %gather3A_428 = tpu.vector_load_idx %arg15[%broadcast_in_dim3A_422, %gather3A_16] : memref<16x384xf32, #tpu.memory_space<vmem>>[vector<16xi32>, vector<16xi32>], vector<16xf32>,
        %gather3A_429 = tpu.vector_load_idx %arg13[%broadcast_in_dim3A_422, %gather3A_23] : memref<16x384xf32, #tpu.memory_space<vmem>>[vector<16xi32>, vector<16xi32>], vector<16xf32>,
        %gather3A_430 = tpu.vector_load_idx %arg14[%broadcast_in_dim3A_422, %gather3A_23] : memref<16x384xf32, #tpu.memory_space<vmem>>[vector<16xi32>, vector<16xi32>], vector<16xf32>,
        %gather3A_431 = tpu.vector_load_idx %arg15[%broadcast_in_dim3A_422, %gather3A_23] : memref<16x384xf32, #tpu.memory_space<vmem>>[vector<16xi32>, vector<16xi32>], vector<16xf32>,
        %gather3A_432 = tpu.vector_load_idx %arg16[%broadcast_in_dim3A_422, %gather3A] : memref<16x384xf32, #tpu.memory_space<vmem>>[vector<16xi32>, vector<16xi32>], vector<16xf32>,
        %gather3A_433 = tpu.vector_load_idx %arg17[%broadcast_in_dim3A_422, %gather3A] : memref<16x384xf32, #tpu.memory_space<vmem>>[vector<16xi32>, vector<16xi32>], vector<16xf32>,
        %gather3A_434 = tpu.vector_load_idx %arg18[%broadcast_in_dim3A_422, %gather3A] : memref<16x384xf32, #tpu.memory_space<vmem>>[vector<16xi32>, vector<16xi32>], vector<16xf32>,
        %gather3A_435 = tpu.vector_load_idx %arg16[%broadcast_in_dim3A_422, %gather3A_16] : memref<16x384xf32, #tpu.memory_space<vmem>>[vector<16xi32>, vector<16xi32>], vector<16xf32>,
        %gather3A_436 = tpu.vector_load_idx %arg17[%broadcast_in_dim3A_422, %gather3A_16] : memref<16x384xf32, #tpu.memory_space<vmem>>[vector<16xi32>, vector<16xi32>], vector<16xf32>,
        %gather3A_437 = tpu.vector_load_idx %arg18[%broadcast_in_dim3A_422, %gather3A_16] : memref<16x384xf32, #tpu.memory_space<vmem>>[vector<16xi32>, vector<16xi32>], vector<16xf32>,
        %gather3A_438 = tpu.vector_load_idx %arg16[%broadcast_in_dim3A_422, %gather3A_23] : memref<16x384xf32, #tpu.memory_space<vmem>>[vector<16xi32>, vector<16xi32>], vector<16xf32>,
        %gather3A_439 = tpu.vector_load_idx %arg17[%broadcast_in_dim3A_422, %gather3A_23] : memref<16x384xf32, #tpu.memory_space<vmem>>[vector<16xi32>, vector<16xi32>], vector<16xf32>,
        %gather3A_440 = tpu.vector_load_idx %arg18[%broadcast_in_dim3A_422, %gather3A_23] : memref<16x384xf32, #tpu.memory_space<vmem>>[vector<16xi32>, vector<16xi32>], vector<16xf32>,
        %sub3A = arith.subf %gather3A_423, %gather3A_426 : vector<16xf32>
        %sub3A_441 = arith.subf %gather3A_424, %gather3A_427 : vector<16xf32>
        %sub3A_442 = arith.subf %gather3A_425, %gather3A_428 : vector<16xf32>
        %mul3A_443 = arith.mulf %sub3A, %sub3A : vector<16xf32>
        %mul3A_444 = arith.mulf %sub3A_441, %sub3A_441 : vector<16xf32>
        %add3A_445 = arith.addf %mul3A_443, %mul3A_444 : vector<16xf32>
        %mul3A_446 = arith.mulf %sub3A_442, %sub3A_442 : vector<16xf32>
        %add3A_447 = arith.addf %add3A_445, %mul3A_446 : vector<16xf32>
        %add3A_448 = arith.constant 9.99999996E-13 : f32
        %add3A_449 = vector.broadcast %add3A_448 : f32 to vector<16xf32>
        %add3A_450 = arith.addf %add3A_447, %add3A_449 : vector<16xf32>
        %bitcast_convert_type3A = tpu.bitcast %add3A_450 : vector<16xf32> -> vector<16xi32>
        %shift_right_logical3A = arith.constant 1 : i32
        %shift_right_logical3A_451 = vector.broadcast %shift_right_logical3A : i32 to vector<16xi32>
        %shift_right_logical3A_452 = arith.shrui %bitcast_convert_type3A, %shift_right_logical3A_451 : vector<16xi32>
        %sub3A_453 = arith.constant 1597463007 : i32
        %sub3A_454 = vector.broadcast %sub3A_453 : i32 to vector<16xi32>
        %sub3A_455 = arith.subi %sub3A_454, %shift_right_logical3A_452 : vector<16xi32>
        %bitcast_convert_type3A_456 = tpu.bitcast %sub3A_455 : vector<16xi32> -> vector<16xf32>
        %mul3A_457 = arith.constant 5.000000e-01 : f32
        %mul3A_458 = vector.broadcast %mul3A_457 : f32 to vector<16xf32>
        %mul3A_459 = arith.mulf %add3A_450, %mul3A_458 : vector<16xf32>
        %mul3A_460 = arith.mulf %mul3A_459, %bitcast_convert_type3A_456 : vector<16xf32>
        %mul3A_461 = arith.mulf %mul3A_460, %bitcast_convert_type3A_456 : vector<16xf32>
        %sub3A_462 = arith.constant 1.500000e+00 : f32
        %sub3A_463 = vector.broadcast %sub3A_462 : f32 to vector<16xf32>
        %sub3A_464 = arith.subf %sub3A_463, %mul3A_461 : vector<16xf32>
        %mul3A_465 = arith.mulf %bitcast_convert_type3A_456, %sub3A_464 : vector<16xf32>
        %mul3A_466 = arith.mulf %add3A_450, %mul3A_465 : vector<16xf32>
        %sub3A_467 = arith.subf %gather3A_432, %gather3A_435 : vector<16xf32>
        %sub3A_468 = arith.subf %gather3A_433, %gather3A_436 : vector<16xf32>
        %sub3A_469 = arith.subf %gather3A_434, %gather3A_437 : vector<16xf32>
        %mul3A_470 = arith.mulf %sub3A_467, %sub3A_467 : vector<16xf32>
        %mul3A_471 = arith.mulf %sub3A_468, %sub3A_468 : vector<16xf32>
        %add3A_472 = arith.addf %mul3A_470, %mul3A_471 : vector<16xf32>
        %mul3A_473 = arith.mulf %sub3A_469, %sub3A_469 : vector<16xf32>
        %add3A_474 = arith.addf %add3A_472, %mul3A_473 : vector<16xf32>
        %add3A_475 = arith.constant 9.99999996E-13 : f32
        %add3A_476 = vector.broadcast %add3A_475 : f32 to vector<16xf32>
        %add3A_477 = arith.addf %add3A_474, %add3A_476 : vector<16xf32>
        %bitcast_convert_type3A_478 = tpu.bitcast %add3A_477 : vector<16xf32> -> vector<16xi32>
        %shift_right_logical3A_479 = arith.constant 1 : i32
        %shift_right_logical3A_480 = vector.broadcast %shift_right_logical3A_479 : i32 to vector<16xi32>
        %shift_right_logical3A_481 = arith.shrui %bitcast_convert_type3A_478, %shift_right_logical3A_480 : vector<16xi32>
        %sub3A_482 = arith.constant 1597463007 : i32
        %sub3A_483 = vector.broadcast %sub3A_482 : i32 to vector<16xi32>
        %sub3A_484 = arith.subi %sub3A_483, %shift_right_logical3A_481 : vector<16xi32>
        %bitcast_convert_type3A_485 = tpu.bitcast %sub3A_484 : vector<16xi32> -> vector<16xf32>
        %mul3A_486 = arith.constant 5.000000e-01 : f32
        %mul3A_487 = vector.broadcast %mul3A_486 : f32 to vector<16xf32>
        %mul3A_488 = arith.mulf %add3A_477, %mul3A_487 : vector<16xf32>
        %mul3A_489 = arith.mulf %mul3A_488, %bitcast_convert_type3A_485 : vector<16xf32>
        %mul3A_490 = arith.mulf %mul3A_489, %bitcast_convert_type3A_485 : vector<16xf32>
        %sub3A_491 = arith.constant 1.500000e+00 : f32
        %sub3A_492 = vector.broadcast %sub3A_491 : f32 to vector<16xf32>
        %sub3A_493 = arith.subf %sub3A_492, %mul3A_490 : vector<16xf32>
        %mul3A_494 = arith.mulf %bitcast_convert_type3A_485, %sub3A_493 : vector<16xf32>
        %mul3A_495 = arith.mulf %add3A_477, %mul3A_494 : vector<16xf32>
        %sub3A_496 = arith.subf %mul3A_466, %mul3A_495 : vector<16xf32>
        %abs3A = math.absf %sub3A_496 : vector<16xf32>
        %add3A_497 = arith.addf %scan3A_421, %abs3A : vector<16xf32>
        %sub3A_498 = arith.subf %gather3A_423, %gather3A_429 : vector<16xf32>
        %sub3A_499 = arith.subf %gather3A_424, %gather3A_430 : vector<16xf32>
        %sub3A_500 = arith.subf %gather3A_425, %gather3A_431 : vector<16xf32>
        %mul3A_501 = arith.mulf %sub3A_498, %sub3A_498 : vector<16xf32>
        %mul3A_502 = arith.mulf %sub3A_499, %sub3A_499 : vector<16xf32>
        %add3A_503 = arith.addf %mul3A_501, %mul3A_502 : vector<16xf32>
        %mul3A_504 = arith.mulf %sub3A_500, %sub3A_500 : vector<16xf32>
        %add3A_505 = arith.addf %add3A_503, %mul3A_504 : vector<16xf32>
        %add3A_506 = arith.constant 9.99999996E-13 : f32
        %add3A_507 = vector.broadcast %add3A_506 : f32 to vector<16xf32>
        %add3A_508 = arith.addf %add3A_505, %add3A_507 : vector<16xf32>
        %bitcast_convert_type3A_509 = tpu.bitcast %add3A_508 : vector<16xf32> -> vector<16xi32>
        %shift_right_logical3A_510 = arith.constant 1 : i32
        %shift_right_logical3A_511 = vector.broadcast %shift_right_logical3A_510 : i32 to vector<16xi32>
        %shift_right_logical3A_512 = arith.shrui %bitcast_convert_type3A_509, %shift_right_logical3A_511 : vector<16xi32>
        %sub3A_513 = arith.constant 1597463007 : i32
        %sub3A_514 = vector.broadcast %sub3A_513 : i32 to vector<16xi32>
        %sub3A_515 = arith.subi %sub3A_514, %shift_right_logical3A_512 : vector<16xi32>
        %bitcast_convert_type3A_516 = tpu.bitcast %sub3A_515 : vector<16xi32> -> vector<16xf32>
        %mul3A_517 = arith.constant 5.000000e-01 : f32
        %mul3A_518 = vector.broadcast %mul3A_517 : f32 to vector<16xf32>
        %mul3A_519 = arith.mulf %add3A_508, %mul3A_518 : vector<16xf32>
        %mul3A_520 = arith.mulf %mul3A_519, %bitcast_convert_type3A_516 : vector<16xf32>
        %mul3A_521 = arith.mulf %mul3A_520, %bitcast_convert_type3A_516 : vector<16xf32>
        %sub3A_522 = arith.constant 1.500000e+00 : f32
        %sub3A_523 = vector.broadcast %sub3A_522 : f32 to vector<16xf32>
        %sub3A_524 = arith.subf %sub3A_523, %mul3A_521 : vector<16xf32>
        %mul3A_525 = arith.mulf %bitcast_convert_type3A_516, %sub3A_524 : vector<16xf32>
        %mul3A_526 = arith.mulf %add3A_508, %mul3A_525 : vector<16xf32>
        %sub3A_527 = arith.subf %gather3A_432, %gather3A_438 : vector<16xf32>
        %sub3A_528 = arith.subf %gather3A_433, %gather3A_439 : vector<16xf32>
        %sub3A_529 = arith.subf %gather3A_434, %gather3A_440 : vector<16xf32>
        %mul3A_530 = arith.mulf %sub3A_527, %sub3A_527 : vector<16xf32>
        %mul3A_531 = arith.mulf %sub3A_528, %sub3A_528 : vector<16xf32>
        %add3A_532 = arith.addf %mul3A_530, %mul3A_531 : vector<16xf32>
        %mul3A_533 = arith.mulf %sub3A_529, %sub3A_529 : vector<16xf32>
        %add3A_534 = arith.addf %add3A_532, %mul3A_533 : vector<16xf32>
        %add3A_535 = arith.constant 9.99999996E-13 : f32
        %add3A_536 = vector.broadcast %add3A_535 : f32 to vector<16xf32>
        %add3A_537 = arith.addf %add3A_534, %add3A_536 : vector<16xf32>
        %bitcast_convert_type3A_538 = tpu.bitcast %add3A_537 : vector<16xf32> -> vector<16xi32>
        %shift_right_logical3A_539 = arith.constant 1 : i32
        %shift_right_logical3A_540 = vector.broadcast %shift_right_logical3A_539 : i32 to vector<16xi32>
        %shift_right_logical3A_541 = arith.shrui %bitcast_convert_type3A_538, %shift_right_logical3A_540 : vector<16xi32>
        %sub3A_542 = arith.constant 1597463007 : i32
        %sub3A_543 = vector.broadcast %sub3A_542 : i32 to vector<16xi32>
        %sub3A_544 = arith.subi %sub3A_543, %shift_right_logical3A_541 : vector<16xi32>
        %bitcast_convert_type3A_545 = tpu.bitcast %sub3A_544 : vector<16xi32> -> vector<16xf32>
        %mul3A_546 = arith.constant 5.000000e-01 : f32
        %mul3A_547 = vector.broadcast %mul3A_546 : f32 to vector<16xf32>
        %mul3A_548 = arith.mulf %add3A_537, %mul3A_547 : vector<16xf32>
        %mul3A_549 = arith.mulf %mul3A_548, %bitcast_convert_type3A_545 : vector<16xf32>
        %mul3A_550 = arith.mulf %mul3A_549, %bitcast_convert_type3A_545 : vector<16xf32>
        %sub3A_551 = arith.constant 1.500000e+00 : f32
        %sub3A_552 = vector.broadcast %sub3A_551 : f32 to vector<16xf32>
        %sub3A_553 = arith.subf %sub3A_552, %mul3A_550 : vector<16xf32>
        %mul3A_554 = arith.mulf %bitcast_convert_type3A_545, %sub3A_553 : vector<16xf32>
        %mul3A_555 = arith.mulf %add3A_537, %mul3A_554 : vector<16xf32>
        %sub3A_556 = arith.subf %mul3A_526, %mul3A_555 : vector<16xf32>
        %abs3A_557 = math.absf %sub3A_556 : vector<16xf32>
        %add3A_558 = arith.addf %add3A_497, %abs3A_557 : vector<16xf32>
        %sub3A_559 = arith.subf %gather3A_426, %gather3A_429 : vector<16xf32>
        %sub3A_560 = arith.subf %gather3A_427, %gather3A_430 : vector<16xf32>
        %sub3A_561 = arith.subf %gather3A_428, %gather3A_431 : vector<16xf32>
        %mul3A_562 = arith.mulf %sub3A_559, %sub3A_559 : vector<16xf32>
        %mul3A_563 = arith.mulf %sub3A_560, %sub3A_560 : vector<16xf32>
        %add3A_564 = arith.addf %mul3A_562, %mul3A_563 : vector<16xf32>
        %mul3A_565 = arith.mulf %sub3A_561, %sub3A_561 : vector<16xf32>
        %add3A_566 = arith.addf %add3A_564, %mul3A_565 : vector<16xf32>
        %add3A_567 = arith.constant 9.99999996E-13 : f32
        %add3A_568 = vector.broadcast %add3A_567 : f32 to vector<16xf32>
        %add3A_569 = arith.addf %add3A_566, %add3A_568 : vector<16xf32>
        %bitcast_convert_type3A_570 = tpu.bitcast %add3A_569 : vector<16xf32> -> vector<16xi32>
        %shift_right_logical3A_571 = arith.constant 1 : i32
        %shift_right_logical3A_572 = vector.broadcast %shift_right_logical3A_571 : i32 to vector<16xi32>
        %shift_right_logical3A_573 = arith.shrui %bitcast_convert_type3A_570, %shift_right_logical3A_572 : vector<16xi32>
        %sub3A_574 = arith.constant 1597463007 : i32
        %sub3A_575 = vector.broadcast %sub3A_574 : i32 to vector<16xi32>
        %sub3A_576 = arith.subi %sub3A_575, %shift_right_logical3A_573 : vector<16xi32>
        %bitcast_convert_type3A_577 = tpu.bitcast %sub3A_576 : vector<16xi32> -> vector<16xf32>
        %mul3A_578 = arith.constant 5.000000e-01 : f32
        %mul3A_579 = vector.broadcast %mul3A_578 : f32 to vector<16xf32>
        %mul3A_580 = arith.mulf %add3A_569, %mul3A_579 : vector<16xf32>
        %mul3A_581 = arith.mulf %mul3A_580, %bitcast_convert_type3A_577 : vector<16xf32>
        %mul3A_582 = arith.mulf %mul3A_581, %bitcast_convert_type3A_577 : vector<16xf32>
        %sub3A_583 = arith.constant 1.500000e+00 : f32
        %sub3A_584 = vector.broadcast %sub3A_583 : f32 to vector<16xf32>
        %sub3A_585 = arith.subf %sub3A_584, %mul3A_582 : vector<16xf32>
        %mul3A_586 = arith.mulf %bitcast_convert_type3A_577, %sub3A_585 : vector<16xf32>
        %mul3A_587 = arith.mulf %add3A_569, %mul3A_586 : vector<16xf32>
        %sub3A_588 = arith.subf %gather3A_435, %gather3A_438 : vector<16xf32>
        %sub3A_589 = arith.subf %gather3A_436, %gather3A_439 : vector<16xf32>
        %sub3A_590 = arith.subf %gather3A_437, %gather3A_440 : vector<16xf32>
        %mul3A_591 = arith.mulf %sub3A_588, %sub3A_588 : vector<16xf32>
        %mul3A_592 = arith.mulf %sub3A_589, %sub3A_589 : vector<16xf32>
        %add3A_593 = arith.addf %mul3A_591, %mul3A_592 : vector<16xf32>
        %mul3A_594 = arith.mulf %sub3A_590, %sub3A_590 : vector<16xf32>
        %add3A_595 = arith.addf %add3A_593, %mul3A_594 : vector<16xf32>
        %add3A_596 = arith.constant 9.99999996E-13 : f32
        %add3A_597 = vector.broadcast %add3A_596 : f32 to vector<16xf32>
        %add3A_598 = arith.addf %add3A_595, %add3A_597 : vector<16xf32>
        %bitcast_convert_type3A_599 = tpu.bitcast %add3A_598 : vector<16xf32> -> vector<16xi32>
        %shift_right_logical3A_600 = arith.constant 1 : i32
        %shift_right_logical3A_601 = vector.broadcast %shift_right_logical3A_600 : i32 to vector<16xi32>
        %shift_right_logical3A_602 = arith.shrui %bitcast_convert_type3A_599, %shift_right_logical3A_601 : vector<16xi32>
        %sub3A_603 = arith.constant 1597463007 : i32
        %sub3A_604 = vector.broadcast %sub3A_603 : i32 to vector<16xi32>
        %sub3A_605 = arith.subi %sub3A_604, %shift_right_logical3A_602 : vector<16xi32>
        %bitcast_convert_type3A_606 = tpu.bitcast %sub3A_605 : vector<16xi32> -> vector<16xf32>
        %mul3A_607 = arith.constant 5.000000e-01 : f32
        %mul3A_608 = vector.broadcast %mul3A_607 : f32 to vector<16xf32>
        %mul3A_609 = arith.mulf %add3A_598, %mul3A_608 : vector<16xf32>
        %mul3A_610 = arith.mulf %mul3A_609, %bitcast_convert_type3A_606 : vector<16xf32>
        %mul3A_611 = arith.mulf %mul3A_610, %bitcast_convert_type3A_606 : vector<16xf32>
        %sub3A_612 = arith.constant 1.500000e+00 : f32
        %sub3A_613 = vector.broadcast %sub3A_612 : f32 to vector<16xf32>
        %sub3A_614 = arith.subf %sub3A_613, %mul3A_611 : vector<16xf32>
        %mul3A_615 = arith.mulf %bitcast_convert_type3A_606, %sub3A_614 : vector<16xf32>
        %mul3A_616 = arith.mulf %add3A_598, %mul3A_615 : vector<16xf32>
        %sub3A_617 = arith.subf %mul3A_587, %mul3A_616 : vector<16xf32>
        %abs3A_618 = math.absf %sub3A_617 : vector<16xf32>
        %add3A_619 = arith.addf %add3A_558, %abs3A_618 : vector<16xf32>
        %gather3A_620 = tpu.vector_load_idx %arg13[%broadcast_in_dim3A_422, %gather3A_33] : memref<16x384xf32, #tpu.memory_space<vmem>>[vector<16xi32>, vector<16xi32>], vector<16xf32>,
        %gather3A_621 = tpu.vector_load_idx %arg14[%broadcast_in_dim3A_422, %gather3A_33] : memref<16x384xf32, #tpu.memory_space<vmem>>[vector<16xi32>, vector<16xi32>], vector<16xf32>,
        %gather3A_622 = tpu.vector_load_idx %arg15[%broadcast_in_dim3A_422, %gather3A_33] : memref<16x384xf32, #tpu.memory_space<vmem>>[vector<16xi32>, vector<16xi32>], vector<16xf32>,
        %gather3A_623 = tpu.vector_load_idx %arg13[%broadcast_in_dim3A_422, %gather3A_40] : memref<16x384xf32, #tpu.memory_space<vmem>>[vector<16xi32>, vector<16xi32>], vector<16xf32>,
        %gather3A_624 = tpu.vector_load_idx %arg14[%broadcast_in_dim3A_422, %gather3A_40] : memref<16x384xf32, #tpu.memory_space<vmem>>[vector<16xi32>, vector<16xi32>], vector<16xf32>,
        %gather3A_625 = tpu.vector_load_idx %arg15[%broadcast_in_dim3A_422, %gather3A_40] : memref<16x384xf32, #tpu.memory_space<vmem>>[vector<16xi32>, vector<16xi32>], vector<16xf32>,
        %gather3A_626 = tpu.vector_load_idx %arg13[%broadcast_in_dim3A_422, %gather3A_47] : memref<16x384xf32, #tpu.memory_space<vmem>>[vector<16xi32>, vector<16xi32>], vector<16xf32>,
        %gather3A_627 = tpu.vector_load_idx %arg14[%broadcast_in_dim3A_422, %gather3A_47] : memref<16x384xf32, #tpu.memory_space<vmem>>[vector<16xi32>, vector<16xi32>], vector<16xf32>,
        %gather3A_628 = tpu.vector_load_idx %arg15[%broadcast_in_dim3A_422, %gather3A_47] : memref<16x384xf32, #tpu.memory_space<vmem>>[vector<16xi32>, vector<16xi32>], vector<16xf32>,
        %gather3A_629 = tpu.vector_load_idx %arg16[%broadcast_in_dim3A_422, %gather3A_33] : memref<16x384xf32, #tpu.memory_space<vmem>>[vector<16xi32>, vector<16xi32>], vector<16xf32>,
        %gather3A_630 = tpu.vector_load_idx %arg17[%broadcast_in_dim3A_422, %gather3A_33] : memref<16x384xf32, #tpu.memory_space<vmem>>[vector<16xi32>, vector<16xi32>], vector<16xf32>,
        %gather3A_631 = tpu.vector_load_idx %arg18[%broadcast_in_dim3A_422, %gather3A_33] : memref<16x384xf32, #tpu.memory_space<vmem>>[vector<16xi32>, vector<16xi32>], vector<16xf32>,
        %gather3A_632 = tpu.vector_load_idx %arg16[%broadcast_in_dim3A_422, %gather3A_40] : memref<16x384xf32, #tpu.memory_space<vmem>>[vector<16xi32>, vector<16xi32>], vector<16xf32>,
        %gather3A_633 = tpu.vector_load_idx %arg17[%broadcast_in_dim3A_422, %gather3A_40] : memref<16x384xf32, #tpu.memory_space<vmem>>[vector<16xi32>, vector<16xi32>], vector<16xf32>,
        %gather3A_634 = tpu.vector_load_idx %arg18[%broadcast_in_dim3A_422, %gather3A_40] : memref<16x384xf32, #tpu.memory_space<vmem>>[vector<16xi32>, vector<16xi32>], vector<16xf32>,
        %gather3A_635 = tpu.vector_load_idx %arg16[%broadcast_in_dim3A_422, %gather3A_47] : memref<16x384xf32, #tpu.memory_space<vmem>>[vector<16xi32>, vector<16xi32>], vector<16xf32>,
        %gather3A_636 = tpu.vector_load_idx %arg17[%broadcast_in_dim3A_422, %gather3A_47] : memref<16x384xf32, #tpu.memory_space<vmem>>[vector<16xi32>, vector<16xi32>], vector<16xf32>,
        %gather3A_637 = tpu.vector_load_idx %arg18[%broadcast_in_dim3A_422, %gather3A_47] : memref<16x384xf32, #tpu.memory_space<vmem>>[vector<16xi32>, vector<16xi32>], vector<16xf32>,
        %sub3A_638 = arith.subf %gather3A_620, %gather3A_623 : vector<16xf32>
        %sub3A_639 = arith.subf %gather3A_621, %gather3A_624 : vector<16xf32>
        %sub3A_640 = arith.subf %gather3A_622, %gather3A_625 : vector<16xf32>
        %mul3A_641 = arith.mulf %sub3A_638, %sub3A_638 : vector<16xf32>
        %mul3A_642 = arith.mulf %sub3A_639, %sub3A_639 : vector<16xf32>
        %add3A_643 = arith.addf %mul3A_641, %mul3A_642 : vector<16xf32>
        %mul3A_644 = arith.mulf %sub3A_640, %sub3A_640 : vector<16xf32>
        %add3A_645 = arith.addf %add3A_643, %mul3A_644 : vector<16xf32>
        %add3A_646 = arith.constant 9.99999996E-13 : f32
        %add3A_647 = vector.broadcast %add3A_646 : f32 to vector<16xf32>
        %add3A_648 = arith.addf %add3A_645, %add3A_647 : vector<16xf32>
        %bitcast_convert_type3A_649 = tpu.bitcast %add3A_648 : vector<16xf32> -> vector<16xi32>
        %shift_right_logical3A_650 = arith.constant 1 : i32
        %shift_right_logical3A_651 = vector.broadcast %shift_right_logical3A_650 : i32 to vector<16xi32>
        %shift_right_logical3A_652 = arith.shrui %bitcast_convert_type3A_649, %shift_right_logical3A_651 : vector<16xi32>
        %sub3A_653 = arith.constant 1597463007 : i32
        %sub3A_654 = vector.broadcast %sub3A_653 : i32 to vector<16xi32>
        %sub3A_655 = arith.subi %sub3A_654, %shift_right_logical3A_652 : vector<16xi32>
        %bitcast_convert_type3A_656 = tpu.bitcast %sub3A_655 : vector<16xi32> -> vector<16xf32>
        %mul3A_657 = arith.constant 5.000000e-01 : f32
        %mul3A_658 = vector.broadcast %mul3A_657 : f32 to vector<16xf32>
        %mul3A_659 = arith.mulf %add3A_648, %mul3A_658 : vector<16xf32>
        %mul3A_660 = arith.mulf %mul3A_659, %bitcast_convert_type3A_656 : vector<16xf32>
        %mul3A_661 = arith.mulf %mul3A_660, %bitcast_convert_type3A_656 : vector<16xf32>
        %sub3A_662 = arith.constant 1.500000e+00 : f32
        %sub3A_663 = vector.broadcast %sub3A_662 : f32 to vector<16xf32>
        %sub3A_664 = arith.subf %sub3A_663, %mul3A_661 : vector<16xf32>
        %mul3A_665 = arith.mulf %bitcast_convert_type3A_656, %sub3A_664 : vector<16xf32>
        %mul3A_666 = arith.mulf %add3A_648, %mul3A_665 : vector<16xf32>
        %sub3A_667 = arith.subf %gather3A_629, %gather3A_632 : vector<16xf32>
        %sub3A_668 = arith.subf %gather3A_630, %gather3A_633 : vector<16xf32>
        %sub3A_669 = arith.subf %gather3A_631, %gather3A_634 : vector<16xf32>
        %mul3A_670 = arith.mulf %sub3A_667, %sub3A_667 : vector<16xf32>
        %mul3A_671 = arith.mulf %sub3A_668, %sub3A_668 : vector<16xf32>
        %add3A_672 = arith.addf %mul3A_670, %mul3A_671 : vector<16xf32>
        %mul3A_673 = arith.mulf %sub3A_669, %sub3A_669 : vector<16xf32>
        %add3A_674 = arith.addf %add3A_672, %mul3A_673 : vector<16xf32>
        %add3A_675 = arith.constant 9.99999996E-13 : f32
        %add3A_676 = vector.broadcast %add3A_675 : f32 to vector<16xf32>
        %add3A_677 = arith.addf %add3A_674, %add3A_676 : vector<16xf32>
        %bitcast_convert_type3A_678 = tpu.bitcast %add3A_677 : vector<16xf32> -> vector<16xi32>
        %shift_right_logical3A_679 = arith.constant 1 : i32
        %shift_right_logical3A_680 = vector.broadcast %shift_right_logical3A_679 : i32 to vector<16xi32>
        %shift_right_logical3A_681 = arith.shrui %bitcast_convert_type3A_678, %shift_right_logical3A_680 : vector<16xi32>
        %sub3A_682 = arith.constant 1597463007 : i32
        %sub3A_683 = vector.broadcast %sub3A_682 : i32 to vector<16xi32>
        %sub3A_684 = arith.subi %sub3A_683, %shift_right_logical3A_681 : vector<16xi32>
        %bitcast_convert_type3A_685 = tpu.bitcast %sub3A_684 : vector<16xi32> -> vector<16xf32>
        %mul3A_686 = arith.constant 5.000000e-01 : f32
        %mul3A_687 = vector.broadcast %mul3A_686 : f32 to vector<16xf32>
        %mul3A_688 = arith.mulf %add3A_677, %mul3A_687 : vector<16xf32>
        %mul3A_689 = arith.mulf %mul3A_688, %bitcast_convert_type3A_685 : vector<16xf32>
        %mul3A_690 = arith.mulf %mul3A_689, %bitcast_convert_type3A_685 : vector<16xf32>
        %sub3A_691 = arith.constant 1.500000e+00 : f32
        %sub3A_692 = vector.broadcast %sub3A_691 : f32 to vector<16xf32>
        %sub3A_693 = arith.subf %sub3A_692, %mul3A_690 : vector<16xf32>
        %mul3A_694 = arith.mulf %bitcast_convert_type3A_685, %sub3A_693 : vector<16xf32>
        %mul3A_695 = arith.mulf %add3A_677, %mul3A_694 : vector<16xf32>
        %sub3A_696 = arith.subf %mul3A_666, %mul3A_695 : vector<16xf32>
        %abs3A_697 = math.absf %sub3A_696 : vector<16xf32>
        %add3A_698 = arith.addf %add3A_619, %abs3A_697 : vector<16xf32>
        %sub3A_699 = arith.subf %gather3A_620, %gather3A_626 : vector<16xf32>
        %sub3A_700 = arith.subf %gather3A_621, %gather3A_627 : vector<16xf32>
        %sub3A_701 = arith.subf %gather3A_622, %gather3A_628 : vector<16xf32>
        %mul3A_702 = arith.mulf %sub3A_699, %sub3A_699 : vector<16xf32>
        %mul3A_703 = arith.mulf %sub3A_700, %sub3A_700 : vector<16xf32>
        %add3A_704 = arith.addf %mul3A_702, %mul3A_703 : vector<16xf32>
        %mul3A_705 = arith.mulf %sub3A_701, %sub3A_701 : vector<16xf32>
        %add3A_706 = arith.addf %add3A_704, %mul3A_705 : vector<16xf32>
        %add3A_707 = arith.constant 9.99999996E-13 : f32
        %add3A_708 = vector.broadcast %add3A_707 : f32 to vector<16xf32>
        %add3A_709 = arith.addf %add3A_706, %add3A_708 : vector<16xf32>
        %bitcast_convert_type3A_710 = tpu.bitcast %add3A_709 : vector<16xf32> -> vector<16xi32>
        %shift_right_logical3A_711 = arith.constant 1 : i32
        %shift_right_logical3A_712 = vector.broadcast %shift_right_logical3A_711 : i32 to vector<16xi32>
        %shift_right_logical3A_713 = arith.shrui %bitcast_convert_type3A_710, %shift_right_logical3A_712 : vector<16xi32>
        %sub3A_714 = arith.constant 1597463007 : i32
        %sub3A_715 = vector.broadcast %sub3A_714 : i32 to vector<16xi32>
        %sub3A_716 = arith.subi %sub3A_715, %shift_right_logical3A_713 : vector<16xi32>
        %bitcast_convert_type3A_717 = tpu.bitcast %sub3A_716 : vector<16xi32> -> vector<16xf32>
        %mul3A_718 = arith.constant 5.000000e-01 : f32
        %mul3A_719 = vector.broadcast %mul3A_718 : f32 to vector<16xf32>
        %mul3A_720 = arith.mulf %add3A_709, %mul3A_719 : vector<16xf32>
        %mul3A_721 = arith.mulf %mul3A_720, %bitcast_convert_type3A_717 : vector<16xf32>
        %mul3A_722 = arith.mulf %mul3A_721, %bitcast_convert_type3A_717 : vector<16xf32>
        %sub3A_723 = arith.constant 1.500000e+00 : f32
        %sub3A_724 = vector.broadcast %sub3A_723 : f32 to vector<16xf32>
        %sub3A_725 = arith.subf %sub3A_724, %mul3A_722 : vector<16xf32>
        %mul3A_726 = arith.mulf %bitcast_convert_type3A_717, %sub3A_725 : vector<16xf32>
        %mul3A_727 = arith.mulf %add3A_709, %mul3A_726 : vector<16xf32>
        %sub3A_728 = arith.subf %gather3A_629, %gather3A_635 : vector<16xf32>
        %sub3A_729 = arith.subf %gather3A_630, %gather3A_636 : vector<16xf32>
        %sub3A_730 = arith.subf %gather3A_631, %gather3A_637 : vector<16xf32>
        %mul3A_731 = arith.mulf %sub3A_728, %sub3A_728 : vector<16xf32>
        %mul3A_732 = arith.mulf %sub3A_729, %sub3A_729 : vector<16xf32>
        %add3A_733 = arith.addf %mul3A_731, %mul3A_732 : vector<16xf32>
        %mul3A_734 = arith.mulf %sub3A_730, %sub3A_730 : vector<16xf32>
        %add3A_735 = arith.addf %add3A_733, %mul3A_734 : vector<16xf32>
        %add3A_736 = arith.constant 9.99999996E-13 : f32
        %add3A_737 = vector.broadcast %add3A_736 : f32 to vector<16xf32>
        %add3A_738 = arith.addf %add3A_735, %add3A_737 : vector<16xf32>
        %bitcast_convert_type3A_739 = tpu.bitcast %add3A_738 : vector<16xf32> -> vector<16xi32>
        %shift_right_logical3A_740 = arith.constant 1 : i32
        %shift_right_logical3A_741 = vector.broadcast %shift_right_logical3A_740 : i32 to vector<16xi32>
        %shift_right_logical3A_742 = arith.shrui %bitcast_convert_type3A_739, %shift_right_logical3A_741 : vector<16xi32>
        %sub3A_743 = arith.constant 1597463007 : i32
        %sub3A_744 = vector.broadcast %sub3A_743 : i32 to vector<16xi32>
        %sub3A_745 = arith.subi %sub3A_744, %shift_right_logical3A_742 : vector<16xi32>
        %bitcast_convert_type3A_746 = tpu.bitcast %sub3A_745 : vector<16xi32> -> vector<16xf32>
        %mul3A_747 = arith.constant 5.000000e-01 : f32
        %mul3A_748 = vector.broadcast %mul3A_747 : f32 to vector<16xf32>
        %mul3A_749 = arith.mulf %add3A_738, %mul3A_748 : vector<16xf32>
        %mul3A_750 = arith.mulf %mul3A_749, %bitcast_convert_type3A_746 : vector<16xf32>
        %mul3A_751 = arith.mulf %mul3A_750, %bitcast_convert_type3A_746 : vector<16xf32>
        %sub3A_752 = arith.constant 1.500000e+00 : f32
        %sub3A_753 = vector.broadcast %sub3A_752 : f32 to vector<16xf32>
        %sub3A_754 = arith.subf %sub3A_753, %mul3A_751 : vector<16xf32>
        %mul3A_755 = arith.mulf %bitcast_convert_type3A_746, %sub3A_754 : vector<16xf32>
        %mul3A_756 = arith.mulf %add3A_738, %mul3A_755 : vector<16xf32>
        %sub3A_757 = arith.subf %mul3A_727, %mul3A_756 : vector<16xf32>
        %abs3A_758 = math.absf %sub3A_757 : vector<16xf32>
        %add3A_759 = arith.addf %add3A_698, %abs3A_758 : vector<16xf32>
        %sub3A_760 = arith.subf %gather3A_623, %gather3A_626 : vector<16xf32>
        %sub3A_761 = arith.subf %gather3A_624, %gather3A_627 : vector<16xf32>
        %sub3A_762 = arith.subf %gather3A_625, %gather3A_628 : vector<16xf32>
        %mul3A_763 = arith.mulf %sub3A_760, %sub3A_760 : vector<16xf32>
        %mul3A_764 = arith.mulf %sub3A_761, %sub3A_761 : vector<16xf32>
        %add3A_765 = arith.addf %mul3A_763, %mul3A_764 : vector<16xf32>
        %mul3A_766 = arith.mulf %sub3A_762, %sub3A_762 : vector<16xf32>
        %add3A_767 = arith.addf %add3A_765, %mul3A_766 : vector<16xf32>
        %add3A_768 = arith.constant 9.99999996E-13 : f32
        %add3A_769 = vector.broadcast %add3A_768 : f32 to vector<16xf32>
        %add3A_770 = arith.addf %add3A_767, %add3A_769 : vector<16xf32>
        %bitcast_convert_type3A_771 = tpu.bitcast %add3A_770 : vector<16xf32> -> vector<16xi32>
        %shift_right_logical3A_772 = arith.constant 1 : i32
        %shift_right_logical3A_773 = vector.broadcast %shift_right_logical3A_772 : i32 to vector<16xi32>
        %shift_right_logical3A_774 = arith.shrui %bitcast_convert_type3A_771, %shift_right_logical3A_773 : vector<16xi32>
        %sub3A_775 = arith.constant 1597463007 : i32
        %sub3A_776 = vector.broadcast %sub3A_775 : i32 to vector<16xi32>
        %sub3A_777 = arith.subi %sub3A_776, %shift_right_logical3A_774 : vector<16xi32>
        %bitcast_convert_type3A_778 = tpu.bitcast %sub3A_777 : vector<16xi32> -> vector<16xf32>
        %mul3A_779 = arith.constant 5.000000e-01 : f32
        %mul3A_780 = vector.broadcast %mul3A_779 : f32 to vector<16xf32>
        %mul3A_781 = arith.mulf %add3A_770, %mul3A_780 : vector<16xf32>
        %mul3A_782 = arith.mulf %mul3A_781, %bitcast_convert_type3A_778 : vector<16xf32>
        %mul3A_783 = arith.mulf %mul3A_782, %bitcast_convert_type3A_778 : vector<16xf32>
        %sub3A_784 = arith.constant 1.500000e+00 : f32
        %sub3A_785 = vector.broadcast %sub3A_784 : f32 to vector<16xf32>
        %sub3A_786 = arith.subf %sub3A_785, %mul3A_783 : vector<16xf32>
        %mul3A_787 = arith.mulf %bitcast_convert_type3A_778, %sub3A_786 : vector<16xf32>
        %mul3A_788 = arith.mulf %add3A_770, %mul3A_787 : vector<16xf32>
        %sub3A_789 = arith.subf %gather3A_632, %gather3A_635 : vector<16xf32>
        %sub3A_790 = arith.subf %gather3A_633, %gather3A_636 : vector<16xf32>
        %sub3A_791 = arith.subf %gather3A_634, %gather3A_637 : vector<16xf32>
        %mul3A_792 = arith.mulf %sub3A_789, %sub3A_789 : vector<16xf32>
        %mul3A_793 = arith.mulf %sub3A_790, %sub3A_790 : vector<16xf32>
        %add3A_794 = arith.addf %mul3A_792, %mul3A_793 : vector<16xf32>
        %mul3A_795 = arith.mulf %sub3A_791, %sub3A_791 : vector<16xf32>
        %add3A_796 = arith.addf %add3A_794, %mul3A_795 : vector<16xf32>
        %add3A_797 = arith.constant 9.99999996E-13 : f32
        %add3A_798 = vector.broadcast %add3A_797 : f32 to vector<16xf32>
        %add3A_799 = arith.addf %add3A_796, %add3A_798 : vector<16xf32>
        %bitcast_convert_type3A_800 = tpu.bitcast %add3A_799 : vector<16xf32> -> vector<16xi32>
        %shift_right_logical3A_801 = arith.constant 1 : i32
        %shift_right_logical3A_802 = vector.broadcast %shift_right_logical3A_801 : i32 to vector<16xi32>
        %shift_right_logical3A_803 = arith.shrui %bitcast_convert_type3A_800, %shift_right_logical3A_802 : vector<16xi32>
        %sub3A_804 = arith.constant 1597463007 : i32
        %sub3A_805 = vector.broadcast %sub3A_804 : i32 to vector<16xi32>
        %sub3A_806 = arith.subi %sub3A_805, %shift_right_logical3A_803 : vector<16xi32>
        %bitcast_convert_type3A_807 = tpu.bitcast %sub3A_806 : vector<16xi32> -> vector<16xf32>
        %mul3A_808 = arith.constant 5.000000e-01 : f32
        %mul3A_809 = vector.broadcast %mul3A_808 : f32 to vector<16xf32>
        %mul3A_810 = arith.mulf %add3A_799, %mul3A_809 : vector<16xf32>
        %mul3A_811 = arith.mulf %mul3A_810, %bitcast_convert_type3A_807 : vector<16xf32>
        %mul3A_812 = arith.mulf %mul3A_811, %bitcast_convert_type3A_807 : vector<16xf32>
        %sub3A_813 = arith.constant 1.500000e+00 : f32
        %sub3A_814 = vector.broadcast %sub3A_813 : f32 to vector<16xf32>
        %sub3A_815 = arith.subf %sub3A_814, %mul3A_812 : vector<16xf32>
        %mul3A_816 = arith.mulf %bitcast_convert_type3A_807, %sub3A_815 : vector<16xf32>
        %mul3A_817 = arith.mulf %add3A_799, %mul3A_816 : vector<16xf32>
        %sub3A_818 = arith.subf %mul3A_788, %mul3A_817 : vector<16xf32>
        %abs3A_819 = math.absf %sub3A_818 : vector<16xf32>
        %add3A_820 = arith.addf %add3A_759, %abs3A_819 : vector<16xf32>
        %gather3A_821 = tpu.vector_load_idx %arg13[%broadcast_in_dim3A_422, %gather3A_57] : memref<16x384xf32, #tpu.memory_space<vmem>>[vector<16xi32>, vector<16xi32>], vector<16xf32>,
        %gather3A_822 = tpu.vector_load_idx %arg14[%broadcast_in_dim3A_422, %gather3A_57] : memref<16x384xf32, #tpu.memory_space<vmem>>[vector<16xi32>, vector<16xi32>], vector<16xf32>,
        %gather3A_823 = tpu.vector_load_idx %arg15[%broadcast_in_dim3A_422, %gather3A_57] : memref<16x384xf32, #tpu.memory_space<vmem>>[vector<16xi32>, vector<16xi32>], vector<16xf32>,
        %gather3A_824 = tpu.vector_load_idx %arg13[%broadcast_in_dim3A_422, %gather3A_64] : memref<16x384xf32, #tpu.memory_space<vmem>>[vector<16xi32>, vector<16xi32>], vector<16xf32>,
        %gather3A_825 = tpu.vector_load_idx %arg14[%broadcast_in_dim3A_422, %gather3A_64] : memref<16x384xf32, #tpu.memory_space<vmem>>[vector<16xi32>, vector<16xi32>], vector<16xf32>,
        %gather3A_826 = tpu.vector_load_idx %arg15[%broadcast_in_dim3A_422, %gather3A_64] : memref<16x384xf32, #tpu.memory_space<vmem>>[vector<16xi32>, vector<16xi32>], vector<16xf32>,
        %gather3A_827 = tpu.vector_load_idx %arg13[%broadcast_in_dim3A_422, %gather3A_71] : memref<16x384xf32, #tpu.memory_space<vmem>>[vector<16xi32>, vector<16xi32>], vector<16xf32>,
        %gather3A_828 = tpu.vector_load_idx %arg14[%broadcast_in_dim3A_422, %gather3A_71] : memref<16x384xf32, #tpu.memory_space<vmem>>[vector<16xi32>, vector<16xi32>], vector<16xf32>,
        %gather3A_829 = tpu.vector_load_idx %arg15[%broadcast_in_dim3A_422, %gather3A_71] : memref<16x384xf32, #tpu.memory_space<vmem>>[vector<16xi32>, vector<16xi32>], vector<16xf32>,
        %gather3A_830 = tpu.vector_load_idx %arg16[%broadcast_in_dim3A_422, %gather3A_57] : memref<16x384xf32, #tpu.memory_space<vmem>>[vector<16xi32>, vector<16xi32>], vector<16xf32>,
        %gather3A_831 = tpu.vector_load_idx %arg17[%broadcast_in_dim3A_422, %gather3A_57] : memref<16x384xf32, #tpu.memory_space<vmem>>[vector<16xi32>, vector<16xi32>], vector<16xf32>,
        %gather3A_832 = tpu.vector_load_idx %arg18[%broadcast_in_dim3A_422, %gather3A_57] : memref<16x384xf32, #tpu.memory_space<vmem>>[vector<16xi32>, vector<16xi32>], vector<16xf32>,
        %gather3A_833 = tpu.vector_load_idx %arg16[%broadcast_in_dim3A_422, %gather3A_64] : memref<16x384xf32, #tpu.memory_space<vmem>>[vector<16xi32>, vector<16xi32>], vector<16xf32>,
        %gather3A_834 = tpu.vector_load_idx %arg17[%broadcast_in_dim3A_422, %gather3A_64] : memref<16x384xf32, #tpu.memory_space<vmem>>[vector<16xi32>, vector<16xi32>], vector<16xf32>,
        %gather3A_835 = tpu.vector_load_idx %arg18[%broadcast_in_dim3A_422, %gather3A_64] : memref<16x384xf32, #tpu.memory_space<vmem>>[vector<16xi32>, vector<16xi32>], vector<16xf32>,
        %gather3A_836 = tpu.vector_load_idx %arg16[%broadcast_in_dim3A_422, %gather3A_71] : memref<16x384xf32, #tpu.memory_space<vmem>>[vector<16xi32>, vector<16xi32>], vector<16xf32>,
        %gather3A_837 = tpu.vector_load_idx %arg17[%broadcast_in_dim3A_422, %gather3A_71] : memref<16x384xf32, #tpu.memory_space<vmem>>[vector<16xi32>, vector<16xi32>], vector<16xf32>,
        %gather3A_838 = tpu.vector_load_idx %arg18[%broadcast_in_dim3A_422, %gather3A_71] : memref<16x384xf32, #tpu.memory_space<vmem>>[vector<16xi32>, vector<16xi32>], vector<16xf32>,
        %sub3A_839 = arith.subf %gather3A_821, %gather3A_824 : vector<16xf32>
        %sub3A_840 = arith.subf %gather3A_822, %gather3A_825 : vector<16xf32>
        %sub3A_841 = arith.subf %gather3A_823, %gather3A_826 : vector<16xf32>
        %mul3A_842 = arith.mulf %sub3A_839, %sub3A_839 : vector<16xf32>
        %mul3A_843 = arith.mulf %sub3A_840, %sub3A_840 : vector<16xf32>
        %add3A_844 = arith.addf %mul3A_842, %mul3A_843 : vector<16xf32>
        %mul3A_845 = arith.mulf %sub3A_841, %sub3A_841 : vector<16xf32>
        %add3A_846 = arith.addf %add3A_844, %mul3A_845 : vector<16xf32>
        %add3A_847 = arith.constant 9.99999996E-13 : f32
        %add3A_848 = vector.broadcast %add3A_847 : f32 to vector<16xf32>
        %add3A_849 = arith.addf %add3A_846, %add3A_848 : vector<16xf32>
        %bitcast_convert_type3A_850 = tpu.bitcast %add3A_849 : vector<16xf32> -> vector<16xi32>
        %shift_right_logical3A_851 = arith.constant 1 : i32
        %shift_right_logical3A_852 = vector.broadcast %shift_right_logical3A_851 : i32 to vector<16xi32>
        %shift_right_logical3A_853 = arith.shrui %bitcast_convert_type3A_850, %shift_right_logical3A_852 : vector<16xi32>
        %sub3A_854 = arith.constant 1597463007 : i32
        %sub3A_855 = vector.broadcast %sub3A_854 : i32 to vector<16xi32>
        %sub3A_856 = arith.subi %sub3A_855, %shift_right_logical3A_853 : vector<16xi32>
        %bitcast_convert_type3A_857 = tpu.bitcast %sub3A_856 : vector<16xi32> -> vector<16xf32>
        %mul3A_858 = arith.constant 5.000000e-01 : f32
        %mul3A_859 = vector.broadcast %mul3A_858 : f32 to vector<16xf32>
        %mul3A_860 = arith.mulf %add3A_849, %mul3A_859 : vector<16xf32>
        %mul3A_861 = arith.mulf %mul3A_860, %bitcast_convert_type3A_857 : vector<16xf32>
        %mul3A_862 = arith.mulf %mul3A_861, %bitcast_convert_type3A_857 : vector<16xf32>
        %sub3A_863 = arith.constant 1.500000e+00 : f32
        %sub3A_864 = vector.broadcast %sub3A_863 : f32 to vector<16xf32>
        %sub3A_865 = arith.subf %sub3A_864, %mul3A_862 : vector<16xf32>
        %mul3A_866 = arith.mulf %bitcast_convert_type3A_857, %sub3A_865 : vector<16xf32>
        %mul3A_867 = arith.mulf %add3A_849, %mul3A_866 : vector<16xf32>
        %sub3A_868 = arith.subf %gather3A_830, %gather3A_833 : vector<16xf32>
        %sub3A_869 = arith.subf %gather3A_831, %gather3A_834 : vector<16xf32>
        %sub3A_870 = arith.subf %gather3A_832, %gather3A_835 : vector<16xf32>
        %mul3A_871 = arith.mulf %sub3A_868, %sub3A_868 : vector<16xf32>
        %mul3A_872 = arith.mulf %sub3A_869, %sub3A_869 : vector<16xf32>
        %add3A_873 = arith.addf %mul3A_871, %mul3A_872 : vector<16xf32>
        %mul3A_874 = arith.mulf %sub3A_870, %sub3A_870 : vector<16xf32>
        %add3A_875 = arith.addf %add3A_873, %mul3A_874 : vector<16xf32>
        %add3A_876 = arith.constant 9.99999996E-13 : f32
        %add3A_877 = vector.broadcast %add3A_876 : f32 to vector<16xf32>
        %add3A_878 = arith.addf %add3A_875, %add3A_877 : vector<16xf32>
        %bitcast_convert_type3A_879 = tpu.bitcast %add3A_878 : vector<16xf32> -> vector<16xi32>
        %shift_right_logical3A_880 = arith.constant 1 : i32
        %shift_right_logical3A_881 = vector.broadcast %shift_right_logical3A_880 : i32 to vector<16xi32>
        %shift_right_logical3A_882 = arith.shrui %bitcast_convert_type3A_879, %shift_right_logical3A_881 : vector<16xi32>
        %sub3A_883 = arith.constant 1597463007 : i32
        %sub3A_884 = vector.broadcast %sub3A_883 : i32 to vector<16xi32>
        %sub3A_885 = arith.subi %sub3A_884, %shift_right_logical3A_882 : vector<16xi32>
        %bitcast_convert_type3A_886 = tpu.bitcast %sub3A_885 : vector<16xi32> -> vector<16xf32>
        %mul3A_887 = arith.constant 5.000000e-01 : f32
        %mul3A_888 = vector.broadcast %mul3A_887 : f32 to vector<16xf32>
        %mul3A_889 = arith.mulf %add3A_878, %mul3A_888 : vector<16xf32>
        %mul3A_890 = arith.mulf %mul3A_889, %bitcast_convert_type3A_886 : vector<16xf32>
        %mul3A_891 = arith.mulf %mul3A_890, %bitcast_convert_type3A_886 : vector<16xf32>
        %sub3A_892 = arith.constant 1.500000e+00 : f32
        %sub3A_893 = vector.broadcast %sub3A_892 : f32 to vector<16xf32>
        %sub3A_894 = arith.subf %sub3A_893, %mul3A_891 : vector<16xf32>
        %mul3A_895 = arith.mulf %bitcast_convert_type3A_886, %sub3A_894 : vector<16xf32>
        %mul3A_896 = arith.mulf %add3A_878, %mul3A_895 : vector<16xf32>
        %sub3A_897 = arith.subf %mul3A_867, %mul3A_896 : vector<16xf32>
        %abs3A_898 = math.absf %sub3A_897 : vector<16xf32>
        %add3A_899 = arith.addf %add3A_820, %abs3A_898 : vector<16xf32>
        %sub3A_900 = arith.subf %gather3A_821, %gather3A_827 : vector<16xf32>
        %sub3A_901 = arith.subf %gather3A_822, %gather3A_828 : vector<16xf32>
        %sub3A_902 = arith.subf %gather3A_823, %gather3A_829 : vector<16xf32>
        %mul3A_903 = arith.mulf %sub3A_900, %sub3A_900 : vector<16xf32>
        %mul3A_904 = arith.mulf %sub3A_901, %sub3A_901 : vector<16xf32>
        %add3A_905 = arith.addf %mul3A_903, %mul3A_904 : vector<16xf32>
        %mul3A_906 = arith.mulf %sub3A_902, %sub3A_902 : vector<16xf32>
        %add3A_907 = arith.addf %add3A_905, %mul3A_906 : vector<16xf32>
        %add3A_908 = arith.constant 9.99999996E-13 : f32
        %add3A_909 = vector.broadcast %add3A_908 : f32 to vector<16xf32>
        %add3A_910 = arith.addf %add3A_907, %add3A_909 : vector<16xf32>
        %bitcast_convert_type3A_911 = tpu.bitcast %add3A_910 : vector<16xf32> -> vector<16xi32>
        %shift_right_logical3A_912 = arith.constant 1 : i32
        %shift_right_logical3A_913 = vector.broadcast %shift_right_logical3A_912 : i32 to vector<16xi32>
        %shift_right_logical3A_914 = arith.shrui %bitcast_convert_type3A_911, %shift_right_logical3A_913 : vector<16xi32>
        %sub3A_915 = arith.constant 1597463007 : i32
        %sub3A_916 = vector.broadcast %sub3A_915 : i32 to vector<16xi32>
        %sub3A_917 = arith.subi %sub3A_916, %shift_right_logical3A_914 : vector<16xi32>
        %bitcast_convert_type3A_918 = tpu.bitcast %sub3A_917 : vector<16xi32> -> vector<16xf32>
        %mul3A_919 = arith.constant 5.000000e-01 : f32
        %mul3A_920 = vector.broadcast %mul3A_919 : f32 to vector<16xf32>
        %mul3A_921 = arith.mulf %add3A_910, %mul3A_920 : vector<16xf32>
        %mul3A_922 = arith.mulf %mul3A_921, %bitcast_convert_type3A_918 : vector<16xf32>
        %mul3A_923 = arith.mulf %mul3A_922, %bitcast_convert_type3A_918 : vector<16xf32>
        %sub3A_924 = arith.constant 1.500000e+00 : f32
        %sub3A_925 = vector.broadcast %sub3A_924 : f32 to vector<16xf32>
        %sub3A_926 = arith.subf %sub3A_925, %mul3A_923 : vector<16xf32>
        %mul3A_927 = arith.mulf %bitcast_convert_type3A_918, %sub3A_926 : vector<16xf32>
        %mul3A_928 = arith.mulf %add3A_910, %mul3A_927 : vector<16xf32>
        %sub3A_929 = arith.subf %gather3A_830, %gather3A_836 : vector<16xf32>
        %sub3A_930 = arith.subf %gather3A_831, %gather3A_837 : vector<16xf32>
        %sub3A_931 = arith.subf %gather3A_832, %gather3A_838 : vector<16xf32>
        %mul3A_932 = arith.mulf %sub3A_929, %sub3A_929 : vector<16xf32>
        %mul3A_933 = arith.mulf %sub3A_930, %sub3A_930 : vector<16xf32>
        %add3A_934 = arith.addf %mul3A_932, %mul3A_933 : vector<16xf32>
        %mul3A_935 = arith.mulf %sub3A_931, %sub3A_931 : vector<16xf32>
        %add3A_936 = arith.addf %add3A_934, %mul3A_935 : vector<16xf32>
        %add3A_937 = arith.constant 9.99999996E-13 : f32
        %add3A_938 = vector.broadcast %add3A_937 : f32 to vector<16xf32>
        %add3A_939 = arith.addf %add3A_936, %add3A_938 : vector<16xf32>
        %bitcast_convert_type3A_940 = tpu.bitcast %add3A_939 : vector<16xf32> -> vector<16xi32>
        %shift_right_logical3A_941 = arith.constant 1 : i32
        %shift_right_logical3A_942 = vector.broadcast %shift_right_logical3A_941 : i32 to vector<16xi32>
        %shift_right_logical3A_943 = arith.shrui %bitcast_convert_type3A_940, %shift_right_logical3A_942 : vector<16xi32>
        %sub3A_944 = arith.constant 1597463007 : i32
        %sub3A_945 = vector.broadcast %sub3A_944 : i32 to vector<16xi32>
        %sub3A_946 = arith.subi %sub3A_945, %shift_right_logical3A_943 : vector<16xi32>
        %bitcast_convert_type3A_947 = tpu.bitcast %sub3A_946 : vector<16xi32> -> vector<16xf32>
        %mul3A_948 = arith.constant 5.000000e-01 : f32
        %mul3A_949 = vector.broadcast %mul3A_948 : f32 to vector<16xf32>
        %mul3A_950 = arith.mulf %add3A_939, %mul3A_949 : vector<16xf32>
        %mul3A_951 = arith.mulf %mul3A_950, %bitcast_convert_type3A_947 : vector<16xf32>
        %mul3A_952 = arith.mulf %mul3A_951, %bitcast_convert_type3A_947 : vector<16xf32>
        %sub3A_953 = arith.constant 1.500000e+00 : f32
        %sub3A_954 = vector.broadcast %sub3A_953 : f32 to vector<16xf32>
        %sub3A_955 = arith.subf %sub3A_954, %mul3A_952 : vector<16xf32>
        %mul3A_956 = arith.mulf %bitcast_convert_type3A_947, %sub3A_955 : vector<16xf32>
        %mul3A_957 = arith.mulf %add3A_939, %mul3A_956 : vector<16xf32>
        %sub3A_958 = arith.subf %mul3A_928, %mul3A_957 : vector<16xf32>
        %abs3A_959 = math.absf %sub3A_958 : vector<16xf32>
        %add3A_960 = arith.addf %add3A_899, %abs3A_959 : vector<16xf32>
        %sub3A_961 = arith.subf %gather3A_824, %gather3A_827 : vector<16xf32>
        %sub3A_962 = arith.subf %gather3A_825, %gather3A_828 : vector<16xf32>
        %sub3A_963 = arith.subf %gather3A_826, %gather3A_829 : vector<16xf32>
        %mul3A_964 = arith.mulf %sub3A_961, %sub3A_961 : vector<16xf32>
        %mul3A_965 = arith.mulf %sub3A_962, %sub3A_962 : vector<16xf32>
        %add3A_966 = arith.addf %mul3A_964, %mul3A_965 : vector<16xf32>
        %mul3A_967 = arith.mulf %sub3A_963, %sub3A_963 : vector<16xf32>
        %add3A_968 = arith.addf %add3A_966, %mul3A_967 : vector<16xf32>
        %add3A_969 = arith.constant 9.99999996E-13 : f32
        %add3A_970 = vector.broadcast %add3A_969 : f32 to vector<16xf32>
        %add3A_971 = arith.addf %add3A_968, %add3A_970 : vector<16xf32>
        %bitcast_convert_type3A_972 = tpu.bitcast %add3A_971 : vector<16xf32> -> vector<16xi32>
        %shift_right_logical3A_973 = arith.constant 1 : i32
        %shift_right_logical3A_974 = vector.broadcast %shift_right_logical3A_973 : i32 to vector<16xi32>
        %shift_right_logical3A_975 = arith.shrui %bitcast_convert_type3A_972, %shift_right_logical3A_974 : vector<16xi32>
        %sub3A_976 = arith.constant 1597463007 : i32
        %sub3A_977 = vector.broadcast %sub3A_976 : i32 to vector<16xi32>
        %sub3A_978 = arith.subi %sub3A_977, %shift_right_logical3A_975 : vector<16xi32>
        %bitcast_convert_type3A_979 = tpu.bitcast %sub3A_978 : vector<16xi32> -> vector<16xf32>
        %mul3A_980 = arith.constant 5.000000e-01 : f32
        %mul3A_981 = vector.broadcast %mul3A_980 : f32 to vector<16xf32>
        %mul3A_982 = arith.mulf %add3A_971, %mul3A_981 : vector<16xf32>
        %mul3A_983 = arith.mulf %mul3A_982, %bitcast_convert_type3A_979 : vector<16xf32>
        %mul3A_984 = arith.mulf %mul3A_983, %bitcast_convert_type3A_979 : vector<16xf32>
        %sub3A_985 = arith.constant 1.500000e+00 : f32
        %sub3A_986 = vector.broadcast %sub3A_985 : f32 to vector<16xf32>
        %sub3A_987 = arith.subf %sub3A_986, %mul3A_984 : vector<16xf32>
        %mul3A_988 = arith.mulf %bitcast_convert_type3A_979, %sub3A_987 : vector<16xf32>
        %mul3A_989 = arith.mulf %add3A_971, %mul3A_988 : vector<16xf32>
        %sub3A_990 = arith.subf %gather3A_833, %gather3A_836 : vector<16xf32>
        %sub3A_991 = arith.subf %gather3A_834, %gather3A_837 : vector<16xf32>
        %sub3A_992 = arith.subf %gather3A_835, %gather3A_838 : vector<16xf32>
        %mul3A_993 = arith.mulf %sub3A_990, %sub3A_990 : vector<16xf32>
        %mul3A_994 = arith.mulf %sub3A_991, %sub3A_991 : vector<16xf32>
        %add3A_995 = arith.addf %mul3A_993, %mul3A_994 : vector<16xf32>
        %mul3A_996 = arith.mulf %sub3A_992, %sub3A_992 : vector<16xf32>
        %add3A_997 = arith.addf %add3A_995, %mul3A_996 : vector<16xf32>
        %add3A_998 = arith.constant 9.99999996E-13 : f32
        %add3A_999 = vector.broadcast %add3A_998 : f32 to vector<16xf32>
        %add3A_1000 = arith.addf %add3A_997, %add3A_999 : vector<16xf32>
        %bitcast_convert_type3A_1001 = tpu.bitcast %add3A_1000 : vector<16xf32> -> vector<16xi32>
        %shift_right_logical3A_1002 = arith.constant 1 : i32
        %shift_right_logical3A_1003 = vector.broadcast %shift_right_logical3A_1002 : i32 to vector<16xi32>
        %shift_right_logical3A_1004 = arith.shrui %bitcast_convert_type3A_1001, %shift_right_logical3A_1003 : vector<16xi32>
        %sub3A_1005 = arith.constant 1597463007 : i32
        %sub3A_1006 = vector.broadcast %sub3A_1005 : i32 to vector<16xi32>
        %sub3A_1007 = arith.subi %sub3A_1006, %shift_right_logical3A_1004 : vector<16xi32>
        %bitcast_convert_type3A_1008 = tpu.bitcast %sub3A_1007 : vector<16xi32> -> vector<16xf32>
        %mul3A_1009 = arith.constant 5.000000e-01 : f32
        %mul3A_1010 = vector.broadcast %mul3A_1009 : f32 to vector<16xf32>
        %mul3A_1011 = arith.mulf %add3A_1000, %mul3A_1010 : vector<16xf32>
        %mul3A_1012 = arith.mulf %mul3A_1011, %bitcast_convert_type3A_1008 : vector<16xf32>
        %mul3A_1013 = arith.mulf %mul3A_1012, %bitcast_convert_type3A_1008 : vector<16xf32>
        %sub3A_1014 = arith.constant 1.500000e+00 : f32
        %sub3A_1015 = vector.broadcast %sub3A_1014 : f32 to vector<16xf32>
        %sub3A_1016 = arith.subf %sub3A_1015, %mul3A_1013 : vector<16xf32>
        %mul3A_1017 = arith.mulf %bitcast_convert_type3A_1008, %sub3A_1016 : vector<16xf32>
        %mul3A_1018 = arith.mulf %add3A_1000, %mul3A_1017 : vector<16xf32>
        %sub3A_1019 = arith.subf %mul3A_989, %mul3A_1018 : vector<16xf32>
        %abs3A_1020 = math.absf %sub3A_1019 : vector<16xf32>
        %add3A_1021 = arith.addf %add3A_960, %abs3A_1020 : vector<16xf32>
        %gather3A_1022 = tpu.vector_load_idx %arg13[%broadcast_in_dim3A_422, %gather3A_81] : memref<16x384xf32, #tpu.memory_space<vmem>>[vector<16xi32>, vector<16xi32>], vector<16xf32>,
        %gather3A_1023 = tpu.vector_load_idx %arg14[%broadcast_in_dim3A_422, %gather3A_81] : memref<16x384xf32, #tpu.memory_space<vmem>>[vector<16xi32>, vector<16xi32>], vector<16xf32>,
        %gather3A_1024 = tpu.vector_load_idx %arg15[%broadcast_in_dim3A_422, %gather3A_81] : memref<16x384xf32, #tpu.memory_space<vmem>>[vector<16xi32>, vector<16xi32>], vector<16xf32>,
        %gather3A_1025 = tpu.vector_load_idx %arg13[%broadcast_in_dim3A_422, %gather3A_88] : memref<16x384xf32, #tpu.memory_space<vmem>>[vector<16xi32>, vector<16xi32>], vector<16xf32>,
        %gather3A_1026 = tpu.vector_load_idx %arg14[%broadcast_in_dim3A_422, %gather3A_88] : memref<16x384xf32, #tpu.memory_space<vmem>>[vector<16xi32>, vector<16xi32>], vector<16xf32>,
        %gather3A_1027 = tpu.vector_load_idx %arg15[%broadcast_in_dim3A_422, %gather3A_88] : memref<16x384xf32, #tpu.memory_space<vmem>>[vector<16xi32>, vector<16xi32>], vector<16xf32>,
        %gather3A_1028 = tpu.vector_load_idx %arg13[%broadcast_in_dim3A_422, %gather3A_95] : memref<16x384xf32, #tpu.memory_space<vmem>>[vector<16xi32>, vector<16xi32>], vector<16xf32>,
        %gather3A_1029 = tpu.vector_load_idx %arg14[%broadcast_in_dim3A_422, %gather3A_95] : memref<16x384xf32, #tpu.memory_space<vmem>>[vector<16xi32>, vector<16xi32>], vector<16xf32>,
        %gather3A_1030 = tpu.vector_load_idx %arg15[%broadcast_in_dim3A_422, %gather3A_95] : memref<16x384xf32, #tpu.memory_space<vmem>>[vector<16xi32>, vector<16xi32>], vector<16xf32>,
        %gather3A_1031 = tpu.vector_load_idx %arg16[%broadcast_in_dim3A_422, %gather3A_81] : memref<16x384xf32, #tpu.memory_space<vmem>>[vector<16xi32>, vector<16xi32>], vector<16xf32>,
        %gather3A_1032 = tpu.vector_load_idx %arg17[%broadcast_in_dim3A_422, %gather3A_81] : memref<16x384xf32, #tpu.memory_space<vmem>>[vector<16xi32>, vector<16xi32>], vector<16xf32>,
        %gather3A_1033 = tpu.vector_load_idx %arg18[%broadcast_in_dim3A_422, %gather3A_81] : memref<16x384xf32, #tpu.memory_space<vmem>>[vector<16xi32>, vector<16xi32>], vector<16xf32>,
        %gather3A_1034 = tpu.vector_load_idx %arg16[%broadcast_in_dim3A_422, %gather3A_88] : memref<16x384xf32, #tpu.memory_space<vmem>>[vector<16xi32>, vector<16xi32>], vector<16xf32>,
        %gather3A_1035 = tpu.vector_load_idx %arg17[%broadcast_in_dim3A_422, %gather3A_88] : memref<16x384xf32, #tpu.memory_space<vmem>>[vector<16xi32>, vector<16xi32>], vector<16xf32>,
        %gather3A_1036 = tpu.vector_load_idx %arg18[%broadcast_in_dim3A_422, %gather3A_88] : memref<16x384xf32, #tpu.memory_space<vmem>>[vector<16xi32>, vector<16xi32>], vector<16xf32>,
        %gather3A_1037 = tpu.vector_load_idx %arg16[%broadcast_in_dim3A_422, %gather3A_95] : memref<16x384xf32, #tpu.memory_space<vmem>>[vector<16xi32>, vector<16xi32>], vector<16xf32>,
        %gather3A_1038 = tpu.vector_load_idx %arg17[%broadcast_in_dim3A_422, %gather3A_95] : memref<16x384xf32, #tpu.memory_space<vmem>>[vector<16xi32>, vector<16xi32>], vector<16xf32>,
        %gather3A_1039 = tpu.vector_load_idx %arg18[%broadcast_in_dim3A_422, %gather3A_95] : memref<16x384xf32, #tpu.memory_space<vmem>>[vector<16xi32>, vector<16xi32>], vector<16xf32>,
        %sub3A_1040 = arith.subf %gather3A_1022, %gather3A_1025 : vector<16xf32>
        %sub3A_1041 = arith.subf %gather3A_1023, %gather3A_1026 : vector<16xf32>
        %sub3A_1042 = arith.subf %gather3A_1024, %gather3A_1027 : vector<16xf32>
        %mul3A_1043 = arith.mulf %sub3A_1040, %sub3A_1040 : vector<16xf32>
        %mul3A_1044 = arith.mulf %sub3A_1041, %sub3A_1041 : vector<16xf32>
        %add3A_1045 = arith.addf %mul3A_1043, %mul3A_1044 : vector<16xf32>
        %mul3A_1046 = arith.mulf %sub3A_1042, %sub3A_1042 : vector<16xf32>
        %add3A_1047 = arith.addf %add3A_1045, %mul3A_1046 : vector<16xf32>
        %add3A_1048 = arith.constant 9.99999996E-13 : f32
        %add3A_1049 = vector.broadcast %add3A_1048 : f32 to vector<16xf32>
        %add3A_1050 = arith.addf %add3A_1047, %add3A_1049 : vector<16xf32>
        %bitcast_convert_type3A_1051 = tpu.bitcast %add3A_1050 : vector<16xf32> -> vector<16xi32>
        %shift_right_logical3A_1052 = arith.constant 1 : i32
        %shift_right_logical3A_1053 = vector.broadcast %shift_right_logical3A_1052 : i32 to vector<16xi32>
        %shift_right_logical3A_1054 = arith.shrui %bitcast_convert_type3A_1051, %shift_right_logical3A_1053 : vector<16xi32>
        %sub3A_1055 = arith.constant 1597463007 : i32
        %sub3A_1056 = vector.broadcast %sub3A_1055 : i32 to vector<16xi32>
        %sub3A_1057 = arith.subi %sub3A_1056, %shift_right_logical3A_1054 : vector<16xi32>
        %bitcast_convert_type3A_1058 = tpu.bitcast %sub3A_1057 : vector<16xi32> -> vector<16xf32>
        %mul3A_1059 = arith.constant 5.000000e-01 : f32
        %mul3A_1060 = vector.broadcast %mul3A_1059 : f32 to vector<16xf32>
        %mul3A_1061 = arith.mulf %add3A_1050, %mul3A_1060 : vector<16xf32>
        %mul3A_1062 = arith.mulf %mul3A_1061, %bitcast_convert_type3A_1058 : vector<16xf32>
        %mul3A_1063 = arith.mulf %mul3A_1062, %bitcast_convert_type3A_1058 : vector<16xf32>
        %sub3A_1064 = arith.constant 1.500000e+00 : f32
        %sub3A_1065 = vector.broadcast %sub3A_1064 : f32 to vector<16xf32>
        %sub3A_1066 = arith.subf %sub3A_1065, %mul3A_1063 : vector<16xf32>
        %mul3A_1067 = arith.mulf %bitcast_convert_type3A_1058, %sub3A_1066 : vector<16xf32>
        %mul3A_1068 = arith.mulf %add3A_1050, %mul3A_1067 : vector<16xf32>
        %sub3A_1069 = arith.subf %gather3A_1031, %gather3A_1034 : vector<16xf32>
        %sub3A_1070 = arith.subf %gather3A_1032, %gather3A_1035 : vector<16xf32>
        %sub3A_1071 = arith.subf %gather3A_1033, %gather3A_1036 : vector<16xf32>
        %mul3A_1072 = arith.mulf %sub3A_1069, %sub3A_1069 : vector<16xf32>
        %mul3A_1073 = arith.mulf %sub3A_1070, %sub3A_1070 : vector<16xf32>
        %add3A_1074 = arith.addf %mul3A_1072, %mul3A_1073 : vector<16xf32>
        %mul3A_1075 = arith.mulf %sub3A_1071, %sub3A_1071 : vector<16xf32>
        %add3A_1076 = arith.addf %add3A_1074, %mul3A_1075 : vector<16xf32>
        %add3A_1077 = arith.constant 9.99999996E-13 : f32
        %add3A_1078 = vector.broadcast %add3A_1077 : f32 to vector<16xf32>
        %add3A_1079 = arith.addf %add3A_1076, %add3A_1078 : vector<16xf32>
        %bitcast_convert_type3A_1080 = tpu.bitcast %add3A_1079 : vector<16xf32> -> vector<16xi32>
        %shift_right_logical3A_1081 = arith.constant 1 : i32
        %shift_right_logical3A_1082 = vector.broadcast %shift_right_logical3A_1081 : i32 to vector<16xi32>
        %shift_right_logical3A_1083 = arith.shrui %bitcast_convert_type3A_1080, %shift_right_logical3A_1082 : vector<16xi32>
        %sub3A_1084 = arith.constant 1597463007 : i32
        %sub3A_1085 = vector.broadcast %sub3A_1084 : i32 to vector<16xi32>
        %sub3A_1086 = arith.subi %sub3A_1085, %shift_right_logical3A_1083 : vector<16xi32>
        %bitcast_convert_type3A_1087 = tpu.bitcast %sub3A_1086 : vector<16xi32> -> vector<16xf32>
        %mul3A_1088 = arith.constant 5.000000e-01 : f32
        %mul3A_1089 = vector.broadcast %mul3A_1088 : f32 to vector<16xf32>
        %mul3A_1090 = arith.mulf %add3A_1079, %mul3A_1089 : vector<16xf32>
        %mul3A_1091 = arith.mulf %mul3A_1090, %bitcast_convert_type3A_1087 : vector<16xf32>
        %mul3A_1092 = arith.mulf %mul3A_1091, %bitcast_convert_type3A_1087 : vector<16xf32>
        %sub3A_1093 = arith.constant 1.500000e+00 : f32
        %sub3A_1094 = vector.broadcast %sub3A_1093 : f32 to vector<16xf32>
        %sub3A_1095 = arith.subf %sub3A_1094, %mul3A_1092 : vector<16xf32>
        %mul3A_1096 = arith.mulf %bitcast_convert_type3A_1087, %sub3A_1095 : vector<16xf32>
        %mul3A_1097 = arith.mulf %add3A_1079, %mul3A_1096 : vector<16xf32>
        %sub3A_1098 = arith.subf %mul3A_1068, %mul3A_1097 : vector<16xf32>
        %abs3A_1099 = math.absf %sub3A_1098 : vector<16xf32>
        %add3A_1100 = arith.addf %add3A_1021, %abs3A_1099 : vector<16xf32>
        %sub3A_1101 = arith.subf %gather3A_1022, %gather3A_1028 : vector<16xf32>
        %sub3A_1102 = arith.subf %gather3A_1023, %gather3A_1029 : vector<16xf32>
        %sub3A_1103 = arith.subf %gather3A_1024, %gather3A_1030 : vector<16xf32>
        %mul3A_1104 = arith.mulf %sub3A_1101, %sub3A_1101 : vector<16xf32>
        %mul3A_1105 = arith.mulf %sub3A_1102, %sub3A_1102 : vector<16xf32>
        %add3A_1106 = arith.addf %mul3A_1104, %mul3A_1105 : vector<16xf32>
        %mul3A_1107 = arith.mulf %sub3A_1103, %sub3A_1103 : vector<16xf32>
        %add3A_1108 = arith.addf %add3A_1106, %mul3A_1107 : vector<16xf32>
        %add3A_1109 = arith.constant 9.99999996E-13 : f32
        %add3A_1110 = vector.broadcast %add3A_1109 : f32 to vector<16xf32>
        %add3A_1111 = arith.addf %add3A_1108, %add3A_1110 : vector<16xf32>
        %bitcast_convert_type3A_1112 = tpu.bitcast %add3A_1111 : vector<16xf32> -> vector<16xi32>
        %shift_right_logical3A_1113 = arith.constant 1 : i32
        %shift_right_logical3A_1114 = vector.broadcast %shift_right_logical3A_1113 : i32 to vector<16xi32>
        %shift_right_logical3A_1115 = arith.shrui %bitcast_convert_type3A_1112, %shift_right_logical3A_1114 : vector<16xi32>
        %sub3A_1116 = arith.constant 1597463007 : i32
        %sub3A_1117 = vector.broadcast %sub3A_1116 : i32 to vector<16xi32>
        %sub3A_1118 = arith.subi %sub3A_1117, %shift_right_logical3A_1115 : vector<16xi32>
        %bitcast_convert_type3A_1119 = tpu.bitcast %sub3A_1118 : vector<16xi32> -> vector<16xf32>
        %mul3A_1120 = arith.constant 5.000000e-01 : f32
        %mul3A_1121 = vector.broadcast %mul3A_1120 : f32 to vector<16xf32>
        %mul3A_1122 = arith.mulf %add3A_1111, %mul3A_1121 : vector<16xf32>
        %mul3A_1123 = arith.mulf %mul3A_1122, %bitcast_convert_type3A_1119 : vector<16xf32>
        %mul3A_1124 = arith.mulf %mul3A_1123, %bitcast_convert_type3A_1119 : vector<16xf32>
        %sub3A_1125 = arith.constant 1.500000e+00 : f32
        %sub3A_1126 = vector.broadcast %sub3A_1125 : f32 to vector<16xf32>
        %sub3A_1127 = arith.subf %sub3A_1126, %mul3A_1124 : vector<16xf32>
        %mul3A_1128 = arith.mulf %bitcast_convert_type3A_1119, %sub3A_1127 : vector<16xf32>
        %mul3A_1129 = arith.mulf %add3A_1111, %mul3A_1128 : vector<16xf32>
        %sub3A_1130 = arith.subf %gather3A_1031, %gather3A_1037 : vector<16xf32>
        %sub3A_1131 = arith.subf %gather3A_1032, %gather3A_1038 : vector<16xf32>
        %sub3A_1132 = arith.subf %gather3A_1033, %gather3A_1039 : vector<16xf32>
        %mul3A_1133 = arith.mulf %sub3A_1130, %sub3A_1130 : vector<16xf32>
        %mul3A_1134 = arith.mulf %sub3A_1131, %sub3A_1131 : vector<16xf32>
        %add3A_1135 = arith.addf %mul3A_1133, %mul3A_1134 : vector<16xf32>
        %mul3A_1136 = arith.mulf %sub3A_1132, %sub3A_1132 : vector<16xf32>
        %add3A_1137 = arith.addf %add3A_1135, %mul3A_1136 : vector<16xf32>
        %add3A_1138 = arith.constant 9.99999996E-13 : f32
        %add3A_1139 = vector.broadcast %add3A_1138 : f32 to vector<16xf32>
        %add3A_1140 = arith.addf %add3A_1137, %add3A_1139 : vector<16xf32>
        %bitcast_convert_type3A_1141 = tpu.bitcast %add3A_1140 : vector<16xf32> -> vector<16xi32>
        %shift_right_logical3A_1142 = arith.constant 1 : i32
        %shift_right_logical3A_1143 = vector.broadcast %shift_right_logical3A_1142 : i32 to vector<16xi32>
        %shift_right_logical3A_1144 = arith.shrui %bitcast_convert_type3A_1141, %shift_right_logical3A_1143 : vector<16xi32>
        %sub3A_1145 = arith.constant 1597463007 : i32
        %sub3A_1146 = vector.broadcast %sub3A_1145 : i32 to vector<16xi32>
        %sub3A_1147 = arith.subi %sub3A_1146, %shift_right_logical3A_1144 : vector<16xi32>
        %bitcast_convert_type3A_1148 = tpu.bitcast %sub3A_1147 : vector<16xi32> -> vector<16xf32>
        %mul3A_1149 = arith.constant 5.000000e-01 : f32
        %mul3A_1150 = vector.broadcast %mul3A_1149 : f32 to vector<16xf32>
        %mul3A_1151 = arith.mulf %add3A_1140, %mul3A_1150 : vector<16xf32>
        %mul3A_1152 = arith.mulf %mul3A_1151, %bitcast_convert_type3A_1148 : vector<16xf32>
        %mul3A_1153 = arith.mulf %mul3A_1152, %bitcast_convert_type3A_1148 : vector<16xf32>
        %sub3A_1154 = arith.constant 1.500000e+00 : f32
        %sub3A_1155 = vector.broadcast %sub3A_1154 : f32 to vector<16xf32>
        %sub3A_1156 = arith.subf %sub3A_1155, %mul3A_1153 : vector<16xf32>
        %mul3A_1157 = arith.mulf %bitcast_convert_type3A_1148, %sub3A_1156 : vector<16xf32>
        %mul3A_1158 = arith.mulf %add3A_1140, %mul3A_1157 : vector<16xf32>
        %sub3A_1159 = arith.subf %mul3A_1129, %mul3A_1158 : vector<16xf32>
        %abs3A_1160 = math.absf %sub3A_1159 : vector<16xf32>
        %add3A_1161 = arith.addf %add3A_1100, %abs3A_1160 : vector<16xf32>
        %sub3A_1162 = arith.subf %gather3A_1025, %gather3A_1028 : vector<16xf32>
        %sub3A_1163 = arith.subf %gather3A_1026, %gather3A_1029 : vector<16xf32>
        %sub3A_1164 = arith.subf %gather3A_1027, %gather3A_1030 : vector<16xf32>
        %mul3A_1165 = arith.mulf %sub3A_1162, %sub3A_1162 : vector<16xf32>
        %mul3A_1166 = arith.mulf %sub3A_1163, %sub3A_1163 : vector<16xf32>
        %add3A_1167 = arith.addf %mul3A_1165, %mul3A_1166 : vector<16xf32>
        %mul3A_1168 = arith.mulf %sub3A_1164, %sub3A_1164 : vector<16xf32>
        %add3A_1169 = arith.addf %add3A_1167, %mul3A_1168 : vector<16xf32>
        %add3A_1170 = arith.constant 9.99999996E-13 : f32
        %add3A_1171 = vector.broadcast %add3A_1170 : f32 to vector<16xf32>
        %add3A_1172 = arith.addf %add3A_1169, %add3A_1171 : vector<16xf32>
        %bitcast_convert_type3A_1173 = tpu.bitcast %add3A_1172 : vector<16xf32> -> vector<16xi32>
        %shift_right_logical3A_1174 = arith.constant 1 : i32
        %shift_right_logical3A_1175 = vector.broadcast %shift_right_logical3A_1174 : i32 to vector<16xi32>
        %shift_right_logical3A_1176 = arith.shrui %bitcast_convert_type3A_1173, %shift_right_logical3A_1175 : vector<16xi32>
        %sub3A_1177 = arith.constant 1597463007 : i32
        %sub3A_1178 = vector.broadcast %sub3A_1177 : i32 to vector<16xi32>
        %sub3A_1179 = arith.subi %sub3A_1178, %shift_right_logical3A_1176 : vector<16xi32>
        %bitcast_convert_type3A_1180 = tpu.bitcast %sub3A_1179 : vector<16xi32> -> vector<16xf32>
        %mul3A_1181 = arith.constant 5.000000e-01 : f32
        %mul3A_1182 = vector.broadcast %mul3A_1181 : f32 to vector<16xf32>
        %mul3A_1183 = arith.mulf %add3A_1172, %mul3A_1182 : vector<16xf32>
        %mul3A_1184 = arith.mulf %mul3A_1183, %bitcast_convert_type3A_1180 : vector<16xf32>
        %mul3A_1185 = arith.mulf %mul3A_1184, %bitcast_convert_type3A_1180 : vector<16xf32>
        %sub3A_1186 = arith.constant 1.500000e+00 : f32
        %sub3A_1187 = vector.broadcast %sub3A_1186 : f32 to vector<16xf32>
        %sub3A_1188 = arith.subf %sub3A_1187, %mul3A_1185 : vector<16xf32>
        %mul3A_1189 = arith.mulf %bitcast_convert_type3A_1180, %sub3A_1188 : vector<16xf32>
        %mul3A_1190 = arith.mulf %add3A_1172, %mul3A_1189 : vector<16xf32>
        %sub3A_1191 = arith.subf %gather3A_1034, %gather3A_1037 : vector<16xf32>
        %sub3A_1192 = arith.subf %gather3A_1035, %gather3A_1038 : vector<16xf32>
        %sub3A_1193 = arith.subf %gather3A_1036, %gather3A_1039 : vector<16xf32>
        %mul3A_1194 = arith.mulf %sub3A_1191, %sub3A_1191 : vector<16xf32>
        %mul3A_1195 = arith.mulf %sub3A_1192, %sub3A_1192 : vector<16xf32>
        %add3A_1196 = arith.addf %mul3A_1194, %mul3A_1195 : vector<16xf32>
        %mul3A_1197 = arith.mulf %sub3A_1193, %sub3A_1193 : vector<16xf32>
        %add3A_1198 = arith.addf %add3A_1196, %mul3A_1197 : vector<16xf32>
        %add3A_1199 = arith.constant 9.99999996E-13 : f32
        %add3A_1200 = vector.broadcast %add3A_1199 : f32 to vector<16xf32>
        %add3A_1201 = arith.addf %add3A_1198, %add3A_1200 : vector<16xf32>
        %bitcast_convert_type3A_1202 = tpu.bitcast %add3A_1201 : vector<16xf32> -> vector<16xi32>
        %shift_right_logical3A_1203 = arith.constant 1 : i32
        %shift_right_logical3A_1204 = vector.broadcast %shift_right_logical3A_1203 : i32 to vector<16xi32>
        %shift_right_logical3A_1205 = arith.shrui %bitcast_convert_type3A_1202, %shift_right_logical3A_1204 : vector<16xi32>
        %sub3A_1206 = arith.constant 1597463007 : i32
        %sub3A_1207 = vector.broadcast %sub3A_1206 : i32 to vector<16xi32>
        %sub3A_1208 = arith.subi %sub3A_1207, %shift_right_logical3A_1205 : vector<16xi32>
        %bitcast_convert_type3A_1209 = tpu.bitcast %sub3A_1208 : vector<16xi32> -> vector<16xf32>
        %mul3A_1210 = arith.constant 5.000000e-01 : f32
        %mul3A_1211 = vector.broadcast %mul3A_1210 : f32 to vector<16xf32>
        %mul3A_1212 = arith.mulf %add3A_1201, %mul3A_1211 : vector<16xf32>
        %mul3A_1213 = arith.mulf %mul3A_1212, %bitcast_convert_type3A_1209 : vector<16xf32>
        %mul3A_1214 = arith.mulf %mul3A_1213, %bitcast_convert_type3A_1209 : vector<16xf32>
        %sub3A_1215 = arith.constant 1.500000e+00 : f32
        %sub3A_1216 = vector.broadcast %sub3A_1215 : f32 to vector<16xf32>
        %sub3A_1217 = arith.subf %sub3A_1216, %mul3A_1214 : vector<16xf32>
        %mul3A_1218 = arith.mulf %bitcast_convert_type3A_1209, %sub3A_1217 : vector<16xf32>
        %mul3A_1219 = arith.mulf %add3A_1201, %mul3A_1218 : vector<16xf32>
        %sub3A_1220 = arith.subf %mul3A_1190, %mul3A_1219 : vector<16xf32>
        %abs3A_1221 = math.absf %sub3A_1220 : vector<16xf32>
        %add3A_1222 = arith.addf %add3A_1161, %abs3A_1221 : vector<16xf32>
        %gather3A_1223 = tpu.vector_load_idx %arg13[%broadcast_in_dim3A_422, %gather3A_105] : memref<16x384xf32, #tpu.memory_space<vmem>>[vector<16xi32>, vector<16xi32>], vector<16xf32>,
        %gather3A_1224 = tpu.vector_load_idx %arg14[%broadcast_in_dim3A_422, %gather3A_105] : memref<16x384xf32, #tpu.memory_space<vmem>>[vector<16xi32>, vector<16xi32>], vector<16xf32>,
        %gather3A_1225 = tpu.vector_load_idx %arg15[%broadcast_in_dim3A_422, %gather3A_105] : memref<16x384xf32, #tpu.memory_space<vmem>>[vector<16xi32>, vector<16xi32>], vector<16xf32>,
        %gather3A_1226 = tpu.vector_load_idx %arg13[%broadcast_in_dim3A_422, %gather3A_112] : memref<16x384xf32, #tpu.memory_space<vmem>>[vector<16xi32>, vector<16xi32>], vector<16xf32>,
        %gather3A_1227 = tpu.vector_load_idx %arg14[%broadcast_in_dim3A_422, %gather3A_112] : memref<16x384xf32, #tpu.memory_space<vmem>>[vector<16xi32>, vector<16xi32>], vector<16xf32>,
        %gather3A_1228 = tpu.vector_load_idx %arg15[%broadcast_in_dim3A_422, %gather3A_112] : memref<16x384xf32, #tpu.memory_space<vmem>>[vector<16xi32>, vector<16xi32>], vector<16xf32>,
        %gather3A_1229 = tpu.vector_load_idx %arg13[%broadcast_in_dim3A_422, %gather3A_119] : memref<16x384xf32, #tpu.memory_space<vmem>>[vector<16xi32>, vector<16xi32>], vector<16xf32>,
        %gather3A_1230 = tpu.vector_load_idx %arg14[%broadcast_in_dim3A_422, %gather3A_119] : memref<16x384xf32, #tpu.memory_space<vmem>>[vector<16xi32>, vector<16xi32>], vector<16xf32>,
        %gather3A_1231 = tpu.vector_load_idx %arg15[%broadcast_in_dim3A_422, %gather3A_119] : memref<16x384xf32, #tpu.memory_space<vmem>>[vector<16xi32>, vector<16xi32>], vector<16xf32>,
        %gather3A_1232 = tpu.vector_load_idx %arg16[%broadcast_in_dim3A_422, %gather3A_105] : memref<16x384xf32, #tpu.memory_space<vmem>>[vector<16xi32>, vector<16xi32>], vector<16xf32>,
        %gather3A_1233 = tpu.vector_load_idx %arg17[%broadcast_in_dim3A_422, %gather3A_105] : memref<16x384xf32, #tpu.memory_space<vmem>>[vector<16xi32>, vector<16xi32>], vector<16xf32>,
        %gather3A_1234 = tpu.vector_load_idx %arg18[%broadcast_in_dim3A_422, %gather3A_105] : memref<16x384xf32, #tpu.memory_space<vmem>>[vector<16xi32>, vector<16xi32>], vector<16xf32>,
        %gather3A_1235 = tpu.vector_load_idx %arg16[%broadcast_in_dim3A_422, %gather3A_112] : memref<16x384xf32, #tpu.memory_space<vmem>>[vector<16xi32>, vector<16xi32>], vector<16xf32>,
        %gather3A_1236 = tpu.vector_load_idx %arg17[%broadcast_in_dim3A_422, %gather3A_112] : memref<16x384xf32, #tpu.memory_space<vmem>>[vector<16xi32>, vector<16xi32>], vector<16xf32>,
        %gather3A_1237 = tpu.vector_load_idx %arg18[%broadcast_in_dim3A_422, %gather3A_112] : memref<16x384xf32, #tpu.memory_space<vmem>>[vector<16xi32>, vector<16xi32>], vector<16xf32>,
        %gather3A_1238 = tpu.vector_load_idx %arg16[%broadcast_in_dim3A_422, %gather3A_119] : memref<16x384xf32, #tpu.memory_space<vmem>>[vector<16xi32>, vector<16xi32>], vector<16xf32>,
        %gather3A_1239 = tpu.vector_load_idx %arg17[%broadcast_in_dim3A_422, %gather3A_119] : memref<16x384xf32, #tpu.memory_space<vmem>>[vector<16xi32>, vector<16xi32>], vector<16xf32>,
        %gather3A_1240 = tpu.vector_load_idx %arg18[%broadcast_in_dim3A_422, %gather3A_119] : memref<16x384xf32, #tpu.memory_space<vmem>>[vector<16xi32>, vector<16xi32>], vector<16xf32>,
        %sub3A_1241 = arith.subf %gather3A_1223, %gather3A_1226 : vector<16xf32>
        %sub3A_1242 = arith.subf %gather3A_1224, %gather3A_1227 : vector<16xf32>
        %sub3A_1243 = arith.subf %gather3A_1225, %gather3A_1228 : vector<16xf32>
        %mul3A_1244 = arith.mulf %sub3A_1241, %sub3A_1241 : vector<16xf32>
        %mul3A_1245 = arith.mulf %sub3A_1242, %sub3A_1242 : vector<16xf32>
        %add3A_1246 = arith.addf %mul3A_1244, %mul3A_1245 : vector<16xf32>
        %mul3A_1247 = arith.mulf %sub3A_1243, %sub3A_1243 : vector<16xf32>
        %add3A_1248 = arith.addf %add3A_1246, %mul3A_1247 : vector<16xf32>
        %add3A_1249 = arith.constant 9.99999996E-13 : f32
        %add3A_1250 = vector.broadcast %add3A_1249 : f32 to vector<16xf32>
        %add3A_1251 = arith.addf %add3A_1248, %add3A_1250 : vector<16xf32>
        %bitcast_convert_type3A_1252 = tpu.bitcast %add3A_1251 : vector<16xf32> -> vector<16xi32>
        %shift_right_logical3A_1253 = arith.constant 1 : i32
        %shift_right_logical3A_1254 = vector.broadcast %shift_right_logical3A_1253 : i32 to vector<16xi32>
        %shift_right_logical3A_1255 = arith.shrui %bitcast_convert_type3A_1252, %shift_right_logical3A_1254 : vector<16xi32>
        %sub3A_1256 = arith.constant 1597463007 : i32
        %sub3A_1257 = vector.broadcast %sub3A_1256 : i32 to vector<16xi32>
        %sub3A_1258 = arith.subi %sub3A_1257, %shift_right_logical3A_1255 : vector<16xi32>
        %bitcast_convert_type3A_1259 = tpu.bitcast %sub3A_1258 : vector<16xi32> -> vector<16xf32>
        %mul3A_1260 = arith.constant 5.000000e-01 : f32
        %mul3A_1261 = vector.broadcast %mul3A_1260 : f32 to vector<16xf32>
        %mul3A_1262 = arith.mulf %add3A_1251, %mul3A_1261 : vector<16xf32>
        %mul3A_1263 = arith.mulf %mul3A_1262, %bitcast_convert_type3A_1259 : vector<16xf32>
        %mul3A_1264 = arith.mulf %mul3A_1263, %bitcast_convert_type3A_1259 : vector<16xf32>
        %sub3A_1265 = arith.constant 1.500000e+00 : f32
        %sub3A_1266 = vector.broadcast %sub3A_1265 : f32 to vector<16xf32>
        %sub3A_1267 = arith.subf %sub3A_1266, %mul3A_1264 : vector<16xf32>
        %mul3A_1268 = arith.mulf %bitcast_convert_type3A_1259, %sub3A_1267 : vector<16xf32>
        %mul3A_1269 = arith.mulf %add3A_1251, %mul3A_1268 : vector<16xf32>
        %sub3A_1270 = arith.subf %gather3A_1232, %gather3A_1235 : vector<16xf32>
        %sub3A_1271 = arith.subf %gather3A_1233, %gather3A_1236 : vector<16xf32>
        %sub3A_1272 = arith.subf %gather3A_1234, %gather3A_1237 : vector<16xf32>
        %mul3A_1273 = arith.mulf %sub3A_1270, %sub3A_1270 : vector<16xf32>
        %mul3A_1274 = arith.mulf %sub3A_1271, %sub3A_1271 : vector<16xf32>
        %add3A_1275 = arith.addf %mul3A_1273, %mul3A_1274 : vector<16xf32>
        %mul3A_1276 = arith.mulf %sub3A_1272, %sub3A_1272 : vector<16xf32>
        %add3A_1277 = arith.addf %add3A_1275, %mul3A_1276 : vector<16xf32>
        %add3A_1278 = arith.constant 9.99999996E-13 : f32
        %add3A_1279 = vector.broadcast %add3A_1278 : f32 to vector<16xf32>
        %add3A_1280 = arith.addf %add3A_1277, %add3A_1279 : vector<16xf32>
        %bitcast_convert_type3A_1281 = tpu.bitcast %add3A_1280 : vector<16xf32> -> vector<16xi32>
        %shift_right_logical3A_1282 = arith.constant 1 : i32
        %shift_right_logical3A_1283 = vector.broadcast %shift_right_logical3A_1282 : i32 to vector<16xi32>
        %shift_right_logical3A_1284 = arith.shrui %bitcast_convert_type3A_1281, %shift_right_logical3A_1283 : vector<16xi32>
        %sub3A_1285 = arith.constant 1597463007 : i32
        %sub3A_1286 = vector.broadcast %sub3A_1285 : i32 to vector<16xi32>
        %sub3A_1287 = arith.subi %sub3A_1286, %shift_right_logical3A_1284 : vector<16xi32>
        %bitcast_convert_type3A_1288 = tpu.bitcast %sub3A_1287 : vector<16xi32> -> vector<16xf32>
        %mul3A_1289 = arith.constant 5.000000e-01 : f32
        %mul3A_1290 = vector.broadcast %mul3A_1289 : f32 to vector<16xf32>
        %mul3A_1291 = arith.mulf %add3A_1280, %mul3A_1290 : vector<16xf32>
        %mul3A_1292 = arith.mulf %mul3A_1291, %bitcast_convert_type3A_1288 : vector<16xf32>
        %mul3A_1293 = arith.mulf %mul3A_1292, %bitcast_convert_type3A_1288 : vector<16xf32>
        %sub3A_1294 = arith.constant 1.500000e+00 : f32
        %sub3A_1295 = vector.broadcast %sub3A_1294 : f32 to vector<16xf32>
        %sub3A_1296 = arith.subf %sub3A_1295, %mul3A_1293 : vector<16xf32>
        %mul3A_1297 = arith.mulf %bitcast_convert_type3A_1288, %sub3A_1296 : vector<16xf32>
        %mul3A_1298 = arith.mulf %add3A_1280, %mul3A_1297 : vector<16xf32>
        %sub3A_1299 = arith.subf %mul3A_1269, %mul3A_1298 : vector<16xf32>
        %abs3A_1300 = math.absf %sub3A_1299 : vector<16xf32>
        %add3A_1301 = arith.addf %add3A_1222, %abs3A_1300 : vector<16xf32>
        %sub3A_1302 = arith.subf %gather3A_1223, %gather3A_1229 : vector<16xf32>
        %sub3A_1303 = arith.subf %gather3A_1224, %gather3A_1230 : vector<16xf32>
        %sub3A_1304 = arith.subf %gather3A_1225, %gather3A_1231 : vector<16xf32>
        %mul3A_1305 = arith.mulf %sub3A_1302, %sub3A_1302 : vector<16xf32>
        %mul3A_1306 = arith.mulf %sub3A_1303, %sub3A_1303 : vector<16xf32>
        %add3A_1307 = arith.addf %mul3A_1305, %mul3A_1306 : vector<16xf32>
        %mul3A_1308 = arith.mulf %sub3A_1304, %sub3A_1304 : vector<16xf32>
        %add3A_1309 = arith.addf %add3A_1307, %mul3A_1308 : vector<16xf32>
        %add3A_1310 = arith.constant 9.99999996E-13 : f32
        %add3A_1311 = vector.broadcast %add3A_1310 : f32 to vector<16xf32>
        %add3A_1312 = arith.addf %add3A_1309, %add3A_1311 : vector<16xf32>
        %bitcast_convert_type3A_1313 = tpu.bitcast %add3A_1312 : vector<16xf32> -> vector<16xi32>
        %shift_right_logical3A_1314 = arith.constant 1 : i32
        %shift_right_logical3A_1315 = vector.broadcast %shift_right_logical3A_1314 : i32 to vector<16xi32>
        %shift_right_logical3A_1316 = arith.shrui %bitcast_convert_type3A_1313, %shift_right_logical3A_1315 : vector<16xi32>
        %sub3A_1317 = arith.constant 1597463007 : i32
        %sub3A_1318 = vector.broadcast %sub3A_1317 : i32 to vector<16xi32>
        %sub3A_1319 = arith.subi %sub3A_1318, %shift_right_logical3A_1316 : vector<16xi32>
        %bitcast_convert_type3A_1320 = tpu.bitcast %sub3A_1319 : vector<16xi32> -> vector<16xf32>
        %mul3A_1321 = arith.constant 5.000000e-01 : f32
        %mul3A_1322 = vector.broadcast %mul3A_1321 : f32 to vector<16xf32>
        %mul3A_1323 = arith.mulf %add3A_1312, %mul3A_1322 : vector<16xf32>
        %mul3A_1324 = arith.mulf %mul3A_1323, %bitcast_convert_type3A_1320 : vector<16xf32>
        %mul3A_1325 = arith.mulf %mul3A_1324, %bitcast_convert_type3A_1320 : vector<16xf32>
        %sub3A_1326 = arith.constant 1.500000e+00 : f32
        %sub3A_1327 = vector.broadcast %sub3A_1326 : f32 to vector<16xf32>
        %sub3A_1328 = arith.subf %sub3A_1327, %mul3A_1325 : vector<16xf32>
        %mul3A_1329 = arith.mulf %bitcast_convert_type3A_1320, %sub3A_1328 : vector<16xf32>
        %mul3A_1330 = arith.mulf %add3A_1312, %mul3A_1329 : vector<16xf32>
        %sub3A_1331 = arith.subf %gather3A_1232, %gather3A_1238 : vector<16xf32>
        %sub3A_1332 = arith.subf %gather3A_1233, %gather3A_1239 : vector<16xf32>
        %sub3A_1333 = arith.subf %gather3A_1234, %gather3A_1240 : vector<16xf32>
        %mul3A_1334 = arith.mulf %sub3A_1331, %sub3A_1331 : vector<16xf32>
        %mul3A_1335 = arith.mulf %sub3A_1332, %sub3A_1332 : vector<16xf32>
        %add3A_1336 = arith.addf %mul3A_1334, %mul3A_1335 : vector<16xf32>
        %mul3A_1337 = arith.mulf %sub3A_1333, %sub3A_1333 : vector<16xf32>
        %add3A_1338 = arith.addf %add3A_1336, %mul3A_1337 : vector<16xf32>
        %add3A_1339 = arith.constant 9.99999996E-13 : f32
        %add3A_1340 = vector.broadcast %add3A_1339 : f32 to vector<16xf32>
        %add3A_1341 = arith.addf %add3A_1338, %add3A_1340 : vector<16xf32>
        %bitcast_convert_type3A_1342 = tpu.bitcast %add3A_1341 : vector<16xf32> -> vector<16xi32>
        %shift_right_logical3A_1343 = arith.constant 1 : i32
        %shift_right_logical3A_1344 = vector.broadcast %shift_right_logical3A_1343 : i32 to vector<16xi32>
        %shift_right_logical3A_1345 = arith.shrui %bitcast_convert_type3A_1342, %shift_right_logical3A_1344 : vector<16xi32>
        %sub3A_1346 = arith.constant 1597463007 : i32
        %sub3A_1347 = vector.broadcast %sub3A_1346 : i32 to vector<16xi32>
        %sub3A_1348 = arith.subi %sub3A_1347, %shift_right_logical3A_1345 : vector<16xi32>
        %bitcast_convert_type3A_1349 = tpu.bitcast %sub3A_1348 : vector<16xi32> -> vector<16xf32>
        %mul3A_1350 = arith.constant 5.000000e-01 : f32
        %mul3A_1351 = vector.broadcast %mul3A_1350 : f32 to vector<16xf32>
        %mul3A_1352 = arith.mulf %add3A_1341, %mul3A_1351 : vector<16xf32>
        %mul3A_1353 = arith.mulf %mul3A_1352, %bitcast_convert_type3A_1349 : vector<16xf32>
        %mul3A_1354 = arith.mulf %mul3A_1353, %bitcast_convert_type3A_1349 : vector<16xf32>
        %sub3A_1355 = arith.constant 1.500000e+00 : f32
        %sub3A_1356 = vector.broadcast %sub3A_1355 : f32 to vector<16xf32>
        %sub3A_1357 = arith.subf %sub3A_1356, %mul3A_1354 : vector<16xf32>
        %mul3A_1358 = arith.mulf %bitcast_convert_type3A_1349, %sub3A_1357 : vector<16xf32>
        %mul3A_1359 = arith.mulf %add3A_1341, %mul3A_1358 : vector<16xf32>
        %sub3A_1360 = arith.subf %mul3A_1330, %mul3A_1359 : vector<16xf32>
        %abs3A_1361 = math.absf %sub3A_1360 : vector<16xf32>
        %add3A_1362 = arith.addf %add3A_1301, %abs3A_1361 : vector<16xf32>
        %sub3A_1363 = arith.subf %gather3A_1226, %gather3A_1229 : vector<16xf32>
        %sub3A_1364 = arith.subf %gather3A_1227, %gather3A_1230 : vector<16xf32>
        %sub3A_1365 = arith.subf %gather3A_1228, %gather3A_1231 : vector<16xf32>
        %mul3A_1366 = arith.mulf %sub3A_1363, %sub3A_1363 : vector<16xf32>
        %mul3A_1367 = arith.mulf %sub3A_1364, %sub3A_1364 : vector<16xf32>
        %add3A_1368 = arith.addf %mul3A_1366, %mul3A_1367 : vector<16xf32>
        %mul3A_1369 = arith.mulf %sub3A_1365, %sub3A_1365 : vector<16xf32>
        %add3A_1370 = arith.addf %add3A_1368, %mul3A_1369 : vector<16xf32>
        %add3A_1371 = arith.constant 9.99999996E-13 : f32
        %add3A_1372 = vector.broadcast %add3A_1371 : f32 to vector<16xf32>
        %add3A_1373 = arith.addf %add3A_1370, %add3A_1372 : vector<16xf32>
        %bitcast_convert_type3A_1374 = tpu.bitcast %add3A_1373 : vector<16xf32> -> vector<16xi32>
        %shift_right_logical3A_1375 = arith.constant 1 : i32
        %shift_right_logical3A_1376 = vector.broadcast %shift_right_logical3A_1375 : i32 to vector<16xi32>
        %shift_right_logical3A_1377 = arith.shrui %bitcast_convert_type3A_1374, %shift_right_logical3A_1376 : vector<16xi32>
        %sub3A_1378 = arith.constant 1597463007 : i32
        %sub3A_1379 = vector.broadcast %sub3A_1378 : i32 to vector<16xi32>
        %sub3A_1380 = arith.subi %sub3A_1379, %shift_right_logical3A_1377 : vector<16xi32>
        %bitcast_convert_type3A_1381 = tpu.bitcast %sub3A_1380 : vector<16xi32> -> vector<16xf32>
        %mul3A_1382 = arith.constant 5.000000e-01 : f32
        %mul3A_1383 = vector.broadcast %mul3A_1382 : f32 to vector<16xf32>
        %mul3A_1384 = arith.mulf %add3A_1373, %mul3A_1383 : vector<16xf32>
        %mul3A_1385 = arith.mulf %mul3A_1384, %bitcast_convert_type3A_1381 : vector<16xf32>
        %mul3A_1386 = arith.mulf %mul3A_1385, %bitcast_convert_type3A_1381 : vector<16xf32>
        %sub3A_1387 = arith.constant 1.500000e+00 : f32
        %sub3A_1388 = vector.broadcast %sub3A_1387 : f32 to vector<16xf32>
        %sub3A_1389 = arith.subf %sub3A_1388, %mul3A_1386 : vector<16xf32>
        %mul3A_1390 = arith.mulf %bitcast_convert_type3A_1381, %sub3A_1389 : vector<16xf32>
        %mul3A_1391 = arith.mulf %add3A_1373, %mul3A_1390 : vector<16xf32>
        %sub3A_1392 = arith.subf %gather3A_1235, %gather3A_1238 : vector<16xf32>
        %sub3A_1393 = arith.subf %gather3A_1236, %gather3A_1239 : vector<16xf32>
        %sub3A_1394 = arith.subf %gather3A_1237, %gather3A_1240 : vector<16xf32>
        %mul3A_1395 = arith.mulf %sub3A_1392, %sub3A_1392 : vector<16xf32>
        %mul3A_1396 = arith.mulf %sub3A_1393, %sub3A_1393 : vector<16xf32>
        %add3A_1397 = arith.addf %mul3A_1395, %mul3A_1396 : vector<16xf32>
        %mul3A_1398 = arith.mulf %sub3A_1394, %sub3A_1394 : vector<16xf32>
        %add3A_1399 = arith.addf %add3A_1397, %mul3A_1398 : vector<16xf32>
        %add3A_1400 = arith.constant 9.99999996E-13 : f32
        %add3A_1401 = vector.broadcast %add3A_1400 : f32 to vector<16xf32>
        %add3A_1402 = arith.addf %add3A_1399, %add3A_1401 : vector<16xf32>
        %bitcast_convert_type3A_1403 = tpu.bitcast %add3A_1402 : vector<16xf32> -> vector<16xi32>
        %shift_right_logical3A_1404 = arith.constant 1 : i32
        %shift_right_logical3A_1405 = vector.broadcast %shift_right_logical3A_1404 : i32 to vector<16xi32>
        %shift_right_logical3A_1406 = arith.shrui %bitcast_convert_type3A_1403, %shift_right_logical3A_1405 : vector<16xi32>
        %sub3A_1407 = arith.constant 1597463007 : i32
        %sub3A_1408 = vector.broadcast %sub3A_1407 : i32 to vector<16xi32>
        %sub3A_1409 = arith.subi %sub3A_1408, %shift_right_logical3A_1406 : vector<16xi32>
        %bitcast_convert_type3A_1410 = tpu.bitcast %sub3A_1409 : vector<16xi32> -> vector<16xf32>
        %mul3A_1411 = arith.constant 5.000000e-01 : f32
        %mul3A_1412 = vector.broadcast %mul3A_1411 : f32 to vector<16xf32>
        %mul3A_1413 = arith.mulf %add3A_1402, %mul3A_1412 : vector<16xf32>
        %mul3A_1414 = arith.mulf %mul3A_1413, %bitcast_convert_type3A_1410 : vector<16xf32>
        %mul3A_1415 = arith.mulf %mul3A_1414, %bitcast_convert_type3A_1410 : vector<16xf32>
        %sub3A_1416 = arith.constant 1.500000e+00 : f32
        %sub3A_1417 = vector.broadcast %sub3A_1416 : f32 to vector<16xf32>
        %sub3A_1418 = arith.subf %sub3A_1417, %mul3A_1415 : vector<16xf32>
        %mul3A_1419 = arith.mulf %bitcast_convert_type3A_1410, %sub3A_1418 : vector<16xf32>
        %mul3A_1420 = arith.mulf %add3A_1402, %mul3A_1419 : vector<16xf32>
        %sub3A_1421 = arith.subf %mul3A_1391, %mul3A_1420 : vector<16xf32>
        %abs3A_1422 = math.absf %sub3A_1421 : vector<16xf32>
        %add3A_1423 = arith.addf %add3A_1362, %abs3A_1422 : vector<16xf32>
        %gather3A_1424 = tpu.vector_load_idx %arg13[%broadcast_in_dim3A_422, %gather3A_129] : memref<16x384xf32, #tpu.memory_space<vmem>>[vector<16xi32>, vector<16xi32>], vector<16xf32>,
        %gather3A_1425 = tpu.vector_load_idx %arg14[%broadcast_in_dim3A_422, %gather3A_129] : memref<16x384xf32, #tpu.memory_space<vmem>>[vector<16xi32>, vector<16xi32>], vector<16xf32>,
        %gather3A_1426 = tpu.vector_load_idx %arg15[%broadcast_in_dim3A_422, %gather3A_129] : memref<16x384xf32, #tpu.memory_space<vmem>>[vector<16xi32>, vector<16xi32>], vector<16xf32>,
        %gather3A_1427 = tpu.vector_load_idx %arg13[%broadcast_in_dim3A_422, %gather3A_136] : memref<16x384xf32, #tpu.memory_space<vmem>>[vector<16xi32>, vector<16xi32>], vector<16xf32>,
        %gather3A_1428 = tpu.vector_load_idx %arg14[%broadcast_in_dim3A_422, %gather3A_136] : memref<16x384xf32, #tpu.memory_space<vmem>>[vector<16xi32>, vector<16xi32>], vector<16xf32>,
        %gather3A_1429 = tpu.vector_load_idx %arg15[%broadcast_in_dim3A_422, %gather3A_136] : memref<16x384xf32, #tpu.memory_space<vmem>>[vector<16xi32>, vector<16xi32>], vector<16xf32>,
        %gather3A_1430 = tpu.vector_load_idx %arg13[%broadcast_in_dim3A_422, %gather3A_143] : memref<16x384xf32, #tpu.memory_space<vmem>>[vector<16xi32>, vector<16xi32>], vector<16xf32>,
        %gather3A_1431 = tpu.vector_load_idx %arg14[%broadcast_in_dim3A_422, %gather3A_143] : memref<16x384xf32, #tpu.memory_space<vmem>>[vector<16xi32>, vector<16xi32>], vector<16xf32>,
        %gather3A_1432 = tpu.vector_load_idx %arg15[%broadcast_in_dim3A_422, %gather3A_143] : memref<16x384xf32, #tpu.memory_space<vmem>>[vector<16xi32>, vector<16xi32>], vector<16xf32>,
        %gather3A_1433 = tpu.vector_load_idx %arg16[%broadcast_in_dim3A_422, %gather3A_129] : memref<16x384xf32, #tpu.memory_space<vmem>>[vector<16xi32>, vector<16xi32>], vector<16xf32>,
        %gather3A_1434 = tpu.vector_load_idx %arg17[%broadcast_in_dim3A_422, %gather3A_129] : memref<16x384xf32, #tpu.memory_space<vmem>>[vector<16xi32>, vector<16xi32>], vector<16xf32>,
        %gather3A_1435 = tpu.vector_load_idx %arg18[%broadcast_in_dim3A_422, %gather3A_129] : memref<16x384xf32, #tpu.memory_space<vmem>>[vector<16xi32>, vector<16xi32>], vector<16xf32>,
        %gather3A_1436 = tpu.vector_load_idx %arg16[%broadcast_in_dim3A_422, %gather3A_136] : memref<16x384xf32, #tpu.memory_space<vmem>>[vector<16xi32>, vector<16xi32>], vector<16xf32>,
        %gather3A_1437 = tpu.vector_load_idx %arg17[%broadcast_in_dim3A_422, %gather3A_136] : memref<16x384xf32, #tpu.memory_space<vmem>>[vector<16xi32>, vector<16xi32>], vector<16xf32>,
        %gather3A_1438 = tpu.vector_load_idx %arg18[%broadcast_in_dim3A_422, %gather3A_136] : memref<16x384xf32, #tpu.memory_space<vmem>>[vector<16xi32>, vector<16xi32>], vector<16xf32>,
        %gather3A_1439 = tpu.vector_load_idx %arg16[%broadcast_in_dim3A_422, %gather3A_143] : memref<16x384xf32, #tpu.memory_space<vmem>>[vector<16xi32>, vector<16xi32>], vector<16xf32>,
        %gather3A_1440 = tpu.vector_load_idx %arg17[%broadcast_in_dim3A_422, %gather3A_143] : memref<16x384xf32, #tpu.memory_space<vmem>>[vector<16xi32>, vector<16xi32>], vector<16xf32>,
        %gather3A_1441 = tpu.vector_load_idx %arg18[%broadcast_in_dim3A_422, %gather3A_143] : memref<16x384xf32, #tpu.memory_space<vmem>>[vector<16xi32>, vector<16xi32>], vector<16xf32>,
        %sub3A_1442 = arith.subf %gather3A_1424, %gather3A_1427 : vector<16xf32>
        %sub3A_1443 = arith.subf %gather3A_1425, %gather3A_1428 : vector<16xf32>
        %sub3A_1444 = arith.subf %gather3A_1426, %gather3A_1429 : vector<16xf32>
        %mul3A_1445 = arith.mulf %sub3A_1442, %sub3A_1442 : vector<16xf32>
        %mul3A_1446 = arith.mulf %sub3A_1443, %sub3A_1443 : vector<16xf32>
        %add3A_1447 = arith.addf %mul3A_1445, %mul3A_1446 : vector<16xf32>
        %mul3A_1448 = arith.mulf %sub3A_1444, %sub3A_1444 : vector<16xf32>
        %add3A_1449 = arith.addf %add3A_1447, %mul3A_1448 : vector<16xf32>
        %add3A_1450 = arith.constant 9.99999996E-13 : f32
        %add3A_1451 = vector.broadcast %add3A_1450 : f32 to vector<16xf32>
        %add3A_1452 = arith.addf %add3A_1449, %add3A_1451 : vector<16xf32>
        %bitcast_convert_type3A_1453 = tpu.bitcast %add3A_1452 : vector<16xf32> -> vector<16xi32>
        %shift_right_logical3A_1454 = arith.constant 1 : i32
        %shift_right_logical3A_1455 = vector.broadcast %shift_right_logical3A_1454 : i32 to vector<16xi32>
        %shift_right_logical3A_1456 = arith.shrui %bitcast_convert_type3A_1453, %shift_right_logical3A_1455 : vector<16xi32>
        %sub3A_1457 = arith.constant 1597463007 : i32
        %sub3A_1458 = vector.broadcast %sub3A_1457 : i32 to vector<16xi32>
        %sub3A_1459 = arith.subi %sub3A_1458, %shift_right_logical3A_1456 : vector<16xi32>
        %bitcast_convert_type3A_1460 = tpu.bitcast %sub3A_1459 : vector<16xi32> -> vector<16xf32>
        %mul3A_1461 = arith.constant 5.000000e-01 : f32
        %mul3A_1462 = vector.broadcast %mul3A_1461 : f32 to vector<16xf32>
        %mul3A_1463 = arith.mulf %add3A_1452, %mul3A_1462 : vector<16xf32>
        %mul3A_1464 = arith.mulf %mul3A_1463, %bitcast_convert_type3A_1460 : vector<16xf32>
        %mul3A_1465 = arith.mulf %mul3A_1464, %bitcast_convert_type3A_1460 : vector<16xf32>
        %sub3A_1466 = arith.constant 1.500000e+00 : f32
        %sub3A_1467 = vector.broadcast %sub3A_1466 : f32 to vector<16xf32>
        %sub3A_1468 = arith.subf %sub3A_1467, %mul3A_1465 : vector<16xf32>
        %mul3A_1469 = arith.mulf %bitcast_convert_type3A_1460, %sub3A_1468 : vector<16xf32>
        %mul3A_1470 = arith.mulf %add3A_1452, %mul3A_1469 : vector<16xf32>
        %sub3A_1471 = arith.subf %gather3A_1433, %gather3A_1436 : vector<16xf32>
        %sub3A_1472 = arith.subf %gather3A_1434, %gather3A_1437 : vector<16xf32>
        %sub3A_1473 = arith.subf %gather3A_1435, %gather3A_1438 : vector<16xf32>
        %mul3A_1474 = arith.mulf %sub3A_1471, %sub3A_1471 : vector<16xf32>
        %mul3A_1475 = arith.mulf %sub3A_1472, %sub3A_1472 : vector<16xf32>
        %add3A_1476 = arith.addf %mul3A_1474, %mul3A_1475 : vector<16xf32>
        %mul3A_1477 = arith.mulf %sub3A_1473, %sub3A_1473 : vector<16xf32>
        %add3A_1478 = arith.addf %add3A_1476, %mul3A_1477 : vector<16xf32>
        %add3A_1479 = arith.constant 9.99999996E-13 : f32
        %add3A_1480 = vector.broadcast %add3A_1479 : f32 to vector<16xf32>
        %add3A_1481 = arith.addf %add3A_1478, %add3A_1480 : vector<16xf32>
        %bitcast_convert_type3A_1482 = tpu.bitcast %add3A_1481 : vector<16xf32> -> vector<16xi32>
        %shift_right_logical3A_1483 = arith.constant 1 : i32
        %shift_right_logical3A_1484 = vector.broadcast %shift_right_logical3A_1483 : i32 to vector<16xi32>
        %shift_right_logical3A_1485 = arith.shrui %bitcast_convert_type3A_1482, %shift_right_logical3A_1484 : vector<16xi32>
        %sub3A_1486 = arith.constant 1597463007 : i32
        %sub3A_1487 = vector.broadcast %sub3A_1486 : i32 to vector<16xi32>
        %sub3A_1488 = arith.subi %sub3A_1487, %shift_right_logical3A_1485 : vector<16xi32>
        %bitcast_convert_type3A_1489 = tpu.bitcast %sub3A_1488 : vector<16xi32> -> vector<16xf32>
        %mul3A_1490 = arith.constant 5.000000e-01 : f32
        %mul3A_1491 = vector.broadcast %mul3A_1490 : f32 to vector<16xf32>
        %mul3A_1492 = arith.mulf %add3A_1481, %mul3A_1491 : vector<16xf32>
        %mul3A_1493 = arith.mulf %mul3A_1492, %bitcast_convert_type3A_1489 : vector<16xf32>
        %mul3A_1494 = arith.mulf %mul3A_1493, %bitcast_convert_type3A_1489 : vector<16xf32>
        %sub3A_1495 = arith.constant 1.500000e+00 : f32
        %sub3A_1496 = vector.broadcast %sub3A_1495 : f32 to vector<16xf32>
        %sub3A_1497 = arith.subf %sub3A_1496, %mul3A_1494 : vector<16xf32>
        %mul3A_1498 = arith.mulf %bitcast_convert_type3A_1489, %sub3A_1497 : vector<16xf32>
        %mul3A_1499 = arith.mulf %add3A_1481, %mul3A_1498 : vector<16xf32>
        %sub3A_1500 = arith.subf %mul3A_1470, %mul3A_1499 : vector<16xf32>
        %abs3A_1501 = math.absf %sub3A_1500 : vector<16xf32>
        %add3A_1502 = arith.addf %add3A_1423, %abs3A_1501 : vector<16xf32>
        %sub3A_1503 = arith.subf %gather3A_1424, %gather3A_1430 : vector<16xf32>
        %sub3A_1504 = arith.subf %gather3A_1425, %gather3A_1431 : vector<16xf32>
        %sub3A_1505 = arith.subf %gather3A_1426, %gather3A_1432 : vector<16xf32>
        %mul3A_1506 = arith.mulf %sub3A_1503, %sub3A_1503 : vector<16xf32>
        %mul3A_1507 = arith.mulf %sub3A_1504, %sub3A_1504 : vector<16xf32>
        %add3A_1508 = arith.addf %mul3A_1506, %mul3A_1507 : vector<16xf32>
        %mul3A_1509 = arith.mulf %sub3A_1505, %sub3A_1505 : vector<16xf32>
        %add3A_1510 = arith.addf %add3A_1508, %mul3A_1509 : vector<16xf32>
        %add3A_1511 = arith.constant 9.99999996E-13 : f32
        %add3A_1512 = vector.broadcast %add3A_1511 : f32 to vector<16xf32>
        %add3A_1513 = arith.addf %add3A_1510, %add3A_1512 : vector<16xf32>
        %bitcast_convert_type3A_1514 = tpu.bitcast %add3A_1513 : vector<16xf32> -> vector<16xi32>
        %shift_right_logical3A_1515 = arith.constant 1 : i32
        %shift_right_logical3A_1516 = vector.broadcast %shift_right_logical3A_1515 : i32 to vector<16xi32>
        %shift_right_logical3A_1517 = arith.shrui %bitcast_convert_type3A_1514, %shift_right_logical3A_1516 : vector<16xi32>
        %sub3A_1518 = arith.constant 1597463007 : i32
        %sub3A_1519 = vector.broadcast %sub3A_1518 : i32 to vector<16xi32>
        %sub3A_1520 = arith.subi %sub3A_1519, %shift_right_logical3A_1517 : vector<16xi32>
        %bitcast_convert_type3A_1521 = tpu.bitcast %sub3A_1520 : vector<16xi32> -> vector<16xf32>
        %mul3A_1522 = arith.constant 5.000000e-01 : f32
        %mul3A_1523 = vector.broadcast %mul3A_1522 : f32 to vector<16xf32>
        %mul3A_1524 = arith.mulf %add3A_1513, %mul3A_1523 : vector<16xf32>
        %mul3A_1525 = arith.mulf %mul3A_1524, %bitcast_convert_type3A_1521 : vector<16xf32>
        %mul3A_1526 = arith.mulf %mul3A_1525, %bitcast_convert_type3A_1521 : vector<16xf32>
        %sub3A_1527 = arith.constant 1.500000e+00 : f32
        %sub3A_1528 = vector.broadcast %sub3A_1527 : f32 to vector<16xf32>
        %sub3A_1529 = arith.subf %sub3A_1528, %mul3A_1526 : vector<16xf32>
        %mul3A_1530 = arith.mulf %bitcast_convert_type3A_1521, %sub3A_1529 : vector<16xf32>
        %mul3A_1531 = arith.mulf %add3A_1513, %mul3A_1530 : vector<16xf32>
        %sub3A_1532 = arith.subf %gather3A_1433, %gather3A_1439 : vector<16xf32>
        %sub3A_1533 = arith.subf %gather3A_1434, %gather3A_1440 : vector<16xf32>
        %sub3A_1534 = arith.subf %gather3A_1435, %gather3A_1441 : vector<16xf32>
        %mul3A_1535 = arith.mulf %sub3A_1532, %sub3A_1532 : vector<16xf32>
        %mul3A_1536 = arith.mulf %sub3A_1533, %sub3A_1533 : vector<16xf32>
        %add3A_1537 = arith.addf %mul3A_1535, %mul3A_1536 : vector<16xf32>
        %mul3A_1538 = arith.mulf %sub3A_1534, %sub3A_1534 : vector<16xf32>
        %add3A_1539 = arith.addf %add3A_1537, %mul3A_1538 : vector<16xf32>
        %add3A_1540 = arith.constant 9.99999996E-13 : f32
        %add3A_1541 = vector.broadcast %add3A_1540 : f32 to vector<16xf32>
        %add3A_1542 = arith.addf %add3A_1539, %add3A_1541 : vector<16xf32>
        %bitcast_convert_type3A_1543 = tpu.bitcast %add3A_1542 : vector<16xf32> -> vector<16xi32>
        %shift_right_logical3A_1544 = arith.constant 1 : i32
        %shift_right_logical3A_1545 = vector.broadcast %shift_right_logical3A_1544 : i32 to vector<16xi32>
        %shift_right_logical3A_1546 = arith.shrui %bitcast_convert_type3A_1543, %shift_right_logical3A_1545 : vector<16xi32>
        %sub3A_1547 = arith.constant 1597463007 : i32
        %sub3A_1548 = vector.broadcast %sub3A_1547 : i32 to vector<16xi32>
        %sub3A_1549 = arith.subi %sub3A_1548, %shift_right_logical3A_1546 : vector<16xi32>
        %bitcast_convert_type3A_1550 = tpu.bitcast %sub3A_1549 : vector<16xi32> -> vector<16xf32>
        %mul3A_1551 = arith.constant 5.000000e-01 : f32
        %mul3A_1552 = vector.broadcast %mul3A_1551 : f32 to vector<16xf32>
        %mul3A_1553 = arith.mulf %add3A_1542, %mul3A_1552 : vector<16xf32>
        %mul3A_1554 = arith.mulf %mul3A_1553, %bitcast_convert_type3A_1550 : vector<16xf32>
        %mul3A_1555 = arith.mulf %mul3A_1554, %bitcast_convert_type3A_1550 : vector<16xf32>
        %sub3A_1556 = arith.constant 1.500000e+00 : f32
        %sub3A_1557 = vector.broadcast %sub3A_1556 : f32 to vector<16xf32>
        %sub3A_1558 = arith.subf %sub3A_1557, %mul3A_1555 : vector<16xf32>
        %mul3A_1559 = arith.mulf %bitcast_convert_type3A_1550, %sub3A_1558 : vector<16xf32>
        %mul3A_1560 = arith.mulf %add3A_1542, %mul3A_1559 : vector<16xf32>
        %sub3A_1561 = arith.subf %mul3A_1531, %mul3A_1560 : vector<16xf32>
        %abs3A_1562 = math.absf %sub3A_1561 : vector<16xf32>
        %add3A_1563 = arith.addf %add3A_1502, %abs3A_1562 : vector<16xf32>
        %sub3A_1564 = arith.subf %gather3A_1427, %gather3A_1430 : vector<16xf32>
        %sub3A_1565 = arith.subf %gather3A_1428, %gather3A_1431 : vector<16xf32>
        %sub3A_1566 = arith.subf %gather3A_1429, %gather3A_1432 : vector<16xf32>
        %mul3A_1567 = arith.mulf %sub3A_1564, %sub3A_1564 : vector<16xf32>
        %mul3A_1568 = arith.mulf %sub3A_1565, %sub3A_1565 : vector<16xf32>
        %add3A_1569 = arith.addf %mul3A_1567, %mul3A_1568 : vector<16xf32>
        %mul3A_1570 = arith.mulf %sub3A_1566, %sub3A_1566 : vector<16xf32>
        %add3A_1571 = arith.addf %add3A_1569, %mul3A_1570 : vector<16xf32>
        %add3A_1572 = arith.constant 9.99999996E-13 : f32
        %add3A_1573 = vector.broadcast %add3A_1572 : f32 to vector<16xf32>
        %add3A_1574 = arith.addf %add3A_1571, %add3A_1573 : vector<16xf32>
        %bitcast_convert_type3A_1575 = tpu.bitcast %add3A_1574 : vector<16xf32> -> vector<16xi32>
        %shift_right_logical3A_1576 = arith.constant 1 : i32
        %shift_right_logical3A_1577 = vector.broadcast %shift_right_logical3A_1576 : i32 to vector<16xi32>
        %shift_right_logical3A_1578 = arith.shrui %bitcast_convert_type3A_1575, %shift_right_logical3A_1577 : vector<16xi32>
        %sub3A_1579 = arith.constant 1597463007 : i32
        %sub3A_1580 = vector.broadcast %sub3A_1579 : i32 to vector<16xi32>
        %sub3A_1581 = arith.subi %sub3A_1580, %shift_right_logical3A_1578 : vector<16xi32>
        %bitcast_convert_type3A_1582 = tpu.bitcast %sub3A_1581 : vector<16xi32> -> vector<16xf32>
        %mul3A_1583 = arith.constant 5.000000e-01 : f32
        %mul3A_1584 = vector.broadcast %mul3A_1583 : f32 to vector<16xf32>
        %mul3A_1585 = arith.mulf %add3A_1574, %mul3A_1584 : vector<16xf32>
        %mul3A_1586 = arith.mulf %mul3A_1585, %bitcast_convert_type3A_1582 : vector<16xf32>
        %mul3A_1587 = arith.mulf %mul3A_1586, %bitcast_convert_type3A_1582 : vector<16xf32>
        %sub3A_1588 = arith.constant 1.500000e+00 : f32
        %sub3A_1589 = vector.broadcast %sub3A_1588 : f32 to vector<16xf32>
        %sub3A_1590 = arith.subf %sub3A_1589, %mul3A_1587 : vector<16xf32>
        %mul3A_1591 = arith.mulf %bitcast_convert_type3A_1582, %sub3A_1590 : vector<16xf32>
        %mul3A_1592 = arith.mulf %add3A_1574, %mul3A_1591 : vector<16xf32>
        %sub3A_1593 = arith.subf %gather3A_1436, %gather3A_1439 : vector<16xf32>
        %sub3A_1594 = arith.subf %gather3A_1437, %gather3A_1440 : vector<16xf32>
        %sub3A_1595 = arith.subf %gather3A_1438, %gather3A_1441 : vector<16xf32>
        %mul3A_1596 = arith.mulf %sub3A_1593, %sub3A_1593 : vector<16xf32>
        %mul3A_1597 = arith.mulf %sub3A_1594, %sub3A_1594 : vector<16xf32>
        %add3A_1598 = arith.addf %mul3A_1596, %mul3A_1597 : vector<16xf32>
        %mul3A_1599 = arith.mulf %sub3A_1595, %sub3A_1595 : vector<16xf32>
        %add3A_1600 = arith.addf %add3A_1598, %mul3A_1599 : vector<16xf32>
        %add3A_1601 = arith.constant 9.99999996E-13 : f32
        %add3A_1602 = vector.broadcast %add3A_1601 : f32 to vector<16xf32>
        %add3A_1603 = arith.addf %add3A_1600, %add3A_1602 : vector<16xf32>
        %bitcast_convert_type3A_1604 = tpu.bitcast %add3A_1603 : vector<16xf32> -> vector<16xi32>
        %shift_right_logical3A_1605 = arith.constant 1 : i32
        %shift_right_logical3A_1606 = vector.broadcast %shift_right_logical3A_1605 : i32 to vector<16xi32>
        %shift_right_logical3A_1607 = arith.shrui %bitcast_convert_type3A_1604, %shift_right_logical3A_1606 : vector<16xi32>
        %sub3A_1608 = arith.constant 1597463007 : i32
        %sub3A_1609 = vector.broadcast %sub3A_1608 : i32 to vector<16xi32>
        %sub3A_1610 = arith.subi %sub3A_1609, %shift_right_logical3A_1607 : vector<16xi32>
        %bitcast_convert_type3A_1611 = tpu.bitcast %sub3A_1610 : vector<16xi32> -> vector<16xf32>
        %mul3A_1612 = arith.constant 5.000000e-01 : f32
        %mul3A_1613 = vector.broadcast %mul3A_1612 : f32 to vector<16xf32>
        %mul3A_1614 = arith.mulf %add3A_1603, %mul3A_1613 : vector<16xf32>
        %mul3A_1615 = arith.mulf %mul3A_1614, %bitcast_convert_type3A_1611 : vector<16xf32>
        %mul3A_1616 = arith.mulf %mul3A_1615, %bitcast_convert_type3A_1611 : vector<16xf32>
        %sub3A_1617 = arith.constant 1.500000e+00 : f32
        %sub3A_1618 = vector.broadcast %sub3A_1617 : f32 to vector<16xf32>
        %sub3A_1619 = arith.subf %sub3A_1618, %mul3A_1616 : vector<16xf32>
        %mul3A_1620 = arith.mulf %bitcast_convert_type3A_1611, %sub3A_1619 : vector<16xf32>
        %mul3A_1621 = arith.mulf %add3A_1603, %mul3A_1620 : vector<16xf32>
        %sub3A_1622 = arith.subf %mul3A_1592, %mul3A_1621 : vector<16xf32>
        %abs3A_1623 = math.absf %sub3A_1622 : vector<16xf32>
        %add3A_1624 = arith.addf %add3A_1563, %abs3A_1623 : vector<16xf32>
        %gather3A_1625 = tpu.vector_load_idx %arg13[%broadcast_in_dim3A_422, %gather3A_153] : memref<16x384xf32, #tpu.memory_space<vmem>>[vector<16xi32>, vector<16xi32>], vector<16xf32>,
        %gather3A_1626 = tpu.vector_load_idx %arg14[%broadcast_in_dim3A_422, %gather3A_153] : memref<16x384xf32, #tpu.memory_space<vmem>>[vector<16xi32>, vector<16xi32>], vector<16xf32>,
        %gather3A_1627 = tpu.vector_load_idx %arg15[%broadcast_in_dim3A_422, %gather3A_153] : memref<16x384xf32, #tpu.memory_space<vmem>>[vector<16xi32>, vector<16xi32>], vector<16xf32>,
        %gather3A_1628 = tpu.vector_load_idx %arg13[%broadcast_in_dim3A_422, %gather3A_160] : memref<16x384xf32, #tpu.memory_space<vmem>>[vector<16xi32>, vector<16xi32>], vector<16xf32>,
        %gather3A_1629 = tpu.vector_load_idx %arg14[%broadcast_in_dim3A_422, %gather3A_160] : memref<16x384xf32, #tpu.memory_space<vmem>>[vector<16xi32>, vector<16xi32>], vector<16xf32>,
        %gather3A_1630 = tpu.vector_load_idx %arg15[%broadcast_in_dim3A_422, %gather3A_160] : memref<16x384xf32, #tpu.memory_space<vmem>>[vector<16xi32>, vector<16xi32>], vector<16xf32>,
        %gather3A_1631 = tpu.vector_load_idx %arg13[%broadcast_in_dim3A_422, %gather3A_167] : memref<16x384xf32, #tpu.memory_space<vmem>>[vector<16xi32>, vector<16xi32>], vector<16xf32>,
        %gather3A_1632 = tpu.vector_load_idx %arg14[%broadcast_in_dim3A_422, %gather3A_167] : memref<16x384xf32, #tpu.memory_space<vmem>>[vector<16xi32>, vector<16xi32>], vector<16xf32>,
        %gather3A_1633 = tpu.vector_load_idx %arg15[%broadcast_in_dim3A_422, %gather3A_167] : memref<16x384xf32, #tpu.memory_space<vmem>>[vector<16xi32>, vector<16xi32>], vector<16xf32>,
        %gather3A_1634 = tpu.vector_load_idx %arg16[%broadcast_in_dim3A_422, %gather3A_153] : memref<16x384xf32, #tpu.memory_space<vmem>>[vector<16xi32>, vector<16xi32>], vector<16xf32>,
        %gather3A_1635 = tpu.vector_load_idx %arg17[%broadcast_in_dim3A_422, %gather3A_153] : memref<16x384xf32, #tpu.memory_space<vmem>>[vector<16xi32>, vector<16xi32>], vector<16xf32>,
        %gather3A_1636 = tpu.vector_load_idx %arg18[%broadcast_in_dim3A_422, %gather3A_153] : memref<16x384xf32, #tpu.memory_space<vmem>>[vector<16xi32>, vector<16xi32>], vector<16xf32>,
        %gather3A_1637 = tpu.vector_load_idx %arg16[%broadcast_in_dim3A_422, %gather3A_160] : memref<16x384xf32, #tpu.memory_space<vmem>>[vector<16xi32>, vector<16xi32>], vector<16xf32>,
        %gather3A_1638 = tpu.vector_load_idx %arg17[%broadcast_in_dim3A_422, %gather3A_160] : memref<16x384xf32, #tpu.memory_space<vmem>>[vector<16xi32>, vector<16xi32>], vector<16xf32>,
        %gather3A_1639 = tpu.vector_load_idx %arg18[%broadcast_in_dim3A_422, %gather3A_160] : memref<16x384xf32, #tpu.memory_space<vmem>>[vector<16xi32>, vector<16xi32>], vector<16xf32>,
        %gather3A_1640 = tpu.vector_load_idx %arg16[%broadcast_in_dim3A_422, %gather3A_167] : memref<16x384xf32, #tpu.memory_space<vmem>>[vector<16xi32>, vector<16xi32>], vector<16xf32>,
        %gather3A_1641 = tpu.vector_load_idx %arg17[%broadcast_in_dim3A_422, %gather3A_167] : memref<16x384xf32, #tpu.memory_space<vmem>>[vector<16xi32>, vector<16xi32>], vector<16xf32>,
        %gather3A_1642 = tpu.vector_load_idx %arg18[%broadcast_in_dim3A_422, %gather3A_167] : memref<16x384xf32, #tpu.memory_space<vmem>>[vector<16xi32>, vector<16xi32>], vector<16xf32>,
        %sub3A_1643 = arith.subf %gather3A_1625, %gather3A_1628 : vector<16xf32>
        %sub3A_1644 = arith.subf %gather3A_1626, %gather3A_1629 : vector<16xf32>
        %sub3A_1645 = arith.subf %gather3A_1627, %gather3A_1630 : vector<16xf32>
        %mul3A_1646 = arith.mulf %sub3A_1643, %sub3A_1643 : vector<16xf32>
        %mul3A_1647 = arith.mulf %sub3A_1644, %sub3A_1644 : vector<16xf32>
        %add3A_1648 = arith.addf %mul3A_1646, %mul3A_1647 : vector<16xf32>
        %mul3A_1649 = arith.mulf %sub3A_1645, %sub3A_1645 : vector<16xf32>
        %add3A_1650 = arith.addf %add3A_1648, %mul3A_1649 : vector<16xf32>
        %add3A_1651 = arith.constant 9.99999996E-13 : f32
        %add3A_1652 = vector.broadcast %add3A_1651 : f32 to vector<16xf32>
        %add3A_1653 = arith.addf %add3A_1650, %add3A_1652 : vector<16xf32>
        %bitcast_convert_type3A_1654 = tpu.bitcast %add3A_1653 : vector<16xf32> -> vector<16xi32>
        %shift_right_logical3A_1655 = arith.constant 1 : i32
        %shift_right_logical3A_1656 = vector.broadcast %shift_right_logical3A_1655 : i32 to vector<16xi32>
        %shift_right_logical3A_1657 = arith.shrui %bitcast_convert_type3A_1654, %shift_right_logical3A_1656 : vector<16xi32>
        %sub3A_1658 = arith.constant 1597463007 : i32
        %sub3A_1659 = vector.broadcast %sub3A_1658 : i32 to vector<16xi32>
        %sub3A_1660 = arith.subi %sub3A_1659, %shift_right_logical3A_1657 : vector<16xi32>
        %bitcast_convert_type3A_1661 = tpu.bitcast %sub3A_1660 : vector<16xi32> -> vector<16xf32>
        %mul3A_1662 = arith.constant 5.000000e-01 : f32
        %mul3A_1663 = vector.broadcast %mul3A_1662 : f32 to vector<16xf32>
        %mul3A_1664 = arith.mulf %add3A_1653, %mul3A_1663 : vector<16xf32>
        %mul3A_1665 = arith.mulf %mul3A_1664, %bitcast_convert_type3A_1661 : vector<16xf32>
        %mul3A_1666 = arith.mulf %mul3A_1665, %bitcast_convert_type3A_1661 : vector<16xf32>
        %sub3A_1667 = arith.constant 1.500000e+00 : f32
        %sub3A_1668 = vector.broadcast %sub3A_1667 : f32 to vector<16xf32>
        %sub3A_1669 = arith.subf %sub3A_1668, %mul3A_1666 : vector<16xf32>
        %mul3A_1670 = arith.mulf %bitcast_convert_type3A_1661, %sub3A_1669 : vector<16xf32>
        %mul3A_1671 = arith.mulf %add3A_1653, %mul3A_1670 : vector<16xf32>
        %sub3A_1672 = arith.subf %gather3A_1634, %gather3A_1637 : vector<16xf32>
        %sub3A_1673 = arith.subf %gather3A_1635, %gather3A_1638 : vector<16xf32>
        %sub3A_1674 = arith.subf %gather3A_1636, %gather3A_1639 : vector<16xf32>
        %mul3A_1675 = arith.mulf %sub3A_1672, %sub3A_1672 : vector<16xf32>
        %mul3A_1676 = arith.mulf %sub3A_1673, %sub3A_1673 : vector<16xf32>
        %add3A_1677 = arith.addf %mul3A_1675, %mul3A_1676 : vector<16xf32>
        %mul3A_1678 = arith.mulf %sub3A_1674, %sub3A_1674 : vector<16xf32>
        %add3A_1679 = arith.addf %add3A_1677, %mul3A_1678 : vector<16xf32>
        %add3A_1680 = arith.constant 9.99999996E-13 : f32
        %add3A_1681 = vector.broadcast %add3A_1680 : f32 to vector<16xf32>
        %add3A_1682 = arith.addf %add3A_1679, %add3A_1681 : vector<16xf32>
        %bitcast_convert_type3A_1683 = tpu.bitcast %add3A_1682 : vector<16xf32> -> vector<16xi32>
        %shift_right_logical3A_1684 = arith.constant 1 : i32
        %shift_right_logical3A_1685 = vector.broadcast %shift_right_logical3A_1684 : i32 to vector<16xi32>
        %shift_right_logical3A_1686 = arith.shrui %bitcast_convert_type3A_1683, %shift_right_logical3A_1685 : vector<16xi32>
        %sub3A_1687 = arith.constant 1597463007 : i32
        %sub3A_1688 = vector.broadcast %sub3A_1687 : i32 to vector<16xi32>
        %sub3A_1689 = arith.subi %sub3A_1688, %shift_right_logical3A_1686 : vector<16xi32>
        %bitcast_convert_type3A_1690 = tpu.bitcast %sub3A_1689 : vector<16xi32> -> vector<16xf32>
        %mul3A_1691 = arith.constant 5.000000e-01 : f32
        %mul3A_1692 = vector.broadcast %mul3A_1691 : f32 to vector<16xf32>
        %mul3A_1693 = arith.mulf %add3A_1682, %mul3A_1692 : vector<16xf32>
        %mul3A_1694 = arith.mulf %mul3A_1693, %bitcast_convert_type3A_1690 : vector<16xf32>
        %mul3A_1695 = arith.mulf %mul3A_1694, %bitcast_convert_type3A_1690 : vector<16xf32>
        %sub3A_1696 = arith.constant 1.500000e+00 : f32
        %sub3A_1697 = vector.broadcast %sub3A_1696 : f32 to vector<16xf32>
        %sub3A_1698 = arith.subf %sub3A_1697, %mul3A_1695 : vector<16xf32>
        %mul3A_1699 = arith.mulf %bitcast_convert_type3A_1690, %sub3A_1698 : vector<16xf32>
        %mul3A_1700 = arith.mulf %add3A_1682, %mul3A_1699 : vector<16xf32>
        %sub3A_1701 = arith.subf %mul3A_1671, %mul3A_1700 : vector<16xf32>
        %abs3A_1702 = math.absf %sub3A_1701 : vector<16xf32>
        %add3A_1703 = arith.addf %add3A_1624, %abs3A_1702 : vector<16xf32>
        %sub3A_1704 = arith.subf %gather3A_1625, %gather3A_1631 : vector<16xf32>
        %sub3A_1705 = arith.subf %gather3A_1626, %gather3A_1632 : vector<16xf32>
        %sub3A_1706 = arith.subf %gather3A_1627, %gather3A_1633 : vector<16xf32>
        %mul3A_1707 = arith.mulf %sub3A_1704, %sub3A_1704 : vector<16xf32>
        %mul3A_1708 = arith.mulf %sub3A_1705, %sub3A_1705 : vector<16xf32>
        %add3A_1709 = arith.addf %mul3A_1707, %mul3A_1708 : vector<16xf32>
        %mul3A_1710 = arith.mulf %sub3A_1706, %sub3A_1706 : vector<16xf32>
        %add3A_1711 = arith.addf %add3A_1709, %mul3A_1710 : vector<16xf32>
        %add3A_1712 = arith.constant 9.99999996E-13 : f32
        %add3A_1713 = vector.broadcast %add3A_1712 : f32 to vector<16xf32>
        %add3A_1714 = arith.addf %add3A_1711, %add3A_1713 : vector<16xf32>
        %bitcast_convert_type3A_1715 = tpu.bitcast %add3A_1714 : vector<16xf32> -> vector<16xi32>
        %shift_right_logical3A_1716 = arith.constant 1 : i32
        %shift_right_logical3A_1717 = vector.broadcast %shift_right_logical3A_1716 : i32 to vector<16xi32>
        %shift_right_logical3A_1718 = arith.shrui %bitcast_convert_type3A_1715, %shift_right_logical3A_1717 : vector<16xi32>
        %sub3A_1719 = arith.constant 1597463007 : i32
        %sub3A_1720 = vector.broadcast %sub3A_1719 : i32 to vector<16xi32>
        %sub3A_1721 = arith.subi %sub3A_1720, %shift_right_logical3A_1718 : vector<16xi32>
        %bitcast_convert_type3A_1722 = tpu.bitcast %sub3A_1721 : vector<16xi32> -> vector<16xf32>
        %mul3A_1723 = arith.constant 5.000000e-01 : f32
        %mul3A_1724 = vector.broadcast %mul3A_1723 : f32 to vector<16xf32>
        %mul3A_1725 = arith.mulf %add3A_1714, %mul3A_1724 : vector<16xf32>
        %mul3A_1726 = arith.mulf %mul3A_1725, %bitcast_convert_type3A_1722 : vector<16xf32>
        %mul3A_1727 = arith.mulf %mul3A_1726, %bitcast_convert_type3A_1722 : vector<16xf32>
        %sub3A_1728 = arith.constant 1.500000e+00 : f32
        %sub3A_1729 = vector.broadcast %sub3A_1728 : f32 to vector<16xf32>
        %sub3A_1730 = arith.subf %sub3A_1729, %mul3A_1727 : vector<16xf32>
        %mul3A_1731 = arith.mulf %bitcast_convert_type3A_1722, %sub3A_1730 : vector<16xf32>
        %mul3A_1732 = arith.mulf %add3A_1714, %mul3A_1731 : vector<16xf32>
        %sub3A_1733 = arith.subf %gather3A_1634, %gather3A_1640 : vector<16xf32>
        %sub3A_1734 = arith.subf %gather3A_1635, %gather3A_1641 : vector<16xf32>
        %sub3A_1735 = arith.subf %gather3A_1636, %gather3A_1642 : vector<16xf32>
        %mul3A_1736 = arith.mulf %sub3A_1733, %sub3A_1733 : vector<16xf32>
        %mul3A_1737 = arith.mulf %sub3A_1734, %sub3A_1734 : vector<16xf32>
        %add3A_1738 = arith.addf %mul3A_1736, %mul3A_1737 : vector<16xf32>
        %mul3A_1739 = arith.mulf %sub3A_1735, %sub3A_1735 : vector<16xf32>
        %add3A_1740 = arith.addf %add3A_1738, %mul3A_1739 : vector<16xf32>
        %add3A_1741 = arith.constant 9.99999996E-13 : f32
        %add3A_1742 = vector.broadcast %add3A_1741 : f32 to vector<16xf32>
        %add3A_1743 = arith.addf %add3A_1740, %add3A_1742 : vector<16xf32>
        %bitcast_convert_type3A_1744 = tpu.bitcast %add3A_1743 : vector<16xf32> -> vector<16xi32>
        %shift_right_logical3A_1745 = arith.constant 1 : i32
        %shift_right_logical3A_1746 = vector.broadcast %shift_right_logical3A_1745 : i32 to vector<16xi32>
        %shift_right_logical3A_1747 = arith.shrui %bitcast_convert_type3A_1744, %shift_right_logical3A_1746 : vector<16xi32>
        %sub3A_1748 = arith.constant 1597463007 : i32
        %sub3A_1749 = vector.broadcast %sub3A_1748 : i32 to vector<16xi32>
        %sub3A_1750 = arith.subi %sub3A_1749, %shift_right_logical3A_1747 : vector<16xi32>
        %bitcast_convert_type3A_1751 = tpu.bitcast %sub3A_1750 : vector<16xi32> -> vector<16xf32>
        %mul3A_1752 = arith.constant 5.000000e-01 : f32
        %mul3A_1753 = vector.broadcast %mul3A_1752 : f32 to vector<16xf32>
        %mul3A_1754 = arith.mulf %add3A_1743, %mul3A_1753 : vector<16xf32>
        %mul3A_1755 = arith.mulf %mul3A_1754, %bitcast_convert_type3A_1751 : vector<16xf32>
        %mul3A_1756 = arith.mulf %mul3A_1755, %bitcast_convert_type3A_1751 : vector<16xf32>
        %sub3A_1757 = arith.constant 1.500000e+00 : f32
        %sub3A_1758 = vector.broadcast %sub3A_1757 : f32 to vector<16xf32>
        %sub3A_1759 = arith.subf %sub3A_1758, %mul3A_1756 : vector<16xf32>
        %mul3A_1760 = arith.mulf %bitcast_convert_type3A_1751, %sub3A_1759 : vector<16xf32>
        %mul3A_1761 = arith.mulf %add3A_1743, %mul3A_1760 : vector<16xf32>
        %sub3A_1762 = arith.subf %mul3A_1732, %mul3A_1761 : vector<16xf32>
        %abs3A_1763 = math.absf %sub3A_1762 : vector<16xf32>
        %add3A_1764 = arith.addf %add3A_1703, %abs3A_1763 : vector<16xf32>
        %sub3A_1765 = arith.subf %gather3A_1628, %gather3A_1631 : vector<16xf32>
        %sub3A_1766 = arith.subf %gather3A_1629, %gather3A_1632 : vector<16xf32>
        %sub3A_1767 = arith.subf %gather3A_1630, %gather3A_1633 : vector<16xf32>
        %mul3A_1768 = arith.mulf %sub3A_1765, %sub3A_1765 : vector<16xf32>
        %mul3A_1769 = arith.mulf %sub3A_1766, %sub3A_1766 : vector<16xf32>
        %add3A_1770 = arith.addf %mul3A_1768, %mul3A_1769 : vector<16xf32>
        %mul3A_1771 = arith.mulf %sub3A_1767, %sub3A_1767 : vector<16xf32>
        %add3A_1772 = arith.addf %add3A_1770, %mul3A_1771 : vector<16xf32>
        %add3A_1773 = arith.constant 9.99999996E-13 : f32
        %add3A_1774 = vector.broadcast %add3A_1773 : f32 to vector<16xf32>
        %add3A_1775 = arith.addf %add3A_1772, %add3A_1774 : vector<16xf32>
        %bitcast_convert_type3A_1776 = tpu.bitcast %add3A_1775 : vector<16xf32> -> vector<16xi32>
        %shift_right_logical3A_1777 = arith.constant 1 : i32
        %shift_right_logical3A_1778 = vector.broadcast %shift_right_logical3A_1777 : i32 to vector<16xi32>
        %shift_right_logical3A_1779 = arith.shrui %bitcast_convert_type3A_1776, %shift_right_logical3A_1778 : vector<16xi32>
        %sub3A_1780 = arith.constant 1597463007 : i32
        %sub3A_1781 = vector.broadcast %sub3A_1780 : i32 to vector<16xi32>
        %sub3A_1782 = arith.subi %sub3A_1781, %shift_right_logical3A_1779 : vector<16xi32>
        %bitcast_convert_type3A_1783 = tpu.bitcast %sub3A_1782 : vector<16xi32> -> vector<16xf32>
        %mul3A_1784 = arith.constant 5.000000e-01 : f32
        %mul3A_1785 = vector.broadcast %mul3A_1784 : f32 to vector<16xf32>
        %mul3A_1786 = arith.mulf %add3A_1775, %mul3A_1785 : vector<16xf32>
        %mul3A_1787 = arith.mulf %mul3A_1786, %bitcast_convert_type3A_1783 : vector<16xf32>
        %mul3A_1788 = arith.mulf %mul3A_1787, %bitcast_convert_type3A_1783 : vector<16xf32>
        %sub3A_1789 = arith.constant 1.500000e+00 : f32
        %sub3A_1790 = vector.broadcast %sub3A_1789 : f32 to vector<16xf32>
        %sub3A_1791 = arith.subf %sub3A_1790, %mul3A_1788 : vector<16xf32>
        %mul3A_1792 = arith.mulf %bitcast_convert_type3A_1783, %sub3A_1791 : vector<16xf32>
        %mul3A_1793 = arith.mulf %add3A_1775, %mul3A_1792 : vector<16xf32>
        %sub3A_1794 = arith.subf %gather3A_1637, %gather3A_1640 : vector<16xf32>
        %sub3A_1795 = arith.subf %gather3A_1638, %gather3A_1641 : vector<16xf32>
        %sub3A_1796 = arith.subf %gather3A_1639, %gather3A_1642 : vector<16xf32>
        %mul3A_1797 = arith.mulf %sub3A_1794, %sub3A_1794 : vector<16xf32>
        %mul3A_1798 = arith.mulf %sub3A_1795, %sub3A_1795 : vector<16xf32>
        %add3A_1799 = arith.addf %mul3A_1797, %mul3A_1798 : vector<16xf32>
        %mul3A_1800 = arith.mulf %sub3A_1796, %sub3A_1796 : vector<16xf32>
        %add3A_1801 = arith.addf %add3A_1799, %mul3A_1800 : vector<16xf32>
        %add3A_1802 = arith.constant 9.99999996E-13 : f32
        %add3A_1803 = vector.broadcast %add3A_1802 : f32 to vector<16xf32>
        %add3A_1804 = arith.addf %add3A_1801, %add3A_1803 : vector<16xf32>
        %bitcast_convert_type3A_1805 = tpu.bitcast %add3A_1804 : vector<16xf32> -> vector<16xi32>
        %shift_right_logical3A_1806 = arith.constant 1 : i32
        %shift_right_logical3A_1807 = vector.broadcast %shift_right_logical3A_1806 : i32 to vector<16xi32>
        %shift_right_logical3A_1808 = arith.shrui %bitcast_convert_type3A_1805, %shift_right_logical3A_1807 : vector<16xi32>
        %sub3A_1809 = arith.constant 1597463007 : i32
        %sub3A_1810 = vector.broadcast %sub3A_1809 : i32 to vector<16xi32>
        %sub3A_1811 = arith.subi %sub3A_1810, %shift_right_logical3A_1808 : vector<16xi32>
        %bitcast_convert_type3A_1812 = tpu.bitcast %sub3A_1811 : vector<16xi32> -> vector<16xf32>
        %mul3A_1813 = arith.constant 5.000000e-01 : f32
        %mul3A_1814 = vector.broadcast %mul3A_1813 : f32 to vector<16xf32>
        %mul3A_1815 = arith.mulf %add3A_1804, %mul3A_1814 : vector<16xf32>
        %mul3A_1816 = arith.mulf %mul3A_1815, %bitcast_convert_type3A_1812 : vector<16xf32>
        %mul3A_1817 = arith.mulf %mul3A_1816, %bitcast_convert_type3A_1812 : vector<16xf32>
        %sub3A_1818 = arith.constant 1.500000e+00 : f32
        %sub3A_1819 = vector.broadcast %sub3A_1818 : f32 to vector<16xf32>
        %sub3A_1820 = arith.subf %sub3A_1819, %mul3A_1817 : vector<16xf32>
        %mul3A_1821 = arith.mulf %bitcast_convert_type3A_1812, %sub3A_1820 : vector<16xf32>
        %mul3A_1822 = arith.mulf %add3A_1804, %mul3A_1821 : vector<16xf32>
        %sub3A_1823 = arith.subf %mul3A_1793, %mul3A_1822 : vector<16xf32>
        %abs3A_1824 = math.absf %sub3A_1823 : vector<16xf32>
        %add3A_1825 = arith.addf %add3A_1764, %abs3A_1824 : vector<16xf32>
        %gather3A_1826 = tpu.vector_load_idx %arg13[%broadcast_in_dim3A_422, %gather3A_177] : memref<16x384xf32, #tpu.memory_space<vmem>>[vector<16xi32>, vector<16xi32>], vector<16xf32>,
        %gather3A_1827 = tpu.vector_load_idx %arg14[%broadcast_in_dim3A_422, %gather3A_177] : memref<16x384xf32, #tpu.memory_space<vmem>>[vector<16xi32>, vector<16xi32>], vector<16xf32>,
        %gather3A_1828 = tpu.vector_load_idx %arg15[%broadcast_in_dim3A_422, %gather3A_177] : memref<16x384xf32, #tpu.memory_space<vmem>>[vector<16xi32>, vector<16xi32>], vector<16xf32>,
        %gather3A_1829 = tpu.vector_load_idx %arg13[%broadcast_in_dim3A_422, %gather3A_184] : memref<16x384xf32, #tpu.memory_space<vmem>>[vector<16xi32>, vector<16xi32>], vector<16xf32>,
        %gather3A_1830 = tpu.vector_load_idx %arg14[%broadcast_in_dim3A_422, %gather3A_184] : memref<16x384xf32, #tpu.memory_space<vmem>>[vector<16xi32>, vector<16xi32>], vector<16xf32>,
        %gather3A_1831 = tpu.vector_load_idx %arg15[%broadcast_in_dim3A_422, %gather3A_184] : memref<16x384xf32, #tpu.memory_space<vmem>>[vector<16xi32>, vector<16xi32>], vector<16xf32>,
        %gather3A_1832 = tpu.vector_load_idx %arg13[%broadcast_in_dim3A_422, %gather3A_191] : memref<16x384xf32, #tpu.memory_space<vmem>>[vector<16xi32>, vector<16xi32>], vector<16xf32>,
        %gather3A_1833 = tpu.vector_load_idx %arg14[%broadcast_in_dim3A_422, %gather3A_191] : memref<16x384xf32, #tpu.memory_space<vmem>>[vector<16xi32>, vector<16xi32>], vector<16xf32>,
        %gather3A_1834 = tpu.vector_load_idx %arg15[%broadcast_in_dim3A_422, %gather3A_191] : memref<16x384xf32, #tpu.memory_space<vmem>>[vector<16xi32>, vector<16xi32>], vector<16xf32>,
        %gather3A_1835 = tpu.vector_load_idx %arg16[%broadcast_in_dim3A_422, %gather3A_177] : memref<16x384xf32, #tpu.memory_space<vmem>>[vector<16xi32>, vector<16xi32>], vector<16xf32>,
        %gather3A_1836 = tpu.vector_load_idx %arg17[%broadcast_in_dim3A_422, %gather3A_177] : memref<16x384xf32, #tpu.memory_space<vmem>>[vector<16xi32>, vector<16xi32>], vector<16xf32>,
        %gather3A_1837 = tpu.vector_load_idx %arg18[%broadcast_in_dim3A_422, %gather3A_177] : memref<16x384xf32, #tpu.memory_space<vmem>>[vector<16xi32>, vector<16xi32>], vector<16xf32>,
        %gather3A_1838 = tpu.vector_load_idx %arg16[%broadcast_in_dim3A_422, %gather3A_184] : memref<16x384xf32, #tpu.memory_space<vmem>>[vector<16xi32>, vector<16xi32>], vector<16xf32>,
        %gather3A_1839 = tpu.vector_load_idx %arg17[%broadcast_in_dim3A_422, %gather3A_184] : memref<16x384xf32, #tpu.memory_space<vmem>>[vector<16xi32>, vector<16xi32>], vector<16xf32>,
        %gather3A_1840 = tpu.vector_load_idx %arg18[%broadcast_in_dim3A_422, %gather3A_184] : memref<16x384xf32, #tpu.memory_space<vmem>>[vector<16xi32>, vector<16xi32>], vector<16xf32>,
        %gather3A_1841 = tpu.vector_load_idx %arg16[%broadcast_in_dim3A_422, %gather3A_191] : memref<16x384xf32, #tpu.memory_space<vmem>>[vector<16xi32>, vector<16xi32>], vector<16xf32>,
        %gather3A_1842 = tpu.vector_load_idx %arg17[%broadcast_in_dim3A_422, %gather3A_191] : memref<16x384xf32, #tpu.memory_space<vmem>>[vector<16xi32>, vector<16xi32>], vector<16xf32>,
        %gather3A_1843 = tpu.vector_load_idx %arg18[%broadcast_in_dim3A_422, %gather3A_191] : memref<16x384xf32, #tpu.memory_space<vmem>>[vector<16xi32>, vector<16xi32>], vector<16xf32>,
        %sub3A_1844 = arith.subf %gather3A_1826, %gather3A_1829 : vector<16xf32>
        %sub3A_1845 = arith.subf %gather3A_1827, %gather3A_1830 : vector<16xf32>
        %sub3A_1846 = arith.subf %gather3A_1828, %gather3A_1831 : vector<16xf32>
        %mul3A_1847 = arith.mulf %sub3A_1844, %sub3A_1844 : vector<16xf32>
        %mul3A_1848 = arith.mulf %sub3A_1845, %sub3A_1845 : vector<16xf32>
        %add3A_1849 = arith.addf %mul3A_1847, %mul3A_1848 : vector<16xf32>
        %mul3A_1850 = arith.mulf %sub3A_1846, %sub3A_1846 : vector<16xf32>
        %add3A_1851 = arith.addf %add3A_1849, %mul3A_1850 : vector<16xf32>
        %add3A_1852 = arith.constant 9.99999996E-13 : f32
        %add3A_1853 = vector.broadcast %add3A_1852 : f32 to vector<16xf32>
        %add3A_1854 = arith.addf %add3A_1851, %add3A_1853 : vector<16xf32>
        %bitcast_convert_type3A_1855 = tpu.bitcast %add3A_1854 : vector<16xf32> -> vector<16xi32>
        %shift_right_logical3A_1856 = arith.constant 1 : i32
        %shift_right_logical3A_1857 = vector.broadcast %shift_right_logical3A_1856 : i32 to vector<16xi32>
        %shift_right_logical3A_1858 = arith.shrui %bitcast_convert_type3A_1855, %shift_right_logical3A_1857 : vector<16xi32>
        %sub3A_1859 = arith.constant 1597463007 : i32
        %sub3A_1860 = vector.broadcast %sub3A_1859 : i32 to vector<16xi32>
        %sub3A_1861 = arith.subi %sub3A_1860, %shift_right_logical3A_1858 : vector<16xi32>
        %bitcast_convert_type3A_1862 = tpu.bitcast %sub3A_1861 : vector<16xi32> -> vector<16xf32>
        %mul3A_1863 = arith.constant 5.000000e-01 : f32
        %mul3A_1864 = vector.broadcast %mul3A_1863 : f32 to vector<16xf32>
        %mul3A_1865 = arith.mulf %add3A_1854, %mul3A_1864 : vector<16xf32>
        %mul3A_1866 = arith.mulf %mul3A_1865, %bitcast_convert_type3A_1862 : vector<16xf32>
        %mul3A_1867 = arith.mulf %mul3A_1866, %bitcast_convert_type3A_1862 : vector<16xf32>
        %sub3A_1868 = arith.constant 1.500000e+00 : f32
        %sub3A_1869 = vector.broadcast %sub3A_1868 : f32 to vector<16xf32>
        %sub3A_1870 = arith.subf %sub3A_1869, %mul3A_1867 : vector<16xf32>
        %mul3A_1871 = arith.mulf %bitcast_convert_type3A_1862, %sub3A_1870 : vector<16xf32>
        %mul3A_1872 = arith.mulf %add3A_1854, %mul3A_1871 : vector<16xf32>
        %sub3A_1873 = arith.subf %gather3A_1835, %gather3A_1838 : vector<16xf32>
        %sub3A_1874 = arith.subf %gather3A_1836, %gather3A_1839 : vector<16xf32>
        %sub3A_1875 = arith.subf %gather3A_1837, %gather3A_1840 : vector<16xf32>
        %mul3A_1876 = arith.mulf %sub3A_1873, %sub3A_1873 : vector<16xf32>
        %mul3A_1877 = arith.mulf %sub3A_1874, %sub3A_1874 : vector<16xf32>
        %add3A_1878 = arith.addf %mul3A_1876, %mul3A_1877 : vector<16xf32>
        %mul3A_1879 = arith.mulf %sub3A_1875, %sub3A_1875 : vector<16xf32>
        %add3A_1880 = arith.addf %add3A_1878, %mul3A_1879 : vector<16xf32>
        %add3A_1881 = arith.constant 9.99999996E-13 : f32
        %add3A_1882 = vector.broadcast %add3A_1881 : f32 to vector<16xf32>
        %add3A_1883 = arith.addf %add3A_1880, %add3A_1882 : vector<16xf32>
        %bitcast_convert_type3A_1884 = tpu.bitcast %add3A_1883 : vector<16xf32> -> vector<16xi32>
        %shift_right_logical3A_1885 = arith.constant 1 : i32
        %shift_right_logical3A_1886 = vector.broadcast %shift_right_logical3A_1885 : i32 to vector<16xi32>
        %shift_right_logical3A_1887 = arith.shrui %bitcast_convert_type3A_1884, %shift_right_logical3A_1886 : vector<16xi32>
        %sub3A_1888 = arith.constant 1597463007 : i32
        %sub3A_1889 = vector.broadcast %sub3A_1888 : i32 to vector<16xi32>
        %sub3A_1890 = arith.subi %sub3A_1889, %shift_right_logical3A_1887 : vector<16xi32>
        %bitcast_convert_type3A_1891 = tpu.bitcast %sub3A_1890 : vector<16xi32> -> vector<16xf32>
        %mul3A_1892 = arith.constant 5.000000e-01 : f32
        %mul3A_1893 = vector.broadcast %mul3A_1892 : f32 to vector<16xf32>
        %mul3A_1894 = arith.mulf %add3A_1883, %mul3A_1893 : vector<16xf32>
        %mul3A_1895 = arith.mulf %mul3A_1894, %bitcast_convert_type3A_1891 : vector<16xf32>
        %mul3A_1896 = arith.mulf %mul3A_1895, %bitcast_convert_type3A_1891 : vector<16xf32>
        %sub3A_1897 = arith.constant 1.500000e+00 : f32
        %sub3A_1898 = vector.broadcast %sub3A_1897 : f32 to vector<16xf32>
        %sub3A_1899 = arith.subf %sub3A_1898, %mul3A_1896 : vector<16xf32>
        %mul3A_1900 = arith.mulf %bitcast_convert_type3A_1891, %sub3A_1899 : vector<16xf32>
        %mul3A_1901 = arith.mulf %add3A_1883, %mul3A_1900 : vector<16xf32>
        %sub3A_1902 = arith.subf %mul3A_1872, %mul3A_1901 : vector<16xf32>
        %abs3A_1903 = math.absf %sub3A_1902 : vector<16xf32>
        %add3A_1904 = arith.addf %add3A_1825, %abs3A_1903 : vector<16xf32>
        %sub3A_1905 = arith.subf %gather3A_1826, %gather3A_1832 : vector<16xf32>
        %sub3A_1906 = arith.subf %gather3A_1827, %gather3A_1833 : vector<16xf32>
        %sub3A_1907 = arith.subf %gather3A_1828, %gather3A_1834 : vector<16xf32>
        %mul3A_1908 = arith.mulf %sub3A_1905, %sub3A_1905 : vector<16xf32>
        %mul3A_1909 = arith.mulf %sub3A_1906, %sub3A_1906 : vector<16xf32>
        %add3A_1910 = arith.addf %mul3A_1908, %mul3A_1909 : vector<16xf32>
        %mul3A_1911 = arith.mulf %sub3A_1907, %sub3A_1907 : vector<16xf32>
        %add3A_1912 = arith.addf %add3A_1910, %mul3A_1911 : vector<16xf32>
        %add3A_1913 = arith.constant 9.99999996E-13 : f32
        %add3A_1914 = vector.broadcast %add3A_1913 : f32 to vector<16xf32>
        %add3A_1915 = arith.addf %add3A_1912, %add3A_1914 : vector<16xf32>
        %bitcast_convert_type3A_1916 = tpu.bitcast %add3A_1915 : vector<16xf32> -> vector<16xi32>
        %shift_right_logical3A_1917 = arith.constant 1 : i32
        %shift_right_logical3A_1918 = vector.broadcast %shift_right_logical3A_1917 : i32 to vector<16xi32>
        %shift_right_logical3A_1919 = arith.shrui %bitcast_convert_type3A_1916, %shift_right_logical3A_1918 : vector<16xi32>
        %sub3A_1920 = arith.constant 1597463007 : i32
        %sub3A_1921 = vector.broadcast %sub3A_1920 : i32 to vector<16xi32>
        %sub3A_1922 = arith.subi %sub3A_1921, %shift_right_logical3A_1919 : vector<16xi32>
        %bitcast_convert_type3A_1923 = tpu.bitcast %sub3A_1922 : vector<16xi32> -> vector<16xf32>
        %mul3A_1924 = arith.constant 5.000000e-01 : f32
        %mul3A_1925 = vector.broadcast %mul3A_1924 : f32 to vector<16xf32>
        %mul3A_1926 = arith.mulf %add3A_1915, %mul3A_1925 : vector<16xf32>
        %mul3A_1927 = arith.mulf %mul3A_1926, %bitcast_convert_type3A_1923 : vector<16xf32>
        %mul3A_1928 = arith.mulf %mul3A_1927, %bitcast_convert_type3A_1923 : vector<16xf32>
        %sub3A_1929 = arith.constant 1.500000e+00 : f32
        %sub3A_1930 = vector.broadcast %sub3A_1929 : f32 to vector<16xf32>
        %sub3A_1931 = arith.subf %sub3A_1930, %mul3A_1928 : vector<16xf32>
        %mul3A_1932 = arith.mulf %bitcast_convert_type3A_1923, %sub3A_1931 : vector<16xf32>
        %mul3A_1933 = arith.mulf %add3A_1915, %mul3A_1932 : vector<16xf32>
        %sub3A_1934 = arith.subf %gather3A_1835, %gather3A_1841 : vector<16xf32>
        %sub3A_1935 = arith.subf %gather3A_1836, %gather3A_1842 : vector<16xf32>
        %sub3A_1936 = arith.subf %gather3A_1837, %gather3A_1843 : vector<16xf32>
        %mul3A_1937 = arith.mulf %sub3A_1934, %sub3A_1934 : vector<16xf32>
        %mul3A_1938 = arith.mulf %sub3A_1935, %sub3A_1935 : vector<16xf32>
        %add3A_1939 = arith.addf %mul3A_1937, %mul3A_1938 : vector<16xf32>
        %mul3A_1940 = arith.mulf %sub3A_1936, %sub3A_1936 : vector<16xf32>
        %add3A_1941 = arith.addf %add3A_1939, %mul3A_1940 : vector<16xf32>
        %add3A_1942 = arith.constant 9.99999996E-13 : f32
        %add3A_1943 = vector.broadcast %add3A_1942 : f32 to vector<16xf32>
        %add3A_1944 = arith.addf %add3A_1941, %add3A_1943 : vector<16xf32>
        %bitcast_convert_type3A_1945 = tpu.bitcast %add3A_1944 : vector<16xf32> -> vector<16xi32>
        %shift_right_logical3A_1946 = arith.constant 1 : i32
        %shift_right_logical3A_1947 = vector.broadcast %shift_right_logical3A_1946 : i32 to vector<16xi32>
        %shift_right_logical3A_1948 = arith.shrui %bitcast_convert_type3A_1945, %shift_right_logical3A_1947 : vector<16xi32>
        %sub3A_1949 = arith.constant 1597463007 : i32
        %sub3A_1950 = vector.broadcast %sub3A_1949 : i32 to vector<16xi32>
        %sub3A_1951 = arith.subi %sub3A_1950, %shift_right_logical3A_1948 : vector<16xi32>
        %bitcast_convert_type3A_1952 = tpu.bitcast %sub3A_1951 : vector<16xi32> -> vector<16xf32>
        %mul3A_1953 = arith.constant 5.000000e-01 : f32
        %mul3A_1954 = vector.broadcast %mul3A_1953 : f32 to vector<16xf32>
        %mul3A_1955 = arith.mulf %add3A_1944, %mul3A_1954 : vector<16xf32>
        %mul3A_1956 = arith.mulf %mul3A_1955, %bitcast_convert_type3A_1952 : vector<16xf32>
        %mul3A_1957 = arith.mulf %mul3A_1956, %bitcast_convert_type3A_1952 : vector<16xf32>
        %sub3A_1958 = arith.constant 1.500000e+00 : f32
        %sub3A_1959 = vector.broadcast %sub3A_1958 : f32 to vector<16xf32>
        %sub3A_1960 = arith.subf %sub3A_1959, %mul3A_1957 : vector<16xf32>
        %mul3A_1961 = arith.mulf %bitcast_convert_type3A_1952, %sub3A_1960 : vector<16xf32>
        %mul3A_1962 = arith.mulf %add3A_1944, %mul3A_1961 : vector<16xf32>
        %sub3A_1963 = arith.subf %mul3A_1933, %mul3A_1962 : vector<16xf32>
        %abs3A_1964 = math.absf %sub3A_1963 : vector<16xf32>
        %add3A_1965 = arith.addf %add3A_1904, %abs3A_1964 : vector<16xf32>
        %sub3A_1966 = arith.subf %gather3A_1829, %gather3A_1832 : vector<16xf32>
        %sub3A_1967 = arith.subf %gather3A_1830, %gather3A_1833 : vector<16xf32>
        %sub3A_1968 = arith.subf %gather3A_1831, %gather3A_1834 : vector<16xf32>
        %mul3A_1969 = arith.mulf %sub3A_1966, %sub3A_1966 : vector<16xf32>
        %mul3A_1970 = arith.mulf %sub3A_1967, %sub3A_1967 : vector<16xf32>
        %add3A_1971 = arith.addf %mul3A_1969, %mul3A_1970 : vector<16xf32>
        %mul3A_1972 = arith.mulf %sub3A_1968, %sub3A_1968 : vector<16xf32>
        %add3A_1973 = arith.addf %add3A_1971, %mul3A_1972 : vector<16xf32>
        %add3A_1974 = arith.constant 9.99999996E-13 : f32
        %add3A_1975 = vector.broadcast %add3A_1974 : f32 to vector<16xf32>
        %add3A_1976 = arith.addf %add3A_1973, %add3A_1975 : vector<16xf32>
        %bitcast_convert_type3A_1977 = tpu.bitcast %add3A_1976 : vector<16xf32> -> vector<16xi32>
        %shift_right_logical3A_1978 = arith.constant 1 : i32
        %shift_right_logical3A_1979 = vector.broadcast %shift_right_logical3A_1978 : i32 to vector<16xi32>
        %shift_right_logical3A_1980 = arith.shrui %bitcast_convert_type3A_1977, %shift_right_logical3A_1979 : vector<16xi32>
        %sub3A_1981 = arith.constant 1597463007 : i32
        %sub3A_1982 = vector.broadcast %sub3A_1981 : i32 to vector<16xi32>
        %sub3A_1983 = arith.subi %sub3A_1982, %shift_right_logical3A_1980 : vector<16xi32>
        %bitcast_convert_type3A_1984 = tpu.bitcast %sub3A_1983 : vector<16xi32> -> vector<16xf32>
        %mul3A_1985 = arith.constant 5.000000e-01 : f32
        %mul3A_1986 = vector.broadcast %mul3A_1985 : f32 to vector<16xf32>
        %mul3A_1987 = arith.mulf %add3A_1976, %mul3A_1986 : vector<16xf32>
        %mul3A_1988 = arith.mulf %mul3A_1987, %bitcast_convert_type3A_1984 : vector<16xf32>
        %mul3A_1989 = arith.mulf %mul3A_1988, %bitcast_convert_type3A_1984 : vector<16xf32>
        %sub3A_1990 = arith.constant 1.500000e+00 : f32
        %sub3A_1991 = vector.broadcast %sub3A_1990 : f32 to vector<16xf32>
        %sub3A_1992 = arith.subf %sub3A_1991, %mul3A_1989 : vector<16xf32>
        %mul3A_1993 = arith.mulf %bitcast_convert_type3A_1984, %sub3A_1992 : vector<16xf32>
        %mul3A_1994 = arith.mulf %add3A_1976, %mul3A_1993 : vector<16xf32>
        %sub3A_1995 = arith.subf %gather3A_1838, %gather3A_1841 : vector<16xf32>
        %sub3A_1996 = arith.subf %gather3A_1839, %gather3A_1842 : vector<16xf32>
        %sub3A_1997 = arith.subf %gather3A_1840, %gather3A_1843 : vector<16xf32>
        %mul3A_1998 = arith.mulf %sub3A_1995, %sub3A_1995 : vector<16xf32>
        %mul3A_1999 = arith.mulf %sub3A_1996, %sub3A_1996 : vector<16xf32>
        %add3A_2000 = arith.addf %mul3A_1998, %mul3A_1999 : vector<16xf32>
        %mul3A_2001 = arith.mulf %sub3A_1997, %sub3A_1997 : vector<16xf32>
        %add3A_2002 = arith.addf %add3A_2000, %mul3A_2001 : vector<16xf32>
        %add3A_2003 = arith.constant 9.99999996E-13 : f32
        %add3A_2004 = vector.broadcast %add3A_2003 : f32 to vector<16xf32>
        %add3A_2005 = arith.addf %add3A_2002, %add3A_2004 : vector<16xf32>
        %bitcast_convert_type3A_2006 = tpu.bitcast %add3A_2005 : vector<16xf32> -> vector<16xi32>
        %shift_right_logical3A_2007 = arith.constant 1 : i32
        %shift_right_logical3A_2008 = vector.broadcast %shift_right_logical3A_2007 : i32 to vector<16xi32>
        %shift_right_logical3A_2009 = arith.shrui %bitcast_convert_type3A_2006, %shift_right_logical3A_2008 : vector<16xi32>
        %sub3A_2010 = arith.constant 1597463007 : i32
        %sub3A_2011 = vector.broadcast %sub3A_2010 : i32 to vector<16xi32>
        %sub3A_2012 = arith.subi %sub3A_2011, %shift_right_logical3A_2009 : vector<16xi32>
        %bitcast_convert_type3A_2013 = tpu.bitcast %sub3A_2012 : vector<16xi32> -> vector<16xf32>
        %mul3A_2014 = arith.constant 5.000000e-01 : f32
        %mul3A_2015 = vector.broadcast %mul3A_2014 : f32 to vector<16xf32>
        %mul3A_2016 = arith.mulf %add3A_2005, %mul3A_2015 : vector<16xf32>
        %mul3A_2017 = arith.mulf %mul3A_2016, %bitcast_convert_type3A_2013 : vector<16xf32>
        %mul3A_2018 = arith.mulf %mul3A_2017, %bitcast_convert_type3A_2013 : vector<16xf32>
        %sub3A_2019 = arith.constant 1.500000e+00 : f32
        %sub3A_2020 = vector.broadcast %sub3A_2019 : f32 to vector<16xf32>
        %sub3A_2021 = arith.subf %sub3A_2020, %mul3A_2018 : vector<16xf32>
        %mul3A_2022 = arith.mulf %bitcast_convert_type3A_2013, %sub3A_2021 : vector<16xf32>
        %mul3A_2023 = arith.mulf %add3A_2005, %mul3A_2022 : vector<16xf32>
        %sub3A_2024 = arith.subf %mul3A_1994, %mul3A_2023 : vector<16xf32>
        %abs3A_2025 = math.absf %sub3A_2024 : vector<16xf32>
        %add3A_2026 = arith.addf %add3A_1965, %abs3A_2025 : vector<16xf32>
        scf.yield %add3A_2026 : vector<16xf32>
      }
      %scan3A_419 = arith.constant 16 : i32
      scf.yield %scan3A_418 : vector<16xf32>
    }
    %scan3A_242 = arith.constant 6 : i32
    %swap3A = arith.constant 0 : index
    %swap3A_243 = tpu.vector_load %arg21[%swap3A] {strides = array<i32>} : memref<16xf32, #tpu.memory_space<vmem>>, vector<16xf32>,
    tpu.vector_store %arg21[%swap3A], %scan3A_241 {strides = array<i32>} : memref<16xf32, #tpu.memory_space<vmem>>, vector<16xf32>,
    "tpu.region"() ({
      %run_scoped3A = tpu.sem_alloc : memref<!tpu.dma_semaphore, #tpu.memory_space<semaphore_mem>>
      %dma_start3A_244 = arith.constant 0 : i32
      %dma_start3A_245 = tpu.memref_slice %arg5[%add3A, %dma_start3A_244] : memref<32x16xf32, #tpu.memory_space<hbm>> -> memref<1x16xf32, #tpu.memory_space<hbm>>
      %dma_start3A_246 = tpu.memref_squeeze %dma_start3A_245 : memref<1x16xf32, #tpu.memory_space<hbm>> -> memref<16xf32, #tpu.memory_space<hbm>>
      %dma_start3A_247 = arith.constant 0 : i32
      %dma_start3A_248 = tpu.memref_slice %arg5[%add3A, %dma_start3A_247] : memref<32x16xf32, #tpu.memory_space<hbm>> -> memref<1x16xf32, #tpu.memory_space<hbm>>
      %dma_start3A_249 = tpu.memref_squeeze %dma_start3A_248 : memref<1x16xf32, #tpu.memory_space<hbm>> -> memref<16xf32, #tpu.memory_space<hbm>>
      tpu.enqueue_dma source(%arg21 : memref<16xf32, #tpu.memory_space<vmem>>) target(%dma_start3A_249 : memref<16xf32, #tpu.memory_space<hbm>>) target_semaphore(%run_scoped3A : memref<!tpu.dma_semaphore, #tpu.memory_space<semaphore_mem>>)
      %dma_wait3A = arith.constant 0 : i32
      %dma_wait3A_250 = tpu.memref_slice %arg5[%add3A, %dma_wait3A] : memref<32x16xf32, #tpu.memory_space<hbm>> -> memref<1x16xf32, #tpu.memory_space<hbm>>
      %dma_wait3A_251 = tpu.memref_squeeze %dma_wait3A_250 : memref<1x16xf32, #tpu.memory_space<hbm>> -> memref<16xf32, #tpu.memory_space<hbm>>
      %dma_wait3A_252 = arith.constant 0 : i32
      %dma_wait3A_253 = tpu.memref_slice %arg5[%add3A, %dma_wait3A_252] : memref<32x16xf32, #tpu.memory_space<hbm>> -> memref<1x16xf32, #tpu.memory_space<hbm>>
      %dma_wait3A_254 = tpu.memref_squeeze %dma_wait3A_253 : memref<1x16xf32, #tpu.memory_space<hbm>> -> memref<16xf32, #tpu.memory_space<hbm>>
      tpu.wait_dma2 semaphore(%run_scoped3A : memref<!tpu.dma_semaphore, #tpu.memory_space<semaphore_mem>>) src(%arg21 : memref<16xf32, #tpu.memory_space<vmem>>) dst(%dma_wait3A_254 : memref<16xf32, #tpu.memory_space<hbm>>)
      tpu.yield
    }) : () -> ()
    return
  }
}

module attributes {stable_mosaic.version = 14 : i64} {
  func.func @body(%arg0: i32, %arg1: memref<3x128xi32, #tpu.memory_space<vmem>>, %arg2: memref<3x512x384xf32, #tpu.memory_space<vmem>>, %arg3: memref<3x512x384xf32, #tpu.memory_space<vmem>>, %arg4: memref<8x384xf32, #tpu.memory_space<vmem>>, %arg5: memref<384x384xbf16, #tpu.memory_space<vmem>>) attributes {dimension_semantics = [#tpu.dimension_semantics<arbitrary>], iteration_bounds = array<i64: 20>, scalar_prefetch = 0 : i64, scratch_operands = 1 : i64, tpu.core_type = #tpu.core_type<tc>, window_params = [{pipeline_mode = #tpu.pipeline_mode<synchronous>, transform_indices = @transform_0, window_bounds = array<i64: 3, 128>}, {transform_indices = @transform_1, window_bounds = array<i64: 3, 512, 384>}, {transform_indices = @transform_2, window_bounds = array<i64: 3, 512, 384>}, {pipeline_mode = #tpu.pipeline_mode<synchronous>, transform_indices = @transform_3, window_bounds = array<i64: 8, 384>}]} {
    %eq3A = arith.constant 0 : i32
    %eq3A_0 = arith.cmpi eq, %arg0, %eq3A : i32
    %convert_element_type3A = arith.extui %eq3A_0 : i1 to i32
    %cond3A = arith.constant 0 : i32
    %cond3A_1 = arith.cmpi ne, %convert_element_type3A, %cond3A : i32
    scf.if %cond3A_1 {
      %iota3A = tpu.iota {dimensions = array<i32: 0>} : vector<384x128xi32>
      %get3A_88 = arith.constant 0 : index
      %get3A_89 = arith.constant 0 : index
      %get3A_90 = vector.load %arg1[%get3A_88, %get3A_89] : memref<3x128xi32, #tpu.memory_space<vmem>>, vector<1x128xi32>
      %broadcast_in_dim3A = vector.shape_cast %get3A_90 : vector<1x128xi32> to vector<1x128xi32>
      %broadcast_in_dim3A_91 = vector.broadcast %broadcast_in_dim3A : vector<1x128xi32> to vector<384x128xi32>
      %get3A_92 = arith.constant 1 : index
      %get3A_93 = arith.constant 0 : index
      %get3A_94 = vector.load %arg1[%get3A_92, %get3A_93] : memref<3x128xi32, #tpu.memory_space<vmem>>, vector<1x128xi32>
      %broadcast_in_dim3A_95 = vector.shape_cast %get3A_94 : vector<1x128xi32> to vector<1x128xi32>
      %broadcast_in_dim3A_96 = vector.broadcast %broadcast_in_dim3A_95 : vector<1x128xi32> to vector<384x128xi32>
      %eq3A_97 = arith.cmpi eq, %iota3A, %broadcast_in_dim3A_91 : vector<384x128xi32>
      %convert_element_type3A_98 = arith.extui %eq3A_97 : vector<384x128xi1> to vector<384x128xi32>
      %convert_element_type3A_99 = arith.sitofp %convert_element_type3A_98 : vector<384x128xi32> to vector<384x128xf32>
      %convert_element_type3A_100 = arith.truncf %convert_element_type3A_99 : vector<384x128xf32> to vector<384x128xbf16>
      %eq3A_101 = arith.cmpi eq, %iota3A, %broadcast_in_dim3A_96 : vector<384x128xi32>
      %convert_element_type3A_102 = arith.extui %eq3A_101 : vector<384x128xi1> to vector<384x128xi32>
      %convert_element_type3A_103 = arith.sitofp %convert_element_type3A_102 : vector<384x128xi32> to vector<384x128xf32>
      %convert_element_type3A_104 = arith.truncf %convert_element_type3A_103 : vector<384x128xf32> to vector<384x128xbf16>
      %sub3A_105 = arith.subf %convert_element_type3A_100, %convert_element_type3A_104 : vector<384x128xbf16>
      %get3A_106 = arith.constant 0 : index
      %get3A_107 = arith.constant 0 : index
      %get3A_108 = vector.load %arg1[%get3A_106, %get3A_107] : memref<3x128xi32, #tpu.memory_space<vmem>>, vector<1x128xi32>
      %broadcast_in_dim3A_109 = vector.shape_cast %get3A_108 : vector<1x128xi32> to vector<1x128xi32>
      %broadcast_in_dim3A_110 = vector.broadcast %broadcast_in_dim3A_109 : vector<1x128xi32> to vector<384x128xi32>
      %get3A_111 = arith.constant 2 : index
      %get3A_112 = arith.constant 0 : index
      %get3A_113 = vector.load %arg1[%get3A_111, %get3A_112] : memref<3x128xi32, #tpu.memory_space<vmem>>, vector<1x128xi32>
      %broadcast_in_dim3A_114 = vector.shape_cast %get3A_113 : vector<1x128xi32> to vector<1x128xi32>
      %broadcast_in_dim3A_115 = vector.broadcast %broadcast_in_dim3A_114 : vector<1x128xi32> to vector<384x128xi32>
      %eq3A_116 = arith.cmpi eq, %iota3A, %broadcast_in_dim3A_110 : vector<384x128xi32>
      %convert_element_type3A_117 = arith.extui %eq3A_116 : vector<384x128xi1> to vector<384x128xi32>
      %convert_element_type3A_118 = arith.sitofp %convert_element_type3A_117 : vector<384x128xi32> to vector<384x128xf32>
      %convert_element_type3A_119 = arith.truncf %convert_element_type3A_118 : vector<384x128xf32> to vector<384x128xbf16>
      %eq3A_120 = arith.cmpi eq, %iota3A, %broadcast_in_dim3A_115 : vector<384x128xi32>
      %convert_element_type3A_121 = arith.extui %eq3A_120 : vector<384x128xi1> to vector<384x128xi32>
      %convert_element_type3A_122 = arith.sitofp %convert_element_type3A_121 : vector<384x128xi32> to vector<384x128xf32>
      %convert_element_type3A_123 = arith.truncf %convert_element_type3A_122 : vector<384x128xf32> to vector<384x128xbf16>
      %sub3A_124 = arith.subf %convert_element_type3A_119, %convert_element_type3A_123 : vector<384x128xbf16>
      %get3A_125 = arith.constant 1 : index
      %get3A_126 = arith.constant 0 : index
      %get3A_127 = vector.load %arg1[%get3A_125, %get3A_126] : memref<3x128xi32, #tpu.memory_space<vmem>>, vector<1x128xi32>
      %broadcast_in_dim3A_128 = vector.shape_cast %get3A_127 : vector<1x128xi32> to vector<1x128xi32>
      %broadcast_in_dim3A_129 = vector.broadcast %broadcast_in_dim3A_128 : vector<1x128xi32> to vector<384x128xi32>
      %get3A_130 = arith.constant 2 : index
      %get3A_131 = arith.constant 0 : index
      %get3A_132 = vector.load %arg1[%get3A_130, %get3A_131] : memref<3x128xi32, #tpu.memory_space<vmem>>, vector<1x128xi32>
      %broadcast_in_dim3A_133 = vector.shape_cast %get3A_132 : vector<1x128xi32> to vector<1x128xi32>
      %broadcast_in_dim3A_134 = vector.broadcast %broadcast_in_dim3A_133 : vector<1x128xi32> to vector<384x128xi32>
      %eq3A_135 = arith.cmpi eq, %iota3A, %broadcast_in_dim3A_129 : vector<384x128xi32>
      %convert_element_type3A_136 = arith.extui %eq3A_135 : vector<384x128xi1> to vector<384x128xi32>
      %convert_element_type3A_137 = arith.sitofp %convert_element_type3A_136 : vector<384x128xi32> to vector<384x128xf32>
      %convert_element_type3A_138 = arith.truncf %convert_element_type3A_137 : vector<384x128xf32> to vector<384x128xbf16>
      %eq3A_139 = arith.cmpi eq, %iota3A, %broadcast_in_dim3A_134 : vector<384x128xi32>
      %convert_element_type3A_140 = arith.extui %eq3A_139 : vector<384x128xi1> to vector<384x128xi32>
      %convert_element_type3A_141 = arith.sitofp %convert_element_type3A_140 : vector<384x128xi32> to vector<384x128xf32>
      %convert_element_type3A_142 = arith.truncf %convert_element_type3A_141 : vector<384x128xf32> to vector<384x128xbf16>
      %sub3A_143 = arith.subf %convert_element_type3A_138, %convert_element_type3A_142 : vector<384x128xbf16>
      %concatenate3A = tpu.concatenate %sub3A_105, %sub3A_124, %sub3A_143 in 1 : vector<384x128xbf16>, vector<384x128xbf16>, vector<384x128xbf16> -> vector<384x384xbf16>
      %swap3A_144 = arith.constant 0 : index
      %swap3A_145 = arith.constant 0 : index
      %swap3A_146 = vector.load %arg5[%swap3A_144, %swap3A_145] : memref<384x384xbf16, #tpu.memory_space<vmem>>, vector<384x384xbf16>
      tpu.vector_store %arg5[%swap3A_144, %swap3A_145], %concatenate3A {strides = array<i32>} : memref<384x384xbf16, #tpu.memory_space<vmem>>, vector<384x384xbf16>,
      %broadcast_in_dim3A_147 = arith.constant 0.000000e+00 : f32
      %broadcast_in_dim3A_148 = vector.broadcast %broadcast_in_dim3A_147 : f32 to vector<8x384xf32>
      %swap3A_149 = arith.constant 0 : index
      %swap3A_150 = arith.constant 0 : index
      %swap3A_151 = vector.load %arg4[%swap3A_149, %swap3A_150] : memref<8x384xf32, #tpu.memory_space<vmem>>, vector<8x384xf32>
      tpu.vector_store %arg4[%swap3A_149, %swap3A_150], %broadcast_in_dim3A_148 {strides = array<i32>} : memref<8x384xf32, #tpu.memory_space<vmem>>, vector<8x384xf32>,
    } else {
    }
    %get3A = arith.constant 0 : index
    %get3A_2 = arith.constant 0 : index
    %get3A_3 = arith.constant 0 : index
    %get3A_4 = vector.load %arg2[%get3A, %get3A_2, %get3A_3] : memref<3x512x384xf32, #tpu.memory_space<vmem>>, vector<1x512x384xf32>
    %get3A_5 = vector.shape_cast %get3A_4 : vector<1x512x384xf32> to vector<512x384xf32>
    %convert_element_type3A_6 = arith.truncf %get3A_5 : vector<512x384xf32> to vector<512x384xbf16>
    %get3A_7 = arith.constant 0 : index
    %get3A_8 = arith.constant 0 : index
    %get3A_9 = vector.load %arg5[%get3A_7, %get3A_8] : memref<384x384xbf16, #tpu.memory_space<vmem>>, vector<384x384xbf16>
    %dot_general3A = arith.constant dense<0.000000e+00> : vector<512x384xf32>
    %dot_general3A_10 = tpu.matmul %convert_element_type3A_6, %get3A_9, %dot_general3A {dimension_numbers = #tpu.dot_dimension_numbers<[1], [0], [0], [1], [0, 0, 1, 1], [], []>, transpose_lhs_hint = false} : vector<512x384xbf16>, vector<384x384xbf16>, vector<512x384xf32> -> vector<512x384xf32>
    %mul3A = arith.mulf %dot_general3A_10, %dot_general3A_10 : vector<512x384xf32>
    %get3A_11 = arith.constant 1 : index
    %get3A_12 = arith.constant 0 : index
    %get3A_13 = arith.constant 0 : index
    %get3A_14 = vector.load %arg2[%get3A_11, %get3A_12, %get3A_13] : memref<3x512x384xf32, #tpu.memory_space<vmem>>, vector<1x512x384xf32>
    %get3A_15 = vector.shape_cast %get3A_14 : vector<1x512x384xf32> to vector<512x384xf32>
    %convert_element_type3A_16 = arith.truncf %get3A_15 : vector<512x384xf32> to vector<512x384xbf16>
    %get3A_17 = arith.constant 0 : index
    %get3A_18 = arith.constant 0 : index
    %get3A_19 = vector.load %arg5[%get3A_17, %get3A_18] : memref<384x384xbf16, #tpu.memory_space<vmem>>, vector<384x384xbf16>
    %dot_general3A_20 = arith.constant dense<0.000000e+00> : vector<512x384xf32>
    %dot_general3A_21 = tpu.matmul %convert_element_type3A_16, %get3A_19, %dot_general3A_20 {dimension_numbers = #tpu.dot_dimension_numbers<[1], [0], [0], [1], [0, 0, 1, 1], [], []>, transpose_lhs_hint = false} : vector<512x384xbf16>, vector<384x384xbf16>, vector<512x384xf32> -> vector<512x384xf32>
    %mul3A_22 = arith.mulf %dot_general3A_21, %dot_general3A_21 : vector<512x384xf32>
    %add3A = arith.addf %mul3A, %mul3A_22 : vector<512x384xf32>
    %get3A_23 = arith.constant 2 : index
    %get3A_24 = arith.constant 0 : index
    %get3A_25 = arith.constant 0 : index
    %get3A_26 = vector.load %arg2[%get3A_23, %get3A_24, %get3A_25] : memref<3x512x384xf32, #tpu.memory_space<vmem>>, vector<1x512x384xf32>
    %get3A_27 = vector.shape_cast %get3A_26 : vector<1x512x384xf32> to vector<512x384xf32>
    %convert_element_type3A_28 = arith.truncf %get3A_27 : vector<512x384xf32> to vector<512x384xbf16>
    %get3A_29 = arith.constant 0 : index
    %get3A_30 = arith.constant 0 : index
    %get3A_31 = vector.load %arg5[%get3A_29, %get3A_30] : memref<384x384xbf16, #tpu.memory_space<vmem>>, vector<384x384xbf16>
    %dot_general3A_32 = arith.constant dense<0.000000e+00> : vector<512x384xf32>
    %dot_general3A_33 = tpu.matmul %convert_element_type3A_28, %get3A_31, %dot_general3A_32 {dimension_numbers = #tpu.dot_dimension_numbers<[1], [0], [0], [1], [0, 0, 1, 1], [], []>, transpose_lhs_hint = false} : vector<512x384xbf16>, vector<384x384xbf16>, vector<512x384xf32> -> vector<512x384xf32>
    %mul3A_34 = arith.mulf %dot_general3A_33, %dot_general3A_33 : vector<512x384xf32>
    %add3A_35 = arith.addf %add3A, %mul3A_34 : vector<512x384xf32>
    %add3A_36 = arith.constant 9.99999996E-13 : f32
    %add3A_37 = vector.broadcast %add3A_36 : f32 to vector<512x384xf32>
    %add3A_38 = arith.addf %add3A_35, %add3A_37 : vector<512x384xf32>
    %sqrt3A = math.sqrt %add3A_38 : vector<512x384xf32>
    %get3A_39 = arith.constant 0 : index
    %get3A_40 = arith.constant 0 : index
    %get3A_41 = arith.constant 0 : index
    %get3A_42 = vector.load %arg3[%get3A_39, %get3A_40, %get3A_41] : memref<3x512x384xf32, #tpu.memory_space<vmem>>, vector<1x512x384xf32>
    %get3A_43 = vector.shape_cast %get3A_42 : vector<1x512x384xf32> to vector<512x384xf32>
    %convert_element_type3A_44 = arith.truncf %get3A_43 : vector<512x384xf32> to vector<512x384xbf16>
    %get3A_45 = arith.constant 0 : index
    %get3A_46 = arith.constant 0 : index
    %get3A_47 = vector.load %arg5[%get3A_45, %get3A_46] : memref<384x384xbf16, #tpu.memory_space<vmem>>, vector<384x384xbf16>
    %dot_general3A_48 = arith.constant dense<0.000000e+00> : vector<512x384xf32>
    %dot_general3A_49 = tpu.matmul %convert_element_type3A_44, %get3A_47, %dot_general3A_48 {dimension_numbers = #tpu.dot_dimension_numbers<[1], [0], [0], [1], [0, 0, 1, 1], [], []>, transpose_lhs_hint = false} : vector<512x384xbf16>, vector<384x384xbf16>, vector<512x384xf32> -> vector<512x384xf32>
    %mul3A_50 = arith.mulf %dot_general3A_49, %dot_general3A_49 : vector<512x384xf32>
    %get3A_51 = arith.constant 1 : index
    %get3A_52 = arith.constant 0 : index
    %get3A_53 = arith.constant 0 : index
    %get3A_54 = vector.load %arg3[%get3A_51, %get3A_52, %get3A_53] : memref<3x512x384xf32, #tpu.memory_space<vmem>>, vector<1x512x384xf32>
    %get3A_55 = vector.shape_cast %get3A_54 : vector<1x512x384xf32> to vector<512x384xf32>
    %convert_element_type3A_56 = arith.truncf %get3A_55 : vector<512x384xf32> to vector<512x384xbf16>
    %get3A_57 = arith.constant 0 : index
    %get3A_58 = arith.constant 0 : index
    %get3A_59 = vector.load %arg5[%get3A_57, %get3A_58] : memref<384x384xbf16, #tpu.memory_space<vmem>>, vector<384x384xbf16>
    %dot_general3A_60 = arith.constant dense<0.000000e+00> : vector<512x384xf32>
    %dot_general3A_61 = tpu.matmul %convert_element_type3A_56, %get3A_59, %dot_general3A_60 {dimension_numbers = #tpu.dot_dimension_numbers<[1], [0], [0], [1], [0, 0, 1, 1], [], []>, transpose_lhs_hint = false} : vector<512x384xbf16>, vector<384x384xbf16>, vector<512x384xf32> -> vector<512x384xf32>
    %mul3A_62 = arith.mulf %dot_general3A_61, %dot_general3A_61 : vector<512x384xf32>
    %add3A_63 = arith.addf %mul3A_50, %mul3A_62 : vector<512x384xf32>
    %get3A_64 = arith.constant 2 : index
    %get3A_65 = arith.constant 0 : index
    %get3A_66 = arith.constant 0 : index
    %get3A_67 = vector.load %arg3[%get3A_64, %get3A_65, %get3A_66] : memref<3x512x384xf32, #tpu.memory_space<vmem>>, vector<1x512x384xf32>
    %get3A_68 = vector.shape_cast %get3A_67 : vector<1x512x384xf32> to vector<512x384xf32>
    %convert_element_type3A_69 = arith.truncf %get3A_68 : vector<512x384xf32> to vector<512x384xbf16>
    %get3A_70 = arith.constant 0 : index
    %get3A_71 = arith.constant 0 : index
    %get3A_72 = vector.load %arg5[%get3A_70, %get3A_71] : memref<384x384xbf16, #tpu.memory_space<vmem>>, vector<384x384xbf16>
    %dot_general3A_73 = arith.constant dense<0.000000e+00> : vector<512x384xf32>
    %dot_general3A_74 = tpu.matmul %convert_element_type3A_69, %get3A_72, %dot_general3A_73 {dimension_numbers = #tpu.dot_dimension_numbers<[1], [0], [0], [1], [0, 0, 1, 1], [], []>, transpose_lhs_hint = false} : vector<512x384xbf16>, vector<384x384xbf16>, vector<512x384xf32> -> vector<512x384xf32>
    %mul3A_75 = arith.mulf %dot_general3A_74, %dot_general3A_74 : vector<512x384xf32>
    %add3A_76 = arith.addf %add3A_63, %mul3A_75 : vector<512x384xf32>
    %add3A_77 = arith.constant 9.99999996E-13 : f32
    %add3A_78 = vector.broadcast %add3A_77 : f32 to vector<512x384xf32>
    %add3A_79 = arith.addf %add3A_76, %add3A_78 : vector<512x384xf32>
    %sqrt3A_80 = math.sqrt %add3A_79 : vector<512x384xf32>
    %sub3A = arith.subf %sqrt3A, %sqrt3A_80 : vector<512x384xf32>
    %abs3A = math.absf %sub3A : vector<512x384xf32>
    %get3A_81 = arith.constant 0 : index
    %get3A_82 = arith.constant 0 : index
    %get3A_83 = vector.load %arg4[%get3A_81, %get3A_82] : memref<8x384xf32, #tpu.memory_space<vmem>>, vector<8x384xf32>
    %reshape3A = vector.shape_cast %abs3A : vector<512x384xf32> to vector<64x8x384xf32>
    %reduce_sum3A = arith.constant dense<0.000000e+00> : vector<8x384xf32>
    %reduce_sum3A_84 = vector.multi_reduction <add>, %reshape3A, %reduce_sum3A [0] : vector<64x8x384xf32> to vector<8x384xf32>
    %add3A_85 = arith.addf %get3A_83, %reduce_sum3A_84 : vector<8x384xf32>
    %swap3A = arith.constant 0 : index
    %swap3A_86 = arith.constant 0 : index
    %swap3A_87 = vector.load %arg4[%swap3A, %swap3A_86] : memref<8x384xf32, #tpu.memory_space<vmem>>, vector<8x384xf32>
    tpu.vector_store %arg4[%swap3A, %swap3A_86], %add3A_85 {strides = array<i32>} : memref<8x384xf32, #tpu.memory_space<vmem>>, vector<8x384xf32>,
    return
  }
  func.func @transform_0(%arg0: i32) -> (i32, i32) {
    %c0_i32 = arith.constant 0 : i32
    %c0_i32_0 = arith.constant 0 : i32
    %c0_i32_1 = arith.constant 0 : i32
    return %c0_i32, %c0_i32_0 : i32, i32
  }
  func.func @transform_1(%arg0: i32) -> (i32, i32, i32) {
    %add3A = arith.constant 12 : i32
    %add3A_0 = arith.addi %add3A, %arg0 : i32
    %c0_i32 = arith.constant 0 : i32
    %c0_i32_1 = arith.constant 0 : i32
    %c0_i32_2 = arith.constant 0 : i32
    return %c0_i32, %add3A_0, %c0_i32_1 : i32, i32, i32
  }
  func.func @transform_2(%arg0: i32) -> (i32, i32, i32) {
    %add3A = arith.constant 12 : i32
    %add3A_0 = arith.addi %add3A, %arg0 : i32
    %c0_i32 = arith.constant 0 : i32
    %c0_i32_1 = arith.constant 0 : i32
    %c0_i32_2 = arith.constant 0 : i32
    return %c0_i32, %add3A_0, %c0_i32_1 : i32, i32, i32
  }
  func.func @transform_3(%arg0: i32) -> (i32, i32) {
    %c0_i32 = arith.constant 0 : i32
    %c0_i32_0 = arith.constant 0 : i32
    %c0_i32_1 = arith.constant 0 : i32
    return %c0_i32, %c0_i32_0 : i32, i32
  }
}

</mosaic_0001>

<sc_bundles>
// kernel: kernel.4.cloned.1.call-start
scs
__scs_entry_jumppad:
0x0: {  	(pc) =	sbr.rel $0x88, $3  }
0x1: {  	(tag) =	ssettag $0x0;
	lr =	simm.s32 $0x1  }
0x2: {  	[smem:$0x3F9E] =	sst lr;
	_ =	strace $0xD0000000  }
0x3: {  	_ = 	snop  }
0x4: {  	_ = 	snop  }
0x5: {  	_ = 	snop  }
0x6: {  	_ = 	snop  }
0x7: {  	_ = 	snop  }
__scs_overlays_trampoline_lowered:
0x8: {  	[smem:$0x3FAD] =	sst s0  }
0x9: {  	[smem:$0x3FAE] =	sst s1  }
0xa: {  	[smem:$0x3FAF] =	sst s2  }
0xb: {  	[smem:$0x3FB0] =	sst s3  }
0xc: {  	[smem:$0x3FB1] =	sst s4  }
0xd: {  	[smem:$0x3FB2] =	sst s5  }
0xe: {  	[smem:$0x3FB3] =	sst s6  }
0xf: {  	[smem:$0x3FB4] =	sst s7  }
0x10: {  	[smem:$0x3FB5] =	sst s8  }
0x11: {  	[smem:$0x3FB6] =	sst s9;
	s0 =	simm.s32 @!p0 $0x0  }
0x12: {  	s1 =	sld [smem:$0x3F9C];
	s0 =	simm.s32 @p0 $0x1  }
0x13: {  	[smem:$0x3FB7] =	sst s0;
	s0 =	simm.s32 @!p1 $0x0  }
0x14: {  	s2 =	sld [smem:$0x3F9B];
	s0 =	simm.s32 @p1 $0x1  }
0x15: {  	[smem:$0x3FB8] =	sst s0;
	s0 =	simm.s32 @!p2 $0x0  }
0x16: {  	s3 =	sld [smem:$0x3FDB];
	s0 =	simm.s32 @p2 $0x1  }
0x17: {  	s4 =	simm.s32 $0x1BF5;
	[smem:$0x3FBA] =	sst s0  }
0x18: {  	s0 =	sld [smem:$0x3F9D];
	_ =	swait.ge [sflag:s4], $0x0  }
0x19: {  	s7 =	sld [smem:$0x3F9E]  }
0x1a: {  	s8 =	sadd.s32 $0xFFFFE003, lr  }
0x1b: {  	s9 =	sadd.s32 $0xFFFFFEF7, lr;
	s5 =	simm.s32 $0xFFFFFFFF;
	p2 =	slt.u32 s8, $0xFFFFF086  }
0x1c: {  	p1 =	slt.u32 s9, $0xF7A;
	s5 =	simm.s32 @!p2 $0x0  }
0x1d: {  	s5 =	simm.s32 @p1 $0x1;
	p0 =	seq.s32 s7, s2  }
0x1e: {  	s7 =	smul.u32 @!p0 $0xF7A, s2;
	p2 =	seq.s32 @!p0 s5, $0x0  }
0x1f: {  	s9 =	smul.u32 $0xF7A, s1;
	s8 =	simm.s32 @!p0 $0x1BF5;
	p2 =	por !p2, p0  }
0x20: {  	[sflag:s8] =	ssyncset.s32 @!p0 $0xFFFFF086;
	s6 =	sadd.s32 @!p0 s3, s7;
	s7 =	simm.s32 @!p0 $0x108  }
0x21: {  	s3 =	sadd.s32 s3, s9;
	s6 =	sadd.s32 @!p0 $0x88, s6;
	s7 =	simm.s32 @p2 $0x1082  }
0x22: {  	[simem:s7], [sflag:s8] =	dma.local @!p0 [hbm:s6], $0xF7A  }
0x23: {  	s9 =	sor.u32 $0xD0000000, s2;
	s6 =	simm.s32 $0x108;
	_ =	swait.ge @!p0 [sflag:s8], $0x0  }
0x24: {  	s3 =	sadd.s32 $0x88, s3;
	s6 =	simm.s32 @!p1 $0x1082;
	[sflag:s4] =	ssyncset.s32 $0xFFFFF086  }
0x25: {  	[simem:s6], [sflag:s4] =	dma.local [hbm:s3], $0xF7A  }
0x26: {  	[smem:$0x3F9E] =	sst s1;
	(tag) =	ssettag s2;
	_ =	strace s9  }
0x27: {  	s1 =	sld [smem:$0x3FAE]  }
0x28: {  	s2 =	sld [smem:$0x3FAF]  }
0x29: {  	s4 =	sld [smem:$0x3FB1]  }
0x2a: {  	p0 =	seq.s32 s5, $0x0;
	s5 =	sld [smem:$0x3FB2]  }
0x2b: {  	s6 =	sld [smem:$0x3FB3]  }
0x2c: {  	s7 =	sld [smem:$0x3FB4]  }
0x2d: {  	s3 =	simm.s32 $0x108;
	s8 =	sld [smem:$0x3FB5]  }
0x2e: {  	s3 =	simm.s32 @!p0 $0x1082;
	s9 =	sld [smem:$0x3FB6]  }
0x2f: {  	lr =	sadd.s32 s0, s3;
	s0 =	sld [smem:$0x3FAD]  }
0x30: {  	s3 =	sld [smem:$0x3FB0]  }
0x31: {  	[smem:$0x3FB9] =	sst s10  }
0x32: {  	s10 =	sld [smem:$0x3FB7];
	_ =	sdelay $0x3  }
0x33: {  	p0 =	seq.s32 s10, $0x1;
	s10 =	sld [smem:$0x3FB9];
	_ =	sdelay $0x3  }
0x34: {  	[smem:$0x3FB9] =	sst s10  }
0x35: {  	s10 =	sld [smem:$0x3FB8];
	_ =	sdelay $0x3  }
0x36: {  	p1 =	seq.s32 s10, $0x1;
	s10 =	sld [smem:$0x3FB9];
	_ =	sdelay $0x3  }
0x37: {  	[smem:$0x3FB9] =	sst s10  }
0x38: {  	s10 =	sld [smem:$0x3FBA]  }
0x39: {  	_ = 	snop;
	(pc) =	sbr.ind lr, $3  }
0x3a: {  	_ = 	snop  }
0x3b: {  	_ = 	snop  }
0x3c: {  	p2 =	seq.s32 s10, $0x1;
	s10 =	sld [smem:$0x3FB9]  }
0x3d: {  	_ =	shalt  }
0x3e: {  	_ =	shalt  }
0x3f: {  	_ =	shalt  }
0x40: {  	_ =	shalt  }
0x41: {  	_ =	shalt  }
0x42: {  	_ =	shalt  }
0x43: {  	_ =	shalt  }
0x44: {  	_ =	shalt  }
0x45: {  	_ =	shalt  }
0x46: {  	_ =	shalt  }
0x47: {  	_ =	shalt  }
0x48: {  	_ =	shalt  }
0x49: {  	_ =	shalt  }
0x4a: {  	_ =	shalt  }
0x4b: {  	_ =	shalt  }
0x4c: {  	_ =	shalt  }
0x4d: {  	_ =	shalt  }
0x4e: {  	_ =	shalt  }
0x4f: {  	_ =	shalt  }
0x50: {  	_ =	shalt  }
0x51: {  	_ =	shalt  }
0x52: {  	_ =	shalt  }
0x53: {  	_ =	shalt  }
0x54: {  	_ =	shalt  }
0x55: {  	_ =	shalt  }
0x56: {  	_ =	shalt  }
0x57: {  	_ =	shalt  }
0x58: {  	_ =	shalt  }
0x59: {  	_ =	shalt  }
0x5a: {  	_ =	shalt  }
0x5b: {  	_ =	shalt  }
0x5c: {  	_ =	shalt  }
0x5d: {  	_ =	shalt  }
0x5e: {  	_ =	shalt  }
0x5f: {  	_ =	shalt  }
0x60: {  	_ =	shalt  }
0x61: {  	_ =	shalt  }
0x62: {  	_ =	shalt  }
0x63: {  	_ =	shalt  }
0x64: {  	_ =	shalt  }
0x65: {  	_ =	shalt  }
0x66: {  	_ =	shalt  }
0x67: {  	_ =	shalt  }
0x68: {  	_ =	shalt  }
0x69: {  	_ =	shalt  }
0x6a: {  	_ =	shalt  }
0x6b: {  	_ =	shalt  }
0x6c: {  	_ =	shalt  }
0x6d: {  	_ =	shalt  }
0x6e: {  	_ =	shalt  }
0x6f: {  	_ =	shalt  }
0x70: {  	_ =	shalt  }
0x71: {  	_ =	shalt  }
0x72: {  	_ =	shalt  }
0x73: {  	_ =	shalt  }
0x74: {  	_ =	shalt  }
0x75: {  	_ =	shalt  }
0x76: {  	_ =	shalt  }
0x77: {  	_ =	shalt  }
0x78: {  	_ =	shalt  }
0x79: {  	_ =	shalt  }
0x7a: {  	_ =	shalt  }
0x7b: {  	_ =	shalt  }
0x7c: {  	_ =	shalt  }
0x7d: {  	_ =	shalt  }
0x7e: {  	_ =	shalt  }
0x7f: {  	_ =	shalt  }
0x80: {  	_ =	shalt  }
0x81: {  	_ =	shalt  }
0x82: {  	_ =	shalt  }
0x83: {  	_ =	shalt  }
0x84: {  	_ =	shalt  }
0x85: {  	_ =	shalt  }
0x86: {  	_ =	shalt  }
0x87: {  	_ =	shalt  }
.Lfunc_end0:
.L_simem_size_0:
called_computation_lowered:
.L_overlay_start_0:
0x88: {  	s2 =	sld [smem:$0x3FD9]  }
0x89: {  	s3 =	sld [smem:$0x3FFE];
	_ =	sdelay $0x1  }
0x8a: {  	s1 =	srdreg.scid  }
0x8b: {  	s0 =	sand.u32 $0x1, s1  }
0x8c: {  	s17 =	sshll.u32 s0, $0xA;
	s2 =	sadd.s32 s3, s2  }
0x8d: {  	s2 =	sadd.s32 s2, s17  }
0x8e: {  	[smem:$0x3FC5] =	sst s2  }
0x8f: {  	_ = 	snop  }
0x90: {  	s2 =	sld [smem:$0x3FC9]  }
0x91: {  	s18 =	sld [smem:$0x3FC8];
	(tm) =	ssettm $0x1  }
0x92: {  	s4 =	sld [smem:$0x3FFB];
	_ =	sdelay $0x3  }
0x93: {  	_ =	strace s4  }
0x94: {  	s4 =	sld [smem:$0x3FFC];
	_ =	sdelay $0x3  }
0x95: {  	_ =	strace s4  }
0x96: {  	s4 =	sld [smem:$0x3FFD];
	_ =	sdelay $0x3  }
0x97: {  	_ =	strace s4  }
0x98: {  	_ =	strace $0x8FFFFFFF  }
0x99: {  	s19 =	sld [smem:$0x3FDB];
	_ =	sdelay $0x1  }
0x9a: {  	s5 =	simm.s32 $_scs_section_size  }
0x9b: {  	s6 =	simm.s32 $_size__tile_overlayer_lowered;
	s7 =	simm.s32 $_tile_overlayer_lowered  }
0x9c: {  	s22 =	simm.s32 $0x1BFF;
	s21 =	sshll.u32 s7, $0x1;
	s4 =	sadd.s32 s5, s19  }
0x9d: {  	s8 =	simm.s32 $0x0;
	s20 =	sshll.u32 s6, $0x1;
	s6 =	sadd.s32 s21, s4  }
0x9e: {  	[timem:s8], [sflag:s22] =	dma.local [hbm:s6], s20  }
0x9f: {  	_ =	swait.ge [sflag:s22], s20  }
0xa0: {  	s5 =	ssub.s32 $0x0, s20;
	[sflag:s22] =	ssyncset.done $0x0  }
0xa1: {  	[sflag:s22] =	ssyncadd.s32 s5;
	_ =	sdelay $0x1  }
0xa2: {  	s23 =	simm.s32 $0x1B8B  }
0xa3: {  	_ =	swait.ge [sflag:s23], $0x1  }
0xa4: {  	[sflag:s23] =	ssyncset.done $0x0  }
0xa5: {  	s25 =	simm.s32 $0x1B8E;
	s24 =	sld [smem:$0x3FFE];
	[sflag:s23] =	ssyncadd.s32 $0xFFFFFFFF  }
0xa6: {  	s26 =	simm.s32 $execute0_lowered;
	[smem:$0x3FD2] =	sst s25  }
0xa7: {  	s6 =	sshll.u32 s26, $0x1;
	_ =	strace $0x80000046;
	[dreg:$0x1] =	wrdreg $0xFFFFFFFF  }
0xa8: {  	s28 =	simm.s32 $_size_execute0_lowered;
	s4 =	sadd.s32 s4, s6;
	[dreg:$0x0] =	wrdreg $0x0  }
0xa9: {  	s6 =	sshll.u32 s28, $0x1;
	[dreg:$0x2] =	wrdreg s4  }
0xaa: {  	[dreg:$0x3] =	wrdreg s6  }
0xab: {  	[dreg:$0x4] =	wrdreg $0xC0  }
0xac: {  	_ =	task [dreg:s8], $0x5FFFF  }
0xad: {  	[dreg:$0x1] =	wrdreg $0xFFFFFFFF  }
0xae: {  	[dreg:$0x0] =	wrdreg $0x60  }
0xaf: {  	[dreg:$0x2] =	wrdreg s2  }
0xb0: {  	[dreg:$0x3] =	wrdreg s18  }
0xb1: {  	[dreg:$0x4] =	wrdreg s24  }
0xb2: {  	[dreg:$0x5] =	wrdreg $0x9  }
0xb3: {  	_ =	task.clear_ibuf [dreg:s8], $0x6FFFF;
	_ =	strace $0x90000046  }
0xb4: {  	s29 =	simm.s32 $0x9;
	_ =	strace $0x80000048  }
0xb5: {  	_ =	swait.ge [sflag:s29], $0x1  }
0xb6: {  	[sflag:s29] =	ssyncadd.s32 $0xFFFFFFFF  }
0xb7: {  	_ =	strace $0x90000048  }
0xb8: {  	_ =	sfence  }
0xb9: {  	s30 =	sld [smem:$0x0];
	_ =	sdelay $0x2  }
0xba: {  	s31 =	sshll.u32 s1, $0xD;
	s1 =	sshrl.u32 s1, $0x2  }
0xbb: {  	s3 =	sand.u32 $0x4000, s31;
	s1 =	sadd.s32 s1, s30  }
0xbc: {  	s0 =	sor.u32 s3, s0;
	s1 =	sshll.u32 s1, $0x11  }
0xbd: {  	s0 =	sor.u32 s1, s0  }
0xbe: {  	s0 =	sadd.s32 $0x8F2B, s0  }
0xbf: {  	[sflag:s0] =	ssyncadd.remote.s32 $0x1  }
0xc0: {  	_ =	sfence.sel $0xFFFF  }
0xc1: {  	[dreg:$0x0] =	wrdreg $0xFFFFFFFF;
	(pc) =	sbr.abs _section_cstart, $3  }
0xc2: {  	[dreg:$0x1] =	wrdreg $0xFFFFFFFF  }
0xc3: {  	_ =	task.clear_ibuf [dreg:s8], $0x2FFFF;
	_ =	strace $0x9FFFFFFF  }
0xc4: {  	(tm) =	ssettm $0x7FFFFFFF  }
0xc5: {  	_ =	shalt  }
tec
execute0_lowered:
.L_overlay_start_1:
0x0: {  	(tag) =	ssettag $0x1  }
0x1: {  	v0 =	vlaneseq.u32  }
0x2: {  	s2 =	rddreg [dreg:$0x0];
	v0 =	vmul.u32 $0x3, v0  }
0x3: {  	s3 =	rddreg [dreg:$0x1];
	s5 =	simm.s32 $0x0  }
0x4: {  	[smem:$0x7FF] =	sst s5;
	v1 =	vadd.s32 $0x1, v0  }
0x5: {  	s7 =	rddreg [dreg:$0x2];
	_ =	strace $0x80000047;
	[tilespmem:$0x1FEF0] =	vst v1;
	v1 =	vadd.s32 $0x2, v0  }
0x6: {  	s0 =	srdreg.scid;
	s1 =	stileid.u32;
	[tilespmem:$0x1FF00] =	vst v1;
	v1 =	vadd.s32 $0x30, v0  }
0x7: {  	s16 =	simm.s32 $0x3;
	s0 =	sand.u32 $0x1, s0;
	s1 =	sshll.u32 s1, $0x1;
	[tilespmem:$0x1FF10] =	vst v1;
	v1 =	vadd.s32 $0x31, v0  }
0x8: {  	s17 =	simm.s32 $0x180;
	s18 =	simm.s32 $0x1980;
	s1 =	sor.u32 s0, s1;
	[tilespmem:$0x1FF20] =	vst v1;
	v1 =	vadd.s32 $0x32, v0  }
0x9: {  	s19 =	simm.s32 $0x3180;
	s20 =	simm.s32 $0x4980;
	s4 =	smul.u32 $0xC0, s1;
	[tilespmem:$0x1FF30] =	vst v1;
	v1 =	vadd.s32 $0x60, v0  }
0xa: {  	s21 =	simm.s32 $0x6180;
	s28 =	simm.s32 $0xF180;
	s29 =	simm.s32 $0x10980;
	[tilespmem:$0x1FF40] =	vst v1;
	v1 =	vadd.s32 $0x61, v0  }
0xb: {  	s30 =	simm.s32 $0x1;
	s0 =	ssub.s32 $0x2, s0;
	s6 =	sshrl.u32 s4, $0x3;
	[tilespmem:$0x1FF50] =	vst v1;
	v1 =	vadd.s32 $0x62, v0  }
0xc: {  	s1 =	sshll.u32 s1, $0x4;
	s22 =	sshrl.u32 s0, $0x1;
	s6 =	smul.u32 $0xC00, s6;
	[tilespmem:$0x1FF60] =	vst v1;
	v1 =	vadd.s32 $0x90, v0  }
0xd: {  	s31 =	simm.s32 $0x2;
	s1 =	sadd.s32 s1, s7;
	s0 =	ssub.s32 s0, s22;
	[tilespmem:$0x1FF70] =	vst v1;
	v1 =	vadd.s32 $0x91, v0  }
0xe: {  	s22 =	simm.s32 $0x7980;
	s12 =	sor.u32 $0x10, s4;
	s6 =	sshrl.u32 s6, $0x3;
	[tilespmem:$0x1FF80] =	vst v1;
	v1 =	vadd.s32 $0x92, v0  }
0xf: {  	s13 =	sor.u32 $0x20, s4;
	s10 =	sadd.s32 $0xC0000, s6;
	s23 =	sadd.s32 s2, s6;
	[tilespmem:$0x1FF90] =	vst v1;
	v1 =	vor.u32 $0xC0, v0  }
0x10: {  	s11 =	sor.u32 $0x180000, s6;
	s6 =	sadd.s32 s3, s6;
	[dreg:$0x4] =	wrdreg s23;
	[tilespmem:$0x1FFA0] =	vst v1;
	v1 =	vadd.s32 $0xC1, v0  }
0x11: {  	s14 =	sadd.s32 $0x200, s1;
	s24 =	sadd.s32 s2, s10;
	[dreg:$0x7] =	wrdreg s6;
	[tilespmem:$0x1FFB0] =	vst v1;
	v1 =	vadd.s32 $0xC2, v0  }
0x12: {  	s15 =	smax.u32 s0, $0x1;
	s25 =	sadd.s32 s2, s11;
	[dreg:$0x5] =	wrdreg s24;
	[tilespmem:$0x1FFC0] =	vst v1;
	v1 =	vadd.s32 $0xF0, v0  }
0x13: {  	v18 =	vadd.s32 $0x120, v0;
	v19 =	vadd.s32 $0x121, v0;
	s0 =	simm.s32 $0x0;
	s26 =	sadd.s32 s3, s10;
	[dreg:$0x6] =	wrdreg s25;
	[tilespmem:$0x1FFD0] =	vst v1;
	v1 =	vadd.s32 $0xF1, v0  }
0x14: {  	v20 =	vadd.s32 $0x122, v0;
	v21 =	vadd.s32 $0x150, v0;
	s11 =	sadd.s32 s3, s11;
	s23 =	simm.s32 $0x9180;
	[dreg:$0x8] =	wrdreg s26;
	[tilespmem:$0x1FFE0] =	vst v1;
	v1 =	vadd.s32 $0xF2, v0  }
0x15: {  	v22 =	vadd.s32 $0x151, v0;
	v23 =	vadd.s32 $0x152, v0;
	s24 =	simm.s32 $0xA980;
	s25 =	simm.s32 $0xC180;
	s26 =	simm.s32 $0xD980;
	[tilespmem:$0x1FFF0] =	vst v1  }
.LBB2_1:
0x16: {  	s1 =	rddreg [dreg:$0x2]  }
0x17: {  	[tilespmem:s5], [sflag:$0x3] =	stream.linear.gather [hbm4b:s1+s5], $0x180, $0x38;
	[tilespmem:$0x12200] =	vst v63  }
0x18: {  	_ =	swait.ge [sflag:s16], $0x180  }
0x19: {  	v1 =	vld [tilespmem:$0x1FEF0];
	_ =	sdelay $0x5  }
0x1a: {  	[sflag:s16] =	ssyncset.done $0x0  }
0x1b: {  	[sflag:s16] =	ssyncadd.s32 $0xFFFFFE80  }
0x1c: {  	v25 =	vld.idx.msk [tilespmem:v1+s5+$0x0], $0xffff  }
0x1d: {  	v1 =	vld [tilespmem:$0x1FF00];
	_ =	sdelay $0x7  }
0x1e: {  	v26 =	vld.idx.msk [tilespmem:v1+s5+$0x0], $0xffff  }
0x1f: {  	v1 =	vld [tilespmem:$0x1FF10];
	_ =	sdelay $0x7  }
0x20: {  	v27 =	vld.idx.msk [tilespmem:v1+s5+$0x0], $0xffff  }
0x21: {  	v1 =	vld [tilespmem:$0x1FF20];
	_ =	sdelay $0x7  }
0x22: {  	v28 =	vld.idx.msk [tilespmem:v1+s5+$0x0], $0xffff  }
0x23: {  	v1 =	vld [tilespmem:$0x1FF30];
	_ =	sdelay $0x7  }
0x24: {  	v30 =	vld.idx.msk [tilespmem:v1+s5+$0x0], $0xffff  }
0x25: {  	v1 =	vld [tilespmem:$0x1FF40];
	_ =	sdelay $0x7  }
0x26: {  	v32 =	vld.idx.msk [tilespmem:v1+s5+$0x0], $0xffff  }
0x27: {  	v1 =	vld [tilespmem:$0x1FF50]  }
0x28: {  	v24 =	vld.idx.msk [tilespmem:v0+s5+$0x0], $0xffff;
	_ =	sdelay $0x4  }
0x29: {  	v29 =	vshll.u32 v24, $0x3  }
0x2a: {  	v24 =	vand.u32 $0x7F, v24;
	v29 =	vand.u32 $0xFFFFFC00, v29;
	v31 =	vshll.u32 v25, $0x3  }
0x2b: {  	v24 =	vor.u32 v24, v29;
	v29 =	vand.u32 $0xFFFFFC00, v31;
	v31 =	vld.idx.msk [tilespmem:v1+s5+$0x0], $0xffff  }
0x2c: {  	v1 =	vld [tilespmem:$0x1FF60];
	_ =	sdelay $0x7  }
0x2d: {  	v35 =	vld.idx.msk [tilespmem:v1+s5+$0x0], $0xffff  }
0x2e: {  	v1 =	vld [tilespmem:$0x1FF70];
	_ =	sdelay $0x7  }
0x2f: {  	v36 =	vld.idx.msk [tilespmem:v1+s5+$0x0], $0xffff  }
0x30: {  	v1 =	vld [tilespmem:$0x1FF80];
	_ =	sdelay $0x7  }
0x31: {  	v4 =	vld.idx.msk [tilespmem:v1+s5+$0x0], $0xffff  }
0x32: {  	v1 =	vld [tilespmem:$0x1FF90];
	_ =	sdelay $0x7  }
0x33: {  	v37 =	vld.idx.msk [tilespmem:v1+s5+$0x0], $0xffff  }
0x34: {  	v1 =	vld [tilespmem:$0x1FFA0];
	_ =	sdelay $0x7  }
0x35: {  	v38 =	vld.idx.msk [tilespmem:v1+s5+$0x0], $0xffff  }
0x36: {  	v1 =	vld [tilespmem:$0x1FFB0];
	_ =	sdelay $0x7  }
0x37: {  	v39 =	vld.idx.msk [tilespmem:v1+s5+$0x0], $0xffff  }
0x38: {  	v1 =	vld [tilespmem:$0x1FFC0];
	_ =	sdelay $0x5  }
0x39: {  	v9 =	vld.idx.msk [tilespmem:v18+s5+$0x0], $0xffff  }
0x3a: {  	v45 =	vld.idx.msk [tilespmem:v19+s5+$0x0], $0xffff  }
0x3b: {  	v40 =	vld.idx.msk [tilespmem:v1+s5+$0x0], $0xffff  }
0x3c: {  	v1 =	vld [tilespmem:$0x1FFD0]  }
0x3d: {  	v46 =	vld.idx.msk [tilespmem:v20+s5+$0x0], $0xffff  }
0x3e: {  	v47 =	vld.idx.msk [tilespmem:v21+s5+$0x0], $0xffff  }
0x3f: {  	v48 =	vld.idx.msk [tilespmem:v22+s5+$0x0], $0xffff  }
0x40: {  	v49 =	vld.idx.msk [tilespmem:v23+s5+$0x0], $0xffff;
	_ =	sdelay $0x1  }
0x41: {  	v56 =	vshll.u32 v9, $0x3  }
0x42: {  	v57 =	vshll.u32 v45, $0x3;
	v58 =	vand.u32 $0x7F, v45;
	v59 =	vand.u32 $0x7F, v46  }
0x43: {  	v46 =	vshll.u32 v46, $0x3;
	v60 =	vshll.u32 v47, $0x3;
	v47 =	vand.u32 $0x7F, v47;
	v41 =	vld.idx.msk [tilespmem:v1+s5+$0x0], $0xffff  }
0x44: {  	v61 =	vand.u32 $0x7F, v48;
	v62 =	vshll.u32 v48, $0x3;
	v63 =	vshll.u32 v49, $0x3;
	v1 =	vld [tilespmem:$0x1FFE0]  }
0x45: {  	v49 =	vand.u32 $0x7F, v49;
	v46 =	vand.u32 $0xFFFFFC00, v46;
	v48 =	vand.u32 $0xFFFFFC00, v63  }
0x46: {  	v25 =	vand.u32 $0x7F, v25;
	v33 =	vand.u32 $0x7F, v26;
	v26 =	vshll.u32 v26, $0x3  }
0x47: {  	v25 =	vor.u32 v25, v29;
	v26 =	vand.u32 $0xFFFFFC00, v26;
	v34 =	vshll.u32 v27, $0x3  }
0x48: {  	v26 =	vor.u32 v33, v26;
	v27 =	vand.u32 $0x7F, v27;
	v34 =	vand.u32 $0xFFFFFC00, v34  }
0x49: {  	v29 =	vand.u32 $0x7F, v28;
	v28 =	vshll.u32 v28, $0x3;
	v5 =	vshll.u32 v30, $0x3  }
0x4a: {  	v28 =	vand.u32 $0xFFFFFC00, v28;
	v30 =	vand.u32 $0x7F, v30;
	v33 =	vand.u32 $0xFFFFFC00, v5  }
0x4b: {  	v28 =	vor.u32 v29, v28;
	v29 =	vor.u32 v30, v33;
	v30 =	vshll.u32 v32, $0x3  }
0x4c: {  	v27 =	vor.u32 v27, v34;
	v32 =	vand.u32 $0x7F, v32;
	v30 =	vand.u32 $0xFFFFFC00, v30;
	v43 =	vld.idx.msk [tilespmem:v1+s5+$0x0], $0xffff  }
0x4d: {  	v30 =	vor.u32 v32, v30;
	v6 =	vshll.u32 v31, $0x3;
	v31 =	vand.u32 $0x7F, v31;
	v1 =	vld [tilespmem:$0x1FFF0]  }
0x4e: {  	v7 =	vand.u32 $0xFFFFFC00, v6;
	v8 =	vand.u32 $0x7F, v35;
	v35 =	vshll.u32 v35, $0x3  }
0x4f: {  	v31 =	vor.u32 v31, v7;
	v35 =	vand.u32 $0xFFFFFC00, v35;
	v42 =	vshll.u32 v36, $0x3  }
0x50: {  	v32 =	vor.u32 v8, v35;
	v36 =	vand.u32 $0x7F, v36;
	v42 =	vand.u32 $0xFFFFFC00, v42  }
0x51: {  	v33 =	vor.u32 v36, v42;
	v42 =	vand.u32 $0x7F, v9;
	v11 =	vshll.u32 v37, $0x3  }
0x52: {  	v34 =	vshll.u32 v4, $0x3;
	v37 =	vand.u32 $0x7F, v37;
	v36 =	vand.u32 $0xFFFFFC00, v11  }
0x53: {  	v10 =	vand.u32 $0x7F, v4;
	v34 =	vand.u32 $0xFFFFFC00, v34;
	v35 =	vor.u32 v37, v36  }
0x54: {  	s6 =	rddreg [dreg:$0x4];
	v12 =	vshll.u32 v38, $0x3;
	v13 =	vand.u32 $0x7F, v38;
	v14 =	vshll.u32 v39, $0x3  }
0x55: {  	v36 =	vand.u32 $0xFFFFFC00, v12;
	v15 =	vand.u32 $0x7F, v39;
	v38 =	vand.u32 $0xFFFFFC00, v14;
	v44 =	vld.idx.msk [tilespmem:v1+s5+$0x0], $0xffff;
	[tilespmem:s17], [sflag:$0x1] =	stream.linear.gather [hbm4b:s6+s5], $0x1800, $0x38  }
0x56: {  	s7 =	rddreg [dreg:$0x5];
	v34 =	vor.u32 v10, v34;
	v36 =	vor.u32 v13, v36;
	v37 =	vor.u32 v15, v38  }
0x57: {  	v52 =	vand.u32 $0x7F, v40;
	v40 =	vshll.u32 v40, $0x3;
	v50 =	vshll.u32 v41, $0x3;
	[tilespmem:s18], [sflag:$0x1] =	stream.linear.gather [hbm4b:s7+s5], $0x1800, $0x38;
	[tilespmem:$0x12200] =	vst v63  }
0x58: {  	s8 =	rddreg [dreg:$0x6];
	v40 =	vand.u32 $0xFFFFFC00, v40;
	v41 =	vand.u32 $0x7F, v41;
	v50 =	vand.u32 $0xFFFFFC00, v50  }
0x59: {  	v38 =	vor.u32 v52, v40;
	v39 =	vor.u32 v41, v50;
	v50 =	vand.u32 $0xFFFFFC00, v60;
	[tilespmem:s19], [sflag:$0x1] =	stream.linear.gather [hbm4b:s8+s5], $0x1800, $0x38;
	[tilespmem:$0x12200] =	vst v63  }
0x5a: {  	s9 =	rddreg [dreg:$0x7];
	v45 =	vor.u32 v47, v50;
	v47 =	vand.u32 $0xFFFFFC00, v62;
	v54 =	vshll.u32 v43, $0x3  }
0x5b: {  	v53 =	vand.u32 $0x7F, v43;
	v41 =	vand.u32 $0xFFFFFC00, v54;
	v55 =	vshll.u32 v44, $0x3;
	[tilespmem:s20], [sflag:$0x1] =	stream.linear.gather [hbm4b:s9+s5], $0x1800, $0x38;
	[tilespmem:$0x12200] =	vst v63  }
0x5c: {  	s10 =	rddreg [dreg:$0x8];
	v40 =	vor.u32 v53, v41;
	v44 =	vand.u32 $0x7F, v44;
	v43 =	vand.u32 $0xFFFFFC00, v55  }
0x5d: {  	v41 =	vor.u32 v44, v43;
	v43 =	vand.u32 $0xFFFFFC00, v56;
	v44 =	vand.u32 $0xFFFFFC00, v57;
	[tilespmem:s21], [sflag:$0x1] =	stream.linear.gather [hbm4b:s10+s5], $0x1800, $0x38;
	[tilespmem:$0x12200] =	vst v63  }
0x5e: {  	s1 =	simm.s32 $0x0;
	v50 =	vimm.f32 $0.0e+00;
	v42 =	vor.u32 v42, v43;
	v43 =	vor.u32 v58, v44  }
0x5f: {  	v44 =	vor.u32 v59, v46;
	v46 =	vor.u32 v61, v47;
	v47 =	vor.u32 v49, v48;
	[tilespmem:s22], [sflag:$0x1] =	stream.linear.gather [hbm4b:s11+s5], $0x1800, $0x38;
	[tilespmem:$0x12200] =	vst v63  }
.LBB2_2:
0x60: {  	s4 =	sshll.u32 s1, $0x5  }
0x61: {  	s6 =	sadd.s32 s4, s12  }
0x62: {  	s6 =	sshrl.u32 s6, $0x3  }
0x63: {  	s6 =	smul.u32 $0xC00, s6;
	_ =	sdelay $0x1  }
0x64: {  	s7 =	sshrl.u32 s6, $0x3  }
0x65: {  	s6 =	simm.s32 $0x0;
	s8 =	sadd.s32 s2, s7  }
0x66: {  	[tilespmem:s23], [sflag:$0x2] =	stream.linear.gather [hbm4b:s8+s6], $0x1800, $0x38;
	[tilespmem:$0x12200] =	vst v63  }
0x67: {  	s8 =	sadd.s32 $0xC0000, s7  }
0x68: {  	s9 =	sadd.s32 s2, s8  }
0x69: {  	[tilespmem:s24], [sflag:$0x2] =	stream.linear.gather [hbm4b:s9+s6], $0x1800, $0x38;
	[tilespmem:$0x12200] =	vst v63  }
0x6a: {  	s9 =	sadd.s32 $0x180000, s7  }
0x6b: {  	s10 =	sadd.s32 s2, s9  }
0x6c: {  	[tilespmem:s25], [sflag:$0x2] =	stream.linear.gather [hbm4b:s10+s6], $0x1800, $0x38;
	[tilespmem:$0x12200] =	vst v63  }
0x6d: {  	s7 =	sadd.s32 s3, s7  }
0x6e: {  	[tilespmem:s26], [sflag:$0x2] =	stream.linear.gather [hbm4b:s7+s6], $0x1800, $0x38;
	[tilespmem:$0x12200] =	vst v63  }
0x6f: {  	s8 =	sadd.s32 s3, s8  }
0x70: {  	[tilespmem:s28], [sflag:$0x2] =	stream.linear.gather [hbm4b:s8+s6], $0x1800, $0x38;
	[tilespmem:$0x12200] =	vst v63  }
0x71: {  	s10 =	sadd.s32 s3, s9  }
0x72: {  	[tilespmem:s29], [sflag:$0x2] =	stream.linear.gather [hbm4b:s10+s6], $0x1800, $0x38;
	[tilespmem:$0x12200] =	vst v63  }
0x73: {  	_ =	swait.ge [sflag:s30], $0x1800  }
0x74: {  	[sflag:s30] =	ssyncset.done $0x0  }
0x75: {  	[sflag:s30] =	ssyncadd.s32 $0xFFFFE800  }
0x76: {  	_ =	swait.ge [sflag:s30], $0x1800  }
0x77: {  	[sflag:s30] =	ssyncset.done $0x0  }
0x78: {  	[sflag:s30] =	ssyncadd.s32 $0xFFFFE800  }
0x79: {  	_ =	swait.ge [sflag:s30], $0x1800  }
0x7a: {  	[sflag:s30] =	ssyncset.done $0x0  }
0x7b: {  	[sflag:s30] =	ssyncadd.s32 $0xFFFFE800  }
0x7c: {  	_ =	swait.ge [sflag:s30], $0x1800  }
0x7d: {  	[sflag:s30] =	ssyncset.done $0x0  }
0x7e: {  	[sflag:s30] =	ssyncadd.s32 $0xFFFFE800  }
0x7f: {  	_ =	swait.ge [sflag:s30], $0x1800  }
0x80: {  	[sflag:s30] =	ssyncset.done $0x0  }
0x81: {  	[sflag:s30] =	ssyncadd.s32 $0xFFFFE800  }
0x82: {  	_ =	swait.ge [sflag:s30], $0x1800  }
0x83: {  	[sflag:s30] =	ssyncset.done $0x0  }
0x84: {  	[sflag:s30] =	ssyncadd.s32 $0xFFFFE800  }
.LBB2_3:
0x85: {  	v48 =	vmov s6  }
0x86: {  	v49 =	vshrl.u32 v48, $0x3  }
0x87: {  	v49 =	vmul.u32 $0xC00, v49  }
0x88: {  	v48 =	vshll.u32 v48, $0x7  }
0x89: {  	v48 =	vand.u32 $0x380, v48;
	v51 =	vadd.s32 v24, v49  }
0x8a: {  	v51 =	vor.u32 v48, v51;
	_ =	sdelay $0x1  }
0x8b: {  	v52 =	vadd.s32 v25, v49  }
0x8c: {  	v52 =	vor.u32 v48, v52;
	_ =	sdelay $0x1  }
0x8d: {  	v53 =	vld.idx.msk [tilespmem:v51+s17+$0x0], $0xffff  }
0x8e: {  	v54 =	vld.idx.msk [tilespmem:v51+s18+$0x0], $0xffff  }
0x8f: {  	v55 =	vld.idx.msk [tilespmem:v51+s19+$0x0], $0xffff  }
0x90: {  	v56 =	vld.idx.msk [tilespmem:v52+s17+$0x0], $0xffff  }
0x91: {  	v57 =	vld.idx.msk [tilespmem:v52+s18+$0x0], $0xffff  }
0x92: {  	v58 =	vld.idx.msk [tilespmem:v52+s19+$0x0], $0xffff  }
0x93: {  	v60 =	vadd.s32 v26, v49;
	v59 =	vld.idx.msk [tilespmem:v51+s20+$0x0], $0xffff  }
0x94: {  	v60 =	vor.u32 v48, v60;
	v61 =	vld.idx.msk [tilespmem:v51+s21+$0x0], $0xffff  }
0x95: {  	v62 =	vld.idx.msk [tilespmem:v52+s20+$0x0], $0xffff  }
0x96: {  	v63 =	vld.idx.msk [tilespmem:v52+s21+$0x0], $0xffff  }
0x97: {  	v51 =	vld.idx.msk [tilespmem:v51+s22+$0x0], $0xffff  }
0x98: {  	v52 =	vld.idx.msk [tilespmem:v52+s22+$0x0], $0xffff  }
0x99: {  	v3 =	vld.idx.msk [tilespmem:v60+s17+$0x0], $0xffff  }
0x9a: {  	v5 =	vld.idx.msk [tilespmem:v60+s18+$0x0], $0xffff  }
0x9b: {  	v1 =	vsub.f32 v53, v56;
	v2 =	vsub.f32 v54, v57  }
0x9c: {  	v4 =	vsub.f32 v55, v58;
	v6 =	vsub.f32 v59, v62  }
0x9d: {  	v7 =	vsub.f32 v61, v63;
	v8 =	vsub.f32 v51, v52  }
0x9e: {  	v15 =	vsub.f32 v53, v3;
	v1 =	vmul.f32 v1, v1;
	v2 =	vmul.f32 v2, v2  }
0x9f: {  	v12 =	vsub.f32 v54, v5;
	v3 =	vsub.f32 v56, v3  }
0xa0: {  	v6 =	vmul.f32 v6, v6;
	v1 =	vadd.f32 v2, v1;
	v2 =	vmul.f32 v4, v4;
	v4 =	vld.idx.msk [tilespmem:v60+s19+$0x0], $0xffff  }
0xa1: {  	v5 =	vsub.f32 v57, v5;
	v7 =	vmul.f32 v7, v7;
	v14 =	vmul.f32 v8, v8  }
0xa2: {  	v9 =	vld.idx.msk [tilespmem:v60+s20+$0x0], $0xffff;
	v8 =	vmul.f32 v15, v15;
	v53 =	vmul.f32 v12, v12;
	v1 =	vadd.f32 v2, v1  }
0xa3: {  	v3 =	vmul.f32 v3, v3;
	v2 =	vadd.f32 v7, v6;
	v7 =	vld.idx.msk [tilespmem:v60+s21+$0x0], $0xffff  }
0xa4: {  	v5 =	vmul.f32 v5, v5;
	v8 =	vadd.f32 v53, v8;
	v6 =	vld.idx.msk [tilespmem:v60+s22+$0x0], $0xffff;
	v1 =	vadd.f32 $9.999999960e-13, v1  }
0xa5: {  	v2 =	vadd.f32 v14, v2;
	v13 =	vsub.f32 v55, v4  }
0xa6: {  	v3 =	vadd.f32 v5, v3;
	v4 =	vsub.f32 v58, v4  }
0xa7: {  	v14 =	vshrl.u32 v1, $0x1;
	v2 =	vadd.f32 $9.999999960e-13, v2;
	v12 =	vmul.f32 v13, v13  }
0xa8: {  	v54 =	vsub.s32 $0x5F3759DF, v14;
	v13 =	vsub.f32 v59, v9;
	v14 =	vsub.f32 v61, v7  }
0xa9: {  	v15 =	vmul.f32 $5.000000000e-01, v1;
	v51 =	vsub.f32 v51, v6;
	v9 =	vsub.f32 v62, v9  }
0xaa: {  	v7 =	vsub.f32 v63, v7;
	v6 =	vsub.f32 v52, v6  }
0xab: {  	v4 =	vmul.f32 v4, v4;
	v61 =	vadd.s32 v28, v49;
	v60 =	vmul.f32 v54, v15  }
0xac: {  	v8 =	vadd.f32 v12, v8;
	v12 =	vmul.f32 v13, v13;
	v13 =	vmul.f32 v14, v14  }
0xad: {  	v15 =	vshrl.u32 v2, $0x1;
	v51 =	vmul.f32 v51, v51;
	v9 =	vmul.f32 v9, v9  }
0xae: {  	v7 =	vmul.f32 v7, v7;
	v6 =	vmul.f32 v6, v6;
	v3 =	vadd.f32 v4, v3  }
0xaf: {  	v14 =	vmul.f32 v54, v60;
	v60 =	vsub.s32 $0x5F3759DF, v15;
	v15 =	vmul.f32 $5.000000000e-01, v2  }
0xb0: {  	v4 =	vor.u32 v48, v61;
	v8 =	vadd.f32 $9.999999960e-13, v8;
	v53 =	vadd.f32 v13, v12  }
0xb1: {  	v3 =	vadd.f32 $9.999999960e-13, v3;
	v12 =	vsub.f32 $1.500000000e+00, v14;
	v13 =	vmul.f32 v60, v15  }
0xb2: {  	v14 =	vshrl.u32 v8, $0x1;
	v10 =	vmul.f32 $5.000000000e-01, v8;
	v51 =	vadd.f32 v51, v53  }
0xb3: {  	v15 =	vmul.f32 v54, v12;
	v59 =	vmul.f32 v60, v13;
	v55 =	vsub.s32 $0x5F3759DF, v14  }
0xb4: {  	v14 =	vadd.s32 v27, v49;
	v10 =	vmul.f32 v55, v10;
	v51 =	vadd.f32 $9.999999960e-13, v51  }
0xb5: {  	v52 =	vor.u32 v48, v14;
	v1 =	vmul.f32 v15, v1;
	v12 =	vsub.f32 $1.500000000e+00, v59  }
0xb6: {  	v59 =	vadd.f32 v7, v9;
	v13 =	vshrl.u32 v51, $0x1;
	v15 =	vmul.f32 $5.000000000e-01, v51  }
0xb7: {  	v58 =	vld.idx.msk [tilespmem:v4+s18+$0x0], $0xffff;
	v10 =	vmul.f32 v55, v10;
	v54 =	vsub.s32 $0x5F3759DF, v13;
	v63 =	vmul.f32 v60, v12  }
0xb8: {  	v5 =	vadd.f32 v6, v59;
	v13 =	vadd.s32 v29, v49;
	v60 =	vld.idx.msk [tilespmem:v4+s17+$0x0], $0xffff;
	v62 =	vmul.f32 v54, v15  }
0xb9: {  	v59 =	vld.idx.msk [tilespmem:v4+s19+$0x0], $0xffff;
	v10 =	vsub.f32 $1.500000000e+00, v10;
	v53 =	vor.u32 v48, v13;
	v2 =	vmul.f32 v63, v2  }
0xba: {  	v14 =	vshrl.u32 v3, $0x1;
	v9 =	vld.idx.msk [tilespmem:v52+s17+$0x0], $0xffff;
	v5 =	vadd.f32 $9.999999960e-13, v5;
	v12 =	vmul.f32 v54, v62  }
0xbb: {  	v15 =	vmul.f32 $5.000000000e-01, v3;
	v7 =	vld.idx.msk [tilespmem:v52+s18+$0x0], $0xffff;
	v10 =	vmul.f32 v55, v10;
	v1 =	vsub.f32 v1, v2  }
0xbc: {  	v56 =	vld.idx.msk [tilespmem:v52+s19+$0x0], $0xffff;
	v11 =	vshrl.u32 v5, $0x1;
	v6 =	vsub.f32 $1.500000000e+00, v12;
	v12 =	vmul.f32 $5.000000000e-01, v5  }
0xbd: {  	v61 =	vld.idx.msk [tilespmem:v4+s21+$0x0], $0xffff;
	v55 =	vsub.s32 $0x5F3759DF, v11;
	v8 =	vmul.f32 v10, v8;
	v1 =	vand.u32 $0x7FFFFFFF, v1  }
0xbe: {  	v10 =	vld.idx.msk [tilespmem:v53+s17+$0x0], $0xffff;
	v6 =	vmul.f32 v54, v6;
	v54 =	vsub.s32 $0x5F3759DF, v14;
	v13 =	vmul.f32 v55, v12  }
0xbf: {  	v57 =	vld.idx.msk [tilespmem:v52+s20+$0x0], $0xffff;
	v1 =	vadd.f32 v1, v50;
	v2 =	vmul.f32 v54, v15  }
0xc0: {  	v11 =	vsub.f32 v9, v60;
	v6 =	vmul.f32 v6, v51;
	v14 =	vmul.f32 v55, v13;
	v51 =	vld.idx.msk [tilespmem:v4+s20+$0x0], $0xffff  }
0xc1: {  	v12 =	vsub.f32 v7, v58;
	v4 =	vld.idx.msk [tilespmem:v4+s22+$0x0], $0xffff;
	v13 =	vsub.f32 v56, v59  }
0xc2: {  	v2 =	vmul.f32 v54, v2;
	v6 =	vsub.f32 v8, v6;
	v8 =	vld.idx.msk [tilespmem:v52+s21+$0x0], $0xffff;
	v15 =	vsub.f32 $1.500000000e+00, v14  }
0xc3: {  	v52 =	vld.idx.msk [tilespmem:v52+s22+$0x0], $0xffff;
	v14 =	vmul.f32 v11, v11;
	v9 =	vsub.f32 v9, v10;
	v10 =	vsub.f32 v60, v10  }
0xc4: {  	v2 =	vsub.f32 $1.500000000e+00, v2;
	v50 =	vmul.f32 v55, v15;
	v15 =	vmul.f32 v12, v12  }
0xc5: {  	v6 =	vand.u32 $0x7FFFFFFF, v6;
	v55 =	vld.idx.msk [tilespmem:v53+s20+$0x0], $0xffff;
	v9 =	vmul.f32 v9, v9;
	v10 =	vmul.f32 v10, v10  }
0xc6: {  	v2 =	vmul.f32 v54, v2;
	v1 =	vadd.f32 v6, v1;
	v54 =	vmul.f32 v13, v13  }
0xc7: {  	v6 =	vld.idx.msk [tilespmem:v53+s19+$0x0], $0xffff;
	v12 =	vsub.f32 v57, v51;
	v5 =	vmul.f32 v50, v5;
	v11 =	vadd.f32 v15, v14  }
0xc8: {  	v2 =	vmul.f32 v2, v3;
	v13 =	vsub.f32 v8, v61;
	v14 =	vsub.f32 v52, v4  }
0xc9: {  	v3 =	vld.idx.msk [tilespmem:v53+s18+$0x0], $0xffff;
	v62 =	vmul.f32 v12, v12;
	v50 =	vadd.f32 v54, v11;
	v11 =	vadd.s32 v30, v49  }
0xca: {  	v2 =	vsub.f32 v2, v5;
	v63 =	vmul.f32 v13, v13;
	v57 =	vsub.f32 v57, v55  }
0xcb: {  	v5 =	vld.idx.msk [tilespmem:v53+s21+$0x0], $0xffff;
	v54 =	vmul.f32 v14, v14;
	v51 =	vsub.f32 v51, v55;
	v50 =	vadd.f32 $9.999999960e-13, v50  }
0xcc: {  	v53 =	vld.idx.msk [tilespmem:v53+s22+$0x0], $0xffff;
	v11 =	vor.u32 v48, v11;
	v56 =	vsub.f32 v56, v6;
	v6 =	vsub.f32 v59, v6  }
0xcd: {  	v62 =	vadd.f32 v63, v62;
	v13 =	vmul.f32 v57, v57;
	v51 =	vmul.f32 v51, v51  }
0xce: {  	v7 =	vsub.f32 v7, v3;
	v15 =	vshrl.u32 v50, $0x1;
	v12 =	vmul.f32 v56, v56  }
0xcf: {  	v14 =	vmul.f32 $5.000000000e-01, v50;
	v3 =	vsub.f32 v58, v3;
	v6 =	vmul.f32 v6, v6  }
0xd0: {  	v54 =	vadd.f32 v54, v62;
	v57 =	vsub.s32 $0x5F3759DF, v15;
	v8 =	vsub.f32 v8, v5  }
0xd1: {  	v7 =	vmul.f32 v7, v7;
	v52 =	vsub.f32 v52, v53;
	v5 =	vsub.f32 v61, v5  }
0xd2: {  	v3 =	vmul.f32 v3, v3;
	v4 =	vsub.f32 v4, v53;
	v54 =	vadd.f32 $9.999999960e-13, v54  }
0xd3: {  	v7 =	vadd.f32 v7, v9;
	v8 =	vmul.f32 v8, v8;
	v52 =	vmul.f32 v52, v52  }
0xd4: {  	v9 =	vmul.f32 v57, v14;
	v5 =	vmul.f32 v5, v5;
	v3 =	vadd.f32 v3, v10  }
0xd5: {  	v4 =	vmul.f32 v4, v4;
	v7 =	vadd.f32 v12, v7;
	v8 =	vadd.f32 v8, v13  }
0xd6: {  	v15 =	vshrl.u32 v54, $0x1;
	v12 =	vmul.f32 $5.000000000e-01, v54;
	v9 =	vmul.f32 v57, v9  }
0xd7: {  	v56 =	vsub.s32 $0x5F3759DF, v15;
	v7 =	vadd.f32 $9.999999960e-13, v7;
	v8 =	vadd.f32 v52, v8  }
0xd8: {  	v5 =	vadd.f32 v5, v51;
	v13 =	vmul.f32 v56, v12;
	v9 =	vsub.f32 $1.500000000e+00, v9  }
0xd9: {  	v14 =	vshrl.u32 v7, $0x1;
	v15 =	vmul.f32 $5.000000000e-01, v7;
	v8 =	vadd.f32 $9.999999960e-13, v8  }
0xda: {  	v52 =	vmul.f32 v56, v13;
	v62 =	vsub.s32 $0x5F3759DF, v14;
	v14 =	vadd.s32 v31, v49  }
0xdb: {  	v12 =	vshrl.u32 v8, $0x1;
	v13 =	vmul.f32 $5.000000000e-01, v8;
	v14 =	vor.u32 v48, v14  }
0xdc: {  	v55 =	vld.idx.msk [tilespmem:v11+s17+$0x0], $0xffff;
	v9 =	vmul.f32 v57, v9;
	v63 =	vmul.f32 v62, v15;
	v12 =	vsub.s32 $0x5F3759DF, v12  }
0xdd: {  	v53 =	vld.idx.msk [tilespmem:v11+s18+$0x0], $0xffff;
	v3 =	vadd.f32 v6, v3;
	v52 =	vsub.f32 $1.500000000e+00, v52;
	v13 =	vmul.f32 v12, v13  }
0xde: {  	v10 =	vld.idx.msk [tilespmem:v11+s19+$0x0], $0xffff;
	v4 =	vadd.f32 v4, v5;
	v9 =	vmul.f32 v9, v50;
	v63 =	vmul.f32 v62, v63  }
0xdf: {  	v3 =	vadd.f32 $9.999999960e-13, v3;
	v50 =	vld.idx.msk [tilespmem:v11+s20+$0x0], $0xffff;
	v52 =	vmul.f32 v56, v52;
	v13 =	vmul.f32 v12, v13  }
0xe0: {  	v2 =	vand.u32 $0x7FFFFFFF, v2;
	v4 =	vadd.f32 $9.999999960e-13, v4;
	v61 =	vsub.f32 $1.500000000e+00, v63;
	v51 =	vld.idx.msk [tilespmem:v14+s17+$0x0], $0xffff  }
0xe1: {  	v1 =	vadd.f32 v1, v2;
	v58 =	vmul.f32 v52, v54;
	v6 =	vld.idx.msk [tilespmem:v14+s18+$0x0], $0xffff;
	v13 =	vsub.f32 $1.500000000e+00, v13  }
0xe2: {  	v59 =	vshrl.u32 v3, $0x1;
	v60 =	vshrl.u32 v4, $0x1;
	v5 =	vld.idx.msk [tilespmem:v14+s19+$0x0], $0xffff;
	v63 =	vmul.f32 v62, v61  }
0xe3: {  	v52 =	vld.idx.msk [tilespmem:v14+s21+$0x0], $0xffff;
	v2 =	vsub.f32 v9, v58;
	v62 =	vmul.f32 $5.000000000e-01, v4;
	v12 =	vmul.f32 v12, v13  }
0xe4: {  	v61 =	vmul.f32 $5.000000000e-01, v3;
	v9 =	vsub.s32 $0x5F3759DF, v60;
	v7 =	vmul.f32 v63, v7;
	v13 =	vld.idx.msk [tilespmem:v14+s20+$0x0], $0xffff  }
0xe5: {  	v63 =	vadd.s32 v32, v49;
	v14 =	vld.idx.msk [tilespmem:v14+s22+$0x0], $0xffff;
	v56 =	vmul.f32 v9, v62;
	v8 =	vmul.f32 v12, v8  }
0xe6: {  	v2 =	vand.u32 $0x7FFFFFFF, v2;
	v57 =	vor.u32 v48, v63;
	v12 =	vld.idx.msk [tilespmem:v11+s21+$0x0], $0xffff;
	v58 =	vsub.f32 v55, v51  }
0xe7: {  	v11 =	vld.idx.msk [tilespmem:v11+s22+$0x0], $0xffff;
	v15 =	vsub.f32 v53, v6;
	v7 =	vsub.f32 v7, v8;
	v8 =	vsub.s32 $0x5F3759DF, v59  }
0xe8: {  	v1 =	vadd.f32 v2, v1;
	v56 =	vmul.f32 v9, v56;
	v54 =	vmul.f32 v8, v61  }
0xe9: {  	v60 =	vsub.f32 v10, v5;
	v58 =	vmul.f32 v58, v58;
	v59 =	vmul.f32 v15, v15  }
0xea: {  	v56 =	vsub.f32 $1.500000000e+00, v56;
	v61 =	vsub.f32 v50, v13;
	v54 =	vmul.f32 v8, v54  }
0xeb: {  	v58 =	vadd.f32 v59, v58;
	v59 =	vmul.f32 v60, v60;
	v63 =	vld.idx.msk [tilespmem:v57+s17+$0x0], $0xffff;
	v15 =	vsub.f32 v12, v52  }
0xec: {  	v7 =	vand.u32 $0x7FFFFFFF, v7;
	v60 =	vsub.f32 v11, v14;
	v54 =	vsub.f32 $1.500000000e+00, v54  }
0xed: {  	v61 =	vmul.f32 v61, v61;
	v58 =	vadd.f32 v59, v58;
	v62 =	vmul.f32 v15, v15  }
0xee: {  	v1 =	vadd.f32 v7, v1;
	v15 =	vld.idx.msk [tilespmem:v57+s18+$0x0], $0xffff;
	v60 =	vmul.f32 v60, v60;
	v2 =	vmul.f32 v8, v54  }
0xef: {  	v59 =	vadd.f32 v62, v61;
	v62 =	vmul.f32 v9, v56;
	v9 =	vld.idx.msk [tilespmem:v57+s19+$0x0], $0xffff;
	v56 =	vadd.f32 $9.999999960e-13, v58  }
0xf0: {  	v54 =	vld.idx.msk [tilespmem:v57+s20+$0x0], $0xffff;
	v55 =	vsub.f32 v55, v63;
	v51 =	vsub.f32 v51, v63;
	v2 =	vmul.f32 v2, v3  }
0xf1: {  	v60 =	vadd.f32 v60, v59;
	v3 =	vmul.f32 v62, v4;
	v4 =	vld.idx.msk [tilespmem:v57+s21+$0x0], $0xffff;
	v62 =	vmul.f32 $5.000000000e-01, v56  }
0xf2: {  	v61 =	vshrl.u32 v56, $0x1;
	v55 =	vmul.f32 v55, v55;
	v63 =	vmul.f32 v51, v51  }
0xf3: {  	v57 =	vld.idx.msk [tilespmem:v57+s22+$0x0], $0xffff;
	v7 =	vsub.s32 $0x5F3759DF, v61;
	v53 =	vsub.f32 v53, v15;
	v61 =	vadd.s32 v33, v49  }
0xf4: {  	v6 =	vsub.f32 v6, v15;
	v58 =	vadd.f32 $9.999999960e-13, v60;
	v8 =	vmul.f32 v7, v62  }
0xf5: {  	v10 =	vsub.f32 v10, v9;
	v53 =	vmul.f32 v53, v53;
	v50 =	vsub.f32 v50, v54  }
0xf6: {  	v59 =	vshrl.u32 v58, $0x1;
	v60 =	vmul.f32 $5.000000000e-01, v58;
	v12 =	vsub.f32 v12, v4  }
0xf7: {  	v59 =	vsub.s32 $0x5F3759DF, v59;
	v53 =	vadd.f32 v53, v55;
	v10 =	vmul.f32 v10, v10  }
0xf8: {  	v11 =	vsub.f32 v11, v57;
	v50 =	vmul.f32 v50, v50;
	v12 =	vmul.f32 v12, v12  }
0xf9: {  	v2 =	vsub.f32 v2, v3;
	v3 =	vmul.f32 v7, v8;
	v60 =	vmul.f32 v59, v60  }
0xfa: {  	v55 =	vadd.f32 v10, v53;
	v11 =	vmul.f32 v11, v11;
	v12 =	vadd.f32 v12, v50  }
0xfb: {  	v5 =	vsub.f32 v5, v9;
	v3 =	vsub.f32 $1.500000000e+00, v3;
	v60 =	vmul.f32 v59, v60  }
0xfc: {  	v8 =	vadd.f32 $9.999999960e-13, v55;
	v11 =	vadd.f32 v11, v12;
	v12 =	vor.u32 v48, v61  }
0xfd: {  	v6 =	vmul.f32 v6, v6;
	v13 =	vsub.f32 v13, v54;
	v2 =	vand.u32 $0x7FFFFFFF, v2  }
0xfe: {  	v3 =	vmul.f32 v7, v3;
	v10 =	vsub.f32 $1.500000000e+00, v60;
	v62 =	vshrl.u32 v8, $0x1  }
0xff: {  	v60 =	vmul.f32 $5.000000000e-01, v8;
	v61 =	vadd.s32 v34, v49;
	v7 =	vsub.s32 $0x5F3759DF, v62  }
0x100: {  	v10 =	vmul.f32 v59, v10;
	v53 =	vor.u32 v48, v61;
	v11 =	vadd.f32 $9.999999960e-13, v11  }
0x101: {  	v6 =	vadd.f32 v6, v63;
	v3 =	vmul.f32 v3, v56;
	v50 =	vmul.f32 v7, v60;
	v59 =	vld.idx.msk [tilespmem:v12+s17+$0x0], $0xffff  }
0x102: {  	v10 =	vmul.f32 v10, v58;
	v62 =	vshrl.u32 v11, $0x1;
	v60 =	vmul.f32 $5.000000000e-01, v11;
	v51 =	vld.idx.msk [tilespmem:v12+s18+$0x0], $0xffff  }
0x103: {  	v5 =	vmul.f32 v5, v5;
	v1 =	vadd.f32 v1, v2;
	v55 =	vsub.s32 $0x5F3759DF, v62;
	v56 =	vld.idx.msk [tilespmem:v12+s19+$0x0], $0xffff  }
0x104: {  	v4 =	vsub.f32 v52, v4;
	v2 =	vsub.f32 v3, v10;
	v10 =	vld.idx.msk [tilespmem:v12+s21+$0x0], $0xffff;
	v62 =	vmul.f32 v55, v60  }
0x105: {  	v13 =	vmul.f32 v13, v13;
	v5 =	vadd.f32 v5, v6;
	v61 =	vmul.f32 v7, v50;
	v9 =	vld.idx.msk [tilespmem:v53+s17+$0x0], $0xffff  }
0x106: {  	v14 =	vsub.f32 v14, v57;
	v4 =	vmul.f32 v4, v4;
	v3 =	vld.idx.msk [tilespmem:v53+s18+$0x0], $0xffff;
	v50 =	vmul.f32 v55, v62  }
0x107: {  	v5 =	vadd.f32 $9.999999960e-13, v5;
	v15 =	vsub.f32 $1.500000000e+00, v61;
	v6 =	vld.idx.msk [tilespmem:v53+s19+$0x0], $0xffff  }
0x108: {  	v63 =	vmul.f32 v14, v14;
	v4 =	vadd.f32 v4, v13;
	v14 =	vld.idx.msk [tilespmem:v53+s22+$0x0], $0xffff;
	v50 =	vsub.f32 $1.500000000e+00, v50  }
0x109: {  	v7 =	vmul.f32 v7, v15;
	v15 =	vld.idx.msk [tilespmem:v12+s20+$0x0], $0xffff  }
0x10a: {  	v4 =	vadd.f32 v63, v4;
	v62 =	vshrl.u32 v5, $0x1;
	v12 =	vld.idx.msk [tilespmem:v12+s22+$0x0], $0xffff;
	v55 =	vmul.f32 v55, v50  }
0x10b: {  	v7 =	vmul.f32 v7, v8;
	v58 =	vsub.f32 v59, v9;
	v61 =	vsub.f32 v51, v3;
	v50 =	vld.idx.msk [tilespmem:v53+s20+$0x0], $0xffff  }
0x10c: {  	v8 =	vmul.f32 v55, v11;
	v11 =	vld.idx.msk [tilespmem:v53+s21+$0x0], $0xffff;
	v55 =	vsub.s32 $0x5F3759DF, v62;
	v62 =	vadd.s32 v35, v49  }
0x10d: {  	v54 =	vmul.f32 v61, v61;
	v61 =	vmul.f32 $5.000000000e-01, v5;
	v13 =	vor.u32 v48, v62  }
0x10e: {  	v2 =	vand.u32 $0x7FFFFFFF, v2;
	v60 =	vsub.f32 v56, v6;
	v52 =	vmul.f32 v58, v58  }
0x10f: {  	v4 =	vadd.f32 $9.999999960e-13, v4;
	v1 =	vadd.f32 v2, v1;
	v57 =	vmul.f32 v55, v61  }
0x110: {  	v53 =	vmul.f32 v60, v60;
	v52 =	vadd.f32 v54, v52;
	v61 =	vsub.f32 v12, v14  }
0x111: {  	v63 =	vsub.f32 v15, v50;
	v62 =	vmul.f32 v55, v57;
	v60 =	vsub.f32 v10, v11  }
0x112: {  	v7 =	vsub.f32 v7, v8;
	v52 =	vadd.f32 v53, v52;
	v53 =	vmul.f32 v61, v61;
	v61 =	vld.idx.msk [tilespmem:v13+s18+$0x0], $0xffff  }
0x113: {  	v54 =	vmul.f32 v63, v63;
	v8 =	vsub.f32 $1.500000000e+00, v62;
	v2 =	vld.idx.msk [tilespmem:v13+s20+$0x0], $0xffff;
	v58 =	vmul.f32 v60, v60  }
0x114: {  	v7 =	vand.u32 $0x7FFFFFFF, v7;
	v63 =	vshrl.u32 v4, $0x1;
	v52 =	vadd.f32 $9.999999960e-13, v52;
	v60 =	vld.idx.msk [tilespmem:v13+s17+$0x0], $0xffff  }
0x115: {  	v8 =	vmul.f32 v55, v8;
	v55 =	vld.idx.msk [tilespmem:v13+s19+$0x0], $0xffff;
	v54 =	vadd.f32 v58, v54;
	v58 =	vmul.f32 $5.000000000e-01, v4  }
0x116: {  	v57 =	vsub.s32 $0x5F3759DF, v63;
	v62 =	vshrl.u32 v52, $0x1;
	v63 =	vmul.f32 $5.000000000e-01, v52  }
0x117: {  	v5 =	vmul.f32 v8, v5;
	v53 =	vadd.f32 v53, v54;
	v54 =	vmul.f32 v57, v58  }
0x118: {  	v58 =	vsub.s32 $0x5F3759DF, v62;
	v51 =	vsub.f32 v51, v61;
	v15 =	vsub.f32 v15, v2  }
0x119: {  	v3 =	vsub.f32 v3, v61;
	v2 =	vsub.f32 v50, v2;
	v62 =	vmul.f32 v58, v63  }
0x11a: {  	v59 =	vsub.f32 v59, v60;
	v56 =	vsub.f32 v56, v55;
	v8 =	vmul.f32 v57, v54  }
0x11b: {  	v9 =	vsub.f32 v9, v60;
	v51 =	vmul.f32 v51, v51;
	v15 =	vmul.f32 v15, v15  }
0x11c: {  	v6 =	vsub.f32 v6, v55;
	v54 =	vld.idx.msk [tilespmem:v13+s21+$0x0], $0xffff;
	v3 =	vmul.f32 v3, v3;
	v2 =	vmul.f32 v2, v2  }
0x11d: {  	v53 =	vadd.f32 $9.999999960e-13, v53;
	v13 =	vld.idx.msk [tilespmem:v13+s22+$0x0], $0xffff;
	v62 =	vmul.f32 v58, v62;
	v59 =	vmul.f32 v59, v59  }
0x11e: {  	v1 =	vadd.f32 v7, v1;
	v56 =	vmul.f32 v56, v56;
	v9 =	vmul.f32 v9, v9  }
0x11f: {  	v6 =	vmul.f32 v6, v6;
	v63 =	vshrl.u32 v53, $0x1;
	v16 =	vmul.f32 $5.000000000e-01, v53  }
0x120: {  	v8 =	vsub.f32 $1.500000000e+00, v8;
	v63 =	vsub.s32 $0x5F3759DF, v63;
	v62 =	vsub.f32 $1.500000000e+00, v62  }
0x121: {  	v51 =	vadd.f32 v51, v59;
	v3 =	vadd.f32 v3, v9;
	v16 =	vmul.f32 v63, v16  }
0x122: {  	v8 =	vmul.f32 v57, v8;
	v10 =	vsub.f32 v10, v54;
	v12 =	vsub.f32 v12, v13  }
0x123: {  	v62 =	vmul.f32 v58, v62;
	v11 =	vsub.f32 v11, v54;
	v16 =	vmul.f32 v63, v16  }
0x124: {  	v13 =	vsub.f32 v14, v13;
	v3 =	vadd.f32 v6, v3;
	v10 =	vmul.f32 v10, v10  }
0x125: {  	v54 =	vadd.s32 v37, v49;
	v59 =	vsub.f32 $1.500000000e+00, v16;
	v16 =	vadd.f32 v56, v51  }
0x126: {  	v4 =	vmul.f32 v8, v4;
	v12 =	vmul.f32 v12, v12;
	v10 =	vadd.f32 v10, v15  }
0x127: {  	v50 =	vor.u32 v48, v54;
	v8 =	vadd.f32 $9.999999960e-13, v16;
	v16 =	vadd.s32 v36, v49  }
0x128: {  	v57 =	vmul.f32 v62, v52;
	v10 =	vadd.f32 v12, v10;
	v16 =	vor.u32 v48, v16  }
0x129: {  	v11 =	vmul.f32 v11, v11;
	v4 =	vsub.f32 v5, v4;
	v56 =	vmul.f32 v63, v59  }
0x12a: {  	v58 =	vshrl.u32 v8, $0x1;
	v59 =	vmul.f32 $5.000000000e-01, v8;
	v10 =	vadd.f32 $9.999999960e-13, v10  }
0x12b: {  	v2 =	vadd.f32 v11, v2;
	v7 =	vmul.f32 v56, v53;
	v12 =	vsub.s32 $0x5F3759DF, v58  }
0x12c: {  	v11 =	vld.idx.msk [tilespmem:v50+s17+$0x0], $0xffff;
	v63 =	vmul.f32 v12, v59;
	v52 =	vshrl.u32 v10, $0x1;
	v53 =	vmul.f32 $5.000000000e-01, v10  }
0x12d: {  	v56 =	vmul.f32 v13, v13;
	v62 =	vsub.f32 v57, v7;
	v7 =	vsub.s32 $0x5F3759DF, v52;
	v9 =	vld.idx.msk [tilespmem:v16+s17+$0x0], $0xffff  }
0x12e: {  	v4 =	vand.u32 $0x7FFFFFFF, v4;
	v5 =	vmul.f32 v12, v63;
	v13 =	vld.idx.msk [tilespmem:v16+s18+$0x0], $0xffff;
	v15 =	vmul.f32 v7, v53  }
0x12f: {  	v1 =	vadd.f32 v1, v4;
	v6 =	vld.idx.msk [tilespmem:v16+s19+$0x0], $0xffff;
	v4 =	vand.u32 $0x7FFFFFFF, v62;
	v62 =	vadd.s32 v38, v49  }
0x130: {  	v51 =	vld.idx.msk [tilespmem:v16+s21+$0x0], $0xffff;
	v54 =	vor.u32 v48, v62;
	v5 =	vsub.f32 $1.500000000e+00, v5;
	v55 =	vmul.f32 v7, v15  }
0x131: {  	v3 =	vadd.f32 $9.999999960e-13, v3;
	v2 =	vadd.f32 v56, v2;
	v53 =	vld.idx.msk [tilespmem:v50+s20+$0x0], $0xffff  }
0x132: {  	v5 =	vmul.f32 v12, v5;
	v12 =	vld.idx.msk [tilespmem:v50+s18+$0x0], $0xffff;
	v14 =	vsub.f32 $1.500000000e+00, v55  }
0x133: {  	v58 =	vshrl.u32 v3, $0x1;
	v59 =	vmul.f32 $5.000000000e-01, v3;
	v2 =	vadd.f32 $9.999999960e-13, v2;
	v55 =	vld.idx.msk [tilespmem:v50+s21+$0x0], $0xffff  }
0x134: {  	v5 =	vmul.f32 v5, v8;
	v8 =	vsub.s32 $0x5F3759DF, v58;
	v57 =	vmul.f32 v7, v14;
	v7 =	vld.idx.msk [tilespmem:v50+s19+$0x0], $0xffff  }
0x135: {  	v1 =	vadd.f32 v4, v1;
	v60 =	vshrl.u32 v2, $0x1;
	v14 =	vmul.f32 v8, v59;
	v59 =	vld.idx.msk [tilespmem:v54+s17+$0x0], $0xffff  }
0x136: {  	v61 =	vmul.f32 $5.000000000e-01, v2;
	v15 =	vld.idx.msk [tilespmem:v16+s20+$0x0], $0xffff;
	v63 =	vsub.f32 v9, v11;
	v4 =	vmul.f32 v57, v10  }
0x137: {  	v10 =	vsub.s32 $0x5F3759DF, v60;
	v60 =	vsub.f32 v13, v12;
	v14 =	vmul.f32 v8, v14  }
0x138: {  	v16 =	vld.idx.msk [tilespmem:v16+s22+$0x0], $0xffff;
	v56 =	vmul.f32 v63, v63;
	v52 =	vmul.f32 v10, v61;
	v58 =	vsub.f32 v51, v55  }
0x139: {  	v50 =	vld.idx.msk [tilespmem:v50+s22+$0x0], $0xffff;
	v57 =	vmul.f32 v60, v60;
	v4 =	vsub.f32 v5, v4;
	v5 =	vsub.f32 $1.500000000e+00, v14  }
0x13a: {  	v61 =	vsub.f32 v6, v7;
	v62 =	vmul.f32 v10, v52;
	v9 =	vsub.f32 v9, v59  }
0x13b: {  	v58 =	vmul.f32 v58, v58;
	v63 =	vadd.f32 v57, v56;
	v57 =	vsub.f32 v15, v53  }
0x13c: {  	v56 =	vld.idx.msk [tilespmem:v54+s18+$0x0], $0xffff;
	v4 =	vand.u32 $0x7FFFFFFF, v4;
	v5 =	vmul.f32 v8, v5;
	v60 =	vmul.f32 v61, v61  }
0x13d: {  	v14 =	vsub.f32 $1.500000000e+00, v62;
	v1 =	vadd.f32 v4, v1;
	v57 =	vmul.f32 v57, v57  }
0x13e: {  	v4 =	vld.idx.msk [tilespmem:v54+s20+$0x0], $0xffff;
	v9 =	vmul.f32 v9, v9;
	v52 =	vadd.f32 v60, v63;
	v60 =	vsub.f32 v16, v50  }
0x13f: {  	v3 =	vmul.f32 v5, v3;
	v61 =	vmul.f32 v10, v14;
	v62 =	vadd.f32 v58, v57  }
0x140: {  	v10 =	vld.idx.msk [tilespmem:v54+s19+$0x0], $0xffff;
	v58 =	vsub.f32 v11, v59;
	v14 =	vadd.f32 $9.999999960e-13, v52;
	v63 =	vmul.f32 v60, v60  }
0x141: {  	v2 =	vmul.f32 v61, v2;
	v13 =	vsub.f32 v13, v56;
	v59 =	vsub.f32 v12, v56  }
0x142: {  	v57 =	vld.idx.msk [tilespmem:v54+s21+$0x0], $0xffff;
	v60 =	vshrl.u32 v14, $0x1;
	v61 =	vmul.f32 $5.000000000e-01, v14;
	v52 =	vadd.f32 v63, v62  }
0x143: {  	v15 =	vsub.f32 v15, v4;
	v4 =	vsub.f32 v53, v4;
	v5 =	vsub.s32 $0x5F3759DF, v60  }
0x144: {  	v2 =	vsub.f32 v3, v2;
	v3 =	vmul.f32 v5, v61;
	v8 =	vadd.f32 $9.999999960e-13, v52;
	v52 =	vld.idx.msk [tilespmem:v54+s22+$0x0], $0xffff  }
0x145: {  	v13 =	vmul.f32 v13, v13;
	v6 =	vsub.f32 v6, v10;
	v15 =	vmul.f32 v15, v15  }
0x146: {  	v7 =	vsub.f32 v7, v10;
	v4 =	vmul.f32 v4, v4;
	v3 =	vmul.f32 v5, v3  }
0x147: {  	v9 =	vadd.f32 v13, v9;
	v51 =	vsub.f32 v51, v57;
	v6 =	vmul.f32 v6, v6  }
0x148: {  	v62 =	vshrl.u32 v8, $0x1;
	v63 =	vmul.f32 $5.000000000e-01, v8;
	v3 =	vsub.f32 $1.500000000e+00, v3  }
0x149: {  	v60 =	vsub.s32 $0x5F3759DF, v62;
	v61 =	vsub.f32 v16, v52;
	v16 =	vmul.f32 v51, v51  }
0x14a: {  	v2 =	vand.u32 $0x7FFFFFFF, v2;
	v54 =	vmul.f32 v60, v63;
	v3 =	vmul.f32 v5, v3  }
0x14b: {  	v6 =	vadd.f32 v6, v9;
	v15 =	vadd.f32 v16, v15;
	v16 =	vadd.s32 v39, v49  }
0x14c: {  	v62 =	vmul.f32 v60, v54;
	v3 =	vmul.f32 v3, v14;
	v14 =	vor.u32 v48, v16  }
0x14d: {  	v7 =	vmul.f32 v7, v7;
	v6 =	vadd.f32 $9.999999960e-13, v6;
	v9 =	vmul.f32 v61, v61  }
0x14e: {  	v50 =	vsub.f32 v50, v52;
	v54 =	vadd.s32 v40, v49;
	v5 =	vsub.f32 $1.500000000e+00, v62  }
0x14f: {  	v63 =	vmul.f32 $5.000000000e-01, v6;
	v16 =	vshrl.u32 v6, $0x1;
	v9 =	vadd.f32 v9, v15  }
0x150: {  	v13 =	vsub.s32 $0x5F3759DF, v16;
	v15 =	vor.u32 v48, v54;
	v5 =	vmul.f32 v60, v5  }
0x151: {  	v62 =	vmul.f32 v59, v59;
	v16 =	vmul.f32 v13, v63;
	v63 =	vsub.f32 v55, v57;
	v54 =	vld.idx.msk [tilespmem:v14+s17+$0x0], $0xffff  }
0x152: {  	v57 =	vmul.f32 v50, v50;
	v9 =	vadd.f32 $9.999999960e-13, v9;
	v5 =	vmul.f32 v5, v8;
	v11 =	vld.idx.msk [tilespmem:v14+s18+$0x0], $0xffff  }
0x153: {  	v1 =	vadd.f32 v1, v2;
	v60 =	vmul.f32 v13, v16;
	v8 =	vmul.f32 v58, v58;
	v55 =	vld.idx.msk [tilespmem:v14+s19+$0x0], $0xffff  }
0x154: {  	v56 =	vmul.f32 v63, v63;
	v16 =	vshrl.u32 v9, $0x1;
	v61 =	vmul.f32 $5.000000000e-01, v9;
	v50 =	vld.idx.msk [tilespmem:v14+s20+$0x0], $0xffff  }
0x155: {  	v16 =	vsub.s32 $0x5F3759DF, v16;
	v8 =	vadd.f32 v62, v8;
	v10 =	vld.idx.msk [tilespmem:v15+s17+$0x0], $0xffff;
	v12 =	vsub.f32 $1.500000000e+00, v60  }
0x156: {  	v53 =	vld.idx.msk [tilespmem:v15+s18+$0x0], $0xffff;
	v3 =	vsub.f32 v3, v5;
	v4 =	vadd.f32 v56, v4;
	v51 =	vmul.f32 v16, v61  }
0x157: {  	v60 =	vadd.s32 v41, v49;
	v7 =	vadd.f32 v7, v8;
	v8 =	vld.idx.msk [tilespmem:v15+s19+$0x0], $0xffff;
	v12 =	vmul.f32 v13, v12  }
0x158: {  	v2 =	vand.u32 $0x7FFFFFFF, v3;
	v3 =	vadd.f32 v57, v4;
	v4 =	vld.idx.msk [tilespmem:v15+s20+$0x0], $0xffff;
	v51 =	vmul.f32 v16, v51  }
0x159: {  	v52 =	vor.u32 v48, v60;
	v13 =	vld.idx.msk [tilespmem:v15+s21+$0x0], $0xffff;
	v1 =	vadd.f32 v2, v1;
	v7 =	vadd.f32 $9.999999960e-13, v7  }
0x15a: {  	v15 =	vld.idx.msk [tilespmem:v15+s22+$0x0], $0xffff;
	v5 =	vmul.f32 v12, v6;
	v3 =	vadd.f32 $9.999999960e-13, v3;
	v58 =	vsub.f32 $1.500000000e+00, v51  }
0x15b: {  	v51 =	vld.idx.msk [tilespmem:v14+s21+$0x0], $0xffff;
	v61 =	vsub.f32 v54, v10;
	v62 =	vsub.f32 v11, v53;
	v59 =	vshrl.u32 v7, $0x1  }
0x15c: {  	v14 =	vld.idx.msk [tilespmem:v14+s22+$0x0], $0xffff;
	v63 =	vshrl.u32 v3, $0x1;
	v6 =	vmul.f32 v16, v58;
	v16 =	vmul.f32 $5.000000000e-01, v7  }
0x15d: {  	v12 =	vsub.s32 $0x5F3759DF, v59;
	v56 =	vmul.f32 v61, v61;
	v57 =	vmul.f32 v62, v62  }
0x15e: {  	v59 =	vsub.f32 v55, v8;
	v58 =	vsub.s32 $0x5F3759DF, v63;
	v60 =	vsub.f32 v50, v4;
	v63 =	vld.idx.msk [tilespmem:v52+s18+$0x0], $0xffff  }
0x15f: {  	v62 =	vmul.f32 $5.000000000e-01, v3;
	v16 =	vmul.f32 v12, v16;
	v56 =	vadd.f32 v57, v56  }
0x160: {  	v57 =	vmul.f32 v59, v59;
	v6 =	vmul.f32 v6, v9;
	v9 =	vld.idx.msk [tilespmem:v52+s19+$0x0], $0xffff;
	v61 =	vsub.f32 v51, v13  }
0x161: {  	v60 =	vmul.f32 v60, v60;
	v59 =	vsub.f32 v14, v15;
	v2 =	vmul.f32 v12, v16  }
0x162: {  	v16 =	vmul.f32 v58, v62;
	v5 =	vsub.f32 v5, v6;
	v61 =	vmul.f32 v61, v61  }
0x163: {  	v56 =	vadd.f32 v57, v56;
	v59 =	vmul.f32 v59, v59;
	v11 =	vsub.f32 v11, v63  }
0x164: {  	v62 =	vld.idx.msk [tilespmem:v52+s17+$0x0], $0xffff;
	v2 =	vsub.f32 $1.500000000e+00, v2;
	v5 =	vand.u32 $0x7FFFFFFF, v5;
	v60 =	vadd.f32 v61, v60  }
0x165: {  	v61 =	vmul.f32 v58, v16;
	v16 =	vadd.f32 $9.999999960e-13, v56;
	v55 =	vsub.f32 v55, v9  }
0x166: {  	v11 =	vmul.f32 v11, v11;
	v1 =	vadd.f32 v5, v1;
	v60 =	vadd.f32 v59, v60  }
0x167: {  	v6 =	vsub.f32 $1.500000000e+00, v61;
	v61 =	vshrl.u32 v16, $0x1;
	v57 =	vmul.f32 $5.000000000e-01, v16  }
0x168: {  	v2 =	vmul.f32 v12, v2;
	v59 =	vld.idx.msk [tilespmem:v52+s20+$0x0], $0xffff;
	v12 =	vsub.s32 $0x5F3759DF, v61;
	v56 =	vadd.f32 $9.999999960e-13, v60  }
0x169: {  	v8 =	vsub.f32 v8, v9;
	v54 =	vsub.f32 v54, v62;
	v60 =	vld.idx.msk [tilespmem:v52+s21+$0x0], $0xffff;
	v57 =	vmul.f32 v12, v57  }
0x16a: {  	v55 =	vmul.f32 v55, v55;
	v52 =	vld.idx.msk [tilespmem:v52+s22+$0x0], $0xffff;
	v61 =	vshrl.u32 v56, $0x1;
	v17 =	vmul.f32 $5.000000000e-01, v56  }
0x16b: {  	v54 =	vmul.f32 v54, v54;
	v57 =	vmul.f32 v12, v57;
	v61 =	vsub.s32 $0x5F3759DF, v61  }
0x16c: {  	v10 =	vsub.f32 v10, v62;
	v2 =	vmul.f32 v2, v7;
	v17 =	vmul.f32 v61, v17  }
0x16d: {  	v6 =	vmul.f32 v58, v6;
	v11 =	vadd.f32 v11, v54;
	v54 =	vsub.f32 $1.500000000e+00, v57  }
0x16e: {  	v57 =	vsub.f32 v50, v59;
	v58 =	vsub.f32 v51, v60;
	v17 =	vmul.f32 v61, v17  }
0x16f: {  	v3 =	vmul.f32 v6, v3;
	v11 =	vadd.f32 v55, v11;
	v14 =	vsub.f32 v14, v52  }
0x170: {  	v7 =	vmul.f32 v57, v57;
	v51 =	vsub.f32 $1.500000000e+00, v17;
	v17 =	vmul.f32 v58, v58  }
0x171: {  	v2 =	vsub.f32 v2, v3;
	v50 =	vsub.f32 v53, v63;
	v53 =	vmul.f32 v10, v10  }
0x172: {  	v15 =	vsub.f32 v15, v52;
	v55 =	vmul.f32 v14, v14;
	v7 =	vadd.f32 v17, v7  }
0x173: {  	v3 =	vmul.f32 v12, v54;
	v11 =	vadd.f32 $9.999999960e-13, v11;
	v6 =	vmul.f32 v61, v51  }
0x174: {  	v2 =	vand.u32 $0x7FFFFFFF, v2;
	v7 =	vadd.f32 v55, v7;
	v55 =	vadd.s32 v43, v49  }
0x175: {  	v3 =	vmul.f32 v3, v16;
	v56 =	vmul.f32 v6, v56;
	v12 =	vor.u32 v48, v55  }
0x176: {  	v54 =	vmul.f32 v50, v50;
	v1 =	vadd.f32 v1, v2;
	v57 =	vshrl.u32 v11, $0x1  }
0x177: {  	v58 =	vmul.f32 $5.000000000e-01, v11;
	v61 =	vadd.s32 v42, v49;
	v2 =	vsub.f32 v3, v56  }
0x178: {  	v3 =	vsub.s32 $0x5F3759DF, v57;
	v6 =	vadd.f32 $9.999999960e-13, v7;
	v7 =	vor.u32 v48, v61  }
0x179: {  	v5 =	vmul.f32 v3, v58  }
0x17a: {  	v8 =	vmul.f32 v8, v8;
	v9 =	vadd.f32 v54, v53;
	v57 =	vmul.f32 v15, v15;
	v50 =	vld.idx.msk [tilespmem:v12+s17+$0x0], $0xffff  }
0x17b: {  	v51 =	vshrl.u32 v6, $0x1;
	v16 =	vmul.f32 $5.000000000e-01, v6;
	v5 =	vmul.f32 v3, v5;
	v15 =	vld.idx.msk [tilespmem:v12+s18+$0x0], $0xffff  }
0x17c: {  	v4 =	vsub.f32 v4, v59;
	v56 =	vsub.f32 v13, v60;
	v14 =	vsub.s32 $0x5F3759DF, v51;
	v52 =	vld.idx.msk [tilespmem:v12+s21+$0x0], $0xffff  }
0x17d: {  	v8 =	vadd.f32 v8, v9;
	v16 =	vmul.f32 v14, v16;
	v13 =	vld.idx.msk [tilespmem:v7+s17+$0x0], $0xffff;
	v5 =	vsub.f32 $1.500000000e+00, v5  }
0x17e: {  	v4 =	vmul.f32 v4, v4;
	v10 =	vmul.f32 v56, v56;
	v9 =	vld.idx.msk [tilespmem:v7+s18+$0x0], $0xffff  }
0x17f: {  	v8 =	vadd.f32 $9.999999960e-13, v8;
	v17 =	vld.idx.msk [tilespmem:v7+s19+$0x0], $0xffff;
	v16 =	vmul.f32 v14, v16;
	v3 =	vmul.f32 v3, v5  }
0x180: {  	v60 =	vadd.s32 v44, v49;
	v2 =	vand.u32 $0x7FFFFFFF, v2;
	v4 =	vadd.f32 v10, v4;
	v10 =	vld.idx.msk [tilespmem:v7+s20+$0x0], $0xffff  }
0x181: {  	v1 =	vadd.f32 v2, v1;
	v16 =	vsub.f32 $1.500000000e+00, v16;
	v2 =	vmul.f32 v3, v11;
	v11 =	vld.idx.msk [tilespmem:v7+s21+$0x0], $0xffff  }
0x182: {  	v59 =	vmul.f32 $5.000000000e-01, v8;
	v51 =	vor.u32 v48, v60;
	v7 =	vld.idx.msk [tilespmem:v7+s22+$0x0], $0xffff  }
0x183: {  	v4 =	vadd.f32 v57, v4;
	v58 =	vmul.f32 v14, v16;
	v14 =	vld.idx.msk [tilespmem:v12+s19+$0x0], $0xffff;
	v16 =	vshrl.u32 v8, $0x1  }
0x184: {  	v53 =	vsub.f32 v13, v50;
	v61 =	vsub.f32 v9, v15;
	v3 =	vsub.s32 $0x5F3759DF, v16;
	v16 =	vld.idx.msk [tilespmem:v12+s20+$0x0], $0xffff  }
0x185: {  	v4 =	vadd.f32 $9.999999960e-13, v4;
	v12 =	vld.idx.msk [tilespmem:v12+s22+$0x0], $0xffff;
	v5 =	vmul.f32 v58, v6;
	v6 =	vmul.f32 v3, v59  }
0x186: {  	v53 =	vmul.f32 v53, v53;
	v54 =	vmul.f32 v61, v61  }
0x187: {  	v62 =	vshrl.u32 v4, $0x1;
	v63 =	vmul.f32 $5.000000000e-01, v4;
	v58 =	vld.idx.msk [tilespmem:v51+s17+$0x0], $0xffff;
	v2 =	vsub.f32 v2, v5  }
0x188: {  	v61 =	vmul.f32 v3, v6;
	v6 =	vsub.s32 $0x5F3759DF, v62;
	v53 =	vadd.f32 v54, v53  }
0x189: {  	v54 =	vld.idx.msk [tilespmem:v51+s18+$0x0], $0xffff;
	v60 =	vsub.f32 v17, v14;
	v55 =	vmul.f32 v6, v63;
	v63 =	vsub.f32 v10, v16  }
0x18a: {  	v5 =	vsub.f32 $1.500000000e+00, v61;
	v61 =	vsub.f32 v7, v12;
	v2 =	vand.u32 $0x7FFFFFFF, v2  }
0x18b: {  	v62 =	vmul.f32 v60, v60;
	v60 =	vsub.f32 v11, v52;
	v55 =	vmul.f32 v6, v55  }
0x18c: {  	v1 =	vadd.f32 v2, v1;
	v13 =	vsub.f32 v13, v58;
	v56 =	vmul.f32 v63, v63  }
0x18d: {  	v3 =	vmul.f32 v3, v5;
	v63 =	vmul.f32 v61, v61;
	v53 =	vadd.f32 v62, v53  }
0x18e: {  	v5 =	vld.idx.msk [tilespmem:v51+s20+$0x0], $0xffff;
	v57 =	vmul.f32 v60, v60;
	v62 =	vsub.f32 $1.500000000e+00, v55;
	v9 =	vsub.f32 v9, v54  }
0x18f: {  	v55 =	vld.idx.msk [tilespmem:v51+s19+$0x0], $0xffff;
	v13 =	vmul.f32 v13, v13;
	v15 =	vsub.f32 v15, v54;
	v53 =	vadd.f32 $9.999999960e-13, v53  }
0x190: {  	v2 =	vmul.f32 v3, v8;
	v56 =	vadd.f32 v57, v56;
	v57 =	vld.idx.msk [tilespmem:v51+s21+$0x0], $0xffff;
	v9 =	vmul.f32 v9, v9  }
0x191: {  	v3 =	vmul.f32 v6, v62;
	v51 =	vld.idx.msk [tilespmem:v51+s22+$0x0], $0xffff;
	v15 =	vmul.f32 v15, v15;
	v60 =	vshrl.u32 v53, $0x1  }
0x192: {  	v61 =	vmul.f32 $5.000000000e-01, v53;
	v56 =	vadd.f32 v63, v56;
	v9 =	vadd.f32 v9, v13  }
0x193: {  	v3 =	vmul.f32 v3, v4;
	v10 =	vsub.f32 v10, v5;
	v5 =	vsub.f32 v16, v5  }
0x194: {  	v6 =	vsub.s32 $0x5F3759DF, v60;
	v17 =	vsub.f32 v17, v55;
	v14 =	vsub.f32 v14, v55  }
0x195: {  	v62 =	vmul.f32 v6, v61;
	v8 =	vadd.f32 $9.999999960e-13, v56;
	v11 =	vsub.f32 v11, v57  }
0x196: {  	v2 =	vsub.f32 v2, v3;
	v10 =	vmul.f32 v10, v10;
	v7 =	vsub.f32 v7, v51  }
0x197: {  	v3 =	vmul.f32 v6, v62;
	v63 =	vshrl.u32 v8, $0x1;
	v11 =	vmul.f32 v11, v11  }
0x198: {  	v59 =	vmul.f32 v17, v17;
	v56 =	vmul.f32 $5.000000000e-01, v8;
	v4 =	vsub.s32 $0x5F3759DF, v63  }
0x199: {  	v7 =	vmul.f32 v7, v7;
	v3 =	vsub.f32 $1.500000000e+00, v3;
	v61 =	vadd.f32 v11, v10  }
0x19a: {  	v9 =	vadd.f32 v59, v9;
	v17 =	vmul.f32 v4, v56;
	v56 =	vadd.s32 v45, v49  }
0x19b: {  	v3 =	vmul.f32 v6, v3;
	v6 =	vadd.f32 v7, v61;
	v7 =	vor.u32 v48, v56  }
0x19c: {  	v59 =	vsub.f32 v50, v58;
	v60 =	vmul.f32 v4, v17;
	v17 =	vadd.s32 v46, v49  }
0x19d: {  	v5 =	vmul.f32 v5, v5;
	v16 =	vsub.f32 v52, v57;
	v17 =	vor.u32 v48, v17  }
0x19e: {  	v14 =	vmul.f32 v14, v14;
	v9 =	vadd.f32 $9.999999960e-13, v9;
	v13 =	vmul.f32 v59, v59  }
0x19f: {  	v12 =	vsub.f32 v12, v51;
	v2 =	vand.u32 $0x7FFFFFFF, v2;
	v16 =	vmul.f32 v16, v16  }
0x1a0: {  	v63 =	vshrl.u32 v9, $0x1;
	v13 =	vadd.f32 v15, v13;
	v62 =	vsub.f32 $1.500000000e+00, v60;
	v15 =	vld.idx.msk [tilespmem:v7+s17+$0x0], $0xffff  }
0x1a1: {  	v12 =	vmul.f32 v12, v12;
	v11 =	vsub.s32 $0x5F3759DF, v63;
	v60 =	vmul.f32 $5.000000000e-01, v9;
	v50 =	vld.idx.msk [tilespmem:v7+s18+$0x0], $0xffff  }
0x1a2: {  	v6 =	vadd.f32 $9.999999960e-13, v6;
	v13 =	vadd.f32 v14, v13;
	v4 =	vmul.f32 v4, v62;
	v14 =	vld.idx.msk [tilespmem:v17+s17+$0x0], $0xffff  }
0x1a3: {  	v1 =	vadd.f32 v1, v2;
	v3 =	vmul.f32 v3, v53;
	v61 =	vmul.f32 v11, v60;
	v53 =	vld.idx.msk [tilespmem:v7+s19+$0x0], $0xffff  }
0x1a4: {  	v62 =	vshrl.u32 v6, $0x1;
	v63 =	vmul.f32 $5.000000000e-01, v6;
	v4 =	vmul.f32 v4, v8;
	v52 =	vld.idx.msk [tilespmem:v17+s19+$0x0], $0xffff  }
0x1a5: {  	v5 =	vadd.f32 v16, v5;
	v8 =	vsub.s32 $0x5F3759DF, v62;
	v10 =	vmul.f32 v11, v61;
	v51 =	vld.idx.msk [tilespmem:v7+s20+$0x0], $0xffff  }
0x1a6: {  	v13 =	vadd.f32 $9.999999960e-13, v13;
	v58 =	vmul.f32 v8, v63;
	v2 =	vsub.f32 v3, v4;
	v3 =	vld.idx.msk [tilespmem:v17+s18+$0x0], $0xffff  }
0x1a7: {  	v16 =	vadd.s32 v47, v49;
	v5 =	vadd.f32 v12, v5;
	v55 =	vld.idx.msk [tilespmem:v7+s21+$0x0], $0xffff;
	v59 =	vsub.f32 $1.500000000e+00, v10  }
0x1a8: {  	v12 =	vor.u32 v48, v16;
	v49 =	vld.idx.msk [tilespmem:v17+s20+$0x0], $0xffff;
	v61 =	vmul.f32 $5.000000000e-01, v13;
	v60 =	vmul.f32 v8, v58  }
0x1a9: {  	v7 =	vld.idx.msk [tilespmem:v7+s22+$0x0], $0xffff;
	v2 =	vand.u32 $0x7FFFFFFF, v2;
	v4 =	vmul.f32 v11, v59;
	v11 =	vshrl.u32 v13, $0x1  }
0x1aa: {  	v58 =	vld.idx.msk [tilespmem:v17+s21+$0x0], $0xffff;
	v10 =	vsub.f32 $1.500000000e+00, v60;
	v62 =	vsub.f32 v15, v14;
	v11 =	vsub.s32 $0x5F3759DF, v11  }
0x1ab: {  	v17 =	vld.idx.msk [tilespmem:v17+s22+$0x0], $0xffff;
	v60 =	vsub.f32 v53, v52;
	v16 =	vmul.f32 v11, v61;
	v63 =	vsub.f32 v50, v3  }
0x1ac: {  	v1 =	vadd.f32 v2, v1;
	v2 =	vmul.f32 v4, v9;
	v56 =	vmul.f32 v62, v62  }
0x1ad: {  	v4 =	vadd.f32 $9.999999960e-13, v5;
	v62 =	vmul.f32 v60, v60;
	v57 =	vmul.f32 v63, v63  }
0x1ae: {  	v5 =	vmul.f32 v8, v10;
	v8 =	vmul.f32 v11, v16  }
0x1af: {  	v60 =	vshrl.u32 v4, $0x1;
	v16 =	vsub.f32 v51, v49;
	v61 =	vadd.f32 v57, v56;
	v56 =	vld.idx.msk [tilespmem:v12+s17+$0x0], $0xffff  }
0x1b0: {  	v59 =	vsub.f32 v7, v17;
	v10 =	vsub.s32 $0x5F3759DF, v60;
	v57 =	vld.idx.msk [tilespmem:v12+s18+$0x0], $0xffff  }
0x1b1: {  	v5 =	vmul.f32 v5, v6;
	v16 =	vmul.f32 v16, v16;
	v63 =	vadd.f32 v62, v61  }
0x1b2: {  	v8 =	vsub.f32 $1.500000000e+00, v8;
	v61 =	vsub.f32 v55, v58;
	v62 =	vmul.f32 $5.000000000e-01, v4  }
0x1b3: {  	v59 =	vmul.f32 v59, v59;
	v2 =	vsub.f32 v2, v5;
	v9 =	vadd.f32 $9.999999960e-13, v63  }
0x1b4: {  	v48 =	vmul.f32 v61, v61;
	v54 =	vmul.f32 v10, v62;
	v15 =	vsub.f32 v15, v56  }
0x1b5: {  	v61 =	vld.idx.msk [tilespmem:v12+s19+$0x0], $0xffff;
	v63 =	vmul.f32 v11, v8;
	v50 =	vsub.f32 v50, v57;
	v14 =	vsub.f32 v14, v56  }
0x1b6: {  	v3 =	vsub.f32 v3, v57;
	v60 =	vshrl.u32 v9, $0x1;
	v62 =	vmul.f32 v10, v54;
	v54 =	vld.idx.msk [tilespmem:v12+s20+$0x0], $0xffff  }
0x1b7: {  	v16 =	vadd.f32 v48, v16;
	v48 =	vmul.f32 $5.000000000e-01, v9;
	v6 =	vmul.f32 v63, v13;
	v13 =	vld.idx.msk [tilespmem:v12+s21+$0x0], $0xffff  }
0x1b8: {  	v12 =	vld.idx.msk [tilespmem:v12+s22+$0x0], $0xffff;
	v8 =	vsub.s32 $0x5F3759DF, v60;
	v15 =	vmul.f32 v15, v15;
	v50 =	vmul.f32 v50, v50  }
0x1b9: {  	v14 =	vmul.f32 v14, v14;
	v16 =	vadd.f32 v59, v16;
	v48 =	vmul.f32 v8, v48  }
0x1ba: {  	v3 =	vmul.f32 v3, v3;
	v11 =	vsub.f32 $1.500000000e+00, v62;
	v53 =	vsub.f32 v53, v61  }
0x1bb: {  	v15 =	vadd.f32 v50, v15;
	v48 =	vmul.f32 v8, v48;
	v16 =	vadd.f32 $9.999999960e-13, v16  }
0x1bc: {  	v10 =	vmul.f32 v10, v11;
	v51 =	vsub.f32 v51, v54;
	v55 =	vsub.f32 v55, v13  }
0x1bd: {  	v53 =	vmul.f32 v53, v53;
	v7 =	vsub.f32 v7, v12;
	v13 =	vsub.f32 v58, v13  }
0x1be: {  	v63 =	vsub.f32 $1.500000000e+00, v48;
	v59 =	vshrl.u32 v16, $0x1;
	v60 =	vmul.f32 $5.000000000e-01, v16  }
0x1bf: {  	v4 =	vmul.f32 v10, v4;
	v62 =	vadd.f32 v53, v15;
	v53 =	vmul.f32 v51, v51  }
0x1c0: {  	v48 =	vsub.s32 $0x5F3759DF, v59;
	v59 =	vmul.f32 v55, v55;
	v8 =	vmul.f32 v8, v63  }
0x1c1: {  	v12 =	vsub.f32 v17, v12;
	v7 =	vmul.f32 v7, v7;
	v63 =	vmul.f32 v48, v60  }
0x1c2: {  	v8 =	vmul.f32 v8, v9;
	v9 =	vadd.f32 $9.999999960e-13, v62;
	v62 =	vsub.f32 v49, v54  }
0x1c3: {  	v5 =	vadd.f32 v59, v53;
	v60 =	vmul.f32 v48, v63;
	v63 =	vsub.f32 v52, v61  }
0x1c4: {  	v3 =	vadd.f32 v3, v14;
	v13 =	vmul.f32 v13, v13;
	v15 =	vmul.f32 v62, v62  }
0x1c5: {  	v12 =	vmul.f32 v12, v12;
	v5 =	vadd.f32 v7, v5;
	v49 =	vmul.f32 v63, v63  }
0x1c6: {  	v11 =	vshrl.u32 v9, $0x1;
	v50 =	vmul.f32 $5.000000000e-01, v9;
	v13 =	vadd.f32 v13, v15  }
0x1c7: {  	v11 =	vsub.s32 $0x5F3759DF, v11;
	v5 =	vadd.f32 $9.999999960e-13, v5;
	v3 =	vadd.f32 v49, v3  }
0x1c8: {  	v51 =	vsub.f32 $1.500000000e+00, v60;
	v52 =	vmul.f32 v11, v50;
	v12 =	vadd.f32 v12, v13  }
0x1c9: {  	v53 =	vshrl.u32 v5, $0x1;
	v54 =	vmul.f32 $5.000000000e-01, v5;
	v3 =	vadd.f32 $9.999999960e-13, v3  }
0x1ca: {  	v7 =	vmul.f32 v48, v51;
	v13 =	vsub.s32 $0x5F3759DF, v53;
	v12 =	vadd.f32 $9.999999960e-13, v12  }
0x1cb: {  	v10 =	vmul.f32 v11, v52;
	v14 =	vmul.f32 v13, v54;
	v55 =	vshrl.u32 v3, $0x1  }
0x1cc: {  	v17 =	vmul.f32 $5.000000000e-01, v3;
	v56 =	vshrl.u32 v12, $0x1;
	v57 =	vmul.f32 $5.000000000e-01, v12  }
0x1cd: {  	v14 =	vmul.f32 v13, v14;
	v15 =	vsub.s32 $0x5F3759DF, v55;
	v48 =	vsub.s32 $0x5F3759DF, v56  }
0x1ce: {  	v2 =	vand.u32 $0x7FFFFFFF, v2;
	v17 =	vmul.f32 v15, v17;
	v49 =	vmul.f32 v48, v57  }
0x1cf: {  	v7 =	vmul.f32 v7, v16;
	v10 =	vsub.f32 $1.500000000e+00, v10;
	v14 =	vsub.f32 $1.500000000e+00, v14  }
0x1d0: {  	v1 =	vadd.f32 v2, v1;
	v2 =	vmul.f32 v15, v17;
	v16 =	vmul.f32 v48, v49  }
0x1d1: {  	v4 =	vsub.f32 v6, v4;
	v58 =	vmul.f32 v11, v10;
	v59 =	vmul.f32 v13, v14  }
0x1d2: {  	v2 =	vsub.f32 $1.500000000e+00, v2;
	v60 =	vsub.f32 $1.500000000e+00, v16  }
0x1d3: {  	v7 =	vsub.f32 v8, v7;
	v6 =	vmul.f32 v58, v9;
	v5 =	vmul.f32 v59, v5  }
0x1d4: {  	v4 =	vand.u32 $0x7FFFFFFF, v4;
	v2 =	vmul.f32 v15, v2;
	v61 =	vmul.f32 v48, v60  }
0x1d5: {  	v1 =	vadd.f32 v1, v4;
	v62 =	vand.u32 $0x7FFFFFFF, v7  }
0x1d6: {  	p0 =	sne.s32 s6, $0xF;
	v5 =	vsub.f32 v6, v5;
	v2 =	vmul.f32 v2, v3;
	v3 =	vmul.f32 v61, v12  }
.Ltmp0:
0x1d7: {  	v1 =	vadd.f32 v62, v1;
	(pc) =	sbr.rel @p0 .LBB2_3-.Ltmp0, $4  }
0x1d8: {  	v63 =	vand.u32 $0x7FFFFFFF, v5;
	v2 =	vsub.f32 v2, v3  }
0x1d9: {  	v1 =	vadd.f32 v63, v1  }
0x1da: {  	v2 =	vand.u32 $0x7FFFFFFF, v2  }
0x1db: {  	s6 =	sadd.s32 $0x1, s6;
	v50 =	vadd.f32 v1, v2  }
0x1dc: {  	p0 =	seq.s32 s1, $0x5  }
0x1dd: {  	s4 =	sadd.s32 @!p0 s4, s13  }
0x1de: {  	s4 =	sshrl.u32 @!p0 s4, $0x3  }
0x1df: {  	s4 =	smul.u32 @!p0 $0xC00, s4;
	_ =	sdelay $0x1  }
0x1e0: {  	s4 =	sshrl.u32 @!p0 s4, $0x3  }
0x1e1: {  	s7 =	simm.s32 @!p0 $0x0;
	s8 =	simm.s32 @!p0 $0x180;
	s6 =	sadd.s32 @!p0 s2, s4  }
0x1e2: {  	[tilespmem:s8], [sflag:$0x1] =	stream.linear.gather @!p0 [hbm4b:s6+s7], $0x1800, $0x38;
	[tilespmem:$0x12200] =	vst v63  }
0x1e3: {  	s6 =	sadd.s32 @!p0 $0xC0000, s4  }
0x1e4: {  	s9 =	simm.s32 @!p0 $0x1980;
	s8 =	sadd.s32 @!p0 s2, s6  }
0x1e5: {  	[tilespmem:s9], [sflag:$0x1] =	stream.linear.gather @!p0 [hbm4b:s8+s7], $0x1800, $0x38;
	[tilespmem:$0x12200] =	vst v63  }
0x1e6: {  	s8 =	sadd.s32 @!p0 $0x180000, s4  }
0x1e7: {  	s10 =	simm.s32 @!p0 $0x3180;
	s9 =	sadd.s32 @!p0 s2, s8  }
0x1e8: {  	[tilespmem:s10], [sflag:$0x1] =	stream.linear.gather @!p0 [hbm4b:s9+s7], $0x1800, $0x38;
	[tilespmem:$0x12200] =	vst v63  }
0x1e9: {  	s4 =	sadd.s32 @!p0 s3, s4;
	s9 =	simm.s32 @!p0 $0x4980  }
0x1ea: {  	[tilespmem:s9], [sflag:$0x1] =	stream.linear.gather @!p0 [hbm4b:s4+s7], $0x1800, $0x38;
	[tilespmem:$0x12200] =	vst v63  }
0x1eb: {  	s4 =	sadd.s32 @!p0 s3, s6;
	s6 =	simm.s32 @!p0 $0x6180  }
0x1ec: {  	[tilespmem:s6], [sflag:$0x1] =	stream.linear.gather @!p0 [hbm4b:s4+s7], $0x1800, $0x38;
	[tilespmem:$0x12200] =	vst v63  }
0x1ed: {  	s4 =	sadd.s32 @!p0 s3, s8;
	s6 =	simm.s32 @!p0 $0x7980  }
0x1ee: {  	[tilespmem:s6], [sflag:$0x1] =	stream.linear.gather @!p0 [hbm4b:s4+s7], $0x1800, $0x38;
	[tilespmem:$0x12200] =	vst v63  }
0x1ef: {  	_ =	swait.ge [sflag:s31], $0x1800  }
0x1f0: {  	[sflag:s31] =	ssyncset.done $0x0  }
0x1f1: {  	[sflag:s31] =	ssyncadd.s32 $0xFFFFE800  }
0x1f2: {  	_ =	swait.ge [sflag:s31], $0x1800  }
0x1f3: {  	[sflag:s31] =	ssyncset.done $0x0  }
0x1f4: {  	[sflag:s31] =	ssyncadd.s32 $0xFFFFE800  }
0x1f5: {  	_ =	swait.ge [sflag:s31], $0x1800  }
0x1f6: {  	[sflag:s31] =	ssyncset.done $0x0  }
0x1f7: {  	[sflag:s31] =	ssyncadd.s32 $0xFFFFE800  }
0x1f8: {  	_ =	swait.ge [sflag:s31], $0x1800  }
0x1f9: {  	[sflag:s31] =	ssyncset.done $0x0  }
0x1fa: {  	[sflag:s31] =	ssyncadd.s32 $0xFFFFE800  }
0x1fb: {  	_ =	swait.ge [sflag:s31], $0x1800  }
0x1fc: {  	[sflag:s31] =	ssyncset.done $0x0  }
0x1fd: {  	[sflag:s31] =	ssyncadd.s32 $0xFFFFE800  }
0x1fe: {  	_ =	swait.ge [sflag:s31], $0x1800  }
0x1ff: {  	[sflag:s31] =	ssyncset.done $0x0  }
0x200: {  	s4 =	simm.s32 $0x0;
	[sflag:s31] =	ssyncadd.s32 $0xFFFFE800  }
.LBB2_5:
0x201: {  	v1 =	vmov s4  }
0x202: {  	v2 =	vshrl.u32 v1, $0x3  }
0x203: {  	v49 =	vmul.u32 $0xC00, v2  }
0x204: {  	v1 =	vshll.u32 v1, $0x7  }
0x205: {  	v48 =	vand.u32 $0x380, v1;
	v1 =	vadd.s32 v24, v49  }
0x206: {  	v1 =	vor.u32 v48, v1;
	_ =	sdelay $0x1  }
0x207: {  	v2 =	vadd.s32 v25, v49  }
0x208: {  	v2 =	vor.u32 v48, v2;
	_ =	sdelay $0x1  }
0x209: {  	v3 =	vld.idx.msk [tilespmem:v1+s23+$0x0], $0xffff  }
0x20a: {  	v4 =	vld.idx.msk [tilespmem:v1+s24+$0x0], $0xffff  }
0x20b: {  	v5 =	vld.idx.msk [tilespmem:v1+s25+$0x0], $0xffff  }
0x20c: {  	v6 =	vld.idx.msk [tilespmem:v2+s23+$0x0], $0xffff  }
0x20d: {  	v7 =	vld.idx.msk [tilespmem:v2+s24+$0x0], $0xffff  }
0x20e: {  	v8 =	vld.idx.msk [tilespmem:v2+s25+$0x0], $0xffff  }
0x20f: {  	v10 =	vadd.s32 v26, v49;
	v9 =	vld.idx.msk [tilespmem:v1+s26+$0x0], $0xffff  }
0x210: {  	v10 =	vor.u32 v48, v10;
	v11 =	vld.idx.msk [tilespmem:v1+s28+$0x0], $0xffff  }
0x211: {  	v12 =	vld.idx.msk [tilespmem:v2+s26+$0x0], $0xffff  }
0x212: {  	v13 =	vld.idx.msk [tilespmem:v2+s28+$0x0], $0xffff  }
0x213: {  	v1 =	vld.idx.msk [tilespmem:v1+s29+$0x0], $0xffff  }
0x214: {  	v2 =	vld.idx.msk [tilespmem:v2+s29+$0x0], $0xffff  }
0x215: {  	v16 =	vld.idx.msk [tilespmem:v10+s23+$0x0], $0xffff  }
0x216: {  	v51 =	vld.idx.msk [tilespmem:v10+s24+$0x0], $0xffff;
	_ =	sdelay $0x1  }
0x217: {  	v14 =	vsub.f32 v3, v6;
	v15 =	vsub.f32 v4, v7  }
0x218: {  	v55 =	vld.idx.msk [tilespmem:v10+s26+$0x0], $0xffff;
	v17 =	vsub.f32 v5, v8;
	v52 =	vsub.f32 v9, v12  }
0x219: {  	v53 =	vsub.f32 v11, v13;
	v54 =	vsub.f32 v1, v2  }
0x21a: {  	v3 =	vsub.f32 v3, v16;
	v4 =	vsub.f32 v4, v51;
	v14 =	vmul.f32 v14, v14  }
0x21b: {  	v6 =	vsub.f32 v6, v16;
	v15 =	vmul.f32 v15, v15;
	v57 =	vmul.f32 v17, v17  }
0x21c: {  	v7 =	vsub.f32 v7, v51;
	v52 =	vmul.f32 v52, v52;
	v53 =	vmul.f32 v53, v53  }
0x21d: {  	v9 =	vsub.f32 v9, v55;
	v17 =	vld.idx.msk [tilespmem:v10+s25+$0x0], $0xffff;
	v3 =	vmul.f32 v3, v3;
	v4 =	vmul.f32 v4, v4  }
0x21e: {  	v6 =	vmul.f32 v6, v6;
	v7 =	vmul.f32 v7, v7;
	v58 =	vadd.f32 v53, v52;
	v53 =	vld.idx.msk [tilespmem:v10+s28+$0x0], $0xffff  }
0x21f: {  	v12 =	vsub.f32 v12, v55;
	v59 =	vmul.f32 v54, v54;
	v14 =	vadd.f32 v15, v14;
	v10 =	vld.idx.msk [tilespmem:v10+s29+$0x0], $0xffff  }
0x220: {  	v3 =	vadd.f32 v4, v3;
	v6 =	vadd.f32 v7, v6  }
0x221: {  	v14 =	vadd.f32 v57, v14;
	v15 =	vadd.f32 v59, v58  }
0x222: {  	v5 =	vsub.f32 v5, v17;
	v8 =	vsub.f32 v8, v17  }
0x223: {  	v12 =	vmul.f32 v12, v12;
	v14 =	vadd.f32 $9.999999960e-13, v14;
	v15 =	vadd.f32 $9.999999960e-13, v15  }
0x224: {  	v57 =	vmul.f32 v9, v9;
	v11 =	vsub.f32 v11, v53;
	v1 =	vsub.f32 v1, v10  }
0x225: {  	v62 =	vmul.f32 v5, v5;
	v13 =	vsub.f32 v13, v53;
	v2 =	vsub.f32 v2, v10  }
0x226: {  	v53 =	vadd.s32 v28, v49;
	v60 =	vshrl.u32 v14, $0x1;
	v61 =	vmul.f32 $5.000000000e-01, v14  }
0x227: {  	v63 =	vshrl.u32 v15, $0x1;
	v5 =	vsub.s32 $0x5F3759DF, v60;
	v58 =	vmul.f32 v11, v11  }
0x228: {  	v3 =	vadd.f32 v62, v3;
	v60 =	vmul.f32 $5.000000000e-01, v15;
	v1 =	vmul.f32 v1, v1  }
0x229: {  	v7 =	vor.u32 v48, v53;
	v13 =	vmul.f32 v13, v13;
	v52 =	vmul.f32 v5, v61  }
0x22a: {  	v2 =	vmul.f32 v2, v2;
	v3 =	vadd.f32 $9.999999960e-13, v3;
	v4 =	vadd.f32 v58, v57  }
0x22b: {  	v51 =	vadd.f32 v13, v12;
	v59 =	vmul.f32 v5, v52;
	v52 =	vsub.s32 $0x5F3759DF, v63  }
0x22c: {  	v62 =	vmul.f32 v52, v60;
	v63 =	vshrl.u32 v3, $0x1;
	v1 =	vadd.f32 v1, v4  }
0x22d: {  	v56 =	vmul.f32 $5.000000000e-01, v3;
	v2 =	vadd.f32 v2, v51;
	v61 =	vsub.f32 $1.500000000e+00, v59  }
0x22e: {  	v59 =	vsub.s32 $0x5F3759DF, v63;
	v63 =	vmul.f32 v8, v8;
	v58 =	vmul.f32 v52, v62  }
0x22f: {  	v60 =	vmul.f32 v59, v56;
	v1 =	vadd.f32 $9.999999960e-13, v1;
	v62 =	vadd.s32 v27, v49  }
0x230: {  	v56 =	vadd.s32 v29, v49;
	v57 =	vmul.f32 v5, v61;
	v10 =	vor.u32 v48, v62  }
0x231: {  	v6 =	vadd.f32 v63, v6;
	v5 =	vsub.f32 $1.500000000e+00, v58;
	v11 =	vmul.f32 v59, v60  }
0x232: {  	v61 =	vshrl.u32 v1, $0x1;
	v16 =	vmul.f32 $5.000000000e-01, v1;
	v4 =	vmul.f32 v57, v14  }
0x233: {  	v53 =	vld.idx.msk [tilespmem:v7+s23+$0x0], $0xffff;
	v14 =	vsub.s32 $0x5F3759DF, v61;
	v6 =	vadd.f32 $9.999999960e-13, v6;
	v5 =	vmul.f32 v52, v5  }
0x234: {  	v51 =	vld.idx.msk [tilespmem:v7+s24+$0x0], $0xffff;
	v2 =	vadd.f32 $9.999999960e-13, v2;
	v54 =	vmul.f32 v14, v16;
	v11 =	vsub.f32 $1.500000000e+00, v11  }
0x235: {  	v52 =	vld.idx.msk [tilespmem:v7+s25+$0x0], $0xffff;
	v57 =	vshrl.u32 v6, $0x1;
	v17 =	vmul.f32 $5.000000000e-01, v6;
	v5 =	vmul.f32 v5, v15  }
0x236: {  	v55 =	vmul.f32 v14, v54;
	v12 =	vld.idx.msk [tilespmem:v10+s23+$0x0], $0xffff;
	v9 =	vmul.f32 v59, v11;
	v11 =	vsub.s32 $0x5F3759DF, v57  }
0x237: {  	v13 =	vor.u32 v48, v56;
	v15 =	vld.idx.msk [tilespmem:v10+s24+$0x0], $0xffff;
	v60 =	vmul.f32 v11, v17;
	v4 =	vsub.f32 v4, v5  }
0x238: {  	v58 =	vshrl.u32 v2, $0x1;
	v16 =	vld.idx.msk [tilespmem:v10+s25+$0x0], $0xffff;
	v8 =	vsub.f32 $1.500000000e+00, v55  }
0x239: {  	v59 =	vmul.f32 $5.000000000e-01, v2;
	v54 =	vld.idx.msk [tilespmem:v7+s28+$0x0], $0xffff;
	v5 =	vmul.f32 v11, v60;
	v4 =	vand.u32 $0x7FFFFFFF, v4  }
0x23a: {  	v8 =	vmul.f32 v14, v8;
	v14 =	vsub.s32 $0x5F3759DF, v58;
	v4 =	vadd.f32 v4, v50;
	v50 =	vld.idx.msk [tilespmem:v7+s26+$0x0], $0xffff  }
0x23b: {  	v17 =	vmul.f32 v14, v59;
	v5 =	vsub.f32 $1.500000000e+00, v5;
	v7 =	vld.idx.msk [tilespmem:v7+s29+$0x0], $0xffff  }
0x23c: {  	v3 =	vmul.f32 v9, v3;
	v1 =	vmul.f32 v8, v1;
	v8 =	vld.idx.msk [tilespmem:v13+s23+$0x0], $0xffff  }
0x23d: {  	v62 =	vsub.f32 v12, v53;
	v61 =	vmul.f32 v14, v17;
	v17 =	vld.idx.msk [tilespmem:v10+s26+$0x0], $0xffff;
	v5 =	vmul.f32 v11, v5  }
0x23e: {  	v63 =	vsub.f32 v15, v51;
	v1 =	vsub.f32 v3, v1;
	v3 =	vld.idx.msk [tilespmem:v10+s28+$0x0], $0xffff  }
0x23f: {  	v60 =	vmul.f32 v62, v62;
	v9 =	vsub.f32 $1.500000000e+00, v61;
	v62 =	vmul.f32 v5, v6;
	v5 =	vld.idx.msk [tilespmem:v13+s24+$0x0], $0xffff  }
0x240: {  	v59 =	vsub.f32 v16, v52;
	v61 =	vmul.f32 v63, v63;
	v6 =	vld.idx.msk [tilespmem:v13+s25+$0x0], $0xffff;
	v1 =	vand.u32 $0x7FFFFFFF, v1  }
0x241: {  	v10 =	vld.idx.msk [tilespmem:v10+s29+$0x0], $0xffff;
	v9 =	vmul.f32 v14, v9;
	v1 =	vadd.f32 v1, v4  }
0x242: {  	v11 =	vmul.f32 v59, v59;
	v63 =	vadd.f32 v61, v60;
	v14 =	vld.idx.msk [tilespmem:v13+s26+$0x0], $0xffff;
	v12 =	vsub.f32 v12, v8  }
0x243: {  	v4 =	vld.idx.msk [tilespmem:v13+s28+$0x0], $0xffff;
	v8 =	vsub.f32 v53, v8;
	v60 =	vsub.f32 v17, v50;
	v2 =	vmul.f32 v9, v2  }
0x244: {  	v13 =	vld.idx.msk [tilespmem:v13+s29+$0x0], $0xffff;
	v61 =	vsub.f32 v3, v54;
	v9 =	vadd.f32 v11, v63;
	v12 =	vmul.f32 v12, v12  }
0x245: {  	v8 =	vmul.f32 v8, v8;
	v15 =	vsub.f32 v15, v5;
	v16 =	vsub.f32 v16, v6  }
0x246: {  	v55 =	vmul.f32 v60, v60;
	v5 =	vsub.f32 v51, v5;
	v6 =	vsub.f32 v52, v6  }
0x247: {  	v2 =	vsub.f32 v62, v2;
	v62 =	vsub.f32 v10, v7;
	v56 =	vmul.f32 v61, v61  }
0x248: {  	v9 =	vadd.f32 $9.999999960e-13, v9;
	v15 =	vmul.f32 v15, v15;
	v17 =	vsub.f32 v17, v14  }
0x249: {  	v3 =	vsub.f32 v3, v4;
	v57 =	vmul.f32 v16, v16;
	v10 =	vsub.f32 v10, v13  }
0x24a: {  	v14 =	vsub.f32 v50, v14;
	v4 =	vsub.f32 v54, v4;
	v5 =	vmul.f32 v5, v5  }
0x24b: {  	v6 =	vmul.f32 v6, v6;
	v55 =	vadd.f32 v56, v55;
	v11 =	vmul.f32 v62, v62  }
0x24c: {  	v63 =	vshrl.u32 v9, $0x1;
	v58 =	vmul.f32 $5.000000000e-01, v9;
	v12 =	vadd.f32 v15, v12  }
0x24d: {  	v16 =	vmul.f32 v17, v17;
	v17 =	vsub.s32 $0x5F3759DF, v63;
	v11 =	vadd.f32 v11, v55  }
0x24e: {  	v7 =	vsub.f32 v7, v13;
	v3 =	vmul.f32 v3, v3;
	v15 =	vmul.f32 v17, v58  }
0x24f: {  	v10 =	vmul.f32 v10, v10;
	v12 =	vadd.f32 v57, v12;
	v11 =	vadd.f32 $9.999999960e-13, v11  }
0x250: {  	v3 =	vadd.f32 v3, v16;
	v57 =	vadd.s32 v30, v49;
	v15 =	vmul.f32 v17, v15  }
0x251: {  	v57 =	vor.u32 v48, v57;
	v16 =	vshrl.u32 v11, $0x1;
	v59 =	vmul.f32 $5.000000000e-01, v11  }
0x252: {  	v12 =	vadd.f32 $9.999999960e-13, v12;
	v3 =	vadd.f32 v10, v3;
	v16 =	vsub.s32 $0x5F3759DF, v16  }
0x253: {  	v5 =	vadd.f32 v5, v8;
	v15 =	vsub.f32 $1.500000000e+00, v15;
	v60 =	vmul.f32 v16, v59  }
0x254: {  	v61 =	vshrl.u32 v12, $0x1;
	v62 =	vmul.f32 $5.000000000e-01, v12;
	v3 =	vadd.f32 $9.999999960e-13, v3  }
0x255: {  	v55 =	vsub.s32 $0x5F3759DF, v61;
	v10 =	vmul.f32 v16, v60;
	v60 =	vadd.s32 v31, v49  }
0x256: {  	v58 =	vshrl.u32 v3, $0x1;
	v59 =	vmul.f32 $5.000000000e-01, v3;
	v51 =	vor.u32 v48, v60  }
0x257: {  	v15 =	vmul.f32 v17, v15;
	v56 =	vmul.f32 v55, v62;
	v50 =	vld.idx.msk [tilespmem:v57+s23+$0x0], $0xffff;
	v58 =	vsub.s32 $0x5F3759DF, v58  }
0x258: {  	v4 =	vmul.f32 v4, v4;
	v5 =	vadd.f32 v6, v5;
	v8 =	vld.idx.msk [tilespmem:v57+s25+$0x0], $0xffff;
	v59 =	vmul.f32 v58, v59  }
0x259: {  	v9 =	vmul.f32 v15, v9;
	v15 =	vld.idx.msk [tilespmem:v57+s28+$0x0], $0xffff;
	v56 =	vmul.f32 v55, v56;
	v10 =	vsub.f32 $1.500000000e+00, v10  }
0x25a: {  	v2 =	vand.u32 $0x7FFFFFFF, v2;
	v63 =	vmul.f32 v58, v59;
	v59 =	vmul.f32 v14, v14;
	v14 =	vld.idx.msk [tilespmem:v57+s24+$0x0], $0xffff  }
0x25b: {  	v5 =	vadd.f32 $9.999999960e-13, v5;
	v60 =	vsub.f32 $1.500000000e+00, v56;
	v10 =	vmul.f32 v16, v10;
	v13 =	vld.idx.msk [tilespmem:v51+s23+$0x0], $0xffff  }
0x25c: {  	v7 =	vmul.f32 v7, v7;
	v53 =	vsub.f32 $1.500000000e+00, v63;
	v4 =	vadd.f32 v4, v59;
	v6 =	vld.idx.msk [tilespmem:v51+s24+$0x0], $0xffff  }
0x25d: {  	v1 =	vadd.f32 v1, v2;
	v16 =	vmul.f32 v55, v60;
	v10 =	vmul.f32 v10, v11;
	v11 =	vld.idx.msk [tilespmem:v57+s26+$0x0], $0xffff  }
0x25e: {  	v61 =	vshrl.u32 v5, $0x1;
	v17 =	vmul.f32 v58, v53;
	v4 =	vadd.f32 v7, v4;
	v7 =	vld.idx.msk [tilespmem:v51+s25+$0x0], $0xffff  }
0x25f: {  	v60 =	vadd.s32 v32, v49;
	v12 =	vmul.f32 v16, v12;
	v16 =	vld.idx.msk [tilespmem:v51+s28+$0x0], $0xffff;
	v2 =	vsub.f32 v9, v10  }
0x260: {  	v54 =	vor.u32 v48, v60;
	v10 =	vld.idx.msk [tilespmem:v51+s26+$0x0], $0xffff;
	v3 =	vmul.f32 v17, v3;
	v4 =	vadd.f32 $9.999999960e-13, v4  }
0x261: {  	v53 =	vld.idx.msk [tilespmem:v57+s29+$0x0], $0xffff;
	v9 =	vsub.s32 $0x5F3759DF, v61;
	v17 =	vmul.f32 $5.000000000e-01, v5;
	v2 =	vand.u32 $0x7FFFFFFF, v2  }
0x262: {  	v51 =	vld.idx.msk [tilespmem:v51+s29+$0x0], $0xffff;
	v3 =	vsub.f32 v12, v3;
	v62 =	vshrl.u32 v4, $0x1;
	v63 =	vmul.f32 $5.000000000e-01, v4  }
0x263: {  	v61 =	vsub.f32 v50, v13;
	v17 =	vmul.f32 v9, v17;
	v12 =	vsub.s32 $0x5F3759DF, v62  }
0x264: {  	v1 =	vadd.f32 v2, v1;
	v62 =	vsub.f32 v14, v6;
	v52 =	vmul.f32 v12, v63  }
0x265: {  	v55 =	vmul.f32 v61, v61;
	v60 =	vsub.f32 v11, v10;
	v61 =	vsub.f32 v15, v16  }
0x266: {  	v63 =	vsub.f32 v8, v7;
	v17 =	vmul.f32 v9, v17;
	v56 =	vmul.f32 v62, v62  }
0x267: {  	v57 =	vsub.f32 v53, v51;
	v58 =	vmul.f32 v60, v60;
	v59 =	vmul.f32 v61, v61;
	v60 =	vld.idx.msk [tilespmem:v54+s23+$0x0], $0xffff  }
0x268: {  	v52 =	vmul.f32 v12, v52;
	v61 =	vld.idx.msk [tilespmem:v54+s24+$0x0], $0xffff;
	v55 =	vadd.f32 v56, v55;
	v56 =	vmul.f32 v63, v63  }
0x269: {  	v17 =	vsub.f32 $1.500000000e+00, v17;
	v57 =	vmul.f32 v57, v57;
	v62 =	vadd.f32 v59, v58  }
0x26a: {  	v3 =	vand.u32 $0x7FFFFFFF, v3;
	v52 =	vsub.f32 $1.500000000e+00, v52;
	v55 =	vadd.f32 v56, v55  }
0x26b: {  	v1 =	vadd.f32 v3, v1;
	v2 =	vmul.f32 v9, v17;
	v17 =	vld.idx.msk [tilespmem:v54+s26+$0x0], $0xffff;
	v57 =	vadd.f32 v57, v62  }
0x26c: {  	v63 =	vmul.f32 v12, v52;
	v52 =	vadd.f32 $9.999999960e-13, v55;
	v50 =	vsub.f32 v50, v60  }
0x26d: {  	v2 =	vmul.f32 v2, v5;
	v14 =	vsub.f32 v14, v61;
	v13 =	vsub.f32 v13, v60  }
0x26e: {  	v12 =	vld.idx.msk [tilespmem:v54+s25+$0x0], $0xffff;
	v6 =	vsub.f32 v6, v61;
	v3 =	vmul.f32 v63, v4;
	v55 =	vadd.f32 $9.999999960e-13, v57  }
0x26f: {  	v58 =	vshrl.u32 v52, $0x1;
	v59 =	vmul.f32 $5.000000000e-01, v52;
	v50 =	vmul.f32 v50, v50  }
0x270: {  	v4 =	vld.idx.msk [tilespmem:v54+s28+$0x0], $0xffff;
	v14 =	vmul.f32 v14, v14;
	v11 =	vsub.f32 v11, v17;
	v6 =	vmul.f32 v6, v6  }
0x271: {  	v10 =	vsub.f32 v10, v17;
	v5 =	vsub.s32 $0x5F3759DF, v58;
	v62 =	vshrl.u32 v55, $0x1  }
0x272: {  	v54 =	vld.idx.msk [tilespmem:v54+s29+$0x0], $0xffff;
	v63 =	vmul.f32 $5.000000000e-01, v55;
	v2 =	vsub.f32 v2, v3;
	v9 =	vmul.f32 v5, v59  }
0x273: {  	v8 =	vsub.f32 v8, v12;
	v56 =	vsub.s32 $0x5F3759DF, v62;
	v14 =	vadd.f32 v14, v50  }
0x274: {  	v11 =	vmul.f32 v11, v11;
	v50 =	vadd.s32 v34, v49;
	v7 =	vsub.f32 v7, v12  }
0x275: {  	v10 =	vmul.f32 v10, v10;
	v57 =	vmul.f32 v56, v63;
	v15 =	vsub.f32 v15, v4  }
0x276: {  	v50 =	vor.u32 v48, v50;
	v2 =	vand.u32 $0x7FFFFFFF, v2;
	v8 =	vmul.f32 v8, v8  }
0x277: {  	v62 =	vsub.f32 v53, v54;
	v3 =	vmul.f32 v5, v9;
	v15 =	vmul.f32 v15, v15  }
0x278: {  	v4 =	vsub.f32 v16, v4;
	v16 =	vsub.f32 v51, v54;
	v63 =	vmul.f32 v56, v57  }
0x279: {  	v8 =	vadd.f32 v8, v14;
	v53 =	vmul.f32 v62, v62;
	v11 =	vadd.f32 v15, v11  }
0x27a: {  	v7 =	vmul.f32 v7, v7;
	v3 =	vsub.f32 $1.500000000e+00, v3;
	v9 =	vsub.f32 $1.500000000e+00, v63  }
0x27b: {  	v57 =	vadd.s32 v33, v49;
	v8 =	vadd.f32 $9.999999960e-13, v8;
	v11 =	vadd.f32 v53, v11  }
0x27c: {  	v14 =	vor.u32 v48, v57;
	v61 =	vmul.f32 v16, v16;
	v3 =	vmul.f32 v5, v3  }
0x27d: {  	v9 =	vmul.f32 v56, v9;
	v58 =	vshrl.u32 v8, $0x1;
	v11 =	vadd.f32 $9.999999960e-13, v11  }
0x27e: {  	v12 =	vld.idx.msk [tilespmem:v50+s23+$0x0], $0xffff;
	v59 =	vmul.f32 $5.000000000e-01, v8;
	v3 =	vmul.f32 v3, v52;
	v5 =	vsub.s32 $0x5F3759DF, v58  }
0x27f: {  	v17 =	vld.idx.msk [tilespmem:v50+s26+$0x0], $0xffff;
	v9 =	vmul.f32 v9, v55;
	v62 =	vshrl.u32 v11, $0x1;
	v63 =	vmul.f32 $5.000000000e-01, v11  }
0x280: {  	v16 =	vld.idx.msk [tilespmem:v50+s29+$0x0], $0xffff;
	v15 =	vmul.f32 v5, v59;
	v53 =	vsub.s32 $0x5F3759DF, v62;
	v62 =	vmul.f32 v13, v13  }
0x281: {  	v1 =	vadd.f32 v1, v2;
	v4 =	vmul.f32 v4, v4;
	v57 =	vld.idx.msk [tilespmem:v14+s23+$0x0], $0xffff;
	v56 =	vmul.f32 v53, v63  }
0x282: {  	v2 =	vsub.f32 v3, v9;
	v3 =	vld.idx.msk [tilespmem:v50+s24+$0x0], $0xffff;
	v15 =	vmul.f32 v5, v15;
	v6 =	vadd.f32 v6, v62  }
0x283: {  	v4 =	vadd.f32 v4, v10;
	v13 =	vld.idx.msk [tilespmem:v14+s24+$0x0], $0xffff;
	v63 =	vmul.f32 v53, v56  }
0x284: {  	v52 =	vld.idx.msk [tilespmem:v14+s25+$0x0], $0xffff;
	v15 =	vsub.f32 $1.500000000e+00, v15;
	v6 =	vadd.f32 v7, v6  }
0x285: {  	v4 =	vadd.f32 v61, v4;
	v9 =	vld.idx.msk [tilespmem:v14+s28+$0x0], $0xffff;
	v55 =	vsub.f32 $1.500000000e+00, v63  }
0x286: {  	v5 =	vmul.f32 v5, v15;
	v7 =	vld.idx.msk [tilespmem:v50+s25+$0x0], $0xffff;
	v6 =	vadd.f32 $9.999999960e-13, v6  }
0x287: {  	v4 =	vadd.f32 $9.999999960e-13, v4;
	v58 =	vsub.f32 v57, v12;
	v15 =	vld.idx.msk [tilespmem:v14+s26+$0x0], $0xffff;
	v56 =	vmul.f32 v53, v55  }
0x288: {  	v14 =	vld.idx.msk [tilespmem:v14+s29+$0x0], $0xffff;
	v5 =	vmul.f32 v5, v8;
	v59 =	vsub.f32 v13, v3;
	v60 =	vshrl.u32 v6, $0x1  }
0x289: {  	v8 =	vmul.f32 v56, v11;
	v11 =	vld.idx.msk [tilespmem:v50+s28+$0x0], $0xffff;
	v54 =	vsub.s32 $0x5F3759DF, v60;
	v60 =	vadd.s32 v35, v49  }
0x28a: {  	v2 =	vand.u32 $0x7FFFFFFF, v2;
	v51 =	vmul.f32 v58, v58;
	v10 =	vor.u32 v48, v60  }
0x28b: {  	v53 =	vmul.f32 v59, v59;
	v63 =	vmul.f32 $5.000000000e-01, v6;
	v62 =	vsub.f32 v52, v7  }
0x28c: {  	v1 =	vadd.f32 v2, v1;
	v61 =	vsub.f32 v15, v17  }
0x28d: {  	v51 =	vadd.f32 v53, v51;
	v55 =	vmul.f32 v54, v63;
	v50 =	vmul.f32 v62, v62  }
0x28e: {  	v63 =	vsub.f32 v14, v16;
	v62 =	vsub.f32 v9, v11  }
0x28f: {  	v53 =	vmul.f32 v61, v61;
	v60 =	vmul.f32 v54, v55;
	v50 =	vadd.f32 v50, v51;
	v58 =	vld.idx.msk [tilespmem:v10+s23+$0x0], $0xffff  }
0x290: {  	v61 =	vshrl.u32 v4, $0x1;
	v5 =	vsub.f32 v5, v8;
	v59 =	vld.idx.msk [tilespmem:v10+s24+$0x0], $0xffff;
	v56 =	vmul.f32 v62, v62  }
0x291: {  	v55 =	vsub.s32 $0x5F3759DF, v61;
	v8 =	vsub.f32 $1.500000000e+00, v60;
	v50 =	vadd.f32 $9.999999960e-13, v50;
	v2 =	vld.idx.msk [tilespmem:v10+s26+$0x0], $0xffff  }
0x292: {  	v51 =	vmul.f32 v63, v63;
	v5 =	vand.u32 $0x7FFFFFFF, v5;
	v53 =	vadd.f32 v56, v53  }
0x293: {  	v1 =	vadd.f32 v5, v1;
	v8 =	vmul.f32 v54, v8;
	v60 =	vshrl.u32 v50, $0x1  }
0x294: {  	v54 =	vld.idx.msk [tilespmem:v10+s25+$0x0], $0xffff;
	v61 =	vmul.f32 $5.000000000e-01, v50;
	v56 =	vmul.f32 $5.000000000e-01, v4;
	v51 =	vadd.f32 v51, v53  }
0x295: {  	v6 =	vmul.f32 v8, v6;
	v57 =	vsub.f32 v57, v58;
	v13 =	vsub.f32 v13, v59  }
0x296: {  	v53 =	vmul.f32 v55, v56;
	v15 =	vsub.f32 v15, v2;
	v12 =	vsub.f32 v12, v58  }
0x297: {  	v56 =	vsub.s32 $0x5F3759DF, v60;
	v3 =	vsub.f32 v3, v59;
	v2 =	vsub.f32 v17, v2  }
0x298: {  	v17 =	vadd.s32 v37, v49;
	v60 =	vmul.f32 v56, v61;
	v8 =	vmul.f32 v55, v53  }
0x299: {  	v52 =	vsub.f32 v52, v54;
	v57 =	vmul.f32 v57, v57;
	v13 =	vmul.f32 v13, v13  }
0x29a: {  	v7 =	vsub.f32 v7, v54;
	v15 =	vmul.f32 v15, v15;
	v12 =	vmul.f32 v12, v12  }
0x29b: {  	v51 =	vadd.f32 $9.999999960e-13, v51;
	v53 =	vld.idx.msk [tilespmem:v10+s28+$0x0], $0xffff;
	v3 =	vmul.f32 v3, v3;
	v2 =	vmul.f32 v2, v2  }
0x29c: {  	v17 =	vor.u32 v48, v17;
	v60 =	vmul.f32 v56, v60;
	v52 =	vmul.f32 v52, v52  }
0x29d: {  	v10 =	vld.idx.msk [tilespmem:v10+s29+$0x0], $0xffff;
	v7 =	vmul.f32 v7, v7;
	v61 =	vshrl.u32 v51, $0x1;
	v62 =	vmul.f32 $5.000000000e-01, v51  }
0x29e: {  	v8 =	vsub.f32 $1.500000000e+00, v8;
	v13 =	vadd.f32 v13, v57;
	v61 =	vsub.s32 $0x5F3759DF, v61  }
0x29f: {  	v3 =	vadd.f32 v3, v12;
	v60 =	vsub.f32 $1.500000000e+00, v60;
	v62 =	vmul.f32 v61, v62  }
0x2a0: {  	v8 =	vmul.f32 v55, v8;
	v13 =	vadd.f32 v52, v13;
	v9 =	vsub.f32 v9, v53  }
0x2a1: {  	v55 =	vadd.s32 v36, v49;
	v3 =	vadd.f32 v7, v3;
	v62 =	vmul.f32 v61, v62  }
0x2a2: {  	v14 =	vsub.f32 v14, v10;
	v11 =	vsub.f32 v11, v53;
	v9 =	vmul.f32 v9, v9  }
0x2a3: {  	v56 =	vmul.f32 v56, v60;
	v60 =	vadd.f32 $9.999999960e-13, v13;
	v63 =	vsub.f32 $1.500000000e+00, v62  }
0x2a4: {  	v10 =	vsub.f32 v16, v10;
	v14 =	vmul.f32 v14, v14;
	v9 =	vadd.f32 v9, v15  }
0x2a5: {  	v11 =	vmul.f32 v11, v11;
	v13 =	vshrl.u32 v60, $0x1;
	v57 =	vmul.f32 v61, v63  }
0x2a6: {  	v62 =	vmul.f32 $5.000000000e-01, v60;
	v13 =	vsub.s32 $0x5F3759DF, v13;
	v9 =	vadd.f32 v14, v9  }
0x2a7: {  	v15 =	vor.u32 v48, v55;
	v61 =	vmul.f32 v56, v50;
	v5 =	vmul.f32 v57, v51  }
0x2a8: {  	v4 =	vmul.f32 v8, v4;
	v50 =	vmul.f32 v13, v62;
	v9 =	vadd.f32 $9.999999960e-13, v9  }
0x2a9: {  	v10 =	vmul.f32 v10, v10;
	v2 =	vadd.f32 v11, v2;
	v63 =	vsub.f32 v61, v5  }
0x2aa: {  	v54 =	vld.idx.msk [tilespmem:v17+s28+$0x0], $0xffff;
	v5 =	vmul.f32 v13, v50;
	v51 =	vshrl.u32 v9, $0x1;
	v52 =	vmul.f32 $5.000000000e-01, v9  }
0x2ab: {  	v4 =	vsub.f32 v6, v4;
	v2 =	vadd.f32 v10, v2;
	v10 =	vld.idx.msk [tilespmem:v17+s23+$0x0], $0xffff;
	v6 =	vsub.s32 $0x5F3759DF, v51  }
0x2ac: {  	v3 =	vadd.f32 $9.999999960e-13, v3;
	v12 =	vld.idx.msk [tilespmem:v15+s23+$0x0], $0xffff;
	v5 =	vsub.f32 $1.500000000e+00, v5;
	v14 =	vmul.f32 v6, v52  }
0x2ad: {  	v4 =	vand.u32 $0x7FFFFFFF, v4;
	v2 =	vadd.f32 $9.999999960e-13, v2;
	v11 =	vld.idx.msk [tilespmem:v15+s24+$0x0], $0xffff;
	v61 =	vadd.s32 v38, v49  }
0x2ae: {  	v53 =	vor.u32 v48, v61;
	v5 =	vmul.f32 v13, v5;
	v13 =	vld.idx.msk [tilespmem:v17+s24+$0x0], $0xffff;
	v14 =	vmul.f32 v6, v14  }
0x2af: {  	v58 =	vmul.f32 $5.000000000e-01, v3;
	v1 =	vadd.f32 v1, v4;
	v57 =	vshrl.u32 v3, $0x1;
	v16 =	vld.idx.msk [tilespmem:v15+s26+$0x0], $0xffff  }
0x2b0: {  	v8 =	vsub.s32 $0x5F3759DF, v57;
	v59 =	vshrl.u32 v2, $0x1;
	v52 =	vld.idx.msk [tilespmem:v17+s26+$0x0], $0xffff;
	v14 =	vsub.f32 $1.500000000e+00, v14  }
0x2b1: {  	v7 =	vld.idx.msk [tilespmem:v15+s25+$0x0], $0xffff;
	v4 =	vand.u32 $0x7FFFFFFF, v63;
	v62 =	vsub.f32 v12, v10;
	v5 =	vmul.f32 v5, v60  }
0x2b2: {  	v1 =	vadd.f32 v4, v1;
	v56 =	vmul.f32 v6, v14;
	v6 =	vld.idx.msk [tilespmem:v17+s25+$0x0], $0xffff;
	v14 =	vmul.f32 v8, v58  }
0x2b3: {  	v60 =	vmul.f32 $5.000000000e-01, v2;
	v55 =	vmul.f32 v62, v62;
	v63 =	vsub.f32 v11, v13;
	v58 =	vld.idx.msk [tilespmem:v53+s23+$0x0], $0xffff  }
0x2b4: {  	v50 =	vld.idx.msk [tilespmem:v15+s28+$0x0], $0xffff;
	v4 =	vmul.f32 v56, v9;
	v9 =	vsub.s32 $0x5F3759DF, v59;
	v14 =	vmul.f32 v8, v14  }
0x2b5: {  	v15 =	vld.idx.msk [tilespmem:v15+s29+$0x0], $0xffff;
	v56 =	vmul.f32 v63, v63;
	v63 =	vsub.f32 v16, v52;
	v59 =	vadd.s32 v40, v49  }
0x2b6: {  	v17 =	vld.idx.msk [tilespmem:v17+s29+$0x0], $0xffff;
	v51 =	vmul.f32 v9, v60;
	v4 =	vsub.f32 v5, v4;
	v5 =	vsub.f32 $1.500000000e+00, v14  }
0x2b7: {  	v61 =	vadd.f32 v56, v55;
	v55 =	vld.idx.msk [tilespmem:v53+s24+$0x0], $0xffff;
	v56 =	vmul.f32 v63, v63;
	v60 =	vsub.f32 v7, v6  }
0x2b8: {  	v14 =	vmul.f32 v9, v51;
	v12 =	vsub.f32 v12, v58;
	v4 =	vand.u32 $0x7FFFFFFF, v4  }
0x2b9: {  	v62 =	vmul.f32 v60, v60;
	v60 =	vsub.f32 v50, v54;
	v1 =	vadd.f32 v4, v1;
	v4 =	vld.idx.msk [tilespmem:v53+s26+$0x0], $0xffff  }
0x2ba: {  	v5 =	vmul.f32 v8, v5;
	v14 =	vsub.f32 $1.500000000e+00, v14;
	v12 =	vmul.f32 v12, v12  }
0x2bb: {  	v51 =	vadd.f32 v62, v61;
	v61 =	vsub.f32 v15, v17;
	v57 =	vmul.f32 v60, v60  }
0x2bc: {  	v3 =	vmul.f32 v5, v3;
	v62 =	vmul.f32 v9, v14;
	v9 =	vld.idx.msk [tilespmem:v53+s25+$0x0], $0xffff;
	v11 =	vsub.f32 v11, v55  }
0x2bd: {  	v14 =	vadd.f32 $9.999999960e-13, v51;
	v63 =	vadd.f32 v57, v56;
	v60 =	vmul.f32 v61, v61  }
0x2be: {  	v2 =	vmul.f32 v62, v2;
	v56 =	vld.idx.msk [tilespmem:v53+s28+$0x0], $0xffff;
	v11 =	vmul.f32 v11, v11;
	v16 =	vsub.f32 v16, v4  }
0x2bf: {  	v4 =	vsub.f32 v52, v4;
	v61 =	vshrl.u32 v14, $0x1;
	v62 =	vmul.f32 $5.000000000e-01, v14  }
0x2c0: {  	v51 =	vadd.f32 v60, v63;
	v2 =	vsub.f32 v3, v2;
	v5 =	vsub.s32 $0x5F3759DF, v61  }
0x2c1: {  	v11 =	vadd.f32 v11, v12;
	v7 =	vsub.f32 v7, v9;
	v3 =	vmul.f32 v5, v62  }
0x2c2: {  	v6 =	vsub.f32 v6, v9;
	v4 =	vmul.f32 v4, v4;
	v8 =	vadd.f32 $9.999999960e-13, v51;
	v51 =	vld.idx.msk [tilespmem:v53+s29+$0x0], $0xffff  }
0x2c3: {  	v7 =	vmul.f32 v7, v7;
	v50 =	vsub.f32 v50, v56;
	v3 =	vmul.f32 v5, v3  }
0x2c4: {  	v6 =	vmul.f32 v6, v6;
	v63 =	vshrl.u32 v8, $0x1;
	v60 =	vmul.f32 $5.000000000e-01, v8  }
0x2c5: {  	v61 =	vsub.s32 $0x5F3759DF, v63;
	v63 =	vmul.f32 v16, v16;
	v3 =	vsub.f32 $1.500000000e+00, v3  }
0x2c6: {  	v2 =	vand.u32 $0x7FFFFFFF, v2;
	v16 =	vmul.f32 v50, v50;
	v53 =	vmul.f32 v61, v60  }
0x2c7: {  	v7 =	vadd.f32 v7, v11;
	v62 =	vsub.f32 v15, v51;
	v3 =	vmul.f32 v5, v3  }
0x2c8: {  	v15 =	vadd.f32 v16, v63;
	v16 =	vadd.s32 v39, v49;
	v53 =	vmul.f32 v61, v53  }
0x2c9: {  	v7 =	vadd.f32 $9.999999960e-13, v7;
	v3 =	vmul.f32 v3, v14;
	v14 =	vor.u32 v48, v16  }
0x2ca: {  	v60 =	vsub.f32 v10, v58;
	v11 =	vmul.f32 v62, v62;
	v5 =	vsub.f32 $1.500000000e+00, v53  }
0x2cb: {  	v58 =	vsub.f32 v54, v56;
	v57 =	vmul.f32 $5.000000000e-01, v7;
	v16 =	vshrl.u32 v7, $0x1  }
0x2cc: {  	v11 =	vadd.f32 v11, v15;
	v12 =	vsub.s32 $0x5F3759DF, v16;
	v5 =	vmul.f32 v61, v5  }
0x2cd: {  	v15 =	vor.u32 v48, v59;
	v59 =	vmul.f32 v58, v58;
	v16 =	vmul.f32 v12, v57  }
0x2ce: {  	v61 =	vsub.f32 v13, v55;
	v11 =	vadd.f32 $9.999999960e-13, v11;
	v5 =	vmul.f32 v5, v8;
	v53 =	vld.idx.msk [tilespmem:v14+s23+$0x0], $0xffff  }
0x2cf: {  	v17 =	vsub.f32 v17, v51;
	v62 =	vmul.f32 v12, v16;
	v8 =	vmul.f32 v60, v60;
	v10 =	vld.idx.msk [tilespmem:v14+s24+$0x0], $0xffff  }
0x2d0: {  	v57 =	vmul.f32 v61, v61;
	v16 =	vshrl.u32 v11, $0x1;
	v63 =	vmul.f32 $5.000000000e-01, v11;
	v54 =	vld.idx.msk [tilespmem:v14+s25+$0x0], $0xffff  }
0x2d1: {  	v1 =	vadd.f32 v1, v2;
	v60 =	vmul.f32 v17, v17;
	v17 =	vld.idx.msk [tilespmem:v14+s26+$0x0], $0xffff;
	v16 =	vsub.s32 $0x5F3759DF, v16  }
0x2d2: {  	v4 =	vadd.f32 v59, v4;
	v8 =	vadd.f32 v57, v8;
	v9 =	vld.idx.msk [tilespmem:v15+s23+$0x0], $0xffff;
	v50 =	vmul.f32 v16, v63  }
0x2d3: {  	v52 =	vld.idx.msk [tilespmem:v15+s24+$0x0], $0xffff;
	v13 =	vsub.f32 $1.500000000e+00, v62;
	v3 =	vsub.f32 v3, v5  }
0x2d4: {  	v63 =	vadd.s32 v41, v49;
	v6 =	vadd.f32 v6, v8;
	v8 =	vld.idx.msk [tilespmem:v15+s25+$0x0], $0xffff;
	v50 =	vmul.f32 v16, v50  }
0x2d5: {  	v12 =	vmul.f32 v12, v13;
	v2 =	vand.u32 $0x7FFFFFFF, v3;
	v3 =	vadd.f32 v60, v4;
	v4 =	vld.idx.msk [tilespmem:v15+s26+$0x0], $0xffff  }
0x2d6: {  	v13 =	vld.idx.msk [tilespmem:v15+s28+$0x0], $0xffff;
	v51 =	vor.u32 v48, v63;
	v6 =	vadd.f32 $9.999999960e-13, v6;
	v61 =	vsub.f32 $1.500000000e+00, v50  }
0x2d7: {  	v15 =	vld.idx.msk [tilespmem:v15+s29+$0x0], $0xffff;
	v1 =	vadd.f32 v2, v1;
	v5 =	vmul.f32 v12, v7;
	v3 =	vadd.f32 $9.999999960e-13, v3  }
0x2d8: {  	v50 =	vld.idx.msk [tilespmem:v14+s28+$0x0], $0xffff;
	v60 =	vsub.f32 v53, v9;
	v62 =	vshrl.u32 v6, $0x1;
	v7 =	vmul.f32 v16, v61  }
0x2d9: {  	v14 =	vld.idx.msk [tilespmem:v14+s29+$0x0], $0xffff;
	v12 =	vsub.s32 $0x5F3759DF, v62;
	v16 =	vmul.f32 $5.000000000e-01, v6;
	v61 =	vsub.f32 v10, v52  }
0x2da: {  	v62 =	vshrl.u32 v3, $0x1;
	v58 =	vsub.f32 v54, v8;
	v55 =	vmul.f32 v60, v60  }
0x2db: {  	v57 =	vsub.s32 $0x5F3759DF, v62;
	v62 =	vld.idx.msk [tilespmem:v51+s24+$0x0], $0xffff;
	v16 =	vmul.f32 v12, v16;
	v56 =	vmul.f32 v61, v61  }
0x2dc: {  	v59 =	vsub.f32 v17, v4;
	v61 =	vmul.f32 $5.000000000e-01, v3;
	v7 =	vmul.f32 v7, v11  }
0x2dd: {  	v11 =	vld.idx.msk [tilespmem:v51+s25+$0x0], $0xffff;
	v60 =	vsub.f32 v50, v13;
	v55 =	vadd.f32 v56, v55;
	v56 =	vmul.f32 v58, v58  }
0x2de: {  	v59 =	vmul.f32 v59, v59;
	v58 =	vsub.f32 v14, v15;
	v2 =	vmul.f32 v12, v16  }
0x2df: {  	v5 =	vsub.f32 v5, v7;
	v60 =	vmul.f32 v60, v60;
	v55 =	vadd.f32 v56, v55  }
0x2e0: {  	v16 =	vmul.f32 v57, v61;
	v61 =	vld.idx.msk [tilespmem:v51+s23+$0x0], $0xffff;
	v2 =	vsub.f32 $1.500000000e+00, v2;
	v10 =	vsub.f32 v10, v62  }
0x2e1: {  	v5 =	vand.u32 $0x7FFFFFFF, v5;
	v52 =	vsub.f32 v52, v62;
	v63 =	vadd.f32 v60, v59  }
0x2e2: {  	v58 =	vmul.f32 v58, v58;
	v54 =	vsub.f32 v54, v11;
	v1 =	vadd.f32 v5, v1  }
0x2e3: {  	v60 =	vmul.f32 v57, v16;
	v8 =	vsub.f32 v8, v11;
	v16 =	vadd.f32 $9.999999960e-13, v55  }
0x2e4: {  	v59 =	vld.idx.msk [tilespmem:v51+s28+$0x0], $0xffff;
	v2 =	vmul.f32 v12, v2;
	v10 =	vmul.f32 v10, v10;
	v55 =	vadd.f32 v58, v63  }
0x2e5: {  	v7 =	vsub.f32 $1.500000000e+00, v60;
	v58 =	vld.idx.msk [tilespmem:v51+s26+$0x0], $0xffff;
	v53 =	vsub.f32 v53, v61;
	v54 =	vmul.f32 v54, v54  }
0x2e6: {  	v51 =	vld.idx.msk [tilespmem:v51+s29+$0x0], $0xffff;
	v63 =	vshrl.u32 v16, $0x1;
	v60 =	vmul.f32 $5.000000000e-01, v16;
	v55 =	vadd.f32 $9.999999960e-13, v55  }
0x2e7: {  	v9 =	vsub.f32 v9, v61;
	v12 =	vsub.s32 $0x5F3759DF, v63;
	v53 =	vmul.f32 v53, v53  }
0x2e8: {  	v56 =	vmul.f32 v12, v60;
	v60 =	vshrl.u32 v55, $0x1;
	v63 =	vmul.f32 $5.000000000e-01, v55  }
0x2e9: {  	v8 =	vmul.f32 v8, v8;
	v7 =	vmul.f32 v57, v7;
	v60 =	vsub.s32 $0x5F3759DF, v60  }
0x2ea: {  	v10 =	vadd.f32 v10, v53;
	v56 =	vmul.f32 v12, v56;
	v63 =	vmul.f32 v60, v63  }
0x2eb: {  	v2 =	vmul.f32 v2, v6;
	v3 =	vmul.f32 v7, v3;
	v14 =	vsub.f32 v14, v51  }
0x2ec: {  	v10 =	vadd.f32 v54, v10;
	v53 =	vsub.f32 $1.500000000e+00, v56;
	v56 =	vmul.f32 v60, v63  }
0x2ed: {  	v9 =	vmul.f32 v9, v9;
	v2 =	vsub.f32 v2, v3;
	v63 =	vsub.f32 v17, v58  }
0x2ee: {  	v54 =	vmul.f32 v52, v52;
	v17 =	vsub.f32 v50, v59;
	v50 =	vsub.f32 $1.500000000e+00, v56  }
0x2ef: {  	v10 =	vadd.f32 $9.999999960e-13, v10;
	v2 =	vand.u32 $0x7FFFFFFF, v2;
	v6 =	vmul.f32 v63, v63  }
0x2f0: {  	v9 =	vadd.f32 v54, v9;
	v17 =	vmul.f32 v17, v17;
	v7 =	vmul.f32 v60, v50  }
0x2f1: {  	v3 =	vmul.f32 v12, v53;
	v56 =	vmul.f32 v14, v14;
	v50 =	vadd.s32 v42, v49  }
0x2f2: {  	v6 =	vadd.f32 v17, v6;
	v57 =	vmul.f32 v7, v55;
	v7 =	vor.u32 v48, v50  }
0x2f3: {  	v1 =	vadd.f32 v1, v2;
	v63 =	vmul.f32 $5.000000000e-01, v10;
	v3 =	vmul.f32 v3, v16  }
0x2f4: {  	v60 =	vshrl.u32 v10, $0x1;
	v6 =	vadd.f32 v56, v6;
	v55 =	vadd.s32 v43, v49  }
0x2f5: {  	v12 =	vor.u32 v48, v55;
	v2 =	vsub.f32 v3, v57;
	v3 =	vsub.s32 $0x5F3759DF, v60  }
0x2f6: {  	v4 =	vsub.f32 v4, v58;
	v6 =	vadd.f32 $9.999999960e-13, v6;
	v5 =	vmul.f32 v3, v63  }
0x2f7: {  	v8 =	vadd.f32 v8, v9;
	v56 =	vsub.f32 v13, v59;
	v13 =	vld.idx.msk [tilespmem:v7+s23+$0x0], $0xffff  }
0x2f8: {  	v53 =	vshrl.u32 v6, $0x1;
	v16 =	vmul.f32 $5.000000000e-01, v6;
	v5 =	vmul.f32 v3, v5;
	v9 =	vld.idx.msk [tilespmem:v7+s24+$0x0], $0xffff  }
0x2f9: {  	v15 =	vsub.f32 v15, v51;
	v4 =	vmul.f32 v4, v4;
	v14 =	vsub.s32 $0x5F3759DF, v53;
	v17 =	vld.idx.msk [tilespmem:v7+s25+$0x0], $0xffff  }
0x2fa: {  	v11 =	vmul.f32 v56, v56;
	v16 =	vmul.f32 v14, v16;
	v50 =	vld.idx.msk [tilespmem:v12+s23+$0x0], $0xffff;
	v5 =	vsub.f32 $1.500000000e+00, v5  }
0x2fb: {  	v57 =	vmul.f32 v15, v15;
	v15 =	vld.idx.msk [tilespmem:v12+s24+$0x0], $0xffff  }
0x2fc: {  	v4 =	vadd.f32 v11, v4;
	v11 =	vld.idx.msk [tilespmem:v7+s26+$0x0], $0xffff;
	v16 =	vmul.f32 v14, v16;
	v3 =	vmul.f32 v3, v5  }
0x2fd: {  	v8 =	vadd.f32 $9.999999960e-13, v8;
	v60 =	vadd.s32 v44, v49;
	v2 =	vand.u32 $0x7FFFFFFF, v2;
	v52 =	vld.idx.msk [tilespmem:v12+s28+$0x0], $0xffff  }
0x2fe: {  	v1 =	vadd.f32 v2, v1;
	v16 =	vsub.f32 $1.500000000e+00, v16;
	v2 =	vmul.f32 v3, v10;
	v10 =	vld.idx.msk [tilespmem:v7+s28+$0x0], $0xffff  }
0x2ff: {  	v51 =	vor.u32 v48, v60;
	v4 =	vadd.f32 v57, v4;
	v53 =	vsub.f32 v13, v50;
	v7 =	vld.idx.msk [tilespmem:v7+s29+$0x0], $0xffff  }
0x300: {  	v61 =	vsub.f32 v9, v15;
	v58 =	vmul.f32 v14, v16;
	v14 =	vld.idx.msk [tilespmem:v12+s25+$0x0], $0xffff;
	v16 =	vshrl.u32 v8, $0x1  }
0x301: {  	v59 =	vmul.f32 $5.000000000e-01, v8;
	v3 =	vsub.s32 $0x5F3759DF, v16;
	v16 =	vld.idx.msk [tilespmem:v12+s26+$0x0], $0xffff  }
0x302: {  	v4 =	vadd.f32 $9.999999960e-13, v4;
	v12 =	vld.idx.msk [tilespmem:v12+s29+$0x0], $0xffff;
	v53 =	vmul.f32 v53, v53;
	v54 =	vmul.f32 v61, v61  }
0x303: {  	v5 =	vmul.f32 v58, v6;
	v6 =	vmul.f32 v3, v59  }
0x304: {  	v62 =	vshrl.u32 v4, $0x1;
	v63 =	vmul.f32 $5.000000000e-01, v4;
	v58 =	vld.idx.msk [tilespmem:v51+s23+$0x0], $0xffff;
	v53 =	vadd.f32 v54, v53  }
0x305: {  	v54 =	vld.idx.msk [tilespmem:v51+s24+$0x0], $0xffff;
	v2 =	vsub.f32 v2, v5;
	v61 =	vmul.f32 v3, v6;
	v6 =	vsub.s32 $0x5F3759DF, v62  }
0x306: {  	v60 =	vsub.f32 v17, v14;
	v55 =	vmul.f32 v6, v63;
	v63 =	vsub.f32 v11, v16  }
0x307: {  	v5 =	vsub.f32 $1.500000000e+00, v61;
	v61 =	vsub.f32 v7, v12;
	v2 =	vand.u32 $0x7FFFFFFF, v2  }
0x308: {  	v62 =	vmul.f32 v60, v60;
	v60 =	vsub.f32 v10, v52;
	v55 =	vmul.f32 v6, v55  }
0x309: {  	v1 =	vadd.f32 v2, v1;
	v13 =	vsub.f32 v13, v58;
	v56 =	vmul.f32 v63, v63  }
0x30a: {  	v3 =	vmul.f32 v3, v5;
	v63 =	vmul.f32 v61, v61;
	v9 =	vsub.f32 v9, v54  }
0x30b: {  	v5 =	vld.idx.msk [tilespmem:v51+s26+$0x0], $0xffff;
	v15 =	vsub.f32 v15, v54;
	v53 =	vadd.f32 v62, v53;
	v57 =	vmul.f32 v60, v60  }
0x30c: {  	v62 =	vsub.f32 $1.500000000e+00, v55;
	v55 =	vld.idx.msk [tilespmem:v51+s25+$0x0], $0xffff;
	v13 =	vmul.f32 v13, v13;
	v9 =	vmul.f32 v9, v9  }
0x30d: {  	v2 =	vmul.f32 v3, v8;
	v53 =	vadd.f32 $9.999999960e-13, v53;
	v56 =	vadd.f32 v57, v56;
	v57 =	vld.idx.msk [tilespmem:v51+s28+$0x0], $0xffff  }
0x30e: {  	v15 =	vmul.f32 v15, v15;
	v3 =	vmul.f32 v6, v62;
	v51 =	vld.idx.msk [tilespmem:v51+s29+$0x0], $0xffff;
	v9 =	vadd.f32 v9, v13  }
0x30f: {  	v60 =	vshrl.u32 v53, $0x1;
	v61 =	vmul.f32 $5.000000000e-01, v53;
	v56 =	vadd.f32 v63, v56  }
0x310: {  	v3 =	vmul.f32 v3, v4;
	v11 =	vsub.f32 v11, v5;
	v5 =	vsub.f32 v16, v5  }
0x311: {  	v6 =	vsub.s32 $0x5F3759DF, v60;
	v17 =	vsub.f32 v17, v55;
	v14 =	vsub.f32 v14, v55  }
0x312: {  	v62 =	vmul.f32 v6, v61;
	v8 =	vadd.f32 $9.999999960e-13, v56;
	v10 =	vsub.f32 v10, v57  }
0x313: {  	v2 =	vsub.f32 v2, v3;
	v11 =	vmul.f32 v11, v11;
	v7 =	vsub.f32 v7, v51  }
0x314: {  	v3 =	vmul.f32 v6, v62;
	v63 =	vshrl.u32 v8, $0x1;
	v10 =	vmul.f32 v10, v10  }
0x315: {  	v59 =	vmul.f32 v17, v17;
	v56 =	vmul.f32 $5.000000000e-01, v8;
	v4 =	vsub.s32 $0x5F3759DF, v63  }
0x316: {  	v7 =	vmul.f32 v7, v7;
	v3 =	vsub.f32 $1.500000000e+00, v3;
	v61 =	vadd.f32 v10, v11  }
0x317: {  	v9 =	vadd.f32 v59, v9;
	v17 =	vmul.f32 v4, v56;
	v56 =	vadd.s32 v45, v49  }
0x318: {  	v3 =	vmul.f32 v6, v3;
	v6 =	vadd.f32 v7, v61;
	v7 =	vor.u32 v48, v56  }
0x319: {  	v59 =	vsub.f32 v50, v58;
	v60 =	vmul.f32 v4, v17;
	v17 =	vadd.s32 v46, v49  }
0x31a: {  	v5 =	vmul.f32 v5, v5;
	v16 =	vsub.f32 v52, v57;
	v17 =	vor.u32 v48, v17  }
0x31b: {  	v14 =	vmul.f32 v14, v14;
	v9 =	vadd.f32 $9.999999960e-13, v9;
	v13 =	vmul.f32 v59, v59  }
0x31c: {  	v12 =	vsub.f32 v12, v51;
	v2 =	vand.u32 $0x7FFFFFFF, v2;
	v16 =	vmul.f32 v16, v16  }
0x31d: {  	v63 =	vshrl.u32 v9, $0x1;
	v13 =	vadd.f32 v15, v13;
	v62 =	vsub.f32 $1.500000000e+00, v60;
	v15 =	vld.idx.msk [tilespmem:v7+s23+$0x0], $0xffff  }
0x31e: {  	v12 =	vmul.f32 v12, v12;
	v11 =	vsub.s32 $0x5F3759DF, v63;
	v60 =	vmul.f32 $5.000000000e-01, v9;
	v50 =	vld.idx.msk [tilespmem:v7+s24+$0x0], $0xffff  }
0x31f: {  	v6 =	vadd.f32 $9.999999960e-13, v6;
	v13 =	vadd.f32 v14, v13;
	v4 =	vmul.f32 v4, v62;
	v14 =	vld.idx.msk [tilespmem:v17+s23+$0x0], $0xffff  }
0x320: {  	v1 =	vadd.f32 v1, v2;
	v3 =	vmul.f32 v3, v53;
	v61 =	vmul.f32 v11, v60;
	v53 =	vld.idx.msk [tilespmem:v7+s25+$0x0], $0xffff  }
0x321: {  	v62 =	vshrl.u32 v6, $0x1;
	v63 =	vmul.f32 $5.000000000e-01, v6;
	v4 =	vmul.f32 v4, v8;
	v52 =	vld.idx.msk [tilespmem:v17+s25+$0x0], $0xffff  }
0x322: {  	v5 =	vadd.f32 v16, v5;
	v8 =	vsub.s32 $0x5F3759DF, v62;
	v10 =	vmul.f32 v11, v61;
	v51 =	vld.idx.msk [tilespmem:v7+s26+$0x0], $0xffff  }
0x323: {  	v13 =	vadd.f32 $9.999999960e-13, v13;
	v58 =	vmul.f32 v8, v63;
	v2 =	vsub.f32 v3, v4;
	v3 =	vld.idx.msk [tilespmem:v17+s24+$0x0], $0xffff  }
0x324: {  	v16 =	vadd.s32 v47, v49;
	v5 =	vadd.f32 v12, v5;
	v55 =	vld.idx.msk [tilespmem:v7+s28+$0x0], $0xffff;
	v59 =	vsub.f32 $1.500000000e+00, v10  }
0x325: {  	v12 =	vor.u32 v48, v16;
	v49 =	vld.idx.msk [tilespmem:v17+s26+$0x0], $0xffff;
	v61 =	vmul.f32 $5.000000000e-01, v13;
	v60 =	vmul.f32 v8, v58  }
0x326: {  	v7 =	vld.idx.msk [tilespmem:v7+s29+$0x0], $0xffff;
	v2 =	vand.u32 $0x7FFFFFFF, v2;
	v4 =	vmul.f32 v11, v59;
	v11 =	vshrl.u32 v13, $0x1  }
0x327: {  	v58 =	vld.idx.msk [tilespmem:v17+s28+$0x0], $0xffff;
	v10 =	vsub.f32 $1.500000000e+00, v60;
	v62 =	vsub.f32 v15, v14;
	v11 =	vsub.s32 $0x5F3759DF, v11  }
0x328: {  	v17 =	vld.idx.msk [tilespmem:v17+s29+$0x0], $0xffff;
	v60 =	vsub.f32 v53, v52;
	v16 =	vmul.f32 v11, v61;
	v63 =	vsub.f32 v50, v3  }
0x329: {  	v1 =	vadd.f32 v2, v1;
	v2 =	vmul.f32 v4, v9;
	v56 =	vmul.f32 v62, v62  }
0x32a: {  	v4 =	vadd.f32 $9.999999960e-13, v5;
	v62 =	vmul.f32 v60, v60;
	v57 =	vmul.f32 v63, v63  }
0x32b: {  	v5 =	vmul.f32 v8, v10;
	v8 =	vmul.f32 v11, v16  }
0x32c: {  	v60 =	vshrl.u32 v4, $0x1;
	v16 =	vsub.f32 v51, v49;
	v61 =	vadd.f32 v57, v56;
	v56 =	vld.idx.msk [tilespmem:v12+s23+$0x0], $0xffff  }
0x32d: {  	v59 =	vsub.f32 v7, v17;
	v10 =	vsub.s32 $0x5F3759DF, v60;
	v57 =	vld.idx.msk [tilespmem:v12+s24+$0x0], $0xffff  }
0x32e: {  	v5 =	vmul.f32 v5, v6;
	v16 =	vmul.f32 v16, v16;
	v63 =	vadd.f32 v62, v61  }
0x32f: {  	v8 =	vsub.f32 $1.500000000e+00, v8;
	v61 =	vsub.f32 v55, v58;
	v62 =	vmul.f32 $5.000000000e-01, v4  }
0x330: {  	v59 =	vmul.f32 v59, v59;
	v2 =	vsub.f32 v2, v5;
	v9 =	vadd.f32 $9.999999960e-13, v63  }
0x331: {  	v48 =	vmul.f32 v61, v61;
	v54 =	vmul.f32 v10, v62;
	v15 =	vsub.f32 v15, v56  }
0x332: {  	v61 =	vld.idx.msk [tilespmem:v12+s25+$0x0], $0xffff;
	v63 =	vmul.f32 v11, v8;
	v50 =	vsub.f32 v50, v57;
	v14 =	vsub.f32 v14, v56  }
0x333: {  	v3 =	vsub.f32 v3, v57;
	v60 =	vshrl.u32 v9, $0x1;
	v62 =	vmul.f32 v10, v54;
	v54 =	vld.idx.msk [tilespmem:v12+s26+$0x0], $0xffff  }
0x334: {  	v16 =	vadd.f32 v48, v16;
	v48 =	vmul.f32 $5.000000000e-01, v9;
	v6 =	vmul.f32 v63, v13;
	v13 =	vld.idx.msk [tilespmem:v12+s28+$0x0], $0xffff  }
0x335: {  	v12 =	vld.idx.msk [tilespmem:v12+s29+$0x0], $0xffff;
	v8 =	vsub.s32 $0x5F3759DF, v60;
	v15 =	vmul.f32 v15, v15;
	v50 =	vmul.f32 v50, v50  }
0x336: {  	v14 =	vmul.f32 v14, v14;
	v16 =	vadd.f32 v59, v16;
	v48 =	vmul.f32 v8, v48  }
0x337: {  	v3 =	vmul.f32 v3, v3;
	v11 =	vsub.f32 $1.500000000e+00, v62;
	v53 =	vsub.f32 v53, v61  }
0x338: {  	v15 =	vadd.f32 v50, v15;
	v48 =	vmul.f32 v8, v48;
	v16 =	vadd.f32 $9.999999960e-13, v16  }
0x339: {  	v10 =	vmul.f32 v10, v11;
	v51 =	vsub.f32 v51, v54;
	v55 =	vsub.f32 v55, v13  }
0x33a: {  	v53 =	vmul.f32 v53, v53;
	v7 =	vsub.f32 v7, v12;
	v13 =	vsub.f32 v58, v13  }
0x33b: {  	v63 =	vsub.f32 $1.500000000e+00, v48;
	v59 =	vshrl.u32 v16, $0x1;
	v60 =	vmul.f32 $5.000000000e-01, v16  }
0x33c: {  	v4 =	vmul.f32 v10, v4;
	v62 =	vadd.f32 v53, v15;
	v53 =	vmul.f32 v51, v51  }
0x33d: {  	v48 =	vsub.s32 $0x5F3759DF, v59;
	v59 =	vmul.f32 v55, v55;
	v8 =	vmul.f32 v8, v63  }
0x33e: {  	v12 =	vsub.f32 v17, v12;
	v7 =	vmul.f32 v7, v7;
	v63 =	vmul.f32 v48, v60  }
0x33f: {  	v8 =	vmul.f32 v8, v9;
	v9 =	vadd.f32 $9.999999960e-13, v62;
	v62 =	vsub.f32 v49, v54  }
0x340: {  	v5 =	vadd.f32 v59, v53;
	v60 =	vmul.f32 v48, v63;
	v63 =	vsub.f32 v52, v61  }
0x341: {  	v3 =	vadd.f32 v3, v14;
	v13 =	vmul.f32 v13, v13;
	v15 =	vmul.f32 v62, v62  }
0x342: {  	v12 =	vmul.f32 v12, v12;
	v5 =	vadd.f32 v7, v5;
	v49 =	vmul.f32 v63, v63  }
0x343: {  	v11 =	vshrl.u32 v9, $0x1;
	v50 =	vmul.f32 $5.000000000e-01, v9;
	v13 =	vadd.f32 v13, v15  }
0x344: {  	v11 =	vsub.s32 $0x5F3759DF, v11;
	v5 =	vadd.f32 $9.999999960e-13, v5;
	v3 =	vadd.f32 v49, v3  }
0x345: {  	v51 =	vsub.f32 $1.500000000e+00, v60;
	v52 =	vmul.f32 v11, v50;
	v12 =	vadd.f32 v12, v13  }
0x346: {  	v53 =	vshrl.u32 v5, $0x1;
	v54 =	vmul.f32 $5.000000000e-01, v5;
	v3 =	vadd.f32 $9.999999960e-13, v3  }
0x347: {  	v7 =	vmul.f32 v48, v51;
	v13 =	vsub.s32 $0x5F3759DF, v53;
	v12 =	vadd.f32 $9.999999960e-13, v12  }
0x348: {  	v10 =	vmul.f32 v11, v52;
	v14 =	vmul.f32 v13, v54;
	v55 =	vshrl.u32 v3, $0x1  }
0x349: {  	v17 =	vmul.f32 $5.000000000e-01, v3;
	v56 =	vshrl.u32 v12, $0x1;
	v57 =	vmul.f32 $5.000000000e-01, v12  }
0x34a: {  	v14 =	vmul.f32 v13, v14;
	v15 =	vsub.s32 $0x5F3759DF, v55;
	v48 =	vsub.s32 $0x5F3759DF, v56  }
0x34b: {  	v2 =	vand.u32 $0x7FFFFFFF, v2;
	v17 =	vmul.f32 v15, v17;
	v49 =	vmul.f32 v48, v57  }
0x34c: {  	v7 =	vmul.f32 v7, v16;
	v10 =	vsub.f32 $1.500000000e+00, v10;
	v14 =	vsub.f32 $1.500000000e+00, v14  }
0x34d: {  	v1 =	vadd.f32 v2, v1;
	v2 =	vmul.f32 v15, v17;
	v16 =	vmul.f32 v48, v49  }
0x34e: {  	v4 =	vsub.f32 v6, v4;
	v58 =	vmul.f32 v11, v10;
	v59 =	vmul.f32 v13, v14  }
0x34f: {  	v2 =	vsub.f32 $1.500000000e+00, v2;
	v60 =	vsub.f32 $1.500000000e+00, v16  }
0x350: {  	v7 =	vsub.f32 v8, v7;
	v6 =	vmul.f32 v58, v9;
	v5 =	vmul.f32 v59, v5  }
0x351: {  	v4 =	vand.u32 $0x7FFFFFFF, v4;
	v2 =	vmul.f32 v15, v2;
	v61 =	vmul.f32 v48, v60  }
0x352: {  	v1 =	vadd.f32 v1, v4;
	v62 =	vand.u32 $0x7FFFFFFF, v7  }
0x353: {  	p0 =	sne.s32 s4, $0xF;
	v5 =	vsub.f32 v6, v5;
	v2 =	vmul.f32 v2, v3;
	v3 =	vmul.f32 v61, v12  }
.Ltmp1:
0x354: {  	v1 =	vadd.f32 v62, v1;
	(pc) =	sbr.rel @p0 .LBB2_5-.Ltmp1, $4  }
0x355: {  	v63 =	vand.u32 $0x7FFFFFFF, v5;
	v2 =	vsub.f32 v2, v3  }
0x356: {  	v1 =	vadd.f32 v63, v1  }
0x357: {  	v2 =	vand.u32 $0x7FFFFFFF, v2  }
0x358: {  	s4 =	sadd.s32 $0x1, s4;
	v50 =	vadd.f32 v1, v2  }
0x359: {  	s1 =	sadd.s32 $0x1, s1  }
0x35a: {  	p0 =	sne.s32 s1, $0x6  }
.Ltmp2:
0x35b: {  	_ = 	snop;
	(pc) =	sbr.rel @p0 .LBB2_2-.Ltmp2, $1  }
0x35c: {  	_ =	sdelay $0x3  }
0x35d: {  	s0 =	sadd.s32 $0x1, s0  }
0x35e: {  	p0 =	sne.s32 s0, s15  }
.Ltmp3:
0x35f: {  	[tilespmem:$0x12180] =	vst v50;
	s1 =	simm.s32 $0x12180;
	(pc) =	sbr.rel @p0 .LBB2_1-.Ltmp3, $4  }
0x360: {  	[hbm4b:s14+s5] =	stream.linear.scatter [tilespmem:s1], [sflag:$0x3], $0x80, $0x38;
	[tilespmem:$0x12200] =	vst v63  }
0x361: {  	_ =	swait.ge [sflag:s16], $0x80  }
0x362: {  	[sflag:s16] =	ssyncset.done $0x0  }
0x363: {  	[sflag:s16] =	ssyncadd.s32 $0xFFFFFF80  }
0x364: {  	_ =	sfence.sel $0x180000  }
0x365: {  	[bflag:$0x0] =	sbarrier.arrive $0xFFFF  }
0x366: {  	_ =	strace $0x90000047  }
0x367: {  	s0 =	stileid.u32;
	[bflag:$0x2] =	sbarrier.arrive $0xFFFF  }
0x368: {  	p0 =	sne.s32 s0, $0x0;
	s0 =	rddreg [dreg:$0x3]  }
0x369: {  	s0 =	sadd.s32 @!p0 $0x100000, s0  }
0x36a: {  	[sflag:s0] =	ssyncadd.tile.s32 @!p0 $0x1;
	_ =	shalt  }
.Lfunc_end2:
_tile_overlayer_lowered:
.L_overlay_start_2:
0x36b: {  	(tag) =	ssettag $0x2  }
0x36c: {  	s0 =	rddreg [dreg:$0x0];
	s2 =	stileid.u32  }
0x36d: {  	s1 =	rddreg [dreg:$0x1];
	p0 =	sne.s32 s2, $0x0  }
0x36e: {  	s3 =	rddreg [dreg:$0x2];
	[bflag:$0x3] =	sbarrier.arrive $0xFFFF;
	s2 =	simm.s32 @!p0 $0x1C03  }
0x36f: {  	[timem:s3], [sflag:s2] =	dma.local @!p0 [hbm:s0], s1  }
0x370: {  	s0 =	simm.s32 @!p0 $0x3  }
0x371: {  	_ =	swait.ge @!p0 [sflag:s0], s1  }
0x372: {  	s1 =	ssub.s32 @!p0 $0x0, s1;
	[sflag:s0] =	ssyncset.done @!p0 $0x0  }
0x373: {  	[sflag:s0] =	ssyncadd.s32 @!p0 s1  }
0x374: {  	[bflag:$0x3] =	sbarrier.arrive $0xFFFF  }
0x375: {  	_ =	shalt  }

</sc_bundles>
